<compile_context>
chip_gen: v7x
topology: tpu7x:2x2x1
jax: 0.10.2.dev20260603
libtpu: 0.0.44.dev20260713+nightly
codegen_flags: <defaults>
</compile_context>

<pallas_src>
import jax
import jax.numpy as jnp
from jax import lax
from jax.experimental import pallas as pl
from jax.experimental.pallas import tpu as pltpu
from jax.experimental.pallas import tpu_sc as plsc

TOKENS = 32768
NSEG = 16
D = 512
NLANE = 16
DV = D // NLANE
NC = 2
NS = 16
NW = NC * NS

SC_ROWS = 14336
SC_RPW = SC_ROWS // NW
R = 56
NCHUNK = SC_RPW // R

TC_BR = 2048
TC_BLK0 = SC_ROWS // TC_BR
TC_NBLK = (TOKENS - SC_ROWS) // TC_BR


NBUF = 4


def _sc_body(x_hbm, ptr_hbm, part_hbm, buf0, buf1, buf2, buf3, ptrv, partial,
             sem0, sem1, sem2, sem3):
    cid = lax.axis_index("c")
    sid = lax.axis_index("s")
    wid = sid * NC + cid
    base = wid * SC_RPW

    bufs = (buf0, buf1, buf2, buf3)
    sems = (sem0, sem1, sem2, sem3)

    def dma(c, b):
        return pltpu.make_async_copy(
            x_hbm.at[pl.ds(base + c * R, R)], bufs[b], sems[b])

    for b in range(NBUF):
        dma(b, b).start()

    pltpu.sync_copy(ptr_hbm, ptrv.at[pl.ds(0, NSEG + 1)])

    zero = jnp.zeros((NLANE,), jnp.float32)

    def zero_body(i, _):
        for j in range(DV):
            partial[i, pl.ds(j * NLANE, NLANE)] = zero
        return 0

    lax.fori_loop(0, NSEG, zero_body, 0)

    def process_chunk(c, buf):
        gbase = base + c * R

        def seg_body(seg, _):
            p_lo = ptrv[pl.ds(seg, NLANE)][0]
            p_hi = ptrv[pl.ds(seg + 1, NLANE)][0]
            lo = jnp.maximum(p_lo, gbase)
            hi = jnp.minimum(p_hi, gbase + R)

            def row_body(r, acc):
                rl = r - gbase
                return tuple(acc[j] + buf[rl, pl.ds(j * NLANE, NLANE)]
                             for j in range(DV))

            acc = lax.fori_loop(lo, hi, row_body, (zero,) * DV)

            @pl.when(hi > lo)
            def _():
                cnt = (p_hi - p_lo).astype(jnp.float32)
                cv = jnp.full((NLANE,), cnt, jnp.float32)
                for j in range(DV):
                    plsc.addupdate(
                        partial.at[seg, pl.ds(j * NLANE, NLANE)],
                        acc[j] / cv)

            return 0

        lax.fori_loop(0, NSEG, seg_body, 0)

    def ring_body(p, _):
        for b in range(NBUF):
            c = p * NBUF + b
            dma(c, b).wait()
            process_chunk(c, bufs[b])

            @pl.when(c + NBUF < NCHUNK)
            def _():
                dma(c + NBUF, b).start()
        return 0

    lax.fori_loop(0, NCHUNK // NBUF, ring_body, 0)

    pltpu.sync_copy(partial, part_hbm.at[pl.ds(wid * NSEG, NSEG)])


def _tc_body(ptr_ref, x_ref, out_ref):
    i = pl.program_id(0)

    @pl.when(i == 0)
    def _():
        out_ref[...] = jnp.zeros_like(out_ref)

    lo = jnp.stack([ptr_ref[s] for s in range(NSEG)])
    hi = jnp.stack([ptr_ref[s + 1] for s in range(NSEG)])
    inv = 1.0 / (hi - lo).astype(jnp.float32)

    gbase = (TC_BLK0 + i) * TC_BR
    gr = gbase + lax.broadcasted_iota(jnp.int32, (NSEG, TC_BR), 1)
    mask = ((gr >= lo[:, None]) & (gr < hi[:, None])).astype(jnp.float32)
    psum = lax.dot_general(
        mask, x_ref[...], (((1,), (0,)), ((), ())),
        preferred_element_type=jnp.float32,
        precision=lax.Precision.HIGHEST)
    out_ref[...] += psum * inv[:, None]


def _merge_body(sc_part_ref, tc_part_ref, out_ref):
    acc = tc_part_ref[...]
    for w in range(NW):
        acc = acc + sc_part_ref[pl.ds(w * NSEG, NSEG), :]
    out_ref[...] = acc


def kernel(x, ptr):
    mesh = plsc.VectorSubcoreMesh(core_axis_name="c", subcore_axis_name="s")
    sc_partials = pl.kernel(
        _sc_body,
        out_type=jax.ShapeDtypeStruct((NW * NSEG, D), jnp.float32),
        mesh=mesh,
        scratch_types=[
            pltpu.VMEM((R, D), jnp.float32),
            pltpu.VMEM((R, D), jnp.float32),
            pltpu.VMEM((R, D), jnp.float32),
            pltpu.VMEM((R, D), jnp.float32),
            pltpu.VMEM((2 * NLANE,), jnp.int32),
            pltpu.VMEM((NSEG, D), jnp.float32),
            pltpu.SemaphoreType.DMA,
            pltpu.SemaphoreType.DMA,
            pltpu.SemaphoreType.DMA,
            pltpu.SemaphoreType.DMA,
        ],
    )(x, ptr)

    tc_partial = pl.pallas_call(
        _tc_body,
        grid=(TC_NBLK,),
        in_specs=[
            pl.BlockSpec(memory_space=pltpu.SMEM),
            pl.BlockSpec((TC_BR, D), lambda i: (TC_BLK0 + i, 0)),
        ],
        out_specs=pl.BlockSpec((NSEG, D), lambda i: (0, 0)),
        out_shape=jax.ShapeDtypeStruct((NSEG, D), jnp.float32),
    )(ptr, x)

    return pl.pallas_call(
        _merge_body,
        out_shape=jax.ShapeDtypeStruct((NSEG, D), jnp.float32),
    )(sc_partials, tc_partial)

# --- scband reference (transcript-rebuilt; emitter-appended) ---
"""Pipeline reference for scband-avg-pooling-55061480735257 (READ-ONLY COPY).

The authoritative reference and input builder live on the scoring server;
editing this copy changes nothing except your own understanding.
"""

import jax, jax.numpy as jnp
import numpy as np

TOTAL_TOKENS = 32768
NUM_SEGMENTS = 16
D = 512


def setup_inputs(seed: int = 0) -> dict:
    key = jax.random.key(seed)
    kx, _ = jax.random.split(key)
    x = jax.random.normal(kx, (TOTAL_TOKENS, D), dtype=jnp.float32)
    # Build a strictly increasing ptr (cu_seqlens) so every segment is non-empty,
    # matching the semantics the torch module assumes (mean of an empty slice is NaN).
    rng = np.random.default_rng(0)
    interior = np.sort(rng.choice(np.arange(1, TOTAL_TOKENS), size=NUM_SEGMENTS - 1, replace=False))
    ptr = jnp.asarray(np.concatenate([[0], interior, [TOTAL_TOKENS]]), dtype=jnp.int32)
    return {"x": x, "ptr": ptr}


def reference(x, ptr):
    # Faithful translation of:
    #   for i in range(ptr.size(0)-1): g.append(mean(x[ptr[i]:ptr[i+1]], 0, True)); cat(g)
    # expressed as a segment mean (segment_sum / counts).
    n = x.shape[0]
    num_segments = ptr.shape[0] - 1
    # token t belongs to segment i iff ptr[i] <= t < ptr[i+1]
    seg_ids = jnp.searchsorted(ptr[1:], jnp.arange(n), side="right")
    sums = jax.ops.segment_sum(x, seg_ids, num_segments=num_segments)
    counts = (ptr[1:] - ptr[:-1]).astype(x.dtype)
    return sums / counts[:, None]

if __name__ == "__main__":
    import jax
    _d = setup_inputs()
    print(jax.jit(kernel)(*tuple(_d.values())))

</pallas_src>

<mosaic_0001>
#map = affine_map<(d0, d1) -> (0, 0)>
#map1 = affine_map<(d0, d1) -> (0)>
module attributes {stable_mosaic.version = 14 : i64} {
  func.func @_sc_body(%arg0: i32, %arg1: i32, %arg2: memref<32768x512xf32, #tpu.memory_space<hbm>>, %arg3: memref<17xi32, #tpu.memory_space<hbm>>, %arg4: memref<512x512xf32, #tpu.memory_space<hbm>>, %arg5: memref<56x512xf32, #tpu.memory_space<vmem>>, %arg6: memref<56x512xf32, #tpu.memory_space<vmem>>, %arg7: memref<56x512xf32, #tpu.memory_space<vmem>>, %arg8: memref<56x512xf32, #tpu.memory_space<vmem>>, %arg9: memref<32xi32, #tpu.memory_space<vmem>>, %arg10: memref<16x512xf32, #tpu.memory_space<vmem>>, %arg11: memref<!tpu.dma_semaphore, #tpu.memory_space<semaphore_mem>>, %arg12: memref<!tpu.dma_semaphore, #tpu.memory_space<semaphore_mem>>, %arg13: memref<!tpu.dma_semaphore, #tpu.memory_space<semaphore_mem>>, %arg14: memref<!tpu.dma_semaphore, #tpu.memory_space<semaphore_mem>>) attributes {dimension_semantics = [#tpu.dimension_semantics<core_parallel>, #tpu.dimension_semantics<subcore_parallel>], iteration_bounds = array<i64: 2, 16>, scalar_prefetch = 0 : i64, scratch_operands = 10 : i64, tpu.core_type = #tpu.core_type<sc_vector_subcore>, window_params = [{transform_indices = #map}, {transform_indices = #map1}, {transform_indices = #map}]} {
    %mul3A = arith.constant 2 : i32
    %mul3A_0 = arith.muli %arg1, %mul3A : i32
    %add3A = arith.addi %mul3A_0, %arg0 : i32
    %mul3A_1 = arith.constant 448 : i32
    %mul3A_2 = arith.muli %add3A, %mul3A_1 : i32
    %add3A_3 = arith.constant 0 : i32
    %add3A_4 = arith.addi %mul3A_2, %add3A_3 : i32
    %dma_start3A = arith.constant 0 : i32
    %dma_start3A_5 = tpu.memref_slice %arg2[%add3A_4, %dma_start3A] : memref<32768x512xf32, #tpu.memory_space<hbm>> -> memref<56x512xf32, #tpu.memory_space<hbm>>
    %dma_start3A_6 = arith.constant 0 : i32
    %dma_start3A_7 = tpu.memref_slice %arg2[%add3A_4, %dma_start3A_6] : memref<32768x512xf32, #tpu.memory_space<hbm>> -> memref<56x512xf32, #tpu.memory_space<hbm>>
    tpu.enqueue_dma source(%dma_start3A_7 : memref<56x512xf32, #tpu.memory_space<hbm>>) target(%arg5 : memref<56x512xf32, #tpu.memory_space<vmem>>) target_semaphore(%arg11 : memref<!tpu.dma_semaphore, #tpu.memory_space<semaphore_mem>>)
    %add3A_8 = arith.constant 56 : i32
    %add3A_9 = arith.addi %mul3A_2, %add3A_8 : i32
    %dma_start3A_10 = arith.constant 0 : i32
    %dma_start3A_11 = tpu.memref_slice %arg2[%add3A_9, %dma_start3A_10] : memref<32768x512xf32, #tpu.memory_space<hbm>> -> memref<56x512xf32, #tpu.memory_space<hbm>>
    %dma_start3A_12 = arith.constant 0 : i32
    %dma_start3A_13 = tpu.memref_slice %arg2[%add3A_9, %dma_start3A_12] : memref<32768x512xf32, #tpu.memory_space<hbm>> -> memref<56x512xf32, #tpu.memory_space<hbm>>
    tpu.enqueue_dma source(%dma_start3A_13 : memref<56x512xf32, #tpu.memory_space<hbm>>) target(%arg6 : memref<56x512xf32, #tpu.memory_space<vmem>>) target_semaphore(%arg12 : memref<!tpu.dma_semaphore, #tpu.memory_space<semaphore_mem>>)
    %add3A_14 = arith.constant 112 : i32
    %add3A_15 = arith.addi %mul3A_2, %add3A_14 : i32
    %dma_start3A_16 = arith.constant 0 : i32
    %dma_start3A_17 = tpu.memref_slice %arg2[%add3A_15, %dma_start3A_16] : memref<32768x512xf32, #tpu.memory_space<hbm>> -> memref<56x512xf32, #tpu.memory_space<hbm>>
    %dma_start3A_18 = arith.constant 0 : i32
    %dma_start3A_19 = tpu.memref_slice %arg2[%add3A_15, %dma_start3A_18] : memref<32768x512xf32, #tpu.memory_space<hbm>> -> memref<56x512xf32, #tpu.memory_space<hbm>>
    tpu.enqueue_dma source(%dma_start3A_19 : memref<56x512xf32, #tpu.memory_space<hbm>>) target(%arg7 : memref<56x512xf32, #tpu.memory_space<vmem>>) target_semaphore(%arg13 : memref<!tpu.dma_semaphore, #tpu.memory_space<semaphore_mem>>)
    %add3A_20 = arith.constant 168 : i32
    %add3A_21 = arith.addi %mul3A_2, %add3A_20 : i32
    %dma_start3A_22 = arith.constant 0 : i32
    %dma_start3A_23 = tpu.memref_slice %arg2[%add3A_21, %dma_start3A_22] : memref<32768x512xf32, #tpu.memory_space<hbm>> -> memref<56x512xf32, #tpu.memory_space<hbm>>
    %dma_start3A_24 = arith.constant 0 : i32
    %dma_start3A_25 = tpu.memref_slice %arg2[%add3A_21, %dma_start3A_24] : memref<32768x512xf32, #tpu.memory_space<hbm>> -> memref<56x512xf32, #tpu.memory_space<hbm>>
    tpu.enqueue_dma source(%dma_start3A_25 : memref<56x512xf32, #tpu.memory_space<hbm>>) target(%arg8 : memref<56x512xf32, #tpu.memory_space<vmem>>) target_semaphore(%arg14 : memref<!tpu.dma_semaphore, #tpu.memory_space<semaphore_mem>>)
    "tpu.region"() ({
      %run_scoped3A = tpu.sem_alloc : memref<!tpu.dma_semaphore, #tpu.memory_space<semaphore_mem>>
      %dma_start3A_42 = arith.constant 0 : i32
      %dma_start3A_43 = tpu.memref_slice %arg9[%dma_start3A_42] : memref<32xi32, #tpu.memory_space<vmem>> -> memref<17xi32, #tpu.memory_space<vmem>>
      %dma_start3A_44 = arith.constant 0 : i32
      %dma_start3A_45 = tpu.memref_slice %arg9[%dma_start3A_44] : memref<32xi32, #tpu.memory_space<vmem>> -> memref<17xi32, #tpu.memory_space<vmem>>
      tpu.enqueue_dma source(%arg3 : memref<17xi32, #tpu.memory_space<hbm>>) target(%dma_start3A_45 : memref<17xi32, #tpu.memory_space<vmem>>) target_semaphore(%run_scoped3A : memref<!tpu.dma_semaphore, #tpu.memory_space<semaphore_mem>>)
      %dma_wait3A = arith.constant 0 : i32
      %dma_wait3A_46 = tpu.memref_slice %arg9[%dma_wait3A] : memref<32xi32, #tpu.memory_space<vmem>> -> memref<17xi32, #tpu.memory_space<vmem>>
      %dma_wait3A_47 = arith.constant 0 : i32
      %dma_wait3A_48 = tpu.memref_slice %arg9[%dma_wait3A_47] : memref<32xi32, #tpu.memory_space<vmem>> -> memref<17xi32, #tpu.memory_space<vmem>>
      tpu.wait_dma2 semaphore(%run_scoped3A : memref<!tpu.dma_semaphore, #tpu.memory_space<semaphore_mem>>) src(%arg3 : memref<17xi32, #tpu.memory_space<hbm>>) dst(%dma_wait3A_48 : memref<17xi32, #tpu.memory_space<vmem>>)
      tpu.yield
    }) : () -> ()
    %broadcast_in_dim3A = arith.constant 0.000000e+00 : f32
    %broadcast_in_dim3A_26 = vector.broadcast %broadcast_in_dim3A : f32 to vector<16xf32>
    %scan3A = arith.constant 0 : i32
    %scan3A_27 = arith.constant 0 : i32
    %scan3A_28 = arith.constant 16 : i32
    %scan3A_29 = arith.addi %scan3A_27, %scan3A_28 : i32
    %scan3A_30 = arith.constant 1 : i32
    %scan3A_31 = scf.for %scan3A_42 = %scan3A_27 to %scan3A_29 step %scan3A_30 iter_args(%scan3A_43 = %scan3A) -> (i32)  : i32 {
      %swap3A = arith.index_cast %scan3A_42 : i32 to index
      %swap3A_44 = arith.constant 0 : index
      %swap3A_45 = tpu.vector_load %arg10[%swap3A, %swap3A_44] {strides = array<i32>} : memref<16x512xf32, #tpu.memory_space<vmem>>, vector<1x16xf32>,
      %swap3A_46 = vector.shape_cast %swap3A_45 : vector<1x16xf32> to vector<16xf32>
      %swap3A_47 = vector.shape_cast %broadcast_in_dim3A_26 : vector<16xf32> to vector<1x16xf32>
      tpu.vector_store %arg10[%swap3A, %swap3A_44], %swap3A_47 {strides = array<i32>} : memref<16x512xf32, #tpu.memory_space<vmem>>, vector<1x16xf32>,
      %swap3A_48 = arith.index_cast %scan3A_42 : i32 to index
      %swap3A_49 = arith.constant 16 : index
      %swap3A_50 = tpu.vector_load %arg10[%swap3A_48, %swap3A_49] {strides = array<i32>} : memref<16x512xf32, #tpu.memory_space<vmem>>, vector<1x16xf32>,
      %swap3A_51 = vector.shape_cast %swap3A_50 : vector<1x16xf32> to vector<16xf32>
      %swap3A_52 = vector.shape_cast %broadcast_in_dim3A_26 : vector<16xf32> to vector<1x16xf32>
      tpu.vector_store %arg10[%swap3A_48, %swap3A_49], %swap3A_52 {strides = array<i32>} : memref<16x512xf32, #tpu.memory_space<vmem>>, vector<1x16xf32>,
      %swap3A_53 = arith.index_cast %scan3A_42 : i32 to index
      %swap3A_54 = arith.constant 32 : index
      %swap3A_55 = tpu.vector_load %arg10[%swap3A_53, %swap3A_54] {strides = array<i32>} : memref<16x512xf32, #tpu.memory_space<vmem>>, vector<1x16xf32>,
      %swap3A_56 = vector.shape_cast %swap3A_55 : vector<1x16xf32> to vector<16xf32>
      %swap3A_57 = vector.shape_cast %broadcast_in_dim3A_26 : vector<16xf32> to vector<1x16xf32>
      tpu.vector_store %arg10[%swap3A_53, %swap3A_54], %swap3A_57 {strides = array<i32>} : memref<16x512xf32, #tpu.memory_space<vmem>>, vector<1x16xf32>,
      %swap3A_58 = arith.index_cast %scan3A_42 : i32 to index
      %swap3A_59 = arith.constant 48 : index
      %swap3A_60 = tpu.vector_load %arg10[%swap3A_58, %swap3A_59] {strides = array<i32>} : memref<16x512xf32, #tpu.memory_space<vmem>>, vector<1x16xf32>,
      %swap3A_61 = vector.shape_cast %swap3A_60 : vector<1x16xf32> to vector<16xf32>
      %swap3A_62 = vector.shape_cast %broadcast_in_dim3A_26 : vector<16xf32> to vector<1x16xf32>
      tpu.vector_store %arg10[%swap3A_58, %swap3A_59], %swap3A_62 {strides = array<i32>} : memref<16x512xf32, #tpu.memory_space<vmem>>, vector<1x16xf32>,
      %swap3A_63 = arith.index_cast %scan3A_42 : i32 to index
      %swap3A_64 = arith.constant 64 : index
      %swap3A_65 = tpu.vector_load %arg10[%swap3A_63, %swap3A_64] {strides = array<i32>} : memref<16x512xf32, #tpu.memory_space<vmem>>, vector<1x16xf32>,
      %swap3A_66 = vector.shape_cast %swap3A_65 : vector<1x16xf32> to vector<16xf32>
      %swap3A_67 = vector.shape_cast %broadcast_in_dim3A_26 : vector<16xf32> to vector<1x16xf32>
      tpu.vector_store %arg10[%swap3A_63, %swap3A_64], %swap3A_67 {strides = array<i32>} : memref<16x512xf32, #tpu.memory_space<vmem>>, vector<1x16xf32>,
      %swap3A_68 = arith.index_cast %scan3A_42 : i32 to index
      %swap3A_69 = arith.constant 80 : index
      %swap3A_70 = tpu.vector_load %arg10[%swap3A_68, %swap3A_69] {strides = array<i32>} : memref<16x512xf32, #tpu.memory_space<vmem>>, vector<1x16xf32>,
      %swap3A_71 = vector.shape_cast %swap3A_70 : vector<1x16xf32> to vector<16xf32>
      %swap3A_72 = vector.shape_cast %broadcast_in_dim3A_26 : vector<16xf32> to vector<1x16xf32>
      tpu.vector_store %arg10[%swap3A_68, %swap3A_69], %swap3A_72 {strides = array<i32>} : memref<16x512xf32, #tpu.memory_space<vmem>>, vector<1x16xf32>,
      %swap3A_73 = arith.index_cast %scan3A_42 : i32 to index
      %swap3A_74 = arith.constant 96 : index
      %swap3A_75 = tpu.vector_load %arg10[%swap3A_73, %swap3A_74] {strides = array<i32>} : memref<16x512xf32, #tpu.memory_space<vmem>>, vector<1x16xf32>,
      %swap3A_76 = vector.shape_cast %swap3A_75 : vector<1x16xf32> to vector<16xf32>
      %swap3A_77 = vector.shape_cast %broadcast_in_dim3A_26 : vector<16xf32> to vector<1x16xf32>
      tpu.vector_store %arg10[%swap3A_73, %swap3A_74], %swap3A_77 {strides = array<i32>} : memref<16x512xf32, #tpu.memory_space<vmem>>, vector<1x16xf32>,
      %swap3A_78 = arith.index_cast %scan3A_42 : i32 to index
      %swap3A_79 = arith.constant 112 : index
      %swap3A_80 = tpu.vector_load %arg10[%swap3A_78, %swap3A_79] {strides = array<i32>} : memref<16x512xf32, #tpu.memory_space<vmem>>, vector<1x16xf32>,
      %swap3A_81 = vector.shape_cast %swap3A_80 : vector<1x16xf32> to vector<16xf32>
      %swap3A_82 = vector.shape_cast %broadcast_in_dim3A_26 : vector<16xf32> to vector<1x16xf32>
      tpu.vector_store %arg10[%swap3A_78, %swap3A_79], %swap3A_82 {strides = array<i32>} : memref<16x512xf32, #tpu.memory_space<vmem>>, vector<1x16xf32>,
      %swap3A_83 = arith.index_cast %scan3A_42 : i32 to index
      %swap3A_84 = arith.constant 128 : index
      %swap3A_85 = tpu.vector_load %arg10[%swap3A_83, %swap3A_84] {strides = array<i32>} : memref<16x512xf32, #tpu.memory_space<vmem>>, vector<1x16xf32>,
      %swap3A_86 = vector.shape_cast %swap3A_85 : vector<1x16xf32> to vector<16xf32>
      %swap3A_87 = vector.shape_cast %broadcast_in_dim3A_26 : vector<16xf32> to vector<1x16xf32>
      tpu.vector_store %arg10[%swap3A_83, %swap3A_84], %swap3A_87 {strides = array<i32>} : memref<16x512xf32, #tpu.memory_space<vmem>>, vector<1x16xf32>,
      %swap3A_88 = arith.index_cast %scan3A_42 : i32 to index
      %swap3A_89 = arith.constant 144 : index
      %swap3A_90 = tpu.vector_load %arg10[%swap3A_88, %swap3A_89] {strides = array<i32>} : memref<16x512xf32, #tpu.memory_space<vmem>>, vector<1x16xf32>,
      %swap3A_91 = vector.shape_cast %swap3A_90 : vector<1x16xf32> to vector<16xf32>
      %swap3A_92 = vector.shape_cast %broadcast_in_dim3A_26 : vector<16xf32> to vector<1x16xf32>
      tpu.vector_store %arg10[%swap3A_88, %swap3A_89], %swap3A_92 {strides = array<i32>} : memref<16x512xf32, #tpu.memory_space<vmem>>, vector<1x16xf32>,
      %swap3A_93 = arith.index_cast %scan3A_42 : i32 to index
      %swap3A_94 = arith.constant 160 : index
      %swap3A_95 = tpu.vector_load %arg10[%swap3A_93, %swap3A_94] {strides = array<i32>} : memref<16x512xf32, #tpu.memory_space<vmem>>, vector<1x16xf32>,
      %swap3A_96 = vector.shape_cast %swap3A_95 : vector<1x16xf32> to vector<16xf32>
      %swap3A_97 = vector.shape_cast %broadcast_in_dim3A_26 : vector<16xf32> to vector<1x16xf32>
      tpu.vector_store %arg10[%swap3A_93, %swap3A_94], %swap3A_97 {strides = array<i32>} : memref<16x512xf32, #tpu.memory_space<vmem>>, vector<1x16xf32>,
      %swap3A_98 = arith.index_cast %scan3A_42 : i32 to index
      %swap3A_99 = arith.constant 176 : index
      %swap3A_100 = tpu.vector_load %arg10[%swap3A_98, %swap3A_99] {strides = array<i32>} : memref<16x512xf32, #tpu.memory_space<vmem>>, vector<1x16xf32>,
      %swap3A_101 = vector.shape_cast %swap3A_100 : vector<1x16xf32> to vector<16xf32>
      %swap3A_102 = vector.shape_cast %broadcast_in_dim3A_26 : vector<16xf32> to vector<1x16xf32>
      tpu.vector_store %arg10[%swap3A_98, %swap3A_99], %swap3A_102 {strides = array<i32>} : memref<16x512xf32, #tpu.memory_space<vmem>>, vector<1x16xf32>,
      %swap3A_103 = arith.index_cast %scan3A_42 : i32 to index
      %swap3A_104 = arith.constant 192 : index
      %swap3A_105 = tpu.vector_load %arg10[%swap3A_103, %swap3A_104] {strides = array<i32>} : memref<16x512xf32, #tpu.memory_space<vmem>>, vector<1x16xf32>,
      %swap3A_106 = vector.shape_cast %swap3A_105 : vector<1x16xf32> to vector<16xf32>
      %swap3A_107 = vector.shape_cast %broadcast_in_dim3A_26 : vector<16xf32> to vector<1x16xf32>
      tpu.vector_store %arg10[%swap3A_103, %swap3A_104], %swap3A_107 {strides = array<i32>} : memref<16x512xf32, #tpu.memory_space<vmem>>, vector<1x16xf32>,
      %swap3A_108 = arith.index_cast %scan3A_42 : i32 to index
      %swap3A_109 = arith.constant 208 : index
      %swap3A_110 = tpu.vector_load %arg10[%swap3A_108, %swap3A_109] {strides = array<i32>} : memref<16x512xf32, #tpu.memory_space<vmem>>, vector<1x16xf32>,
      %swap3A_111 = vector.shape_cast %swap3A_110 : vector<1x16xf32> to vector<16xf32>
      %swap3A_112 = vector.shape_cast %broadcast_in_dim3A_26 : vector<16xf32> to vector<1x16xf32>
      tpu.vector_store %arg10[%swap3A_108, %swap3A_109], %swap3A_112 {strides = array<i32>} : memref<16x512xf32, #tpu.memory_space<vmem>>, vector<1x16xf32>,
      %swap3A_113 = arith.index_cast %scan3A_42 : i32 to index
      %swap3A_114 = arith.constant 224 : index
      %swap3A_115 = tpu.vector_load %arg10[%swap3A_113, %swap3A_114] {strides = array<i32>} : memref<16x512xf32, #tpu.memory_space<vmem>>, vector<1x16xf32>,
      %swap3A_116 = vector.shape_cast %swap3A_115 : vector<1x16xf32> to vector<16xf32>
      %swap3A_117 = vector.shape_cast %broadcast_in_dim3A_26 : vector<16xf32> to vector<1x16xf32>
      tpu.vector_store %arg10[%swap3A_113, %swap3A_114], %swap3A_117 {strides = array<i32>} : memref<16x512xf32, #tpu.memory_space<vmem>>, vector<1x16xf32>,
      %swap3A_118 = arith.index_cast %scan3A_42 : i32 to index
      %swap3A_119 = arith.constant 240 : index
      %swap3A_120 = tpu.vector_load %arg10[%swap3A_118, %swap3A_119] {strides = array<i32>} : memref<16x512xf32, #tpu.memory_space<vmem>>, vector<1x16xf32>,
      %swap3A_121 = vector.shape_cast %swap3A_120 : vector<1x16xf32> to vector<16xf32>
      %swap3A_122 = vector.shape_cast %broadcast_in_dim3A_26 : vector<16xf32> to vector<1x16xf32>
      tpu.vector_store %arg10[%swap3A_118, %swap3A_119], %swap3A_122 {strides = array<i32>} : memref<16x512xf32, #tpu.memory_space<vmem>>, vector<1x16xf32>,
      %swap3A_123 = arith.index_cast %scan3A_42 : i32 to index
      %swap3A_124 = arith.constant 256 : index
      %swap3A_125 = tpu.vector_load %arg10[%swap3A_123, %swap3A_124] {strides = array<i32>} : memref<16x512xf32, #tpu.memory_space<vmem>>, vector<1x16xf32>,
      %swap3A_126 = vector.shape_cast %swap3A_125 : vector<1x16xf32> to vector<16xf32>
      %swap3A_127 = vector.shape_cast %broadcast_in_dim3A_26 : vector<16xf32> to vector<1x16xf32>
      tpu.vector_store %arg10[%swap3A_123, %swap3A_124], %swap3A_127 {strides = array<i32>} : memref<16x512xf32, #tpu.memory_space<vmem>>, vector<1x16xf32>,
      %swap3A_128 = arith.index_cast %scan3A_42 : i32 to index
      %swap3A_129 = arith.constant 272 : index
      %swap3A_130 = tpu.vector_load %arg10[%swap3A_128, %swap3A_129] {strides = array<i32>} : memref<16x512xf32, #tpu.memory_space<vmem>>, vector<1x16xf32>,
      %swap3A_131 = vector.shape_cast %swap3A_130 : vector<1x16xf32> to vector<16xf32>
      %swap3A_132 = vector.shape_cast %broadcast_in_dim3A_26 : vector<16xf32> to vector<1x16xf32>
      tpu.vector_store %arg10[%swap3A_128, %swap3A_129], %swap3A_132 {strides = array<i32>} : memref<16x512xf32, #tpu.memory_space<vmem>>, vector<1x16xf32>,
      %swap3A_133 = arith.index_cast %scan3A_42 : i32 to index
      %swap3A_134 = arith.constant 288 : index
      %swap3A_135 = tpu.vector_load %arg10[%swap3A_133, %swap3A_134] {strides = array<i32>} : memref<16x512xf32, #tpu.memory_space<vmem>>, vector<1x16xf32>,
      %swap3A_136 = vector.shape_cast %swap3A_135 : vector<1x16xf32> to vector<16xf32>
      %swap3A_137 = vector.shape_cast %broadcast_in_dim3A_26 : vector<16xf32> to vector<1x16xf32>
      tpu.vector_store %arg10[%swap3A_133, %swap3A_134], %swap3A_137 {strides = array<i32>} : memref<16x512xf32, #tpu.memory_space<vmem>>, vector<1x16xf32>,
      %swap3A_138 = arith.index_cast %scan3A_42 : i32 to index
      %swap3A_139 = arith.constant 304 : index
      %swap3A_140 = tpu.vector_load %arg10[%swap3A_138, %swap3A_139] {strides = array<i32>} : memref<16x512xf32, #tpu.memory_space<vmem>>, vector<1x16xf32>,
      %swap3A_141 = vector.shape_cast %swap3A_140 : vector<1x16xf32> to vector<16xf32>
      %swap3A_142 = vector.shape_cast %broadcast_in_dim3A_26 : vector<16xf32> to vector<1x16xf32>
      tpu.vector_store %arg10[%swap3A_138, %swap3A_139], %swap3A_142 {strides = array<i32>} : memref<16x512xf32, #tpu.memory_space<vmem>>, vector<1x16xf32>,
      %swap3A_143 = arith.index_cast %scan3A_42 : i32 to index
      %swap3A_144 = arith.constant 320 : index
      %swap3A_145 = tpu.vector_load %arg10[%swap3A_143, %swap3A_144] {strides = array<i32>} : memref<16x512xf32, #tpu.memory_space<vmem>>, vector<1x16xf32>,
      %swap3A_146 = vector.shape_cast %swap3A_145 : vector<1x16xf32> to vector<16xf32>
      %swap3A_147 = vector.shape_cast %broadcast_in_dim3A_26 : vector<16xf32> to vector<1x16xf32>
      tpu.vector_store %arg10[%swap3A_143, %swap3A_144], %swap3A_147 {strides = array<i32>} : memref<16x512xf32, #tpu.memory_space<vmem>>, vector<1x16xf32>,
      %swap3A_148 = arith.index_cast %scan3A_42 : i32 to index
      %swap3A_149 = arith.constant 336 : index
      %swap3A_150 = tpu.vector_load %arg10[%swap3A_148, %swap3A_149] {strides = array<i32>} : memref<16x512xf32, #tpu.memory_space<vmem>>, vector<1x16xf32>,
      %swap3A_151 = vector.shape_cast %swap3A_150 : vector<1x16xf32> to vector<16xf32>
      %swap3A_152 = vector.shape_cast %broadcast_in_dim3A_26 : vector<16xf32> to vector<1x16xf32>
      tpu.vector_store %arg10[%swap3A_148, %swap3A_149], %swap3A_152 {strides = array<i32>} : memref<16x512xf32, #tpu.memory_space<vmem>>, vector<1x16xf32>,
      %swap3A_153 = arith.index_cast %scan3A_42 : i32 to index
      %swap3A_154 = arith.constant 352 : index
      %swap3A_155 = tpu.vector_load %arg10[%swap3A_153, %swap3A_154] {strides = array<i32>} : memref<16x512xf32, #tpu.memory_space<vmem>>, vector<1x16xf32>,
      %swap3A_156 = vector.shape_cast %swap3A_155 : vector<1x16xf32> to vector<16xf32>
      %swap3A_157 = vector.shape_cast %broadcast_in_dim3A_26 : vector<16xf32> to vector<1x16xf32>
      tpu.vector_store %arg10[%swap3A_153, %swap3A_154], %swap3A_157 {strides = array<i32>} : memref<16x512xf32, #tpu.memory_space<vmem>>, vector<1x16xf32>,
      %swap3A_158 = arith.index_cast %scan3A_42 : i32 to index
      %swap3A_159 = arith.constant 368 : index
      %swap3A_160 = tpu.vector_load %arg10[%swap3A_158, %swap3A_159] {strides = array<i32>} : memref<16x512xf32, #tpu.memory_space<vmem>>, vector<1x16xf32>,
      %swap3A_161 = vector.shape_cast %swap3A_160 : vector<1x16xf32> to vector<16xf32>
      %swap3A_162 = vector.shape_cast %broadcast_in_dim3A_26 : vector<16xf32> to vector<1x16xf32>
      tpu.vector_store %arg10[%swap3A_158, %swap3A_159], %swap3A_162 {strides = array<i32>} : memref<16x512xf32, #tpu.memory_space<vmem>>, vector<1x16xf32>,
      %swap3A_163 = arith.index_cast %scan3A_42 : i32 to index
      %swap3A_164 = arith.constant 384 : index
      %swap3A_165 = tpu.vector_load %arg10[%swap3A_163, %swap3A_164] {strides = array<i32>} : memref<16x512xf32, #tpu.memory_space<vmem>>, vector<1x16xf32>,
      %swap3A_166 = vector.shape_cast %swap3A_165 : vector<1x16xf32> to vector<16xf32>
      %swap3A_167 = vector.shape_cast %broadcast_in_dim3A_26 : vector<16xf32> to vector<1x16xf32>
      tpu.vector_store %arg10[%swap3A_163, %swap3A_164], %swap3A_167 {strides = array<i32>} : memref<16x512xf32, #tpu.memory_space<vmem>>, vector<1x16xf32>,
      %swap3A_168 = arith.index_cast %scan3A_42 : i32 to index
      %swap3A_169 = arith.constant 400 : index
      %swap3A_170 = tpu.vector_load %arg10[%swap3A_168, %swap3A_169] {strides = array<i32>} : memref<16x512xf32, #tpu.memory_space<vmem>>, vector<1x16xf32>,
      %swap3A_171 = vector.shape_cast %swap3A_170 : vector<1x16xf32> to vector<16xf32>
      %swap3A_172 = vector.shape_cast %broadcast_in_dim3A_26 : vector<16xf32> to vector<1x16xf32>
      tpu.vector_store %arg10[%swap3A_168, %swap3A_169], %swap3A_172 {strides = array<i32>} : memref<16x512xf32, #tpu.memory_space<vmem>>, vector<1x16xf32>,
      %swap3A_173 = arith.index_cast %scan3A_42 : i32 to index
      %swap3A_174 = arith.constant 416 : index
      %swap3A_175 = tpu.vector_load %arg10[%swap3A_173, %swap3A_174] {strides = array<i32>} : memref<16x512xf32, #tpu.memory_space<vmem>>, vector<1x16xf32>,
      %swap3A_176 = vector.shape_cast %swap3A_175 : vector<1x16xf32> to vector<16xf32>
      %swap3A_177 = vector.shape_cast %broadcast_in_dim3A_26 : vector<16xf32> to vector<1x16xf32>
      tpu.vector_store %arg10[%swap3A_173, %swap3A_174], %swap3A_177 {strides = array<i32>} : memref<16x512xf32, #tpu.memory_space<vmem>>, vector<1x16xf32>,
      %swap3A_178 = arith.index_cast %scan3A_42 : i32 to index
      %swap3A_179 = arith.constant 432 : index
      %swap3A_180 = tpu.vector_load %arg10[%swap3A_178, %swap3A_179] {strides = array<i32>} : memref<16x512xf32, #tpu.memory_space<vmem>>, vector<1x16xf32>,
      %swap3A_181 = vector.shape_cast %swap3A_180 : vector<1x16xf32> to vector<16xf32>
      %swap3A_182 = vector.shape_cast %broadcast_in_dim3A_26 : vector<16xf32> to vector<1x16xf32>
      tpu.vector_store %arg10[%swap3A_178, %swap3A_179], %swap3A_182 {strides = array<i32>} : memref<16x512xf32, #tpu.memory_space<vmem>>, vector<1x16xf32>,
      %swap3A_183 = arith.index_cast %scan3A_42 : i32 to index
      %swap3A_184 = arith.constant 448 : index
      %swap3A_185 = tpu.vector_load %arg10[%swap3A_183, %swap3A_184] {strides = array<i32>} : memref<16x512xf32, #tpu.memory_space<vmem>>, vector<1x16xf32>,
      %swap3A_186 = vector.shape_cast %swap3A_185 : vector<1x16xf32> to vector<16xf32>
      %swap3A_187 = vector.shape_cast %broadcast_in_dim3A_26 : vector<16xf32> to vector<1x16xf32>
      tpu.vector_store %arg10[%swap3A_183, %swap3A_184], %swap3A_187 {strides = array<i32>} : memref<16x512xf32, #tpu.memory_space<vmem>>, vector<1x16xf32>,
      %swap3A_188 = arith.index_cast %scan3A_42 : i32 to index
      %swap3A_189 = arith.constant 464 : index
      %swap3A_190 = tpu.vector_load %arg10[%swap3A_188, %swap3A_189] {strides = array<i32>} : memref<16x512xf32, #tpu.memory_space<vmem>>, vector<1x16xf32>,
      %swap3A_191 = vector.shape_cast %swap3A_190 : vector<1x16xf32> to vector<16xf32>
      %swap3A_192 = vector.shape_cast %broadcast_in_dim3A_26 : vector<16xf32> to vector<1x16xf32>
      tpu.vector_store %arg10[%swap3A_188, %swap3A_189], %swap3A_192 {strides = array<i32>} : memref<16x512xf32, #tpu.memory_space<vmem>>, vector<1x16xf32>,
      %swap3A_193 = arith.index_cast %scan3A_42 : i32 to index
      %swap3A_194 = arith.constant 480 : index
      %swap3A_195 = tpu.vector_load %arg10[%swap3A_193, %swap3A_194] {strides = array<i32>} : memref<16x512xf32, #tpu.memory_space<vmem>>, vector<1x16xf32>,
      %swap3A_196 = vector.shape_cast %swap3A_195 : vector<1x16xf32> to vector<16xf32>
      %swap3A_197 = vector.shape_cast %broadcast_in_dim3A_26 : vector<16xf32> to vector<1x16xf32>
      tpu.vector_store %arg10[%swap3A_193, %swap3A_194], %swap3A_197 {strides = array<i32>} : memref<16x512xf32, #tpu.memory_space<vmem>>, vector<1x16xf32>,
      %swap3A_198 = arith.index_cast %scan3A_42 : i32 to index
      %swap3A_199 = arith.constant 496 : index
      %swap3A_200 = tpu.vector_load %arg10[%swap3A_198, %swap3A_199] {strides = array<i32>} : memref<16x512xf32, #tpu.memory_space<vmem>>, vector<1x16xf32>,
      %swap3A_201 = vector.shape_cast %swap3A_200 : vector<1x16xf32> to vector<16xf32>
      %swap3A_202 = vector.shape_cast %broadcast_in_dim3A_26 : vector<16xf32> to vector<1x16xf32>
      tpu.vector_store %arg10[%swap3A_198, %swap3A_199], %swap3A_202 {strides = array<i32>} : memref<16x512xf32, #tpu.memory_space<vmem>>, vector<1x16xf32>,
      %scan3A_203 = arith.constant 0 : i32
      scf.yield %scan3A_203 : i32
    }
    %scan3A_32 = arith.constant 16 : i32
    %scan3A_33 = arith.constant 0 : i32
    %scan3A_34 = arith.constant 0 : i32
    %scan3A_35 = arith.constant 2 : i32
    %scan3A_36 = arith.addi %scan3A_34, %scan3A_35 : i32
    %scan3A_37 = arith.constant 1 : i32
    %scan3A_38 = scf.for %scan3A_42 = %scan3A_34 to %scan3A_36 step %scan3A_37 iter_args(%scan3A_43 = %scan3A_33) -> (i32)  : i32 {
      %mul3A_44 = arith.constant 4 : i32
      %mul3A_45 = arith.muli %scan3A_42, %mul3A_44 : i32
      %add3A_46 = arith.constant 0 : i32
      %add3A_47 = arith.addi %mul3A_45, %add3A_46 : i32
      %mul3A_48 = arith.constant 56 : i32
      %mul3A_49 = arith.muli %add3A_47, %mul3A_48 : i32
      %add3A_50 = arith.addi %mul3A_2, %mul3A_49 : i32
      %dma_wait3A = arith.constant 0 : i32
      %dma_wait3A_51 = tpu.memref_slice %arg2[%add3A_50, %dma_wait3A] : memref<32768x512xf32, #tpu.memory_space<hbm>> -> memref<56x512xf32, #tpu.memory_space<hbm>>
      %dma_wait3A_52 = arith.constant 0 : i32
      %dma_wait3A_53 = tpu.memref_slice %arg2[%add3A_50, %dma_wait3A_52] : memref<32768x512xf32, #tpu.memory_space<hbm>> -> memref<56x512xf32, #tpu.memory_space<hbm>>
      tpu.wait_dma2 semaphore(%arg11 : memref<!tpu.dma_semaphore, #tpu.memory_space<semaphore_mem>>) src(%dma_wait3A_53 : memref<56x512xf32, #tpu.memory_space<hbm>>) dst(%arg5 : memref<56x512xf32, #tpu.memory_space<vmem>>)
      %mul3A_54 = arith.constant 56 : i32
      %mul3A_55 = arith.muli %add3A_47, %mul3A_54 : i32
      %add3A_56 = arith.addi %mul3A_2, %mul3A_55 : i32
      %scan3A_57 = arith.constant 0 : i32
      %scan3A_58 = arith.constant 0 : i32
      %scan3A_59 = arith.constant 16 : i32
      %scan3A_60 = arith.addi %scan3A_58, %scan3A_59 : i32
      %scan3A_61 = arith.constant 1 : i32
      %scan3A_62 = scf.for %scan3A_153 = %scan3A_58 to %scan3A_60 step %scan3A_61 iter_args(%scan3A_154 = %scan3A_57) -> (i32)  : i32 {
        %get3A = arith.index_cast %scan3A_153 : i32 to index
        %get3A_155 = tpu.vector_load %arg9[%get3A] {strides = array<i32>} : memref<32xi32, #tpu.memory_space<vmem>>, vector<16xi32>,
        %get3A_156 = vector.shape_cast %get3A_155 : vector<16xi32> to vector<16xi32>
        %slice3A = vector.extract_strided_slice %get3A_156 {offsets = [0], sizes = [1], strides = [1]} : vector<16xi32> to vector<1xi32>
        %squeeze3A = vector.extract %slice3A[0] : i32 from vector<1xi32>
        %add3A_157 = arith.constant 1 : i32
        %add3A_158 = arith.addi %scan3A_153, %add3A_157 : i32
        %get3A_159 = arith.index_cast %add3A_158 : i32 to index
        %get3A_160 = tpu.vector_load %arg9[%get3A_159] {strides = array<i32>} : memref<32xi32, #tpu.memory_space<vmem>>, vector<16xi32>,
        %get3A_161 = vector.shape_cast %get3A_160 : vector<16xi32> to vector<16xi32>
        %slice3A_162 = vector.extract_strided_slice %get3A_161 {offsets = [0], sizes = [1], strides = [1]} : vector<16xi32> to vector<1xi32>
        %squeeze3A_163 = vector.extract %slice3A_162[0] : i32 from vector<1xi32>
        %max3A = arith.maxsi %squeeze3A, %add3A_56 : i32
        %add3A_164 = arith.constant 56 : i32
        %add3A_165 = arith.addi %add3A_56, %add3A_164 : i32
        %min3A = arith.minsi %squeeze3A_163, %add3A_165 : i32
        %while3A = arith.subi %min3A, %max3A : i32
        %while3A_166 = arith.addi %max3A, %while3A : i32
        %while3A_167 = arith.constant 1 : i32
        %while3A_168 = arith.divsi %while3A, %while3A_167 : i32
        %while3A_169 = arith.muli %while3A_168, %while3A_167 : i32
        %while3A_170 = arith.addi %max3A, %while3A_169 : i32
        %while3A_171 = arith.constant 1 : i32
        %while3A_172:32 = scf.for %while3A_179 = %max3A to %while3A_170 step %while3A_171 iter_args(%while3A_180 = %broadcast_in_dim3A_26, %while3A_181 = %broadcast_in_dim3A_26, %while3A_182 = %broadcast_in_dim3A_26, %while3A_183 = %broadcast_in_dim3A_26, %while3A_184 = %broadcast_in_dim3A_26, %while3A_185 = %broadcast_in_dim3A_26, %while3A_186 = %broadcast_in_dim3A_26, %while3A_187 = %broadcast_in_dim3A_26, %while3A_188 = %broadcast_in_dim3A_26, %while3A_189 = %broadcast_in_dim3A_26, %while3A_190 = %broadcast_in_dim3A_26, %while3A_191 = %broadcast_in_dim3A_26, %while3A_192 = %broadcast_in_dim3A_26, %while3A_193 = %broadcast_in_dim3A_26, %while3A_194 = %broadcast_in_dim3A_26, %while3A_195 = %broadcast_in_dim3A_26, %while3A_196 = %broadcast_in_dim3A_26, %while3A_197 = %broadcast_in_dim3A_26, %while3A_198 = %broadcast_in_dim3A_26, %while3A_199 = %broadcast_in_dim3A_26, %while3A_200 = %broadcast_in_dim3A_26, %while3A_201 = %broadcast_in_dim3A_26, %while3A_202 = %broadcast_in_dim3A_26, %while3A_203 = %broadcast_in_dim3A_26, %while3A_204 = %broadcast_in_dim3A_26, %while3A_205 = %broadcast_in_dim3A_26, %while3A_206 = %broadcast_in_dim3A_26, %while3A_207 = %broadcast_in_dim3A_26, %while3A_208 = %broadcast_in_dim3A_26, %while3A_209 = %broadcast_in_dim3A_26, %while3A_210 = %broadcast_in_dim3A_26, %while3A_211 = %broadcast_in_dim3A_26) -> (vector<16xf32>, vector<16xf32>, vector<16xf32>, vector<16xf32>, vector<16xf32>, vector<16xf32>, vector<16xf32>, vector<16xf32>, vector<16xf32>, vector<16xf32>, vector<16xf32>, vector<16xf32>, vector<16xf32>, vector<16xf32>, vector<16xf32>, vector<16xf32>, vector<16xf32>, vector<16xf32>, vector<16xf32>, vector<16xf32>, vector<16xf32>, vector<16xf32>, vector<16xf32>, vector<16xf32>, vector<16xf32>, vector<16xf32>, vector<16xf32>, vector<16xf32>, vector<16xf32>, vector<16xf32>, vector<16xf32>, vector<16xf32>)  : i32 {
          %sub3A = arith.subi %while3A_179, %add3A_56 : i32
          %get3A_212 = arith.index_cast %sub3A : i32 to index
          %get3A_213 = arith.constant 0 : index
          %get3A_214 = tpu.vector_load %arg5[%get3A_212, %get3A_213] {strides = array<i32>} : memref<56x512xf32, #tpu.memory_space<vmem>>, vector<1x16xf32>,
          %get3A_215 = vector.shape_cast %get3A_214 : vector<1x16xf32> to vector<16xf32>
          %add3A_216 = arith.addf %while3A_180, %get3A_215 : vector<16xf32>
          %get3A_217 = arith.index_cast %sub3A : i32 to index
          %get3A_218 = arith.constant 16 : index
          %get3A_219 = tpu.vector_load %arg5[%get3A_217, %get3A_218] {strides = array<i32>} : memref<56x512xf32, #tpu.memory_space<vmem>>, vector<1x16xf32>,
          %get3A_220 = vector.shape_cast %get3A_219 : vector<1x16xf32> to vector<16xf32>
          %add3A_221 = arith.addf %while3A_181, %get3A_220 : vector<16xf32>
          %get3A_222 = arith.index_cast %sub3A : i32 to index
          %get3A_223 = arith.constant 32 : index
          %get3A_224 = tpu.vector_load %arg5[%get3A_222, %get3A_223] {strides = array<i32>} : memref<56x512xf32, #tpu.memory_space<vmem>>, vector<1x16xf32>,
          %get3A_225 = vector.shape_cast %get3A_224 : vector<1x16xf32> to vector<16xf32>
          %add3A_226 = arith.addf %while3A_182, %get3A_225 : vector<16xf32>
          %get3A_227 = arith.index_cast %sub3A : i32 to index
          %get3A_228 = arith.constant 48 : index
          %get3A_229 = tpu.vector_load %arg5[%get3A_227, %get3A_228] {strides = array<i32>} : memref<56x512xf32, #tpu.memory_space<vmem>>, vector<1x16xf32>,
          %get3A_230 = vector.shape_cast %get3A_229 : vector<1x16xf32> to vector<16xf32>
          %add3A_231 = arith.addf %while3A_183, %get3A_230 : vector<16xf32>
          %get3A_232 = arith.index_cast %sub3A : i32 to index
          %get3A_233 = arith.constant 64 : index
          %get3A_234 = tpu.vector_load %arg5[%get3A_232, %get3A_233] {strides = array<i32>} : memref<56x512xf32, #tpu.memory_space<vmem>>, vector<1x16xf32>,
          %get3A_235 = vector.shape_cast %get3A_234 : vector<1x16xf32> to vector<16xf32>
          %add3A_236 = arith.addf %while3A_184, %get3A_235 : vector<16xf32>
          %get3A_237 = arith.index_cast %sub3A : i32 to index
          %get3A_238 = arith.constant 80 : index
          %get3A_239 = tpu.vector_load %arg5[%get3A_237, %get3A_238] {strides = array<i32>} : memref<56x512xf32, #tpu.memory_space<vmem>>, vector<1x16xf32>,
          %get3A_240 = vector.shape_cast %get3A_239 : vector<1x16xf32> to vector<16xf32>
          %add3A_241 = arith.addf %while3A_185, %get3A_240 : vector<16xf32>
          %get3A_242 = arith.index_cast %sub3A : i32 to index
          %get3A_243 = arith.constant 96 : index
          %get3A_244 = tpu.vector_load %arg5[%get3A_242, %get3A_243] {strides = array<i32>} : memref<56x512xf32, #tpu.memory_space<vmem>>, vector<1x16xf32>,
          %get3A_245 = vector.shape_cast %get3A_244 : vector<1x16xf32> to vector<16xf32>
          %add3A_246 = arith.addf %while3A_186, %get3A_245 : vector<16xf32>
          %get3A_247 = arith.index_cast %sub3A : i32 to index
          %get3A_248 = arith.constant 112 : index
          %get3A_249 = tpu.vector_load %arg5[%get3A_247, %get3A_248] {strides = array<i32>} : memref<56x512xf32, #tpu.memory_space<vmem>>, vector<1x16xf32>,
          %get3A_250 = vector.shape_cast %get3A_249 : vector<1x16xf32> to vector<16xf32>
          %add3A_251 = arith.addf %while3A_187, %get3A_250 : vector<16xf32>
          %get3A_252 = arith.index_cast %sub3A : i32 to index
          %get3A_253 = arith.constant 128 : index
          %get3A_254 = tpu.vector_load %arg5[%get3A_252, %get3A_253] {strides = array<i32>} : memref<56x512xf32, #tpu.memory_space<vmem>>, vector<1x16xf32>,
          %get3A_255 = vector.shape_cast %get3A_254 : vector<1x16xf32> to vector<16xf32>
          %add3A_256 = arith.addf %while3A_188, %get3A_255 : vector<16xf32>
          %get3A_257 = arith.index_cast %sub3A : i32 to index
          %get3A_258 = arith.constant 144 : index
          %get3A_259 = tpu.vector_load %arg5[%get3A_257, %get3A_258] {strides = array<i32>} : memref<56x512xf32, #tpu.memory_space<vmem>>, vector<1x16xf32>,
          %get3A_260 = vector.shape_cast %get3A_259 : vector<1x16xf32> to vector<16xf32>
          %add3A_261 = arith.addf %while3A_189, %get3A_260 : vector<16xf32>
          %get3A_262 = arith.index_cast %sub3A : i32 to index
          %get3A_263 = arith.constant 160 : index
          %get3A_264 = tpu.vector_load %arg5[%get3A_262, %get3A_263] {strides = array<i32>} : memref<56x512xf32, #tpu.memory_space<vmem>>, vector<1x16xf32>,
          %get3A_265 = vector.shape_cast %get3A_264 : vector<1x16xf32> to vector<16xf32>
          %add3A_266 = arith.addf %while3A_190, %get3A_265 : vector<16xf32>
          %get3A_267 = arith.index_cast %sub3A : i32 to index
          %get3A_268 = arith.constant 176 : index
          %get3A_269 = tpu.vector_load %arg5[%get3A_267, %get3A_268] {strides = array<i32>} : memref<56x512xf32, #tpu.memory_space<vmem>>, vector<1x16xf32>,
          %get3A_270 = vector.shape_cast %get3A_269 : vector<1x16xf32> to vector<16xf32>
          %add3A_271 = arith.addf %while3A_191, %get3A_270 : vector<16xf32>
          %get3A_272 = arith.index_cast %sub3A : i32 to index
          %get3A_273 = arith.constant 192 : index
          %get3A_274 = tpu.vector_load %arg5[%get3A_272, %get3A_273] {strides = array<i32>} : memref<56x512xf32, #tpu.memory_space<vmem>>, vector<1x16xf32>,
          %get3A_275 = vector.shape_cast %get3A_274 : vector<1x16xf32> to vector<16xf32>
          %add3A_276 = arith.addf %while3A_192, %get3A_275 : vector<16xf32>
          %get3A_277 = arith.index_cast %sub3A : i32 to index
          %get3A_278 = arith.constant 208 : index
          %get3A_279 = tpu.vector_load %arg5[%get3A_277, %get3A_278] {strides = array<i32>} : memref<56x512xf32, #tpu.memory_space<vmem>>, vector<1x16xf32>,
          %get3A_280 = vector.shape_cast %get3A_279 : vector<1x16xf32> to vector<16xf32>
          %add3A_281 = arith.addf %while3A_193, %get3A_280 : vector<16xf32>
          %get3A_282 = arith.index_cast %sub3A : i32 to index
          %get3A_283 = arith.constant 224 : index
          %get3A_284 = tpu.vector_load %arg5[%get3A_282, %get3A_283] {strides = array<i32>} : memref<56x512xf32, #tpu.memory_space<vmem>>, vector<1x16xf32>,
          %get3A_285 = vector.shape_cast %get3A_284 : vector<1x16xf32> to vector<16xf32>
          %add3A_286 = arith.addf %while3A_194, %get3A_285 : vector<16xf32>
          %get3A_287 = arith.index_cast %sub3A : i32 to index
          %get3A_288 = arith.constant 240 : index
          %get3A_289 = tpu.vector_load %arg5[%get3A_287, %get3A_288] {strides = array<i32>} : memref<56x512xf32, #tpu.memory_space<vmem>>, vector<1x16xf32>,
          %get3A_290 = vector.shape_cast %get3A_289 : vector<1x16xf32> to vector<16xf32>
          %add3A_291 = arith.addf %while3A_195, %get3A_290 : vector<16xf32>
          %get3A_292 = arith.index_cast %sub3A : i32 to index
          %get3A_293 = arith.constant 256 : index
          %get3A_294 = tpu.vector_load %arg5[%get3A_292, %get3A_293] {strides = array<i32>} : memref<56x512xf32, #tpu.memory_space<vmem>>, vector<1x16xf32>,
          %get3A_295 = vector.shape_cast %get3A_294 : vector<1x16xf32> to vector<16xf32>
          %add3A_296 = arith.addf %while3A_196, %get3A_295 : vector<16xf32>
          %get3A_297 = arith.index_cast %sub3A : i32 to index
          %get3A_298 = arith.constant 272 : index
          %get3A_299 = tpu.vector_load %arg5[%get3A_297, %get3A_298] {strides = array<i32>} : memref<56x512xf32, #tpu.memory_space<vmem>>, vector<1x16xf32>,
          %get3A_300 = vector.shape_cast %get3A_299 : vector<1x16xf32> to vector<16xf32>
          %add3A_301 = arith.addf %while3A_197, %get3A_300 : vector<16xf32>
          %get3A_302 = arith.index_cast %sub3A : i32 to index
          %get3A_303 = arith.constant 288 : index
          %get3A_304 = tpu.vector_load %arg5[%get3A_302, %get3A_303] {strides = array<i32>} : memref<56x512xf32, #tpu.memory_space<vmem>>, vector<1x16xf32>,
          %get3A_305 = vector.shape_cast %get3A_304 : vector<1x16xf32> to vector<16xf32>
          %add3A_306 = arith.addf %while3A_198, %get3A_305 : vector<16xf32>
          %get3A_307 = arith.index_cast %sub3A : i32 to index
          %get3A_308 = arith.constant 304 : index
          %get3A_309 = tpu.vector_load %arg5[%get3A_307, %get3A_308] {strides = array<i32>} : memref<56x512xf32, #tpu.memory_space<vmem>>, vector<1x16xf32>,
          %get3A_310 = vector.shape_cast %get3A_309 : vector<1x16xf32> to vector<16xf32>
          %add3A_311 = arith.addf %while3A_199, %get3A_310 : vector<16xf32>
          %get3A_312 = arith.index_cast %sub3A : i32 to index
          %get3A_313 = arith.constant 320 : index
          %get3A_314 = tpu.vector_load %arg5[%get3A_312, %get3A_313] {strides = array<i32>} : memref<56x512xf32, #tpu.memory_space<vmem>>, vector<1x16xf32>,
          %get3A_315 = vector.shape_cast %get3A_314 : vector<1x16xf32> to vector<16xf32>
          %add3A_316 = arith.addf %while3A_200, %get3A_315 : vector<16xf32>
          %get3A_317 = arith.index_cast %sub3A : i32 to index
          %get3A_318 = arith.constant 336 : index
          %get3A_319 = tpu.vector_load %arg5[%get3A_317, %get3A_318] {strides = array<i32>} : memref<56x512xf32, #tpu.memory_space<vmem>>, vector<1x16xf32>,
          %get3A_320 = vector.shape_cast %get3A_319 : vector<1x16xf32> to vector<16xf32>
          %add3A_321 = arith.addf %while3A_201, %get3A_320 : vector<16xf32>
          %get3A_322 = arith.index_cast %sub3A : i32 to index
          %get3A_323 = arith.constant 352 : index
          %get3A_324 = tpu.vector_load %arg5[%get3A_322, %get3A_323] {strides = array<i32>} : memref<56x512xf32, #tpu.memory_space<vmem>>, vector<1x16xf32>,
          %get3A_325 = vector.shape_cast %get3A_324 : vector<1x16xf32> to vector<16xf32>
          %add3A_326 = arith.addf %while3A_202, %get3A_325 : vector<16xf32>
          %get3A_327 = arith.index_cast %sub3A : i32 to index
          %get3A_328 = arith.constant 368 : index
          %get3A_329 = tpu.vector_load %arg5[%get3A_327, %get3A_328] {strides = array<i32>} : memref<56x512xf32, #tpu.memory_space<vmem>>, vector<1x16xf32>,
          %get3A_330 = vector.shape_cast %get3A_329 : vector<1x16xf32> to vector<16xf32>
          %add3A_331 = arith.addf %while3A_203, %get3A_330 : vector<16xf32>
          %get3A_332 = arith.index_cast %sub3A : i32 to index
          %get3A_333 = arith.constant 384 : index
          %get3A_334 = tpu.vector_load %arg5[%get3A_332, %get3A_333] {strides = array<i32>} : memref<56x512xf32, #tpu.memory_space<vmem>>, vector<1x16xf32>,
          %get3A_335 = vector.shape_cast %get3A_334 : vector<1x16xf32> to vector<16xf32>
          %add3A_336 = arith.addf %while3A_204, %get3A_335 : vector<16xf32>
          %get3A_337 = arith.index_cast %sub3A : i32 to index
          %get3A_338 = arith.constant 400 : index
          %get3A_339 = tpu.vector_load %arg5[%get3A_337, %get3A_338] {strides = array<i32>} : memref<56x512xf32, #tpu.memory_space<vmem>>, vector<1x16xf32>,
          %get3A_340 = vector.shape_cast %get3A_339 : vector<1x16xf32> to vector<16xf32>
          %add3A_341 = arith.addf %while3A_205, %get3A_340 : vector<16xf32>
          %get3A_342 = arith.index_cast %sub3A : i32 to index
          %get3A_343 = arith.constant 416 : index
          %get3A_344 = tpu.vector_load %arg5[%get3A_342, %get3A_343] {strides = array<i32>} : memref<56x512xf32, #tpu.memory_space<vmem>>, vector<1x16xf32>,
          %get3A_345 = vector.shape_cast %get3A_344 : vector<1x16xf32> to vector<16xf32>
          %add3A_346 = arith.addf %while3A_206, %get3A_345 : vector<16xf32>
          %get3A_347 = arith.index_cast %sub3A : i32 to index
          %get3A_348 = arith.constant 432 : index
          %get3A_349 = tpu.vector_load %arg5[%get3A_347, %get3A_348] {strides = array<i32>} : memref<56x512xf32, #tpu.memory_space<vmem>>, vector<1x16xf32>,
          %get3A_350 = vector.shape_cast %get3A_349 : vector<1x16xf32> to vector<16xf32>
          %add3A_351 = arith.addf %while3A_207, %get3A_350 : vector<16xf32>
          %get3A_352 = arith.index_cast %sub3A : i32 to index
          %get3A_353 = arith.constant 448 : index
          %get3A_354 = tpu.vector_load %arg5[%get3A_352, %get3A_353] {strides = array<i32>} : memref<56x512xf32, #tpu.memory_space<vmem>>, vector<1x16xf32>,
          %get3A_355 = vector.shape_cast %get3A_354 : vector<1x16xf32> to vector<16xf32>
          %add3A_356 = arith.addf %while3A_208, %get3A_355 : vector<16xf32>
          %get3A_357 = arith.index_cast %sub3A : i32 to index
          %get3A_358 = arith.constant 464 : index
          %get3A_359 = tpu.vector_load %arg5[%get3A_357, %get3A_358] {strides = array<i32>} : memref<56x512xf32, #tpu.memory_space<vmem>>, vector<1x16xf32>,
          %get3A_360 = vector.shape_cast %get3A_359 : vector<1x16xf32> to vector<16xf32>
          %add3A_361 = arith.addf %while3A_209, %get3A_360 : vector<16xf32>
          %get3A_362 = arith.index_cast %sub3A : i32 to index
          %get3A_363 = arith.constant 480 : index
          %get3A_364 = tpu.vector_load %arg5[%get3A_362, %get3A_363] {strides = array<i32>} : memref<56x512xf32, #tpu.memory_space<vmem>>, vector<1x16xf32>,
          %get3A_365 = vector.shape_cast %get3A_364 : vector<1x16xf32> to vector<16xf32>
          %add3A_366 = arith.addf %while3A_210, %get3A_365 : vector<16xf32>
          %get3A_367 = arith.index_cast %sub3A : i32 to index
          %get3A_368 = arith.constant 496 : index
          %get3A_369 = tpu.vector_load %arg5[%get3A_367, %get3A_368] {strides = array<i32>} : memref<56x512xf32, #tpu.memory_space<vmem>>, vector<1x16xf32>,
          %get3A_370 = vector.shape_cast %get3A_369 : vector<1x16xf32> to vector<16xf32>
          %add3A_371 = arith.addf %while3A_211, %get3A_370 : vector<16xf32>
          scf.yield %add3A_216, %add3A_221, %add3A_226, %add3A_231, %add3A_236, %add3A_241, %add3A_246, %add3A_251, %add3A_256, %add3A_261, %add3A_266, %add3A_271, %add3A_276, %add3A_281, %add3A_286, %add3A_291, %add3A_296, %add3A_301, %add3A_306, %add3A_311, %add3A_316, %add3A_321, %add3A_326, %add3A_331, %add3A_336, %add3A_341, %add3A_346, %add3A_351, %add3A_356, %add3A_361, %add3A_366, %add3A_371 : vector<16xf32>, vector<16xf32>, vector<16xf32>, vector<16xf32>, vector<16xf32>, vector<16xf32>, vector<16xf32>, vector<16xf32>, vector<16xf32>, vector<16xf32>, vector<16xf32>, vector<16xf32>, vector<16xf32>, vector<16xf32>, vector<16xf32>, vector<16xf32>, vector<16xf32>, vector<16xf32>, vector<16xf32>, vector<16xf32>, vector<16xf32>, vector<16xf32>, vector<16xf32>, vector<16xf32>, vector<16xf32>, vector<16xf32>, vector<16xf32>, vector<16xf32>, vector<16xf32>, vector<16xf32>, vector<16xf32>, vector<16xf32>
        }
        %while3A_173 = arith.constant 1 : i32
        %while3A_174:32 = scf.for %while3A_179 = %while3A_170 to %while3A_166 step %while3A_173 iter_args(%while3A_180 = %while3A_172#0, %while3A_181 = %while3A_172#1, %while3A_182 = %while3A_172#2, %while3A_183 = %while3A_172#3, %while3A_184 = %while3A_172#4, %while3A_185 = %while3A_172#5, %while3A_186 = %while3A_172#6, %while3A_187 = %while3A_172#7, %while3A_188 = %while3A_172#8, %while3A_189 = %while3A_172#9, %while3A_190 = %while3A_172#10, %while3A_191 = %while3A_172#11, %while3A_192 = %while3A_172#12, %while3A_193 = %while3A_172#13, %while3A_194 = %while3A_172#14, %while3A_195 = %while3A_172#15, %while3A_196 = %while3A_172#16, %while3A_197 = %while3A_172#17, %while3A_198 = %while3A_172#18, %while3A_199 = %while3A_172#19, %while3A_200 = %while3A_172#20, %while3A_201 = %while3A_172#21, %while3A_202 = %while3A_172#22, %while3A_203 = %while3A_172#23, %while3A_204 = %while3A_172#24, %while3A_205 = %while3A_172#25, %while3A_206 = %while3A_172#26, %while3A_207 = %while3A_172#27, %while3A_208 = %while3A_172#28, %while3A_209 = %while3A_172#29, %while3A_210 = %while3A_172#30, %while3A_211 = %while3A_172#31) -> (vector<16xf32>, vector<16xf32>, vector<16xf32>, vector<16xf32>, vector<16xf32>, vector<16xf32>, vector<16xf32>, vector<16xf32>, vector<16xf32>, vector<16xf32>, vector<16xf32>, vector<16xf32>, vector<16xf32>, vector<16xf32>, vector<16xf32>, vector<16xf32>, vector<16xf32>, vector<16xf32>, vector<16xf32>, vector<16xf32>, vector<16xf32>, vector<16xf32>, vector<16xf32>, vector<16xf32>, vector<16xf32>, vector<16xf32>, vector<16xf32>, vector<16xf32>, vector<16xf32>, vector<16xf32>, vector<16xf32>, vector<16xf32>)  : i32 {
          %sub3A = arith.subi %while3A_179, %add3A_56 : i32
          %get3A_212 = arith.index_cast %sub3A : i32 to index
          %get3A_213 = arith.constant 0 : index
          %get3A_214 = tpu.vector_load %arg5[%get3A_212, %get3A_213] {strides = array<i32>} : memref<56x512xf32, #tpu.memory_space<vmem>>, vector<1x16xf32>,
          %get3A_215 = vector.shape_cast %get3A_214 : vector<1x16xf32> to vector<16xf32>
          %add3A_216 = arith.addf %while3A_180, %get3A_215 : vector<16xf32>
          %get3A_217 = arith.index_cast %sub3A : i32 to index
          %get3A_218 = arith.constant 16 : index
          %get3A_219 = tpu.vector_load %arg5[%get3A_217, %get3A_218] {strides = array<i32>} : memref<56x512xf32, #tpu.memory_space<vmem>>, vector<1x16xf32>,
          %get3A_220 = vector.shape_cast %get3A_219 : vector<1x16xf32> to vector<16xf32>
          %add3A_221 = arith.addf %while3A_181, %get3A_220 : vector<16xf32>
          %get3A_222 = arith.index_cast %sub3A : i32 to index
          %get3A_223 = arith.constant 32 : index
          %get3A_224 = tpu.vector_load %arg5[%get3A_222, %get3A_223] {strides = array<i32>} : memref<56x512xf32, #tpu.memory_space<vmem>>, vector<1x16xf32>,
          %get3A_225 = vector.shape_cast %get3A_224 : vector<1x16xf32> to vector<16xf32>
          %add3A_226 = arith.addf %while3A_182, %get3A_225 : vector<16xf32>
          %get3A_227 = arith.index_cast %sub3A : i32 to index
          %get3A_228 = arith.constant 48 : index
          %get3A_229 = tpu.vector_load %arg5[%get3A_227, %get3A_228] {strides = array<i32>} : memref<56x512xf32, #tpu.memory_space<vmem>>, vector<1x16xf32>,
          %get3A_230 = vector.shape_cast %get3A_229 : vector<1x16xf32> to vector<16xf32>
          %add3A_231 = arith.addf %while3A_183, %get3A_230 : vector<16xf32>
          %get3A_232 = arith.index_cast %sub3A : i32 to index
          %get3A_233 = arith.constant 64 : index
          %get3A_234 = tpu.vector_load %arg5[%get3A_232, %get3A_233] {strides = array<i32>} : memref<56x512xf32, #tpu.memory_space<vmem>>, vector<1x16xf32>,
          %get3A_235 = vector.shape_cast %get3A_234 : vector<1x16xf32> to vector<16xf32>
          %add3A_236 = arith.addf %while3A_184, %get3A_235 : vector<16xf32>
          %get3A_237 = arith.index_cast %sub3A : i32 to index
          %get3A_238 = arith.constant 80 : index
          %get3A_239 = tpu.vector_load %arg5[%get3A_237, %get3A_238] {strides = array<i32>} : memref<56x512xf32, #tpu.memory_space<vmem>>, vector<1x16xf32>,
          %get3A_240 = vector.shape_cast %get3A_239 : vector<1x16xf32> to vector<16xf32>
          %add3A_241 = arith.addf %while3A_185, %get3A_240 : vector<16xf32>
          %get3A_242 = arith.index_cast %sub3A : i32 to index
          %get3A_243 = arith.constant 96 : index
          %get3A_244 = tpu.vector_load %arg5[%get3A_242, %get3A_243] {strides = array<i32>} : memref<56x512xf32, #tpu.memory_space<vmem>>, vector<1x16xf32>,
          %get3A_245 = vector.shape_cast %get3A_244 : vector<1x16xf32> to vector<16xf32>
          %add3A_246 = arith.addf %while3A_186, %get3A_245 : vector<16xf32>
          %get3A_247 = arith.index_cast %sub3A : i32 to index
          %get3A_248 = arith.constant 112 : index
          %get3A_249 = tpu.vector_load %arg5[%get3A_247, %get3A_248] {strides = array<i32>} : memref<56x512xf32, #tpu.memory_space<vmem>>, vector<1x16xf32>,
          %get3A_250 = vector.shape_cast %get3A_249 : vector<1x16xf32> to vector<16xf32>
          %add3A_251 = arith.addf %while3A_187, %get3A_250 : vector<16xf32>
          %get3A_252 = arith.index_cast %sub3A : i32 to index
          %get3A_253 = arith.constant 128 : index
          %get3A_254 = tpu.vector_load %arg5[%get3A_252, %get3A_253] {strides = array<i32>} : memref<56x512xf32, #tpu.memory_space<vmem>>, vector<1x16xf32>,
          %get3A_255 = vector.shape_cast %get3A_254 : vector<1x16xf32> to vector<16xf32>
          %add3A_256 = arith.addf %while3A_188, %get3A_255 : vector<16xf32>
          %get3A_257 = arith.index_cast %sub3A : i32 to index
          %get3A_258 = arith.constant 144 : index
          %get3A_259 = tpu.vector_load %arg5[%get3A_257, %get3A_258] {strides = array<i32>} : memref<56x512xf32, #tpu.memory_space<vmem>>, vector<1x16xf32>,
          %get3A_260 = vector.shape_cast %get3A_259 : vector<1x16xf32> to vector<16xf32>
          %add3A_261 = arith.addf %while3A_189, %get3A_260 : vector<16xf32>
          %get3A_262 = arith.index_cast %sub3A : i32 to index
          %get3A_263 = arith.constant 160 : index
          %get3A_264 = tpu.vector_load %arg5[%get3A_262, %get3A_263] {strides = array<i32>} : memref<56x512xf32, #tpu.memory_space<vmem>>, vector<1x16xf32>,
          %get3A_265 = vector.shape_cast %get3A_264 : vector<1x16xf32> to vector<16xf32>
          %add3A_266 = arith.addf %while3A_190, %get3A_265 : vector<16xf32>
          %get3A_267 = arith.index_cast %sub3A : i32 to index
          %get3A_268 = arith.constant 176 : index
          %get3A_269 = tpu.vector_load %arg5[%get3A_267, %get3A_268] {strides = array<i32>} : memref<56x512xf32, #tpu.memory_space<vmem>>, vector<1x16xf32>,
          %get3A_270 = vector.shape_cast %get3A_269 : vector<1x16xf32> to vector<16xf32>
          %add3A_271 = arith.addf %while3A_191, %get3A_270 : vector<16xf32>
          %get3A_272 = arith.index_cast %sub3A : i32 to index
          %get3A_273 = arith.constant 192 : index
          %get3A_274 = tpu.vector_load %arg5[%get3A_272, %get3A_273] {strides = array<i32>} : memref<56x512xf32, #tpu.memory_space<vmem>>, vector<1x16xf32>,
          %get3A_275 = vector.shape_cast %get3A_274 : vector<1x16xf32> to vector<16xf32>
          %add3A_276 = arith.addf %while3A_192, %get3A_275 : vector<16xf32>
          %get3A_277 = arith.index_cast %sub3A : i32 to index
          %get3A_278 = arith.constant 208 : index
          %get3A_279 = tpu.vector_load %arg5[%get3A_277, %get3A_278] {strides = array<i32>} : memref<56x512xf32, #tpu.memory_space<vmem>>, vector<1x16xf32>,
          %get3A_280 = vector.shape_cast %get3A_279 : vector<1x16xf32> to vector<16xf32>
          %add3A_281 = arith.addf %while3A_193, %get3A_280 : vector<16xf32>
          %get3A_282 = arith.index_cast %sub3A : i32 to index
          %get3A_283 = arith.constant 224 : index
          %get3A_284 = tpu.vector_load %arg5[%get3A_282, %get3A_283] {strides = array<i32>} : memref<56x512xf32, #tpu.memory_space<vmem>>, vector<1x16xf32>,
          %get3A_285 = vector.shape_cast %get3A_284 : vector<1x16xf32> to vector<16xf32>
          %add3A_286 = arith.addf %while3A_194, %get3A_285 : vector<16xf32>
          %get3A_287 = arith.index_cast %sub3A : i32 to index
          %get3A_288 = arith.constant 240 : index
          %get3A_289 = tpu.vector_load %arg5[%get3A_287, %get3A_288] {strides = array<i32>} : memref<56x512xf32, #tpu.memory_space<vmem>>, vector<1x16xf32>,
          %get3A_290 = vector.shape_cast %get3A_289 : vector<1x16xf32> to vector<16xf32>
          %add3A_291 = arith.addf %while3A_195, %get3A_290 : vector<16xf32>
          %get3A_292 = arith.index_cast %sub3A : i32 to index
          %get3A_293 = arith.constant 256 : index
          %get3A_294 = tpu.vector_load %arg5[%get3A_292, %get3A_293] {strides = array<i32>} : memref<56x512xf32, #tpu.memory_space<vmem>>, vector<1x16xf32>,
          %get3A_295 = vector.shape_cast %get3A_294 : vector<1x16xf32> to vector<16xf32>
          %add3A_296 = arith.addf %while3A_196, %get3A_295 : vector<16xf32>
          %get3A_297 = arith.index_cast %sub3A : i32 to index
          %get3A_298 = arith.constant 272 : index
          %get3A_299 = tpu.vector_load %arg5[%get3A_297, %get3A_298] {strides = array<i32>} : memref<56x512xf32, #tpu.memory_space<vmem>>, vector<1x16xf32>,
          %get3A_300 = vector.shape_cast %get3A_299 : vector<1x16xf32> to vector<16xf32>
          %add3A_301 = arith.addf %while3A_197, %get3A_300 : vector<16xf32>
          %get3A_302 = arith.index_cast %sub3A : i32 to index
          %get3A_303 = arith.constant 288 : index
          %get3A_304 = tpu.vector_load %arg5[%get3A_302, %get3A_303] {strides = array<i32>} : memref<56x512xf32, #tpu.memory_space<vmem>>, vector<1x16xf32>,
          %get3A_305 = vector.shape_cast %get3A_304 : vector<1x16xf32> to vector<16xf32>
          %add3A_306 = arith.addf %while3A_198, %get3A_305 : vector<16xf32>
          %get3A_307 = arith.index_cast %sub3A : i32 to index
          %get3A_308 = arith.constant 304 : index
          %get3A_309 = tpu.vector_load %arg5[%get3A_307, %get3A_308] {strides = array<i32>} : memref<56x512xf32, #tpu.memory_space<vmem>>, vector<1x16xf32>,
          %get3A_310 = vector.shape_cast %get3A_309 : vector<1x16xf32> to vector<16xf32>
          %add3A_311 = arith.addf %while3A_199, %get3A_310 : vector<16xf32>
          %get3A_312 = arith.index_cast %sub3A : i32 to index
          %get3A_313 = arith.constant 320 : index
          %get3A_314 = tpu.vector_load %arg5[%get3A_312, %get3A_313] {strides = array<i32>} : memref<56x512xf32, #tpu.memory_space<vmem>>, vector<1x16xf32>,
          %get3A_315 = vector.shape_cast %get3A_314 : vector<1x16xf32> to vector<16xf32>
          %add3A_316 = arith.addf %while3A_200, %get3A_315 : vector<16xf32>
          %get3A_317 = arith.index_cast %sub3A : i32 to index
          %get3A_318 = arith.constant 336 : index
          %get3A_319 = tpu.vector_load %arg5[%get3A_317, %get3A_318] {strides = array<i32>} : memref<56x512xf32, #tpu.memory_space<vmem>>, vector<1x16xf32>,
          %get3A_320 = vector.shape_cast %get3A_319 : vector<1x16xf32> to vector<16xf32>
          %add3A_321 = arith.addf %while3A_201, %get3A_320 : vector<16xf32>
          %get3A_322 = arith.index_cast %sub3A : i32 to index
          %get3A_323 = arith.constant 352 : index
          %get3A_324 = tpu.vector_load %arg5[%get3A_322, %get3A_323] {strides = array<i32>} : memref<56x512xf32, #tpu.memory_space<vmem>>, vector<1x16xf32>,
          %get3A_325 = vector.shape_cast %get3A_324 : vector<1x16xf32> to vector<16xf32>
          %add3A_326 = arith.addf %while3A_202, %get3A_325 : vector<16xf32>
          %get3A_327 = arith.index_cast %sub3A : i32 to index
          %get3A_328 = arith.constant 368 : index
          %get3A_329 = tpu.vector_load %arg5[%get3A_327, %get3A_328] {strides = array<i32>} : memref<56x512xf32, #tpu.memory_space<vmem>>, vector<1x16xf32>,
          %get3A_330 = vector.shape_cast %get3A_329 : vector<1x16xf32> to vector<16xf32>
          %add3A_331 = arith.addf %while3A_203, %get3A_330 : vector<16xf32>
          %get3A_332 = arith.index_cast %sub3A : i32 to index
          %get3A_333 = arith.constant 384 : index
          %get3A_334 = tpu.vector_load %arg5[%get3A_332, %get3A_333] {strides = array<i32>} : memref<56x512xf32, #tpu.memory_space<vmem>>, vector<1x16xf32>,
          %get3A_335 = vector.shape_cast %get3A_334 : vector<1x16xf32> to vector<16xf32>
          %add3A_336 = arith.addf %while3A_204, %get3A_335 : vector<16xf32>
          %get3A_337 = arith.index_cast %sub3A : i32 to index
          %get3A_338 = arith.constant 400 : index
          %get3A_339 = tpu.vector_load %arg5[%get3A_337, %get3A_338] {strides = array<i32>} : memref<56x512xf32, #tpu.memory_space<vmem>>, vector<1x16xf32>,
          %get3A_340 = vector.shape_cast %get3A_339 : vector<1x16xf32> to vector<16xf32>
          %add3A_341 = arith.addf %while3A_205, %get3A_340 : vector<16xf32>
          %get3A_342 = arith.index_cast %sub3A : i32 to index
          %get3A_343 = arith.constant 416 : index
          %get3A_344 = tpu.vector_load %arg5[%get3A_342, %get3A_343] {strides = array<i32>} : memref<56x512xf32, #tpu.memory_space<vmem>>, vector<1x16xf32>,
          %get3A_345 = vector.shape_cast %get3A_344 : vector<1x16xf32> to vector<16xf32>
          %add3A_346 = arith.addf %while3A_206, %get3A_345 : vector<16xf32>
          %get3A_347 = arith.index_cast %sub3A : i32 to index
          %get3A_348 = arith.constant 432 : index
          %get3A_349 = tpu.vector_load %arg5[%get3A_347, %get3A_348] {strides = array<i32>} : memref<56x512xf32, #tpu.memory_space<vmem>>, vector<1x16xf32>,
          %get3A_350 = vector.shape_cast %get3A_349 : vector<1x16xf32> to vector<16xf32>
          %add3A_351 = arith.addf %while3A_207, %get3A_350 : vector<16xf32>
          %get3A_352 = arith.index_cast %sub3A : i32 to index
          %get3A_353 = arith.constant 448 : index
          %get3A_354 = tpu.vector_load %arg5[%get3A_352, %get3A_353] {strides = array<i32>} : memref<56x512xf32, #tpu.memory_space<vmem>>, vector<1x16xf32>,
          %get3A_355 = vector.shape_cast %get3A_354 : vector<1x16xf32> to vector<16xf32>
          %add3A_356 = arith.addf %while3A_208, %get3A_355 : vector<16xf32>
          %get3A_357 = arith.index_cast %sub3A : i32 to index
          %get3A_358 = arith.constant 464 : index
          %get3A_359 = tpu.vector_load %arg5[%get3A_357, %get3A_358] {strides = array<i32>} : memref<56x512xf32, #tpu.memory_space<vmem>>, vector<1x16xf32>,
          %get3A_360 = vector.shape_cast %get3A_359 : vector<1x16xf32> to vector<16xf32>
          %add3A_361 = arith.addf %while3A_209, %get3A_360 : vector<16xf32>
          %get3A_362 = arith.index_cast %sub3A : i32 to index
          %get3A_363 = arith.constant 480 : index
          %get3A_364 = tpu.vector_load %arg5[%get3A_362, %get3A_363] {strides = array<i32>} : memref<56x512xf32, #tpu.memory_space<vmem>>, vector<1x16xf32>,
          %get3A_365 = vector.shape_cast %get3A_364 : vector<1x16xf32> to vector<16xf32>
          %add3A_366 = arith.addf %while3A_210, %get3A_365 : vector<16xf32>
          %get3A_367 = arith.index_cast %sub3A : i32 to index
          %get3A_368 = arith.constant 496 : index
          %get3A_369 = tpu.vector_load %arg5[%get3A_367, %get3A_368] {strides = array<i32>} : memref<56x512xf32, #tpu.memory_space<vmem>>, vector<1x16xf32>,
          %get3A_370 = vector.shape_cast %get3A_369 : vector<1x16xf32> to vector<16xf32>
          %add3A_371 = arith.addf %while3A_211, %get3A_370 : vector<16xf32>
          scf.yield %add3A_216, %add3A_221, %add3A_226, %add3A_231, %add3A_236, %add3A_241, %add3A_246, %add3A_251, %add3A_256, %add3A_261, %add3A_266, %add3A_271, %add3A_276, %add3A_281, %add3A_286, %add3A_291, %add3A_296, %add3A_301, %add3A_306, %add3A_311, %add3A_316, %add3A_321, %add3A_326, %add3A_331, %add3A_336, %add3A_341, %add3A_346, %add3A_351, %add3A_356, %add3A_361, %add3A_366, %add3A_371 : vector<16xf32>, vector<16xf32>, vector<16xf32>, vector<16xf32>, vector<16xf32>, vector<16xf32>, vector<16xf32>, vector<16xf32>, vector<16xf32>, vector<16xf32>, vector<16xf32>, vector<16xf32>, vector<16xf32>, vector<16xf32>, vector<16xf32>, vector<16xf32>, vector<16xf32>, vector<16xf32>, vector<16xf32>, vector<16xf32>, vector<16xf32>, vector<16xf32>, vector<16xf32>, vector<16xf32>, vector<16xf32>, vector<16xf32>, vector<16xf32>, vector<16xf32>, vector<16xf32>, vector<16xf32>, vector<16xf32>, vector<16xf32>
        }
        %gt3A = arith.cmpi sgt, %min3A, %max3A : i32
        %convert_element_type3A_175 = arith.extui %gt3A : i1 to i32
        %cond3A_176 = arith.constant 0 : i32
        %cond3A_177 = arith.cmpi ne, %convert_element_type3A_175, %cond3A_176 : i32
        scf.if %cond3A_177 {
          %sub3A = arith.subi %squeeze3A_163, %squeeze3A : i32
          %convert_element_type3A_179 = arith.sitofp %sub3A : i32 to f32
          %broadcast_in_dim3A_180 = vector.broadcast %convert_element_type3A_179 : f32 to vector<16xf32>
          %div3A = arith.divf %while3A_174#0, %broadcast_in_dim3A_180 : vector<16xf32>
          %swap3A = arith.index_cast %scan3A_153 : i32 to index
          %swap3A_181 = arith.constant 0 : index
          %swap3A_182 = tpu.vector_load %arg10[%swap3A, %swap3A_181] {strides = array<i32>} : memref<16x512xf32, #tpu.memory_space<vmem>>, vector<1x16xf32>,
          %swap3A_183 = vector.shape_cast %swap3A_182 : vector<1x16xf32> to vector<16xf32>
          %swap3A_184 = vector.shape_cast %div3A : vector<16xf32> to vector<1x16xf32>
          tpu.vector_store %arg10[%swap3A, %swap3A_181], %swap3A_184 {add = true, strides = array<i32>} : memref<16x512xf32, #tpu.memory_space<vmem>>, vector<1x16xf32>,
          %div3A_185 = arith.divf %while3A_174#1, %broadcast_in_dim3A_180 : vector<16xf32>
          %swap3A_186 = arith.index_cast %scan3A_153 : i32 to index
          %swap3A_187 = arith.constant 16 : index
          %swap3A_188 = tpu.vector_load %arg10[%swap3A_186, %swap3A_187] {strides = array<i32>} : memref<16x512xf32, #tpu.memory_space<vmem>>, vector<1x16xf32>,
          %swap3A_189 = vector.shape_cast %swap3A_188 : vector<1x16xf32> to vector<16xf32>
          %swap3A_190 = vector.shape_cast %div3A_185 : vector<16xf32> to vector<1x16xf32>
          tpu.vector_store %arg10[%swap3A_186, %swap3A_187], %swap3A_190 {add = true, strides = array<i32>} : memref<16x512xf32, #tpu.memory_space<vmem>>, vector<1x16xf32>,
          %div3A_191 = arith.divf %while3A_174#2, %broadcast_in_dim3A_180 : vector<16xf32>
          %swap3A_192 = arith.index_cast %scan3A_153 : i32 to index
          %swap3A_193 = arith.constant 32 : index
          %swap3A_194 = tpu.vector_load %arg10[%swap3A_192, %swap3A_193] {strides = array<i32>} : memref<16x512xf32, #tpu.memory_space<vmem>>, vector<1x16xf32>,
          %swap3A_195 = vector.shape_cast %swap3A_194 : vector<1x16xf32> to vector<16xf32>
          %swap3A_196 = vector.shape_cast %div3A_191 : vector<16xf32> to vector<1x16xf32>
          tpu.vector_store %arg10[%swap3A_192, %swap3A_193], %swap3A_196 {add = true, strides = array<i32>} : memref<16x512xf32, #tpu.memory_space<vmem>>, vector<1x16xf32>,
          %div3A_197 = arith.divf %while3A_174#3, %broadcast_in_dim3A_180 : vector<16xf32>
          %swap3A_198 = arith.index_cast %scan3A_153 : i32 to index
          %swap3A_199 = arith.constant 48 : index
          %swap3A_200 = tpu.vector_load %arg10[%swap3A_198, %swap3A_199] {strides = array<i32>} : memref<16x512xf32, #tpu.memory_space<vmem>>, vector<1x16xf32>,
          %swap3A_201 = vector.shape_cast %swap3A_200 : vector<1x16xf32> to vector<16xf32>
          %swap3A_202 = vector.shape_cast %div3A_197 : vector<16xf32> to vector<1x16xf32>
          tpu.vector_store %arg10[%swap3A_198, %swap3A_199], %swap3A_202 {add = true, strides = array<i32>} : memref<16x512xf32, #tpu.memory_space<vmem>>, vector<1x16xf32>,
          %div3A_203 = arith.divf %while3A_174#4, %broadcast_in_dim3A_180 : vector<16xf32>
          %swap3A_204 = arith.index_cast %scan3A_153 : i32 to index
          %swap3A_205 = arith.constant 64 : index
          %swap3A_206 = tpu.vector_load %arg10[%swap3A_204, %swap3A_205] {strides = array<i32>} : memref<16x512xf32, #tpu.memory_space<vmem>>, vector<1x16xf32>,
          %swap3A_207 = vector.shape_cast %swap3A_206 : vector<1x16xf32> to vector<16xf32>
          %swap3A_208 = vector.shape_cast %div3A_203 : vector<16xf32> to vector<1x16xf32>
          tpu.vector_store %arg10[%swap3A_204, %swap3A_205], %swap3A_208 {add = true, strides = array<i32>} : memref<16x512xf32, #tpu.memory_space<vmem>>, vector<1x16xf32>,
          %div3A_209 = arith.divf %while3A_174#5, %broadcast_in_dim3A_180 : vector<16xf32>
          %swap3A_210 = arith.index_cast %scan3A_153 : i32 to index
          %swap3A_211 = arith.constant 80 : index
          %swap3A_212 = tpu.vector_load %arg10[%swap3A_210, %swap3A_211] {strides = array<i32>} : memref<16x512xf32, #tpu.memory_space<vmem>>, vector<1x16xf32>,
          %swap3A_213 = vector.shape_cast %swap3A_212 : vector<1x16xf32> to vector<16xf32>
          %swap3A_214 = vector.shape_cast %div3A_209 : vector<16xf32> to vector<1x16xf32>
          tpu.vector_store %arg10[%swap3A_210, %swap3A_211], %swap3A_214 {add = true, strides = array<i32>} : memref<16x512xf32, #tpu.memory_space<vmem>>, vector<1x16xf32>,
          %div3A_215 = arith.divf %while3A_174#6, %broadcast_in_dim3A_180 : vector<16xf32>
          %swap3A_216 = arith.index_cast %scan3A_153 : i32 to index
          %swap3A_217 = arith.constant 96 : index
          %swap3A_218 = tpu.vector_load %arg10[%swap3A_216, %swap3A_217] {strides = array<i32>} : memref<16x512xf32, #tpu.memory_space<vmem>>, vector<1x16xf32>,
          %swap3A_219 = vector.shape_cast %swap3A_218 : vector<1x16xf32> to vector<16xf32>
          %swap3A_220 = vector.shape_cast %div3A_215 : vector<16xf32> to vector<1x16xf32>
          tpu.vector_store %arg10[%swap3A_216, %swap3A_217], %swap3A_220 {add = true, strides = array<i32>} : memref<16x512xf32, #tpu.memory_space<vmem>>, vector<1x16xf32>,
          %div3A_221 = arith.divf %while3A_174#7, %broadcast_in_dim3A_180 : vector<16xf32>
          %swap3A_222 = arith.index_cast %scan3A_153 : i32 to index
          %swap3A_223 = arith.constant 112 : index
          %swap3A_224 = tpu.vector_load %arg10[%swap3A_222, %swap3A_223] {strides = array<i32>} : memref<16x512xf32, #tpu.memory_space<vmem>>, vector<1x16xf32>,
          %swap3A_225 = vector.shape_cast %swap3A_224 : vector<1x16xf32> to vector<16xf32>
          %swap3A_226 = vector.shape_cast %div3A_221 : vector<16xf32> to vector<1x16xf32>
          tpu.vector_store %arg10[%swap3A_222, %swap3A_223], %swap3A_226 {add = true, strides = array<i32>} : memref<16x512xf32, #tpu.memory_space<vmem>>, vector<1x16xf32>,
          %div3A_227 = arith.divf %while3A_174#8, %broadcast_in_dim3A_180 : vector<16xf32>
          %swap3A_228 = arith.index_cast %scan3A_153 : i32 to index
          %swap3A_229 = arith.constant 128 : index
          %swap3A_230 = tpu.vector_load %arg10[%swap3A_228, %swap3A_229] {strides = array<i32>} : memref<16x512xf32, #tpu.memory_space<vmem>>, vector<1x16xf32>,
          %swap3A_231 = vector.shape_cast %swap3A_230 : vector<1x16xf32> to vector<16xf32>
          %swap3A_232 = vector.shape_cast %div3A_227 : vector<16xf32> to vector<1x16xf32>
          tpu.vector_store %arg10[%swap3A_228, %swap3A_229], %swap3A_232 {add = true, strides = array<i32>} : memref<16x512xf32, #tpu.memory_space<vmem>>, vector<1x16xf32>,
          %div3A_233 = arith.divf %while3A_174#9, %broadcast_in_dim3A_180 : vector<16xf32>
          %swap3A_234 = arith.index_cast %scan3A_153 : i32 to index
          %swap3A_235 = arith.constant 144 : index
          %swap3A_236 = tpu.vector_load %arg10[%swap3A_234, %swap3A_235] {strides = array<i32>} : memref<16x512xf32, #tpu.memory_space<vmem>>, vector<1x16xf32>,
          %swap3A_237 = vector.shape_cast %swap3A_236 : vector<1x16xf32> to vector<16xf32>
          %swap3A_238 = vector.shape_cast %div3A_233 : vector<16xf32> to vector<1x16xf32>
          tpu.vector_store %arg10[%swap3A_234, %swap3A_235], %swap3A_238 {add = true, strides = array<i32>} : memref<16x512xf32, #tpu.memory_space<vmem>>, vector<1x16xf32>,
          %div3A_239 = arith.divf %while3A_174#10, %broadcast_in_dim3A_180 : vector<16xf32>
          %swap3A_240 = arith.index_cast %scan3A_153 : i32 to index
          %swap3A_241 = arith.constant 160 : index
          %swap3A_242 = tpu.vector_load %arg10[%swap3A_240, %swap3A_241] {strides = array<i32>} : memref<16x512xf32, #tpu.memory_space<vmem>>, vector<1x16xf32>,
          %swap3A_243 = vector.shape_cast %swap3A_242 : vector<1x16xf32> to vector<16xf32>
          %swap3A_244 = vector.shape_cast %div3A_239 : vector<16xf32> to vector<1x16xf32>
          tpu.vector_store %arg10[%swap3A_240, %swap3A_241], %swap3A_244 {add = true, strides = array<i32>} : memref<16x512xf32, #tpu.memory_space<vmem>>, vector<1x16xf32>,
          %div3A_245 = arith.divf %while3A_174#11, %broadcast_in_dim3A_180 : vector<16xf32>
          %swap3A_246 = arith.index_cast %scan3A_153 : i32 to index
          %swap3A_247 = arith.constant 176 : index
          %swap3A_248 = tpu.vector_load %arg10[%swap3A_246, %swap3A_247] {strides = array<i32>} : memref<16x512xf32, #tpu.memory_space<vmem>>, vector<1x16xf32>,
          %swap3A_249 = vector.shape_cast %swap3A_248 : vector<1x16xf32> to vector<16xf32>
          %swap3A_250 = vector.shape_cast %div3A_245 : vector<16xf32> to vector<1x16xf32>
          tpu.vector_store %arg10[%swap3A_246, %swap3A_247], %swap3A_250 {add = true, strides = array<i32>} : memref<16x512xf32, #tpu.memory_space<vmem>>, vector<1x16xf32>,
          %div3A_251 = arith.divf %while3A_174#12, %broadcast_in_dim3A_180 : vector<16xf32>
          %swap3A_252 = arith.index_cast %scan3A_153 : i32 to index
          %swap3A_253 = arith.constant 192 : index
          %swap3A_254 = tpu.vector_load %arg10[%swap3A_252, %swap3A_253] {strides = array<i32>} : memref<16x512xf32, #tpu.memory_space<vmem>>, vector<1x16xf32>,
          %swap3A_255 = vector.shape_cast %swap3A_254 : vector<1x16xf32> to vector<16xf32>
          %swap3A_256 = vector.shape_cast %div3A_251 : vector<16xf32> to vector<1x16xf32>
          tpu.vector_store %arg10[%swap3A_252, %swap3A_253], %swap3A_256 {add = true, strides = array<i32>} : memref<16x512xf32, #tpu.memory_space<vmem>>, vector<1x16xf32>,
          %div3A_257 = arith.divf %while3A_174#13, %broadcast_in_dim3A_180 : vector<16xf32>
          %swap3A_258 = arith.index_cast %scan3A_153 : i32 to index
          %swap3A_259 = arith.constant 208 : index
          %swap3A_260 = tpu.vector_load %arg10[%swap3A_258, %swap3A_259] {strides = array<i32>} : memref<16x512xf32, #tpu.memory_space<vmem>>, vector<1x16xf32>,
          %swap3A_261 = vector.shape_cast %swap3A_260 : vector<1x16xf32> to vector<16xf32>
          %swap3A_262 = vector.shape_cast %div3A_257 : vector<16xf32> to vector<1x16xf32>
          tpu.vector_store %arg10[%swap3A_258, %swap3A_259], %swap3A_262 {add = true, strides = array<i32>} : memref<16x512xf32, #tpu.memory_space<vmem>>, vector<1x16xf32>,
          %div3A_263 = arith.divf %while3A_174#14, %broadcast_in_dim3A_180 : vector<16xf32>
          %swap3A_264 = arith.index_cast %scan3A_153 : i32 to index
          %swap3A_265 = arith.constant 224 : index
          %swap3A_266 = tpu.vector_load %arg10[%swap3A_264, %swap3A_265] {strides = array<i32>} : memref<16x512xf32, #tpu.memory_space<vmem>>, vector<1x16xf32>,
          %swap3A_267 = vector.shape_cast %swap3A_266 : vector<1x16xf32> to vector<16xf32>
          %swap3A_268 = vector.shape_cast %div3A_263 : vector<16xf32> to vector<1x16xf32>
          tpu.vector_store %arg10[%swap3A_264, %swap3A_265], %swap3A_268 {add = true, strides = array<i32>} : memref<16x512xf32, #tpu.memory_space<vmem>>, vector<1x16xf32>,
          %div3A_269 = arith.divf %while3A_174#15, %broadcast_in_dim3A_180 : vector<16xf32>
          %swap3A_270 = arith.index_cast %scan3A_153 : i32 to index
          %swap3A_271 = arith.constant 240 : index
          %swap3A_272 = tpu.vector_load %arg10[%swap3A_270, %swap3A_271] {strides = array<i32>} : memref<16x512xf32, #tpu.memory_space<vmem>>, vector<1x16xf32>,
          %swap3A_273 = vector.shape_cast %swap3A_272 : vector<1x16xf32> to vector<16xf32>
          %swap3A_274 = vector.shape_cast %div3A_269 : vector<16xf32> to vector<1x16xf32>
          tpu.vector_store %arg10[%swap3A_270, %swap3A_271], %swap3A_274 {add = true, strides = array<i32>} : memref<16x512xf32, #tpu.memory_space<vmem>>, vector<1x16xf32>,
          %div3A_275 = arith.divf %while3A_174#16, %broadcast_in_dim3A_180 : vector<16xf32>
          %swap3A_276 = arith.index_cast %scan3A_153 : i32 to index
          %swap3A_277 = arith.constant 256 : index
          %swap3A_278 = tpu.vector_load %arg10[%swap3A_276, %swap3A_277] {strides = array<i32>} : memref<16x512xf32, #tpu.memory_space<vmem>>, vector<1x16xf32>,
          %swap3A_279 = vector.shape_cast %swap3A_278 : vector<1x16xf32> to vector<16xf32>
          %swap3A_280 = vector.shape_cast %div3A_275 : vector<16xf32> to vector<1x16xf32>
          tpu.vector_store %arg10[%swap3A_276, %swap3A_277], %swap3A_280 {add = true, strides = array<i32>} : memref<16x512xf32, #tpu.memory_space<vmem>>, vector<1x16xf32>,
          %div3A_281 = arith.divf %while3A_174#17, %broadcast_in_dim3A_180 : vector<16xf32>
          %swap3A_282 = arith.index_cast %scan3A_153 : i32 to index
          %swap3A_283 = arith.constant 272 : index
          %swap3A_284 = tpu.vector_load %arg10[%swap3A_282, %swap3A_283] {strides = array<i32>} : memref<16x512xf32, #tpu.memory_space<vmem>>, vector<1x16xf32>,
          %swap3A_285 = vector.shape_cast %swap3A_284 : vector<1x16xf32> to vector<16xf32>
          %swap3A_286 = vector.shape_cast %div3A_281 : vector<16xf32> to vector<1x16xf32>
          tpu.vector_store %arg10[%swap3A_282, %swap3A_283], %swap3A_286 {add = true, strides = array<i32>} : memref<16x512xf32, #tpu.memory_space<vmem>>, vector<1x16xf32>,
          %div3A_287 = arith.divf %while3A_174#18, %broadcast_in_dim3A_180 : vector<16xf32>
          %swap3A_288 = arith.index_cast %scan3A_153 : i32 to index
          %swap3A_289 = arith.constant 288 : index
          %swap3A_290 = tpu.vector_load %arg10[%swap3A_288, %swap3A_289] {strides = array<i32>} : memref<16x512xf32, #tpu.memory_space<vmem>>, vector<1x16xf32>,
          %swap3A_291 = vector.shape_cast %swap3A_290 : vector<1x16xf32> to vector<16xf32>
          %swap3A_292 = vector.shape_cast %div3A_287 : vector<16xf32> to vector<1x16xf32>
          tpu.vector_store %arg10[%swap3A_288, %swap3A_289], %swap3A_292 {add = true, strides = array<i32>} : memref<16x512xf32, #tpu.memory_space<vmem>>, vector<1x16xf32>,
          %div3A_293 = arith.divf %while3A_174#19, %broadcast_in_dim3A_180 : vector<16xf32>
          %swap3A_294 = arith.index_cast %scan3A_153 : i32 to index
          %swap3A_295 = arith.constant 304 : index
          %swap3A_296 = tpu.vector_load %arg10[%swap3A_294, %swap3A_295] {strides = array<i32>} : memref<16x512xf32, #tpu.memory_space<vmem>>, vector<1x16xf32>,
          %swap3A_297 = vector.shape_cast %swap3A_296 : vector<1x16xf32> to vector<16xf32>
          %swap3A_298 = vector.shape_cast %div3A_293 : vector<16xf32> to vector<1x16xf32>
          tpu.vector_store %arg10[%swap3A_294, %swap3A_295], %swap3A_298 {add = true, strides = array<i32>} : memref<16x512xf32, #tpu.memory_space<vmem>>, vector<1x16xf32>,
          %div3A_299 = arith.divf %while3A_174#20, %broadcast_in_dim3A_180 : vector<16xf32>
          %swap3A_300 = arith.index_cast %scan3A_153 : i32 to index
          %swap3A_301 = arith.constant 320 : index
          %swap3A_302 = tpu.vector_load %arg10[%swap3A_300, %swap3A_301] {strides = array<i32>} : memref<16x512xf32, #tpu.memory_space<vmem>>, vector<1x16xf32>,
          %swap3A_303 = vector.shape_cast %swap3A_302 : vector<1x16xf32> to vector<16xf32>
          %swap3A_304 = vector.shape_cast %div3A_299 : vector<16xf32> to vector<1x16xf32>
          tpu.vector_store %arg10[%swap3A_300, %swap3A_301], %swap3A_304 {add = true, strides = array<i32>} : memref<16x512xf32, #tpu.memory_space<vmem>>, vector<1x16xf32>,
          %div3A_305 = arith.divf %while3A_174#21, %broadcast_in_dim3A_180 : vector<16xf32>
          %swap3A_306 = arith.index_cast %scan3A_153 : i32 to index
          %swap3A_307 = arith.constant 336 : index
          %swap3A_308 = tpu.vector_load %arg10[%swap3A_306, %swap3A_307] {strides = array<i32>} : memref<16x512xf32, #tpu.memory_space<vmem>>, vector<1x16xf32>,
          %swap3A_309 = vector.shape_cast %swap3A_308 : vector<1x16xf32> to vector<16xf32>
          %swap3A_310 = vector.shape_cast %div3A_305 : vector<16xf32> to vector<1x16xf32>
          tpu.vector_store %arg10[%swap3A_306, %swap3A_307], %swap3A_310 {add = true, strides = array<i32>} : memref<16x512xf32, #tpu.memory_space<vmem>>, vector<1x16xf32>,
          %div3A_311 = arith.divf %while3A_174#22, %broadcast_in_dim3A_180 : vector<16xf32>
          %swap3A_312 = arith.index_cast %scan3A_153 : i32 to index
          %swap3A_313 = arith.constant 352 : index
          %swap3A_314 = tpu.vector_load %arg10[%swap3A_312, %swap3A_313] {strides = array<i32>} : memref<16x512xf32, #tpu.memory_space<vmem>>, vector<1x16xf32>,
          %swap3A_315 = vector.shape_cast %swap3A_314 : vector<1x16xf32> to vector<16xf32>
          %swap3A_316 = vector.shape_cast %div3A_311 : vector<16xf32> to vector<1x16xf32>
          tpu.vector_store %arg10[%swap3A_312, %swap3A_313], %swap3A_316 {add = true, strides = array<i32>} : memref<16x512xf32, #tpu.memory_space<vmem>>, vector<1x16xf32>,
          %div3A_317 = arith.divf %while3A_174#23, %broadcast_in_dim3A_180 : vector<16xf32>
          %swap3A_318 = arith.index_cast %scan3A_153 : i32 to index
          %swap3A_319 = arith.constant 368 : index
          %swap3A_320 = tpu.vector_load %arg10[%swap3A_318, %swap3A_319] {strides = array<i32>} : memref<16x512xf32, #tpu.memory_space<vmem>>, vector<1x16xf32>,
          %swap3A_321 = vector.shape_cast %swap3A_320 : vector<1x16xf32> to vector<16xf32>
          %swap3A_322 = vector.shape_cast %div3A_317 : vector<16xf32> to vector<1x16xf32>
          tpu.vector_store %arg10[%swap3A_318, %swap3A_319], %swap3A_322 {add = true, strides = array<i32>} : memref<16x512xf32, #tpu.memory_space<vmem>>, vector<1x16xf32>,
          %div3A_323 = arith.divf %while3A_174#24, %broadcast_in_dim3A_180 : vector<16xf32>
          %swap3A_324 = arith.index_cast %scan3A_153 : i32 to index
          %swap3A_325 = arith.constant 384 : index
          %swap3A_326 = tpu.vector_load %arg10[%swap3A_324, %swap3A_325] {strides = array<i32>} : memref<16x512xf32, #tpu.memory_space<vmem>>, vector<1x16xf32>,
          %swap3A_327 = vector.shape_cast %swap3A_326 : vector<1x16xf32> to vector<16xf32>
          %swap3A_328 = vector.shape_cast %div3A_323 : vector<16xf32> to vector<1x16xf32>
          tpu.vector_store %arg10[%swap3A_324, %swap3A_325], %swap3A_328 {add = true, strides = array<i32>} : memref<16x512xf32, #tpu.memory_space<vmem>>, vector<1x16xf32>,
          %div3A_329 = arith.divf %while3A_174#25, %broadcast_in_dim3A_180 : vector<16xf32>
          %swap3A_330 = arith.index_cast %scan3A_153 : i32 to index
          %swap3A_331 = arith.constant 400 : index
          %swap3A_332 = tpu.vector_load %arg10[%swap3A_330, %swap3A_331] {strides = array<i32>} : memref<16x512xf32, #tpu.memory_space<vmem>>, vector<1x16xf32>,
          %swap3A_333 = vector.shape_cast %swap3A_332 : vector<1x16xf32> to vector<16xf32>
          %swap3A_334 = vector.shape_cast %div3A_329 : vector<16xf32> to vector<1x16xf32>
          tpu.vector_store %arg10[%swap3A_330, %swap3A_331], %swap3A_334 {add = true, strides = array<i32>} : memref<16x512xf32, #tpu.memory_space<vmem>>, vector<1x16xf32>,
          %div3A_335 = arith.divf %while3A_174#26, %broadcast_in_dim3A_180 : vector<16xf32>
          %swap3A_336 = arith.index_cast %scan3A_153 : i32 to index
          %swap3A_337 = arith.constant 416 : index
          %swap3A_338 = tpu.vector_load %arg10[%swap3A_336, %swap3A_337] {strides = array<i32>} : memref<16x512xf32, #tpu.memory_space<vmem>>, vector<1x16xf32>,
          %swap3A_339 = vector.shape_cast %swap3A_338 : vector<1x16xf32> to vector<16xf32>
          %swap3A_340 = vector.shape_cast %div3A_335 : vector<16xf32> to vector<1x16xf32>
          tpu.vector_store %arg10[%swap3A_336, %swap3A_337], %swap3A_340 {add = true, strides = array<i32>} : memref<16x512xf32, #tpu.memory_space<vmem>>, vector<1x16xf32>,
          %div3A_341 = arith.divf %while3A_174#27, %broadcast_in_dim3A_180 : vector<16xf32>
          %swap3A_342 = arith.index_cast %scan3A_153 : i32 to index
          %swap3A_343 = arith.constant 432 : index
          %swap3A_344 = tpu.vector_load %arg10[%swap3A_342, %swap3A_343] {strides = array<i32>} : memref<16x512xf32, #tpu.memory_space<vmem>>, vector<1x16xf32>,
          %swap3A_345 = vector.shape_cast %swap3A_344 : vector<1x16xf32> to vector<16xf32>
          %swap3A_346 = vector.shape_cast %div3A_341 : vector<16xf32> to vector<1x16xf32>
          tpu.vector_store %arg10[%swap3A_342, %swap3A_343], %swap3A_346 {add = true, strides = array<i32>} : memref<16x512xf32, #tpu.memory_space<vmem>>, vector<1x16xf32>,
          %div3A_347 = arith.divf %while3A_174#28, %broadcast_in_dim3A_180 : vector<16xf32>
          %swap3A_348 = arith.index_cast %scan3A_153 : i32 to index
          %swap3A_349 = arith.constant 448 : index
          %swap3A_350 = tpu.vector_load %arg10[%swap3A_348, %swap3A_349] {strides = array<i32>} : memref<16x512xf32, #tpu.memory_space<vmem>>, vector<1x16xf32>,
          %swap3A_351 = vector.shape_cast %swap3A_350 : vector<1x16xf32> to vector<16xf32>
          %swap3A_352 = vector.shape_cast %div3A_347 : vector<16xf32> to vector<1x16xf32>
          tpu.vector_store %arg10[%swap3A_348, %swap3A_349], %swap3A_352 {add = true, strides = array<i32>} : memref<16x512xf32, #tpu.memory_space<vmem>>, vector<1x16xf32>,
          %div3A_353 = arith.divf %while3A_174#29, %broadcast_in_dim3A_180 : vector<16xf32>
          %swap3A_354 = arith.index_cast %scan3A_153 : i32 to index
          %swap3A_355 = arith.constant 464 : index
          %swap3A_356 = tpu.vector_load %arg10[%swap3A_354, %swap3A_355] {strides = array<i32>} : memref<16x512xf32, #tpu.memory_space<vmem>>, vector<1x16xf32>,
          %swap3A_357 = vector.shape_cast %swap3A_356 : vector<1x16xf32> to vector<16xf32>
          %swap3A_358 = vector.shape_cast %div3A_353 : vector<16xf32> to vector<1x16xf32>
          tpu.vector_store %arg10[%swap3A_354, %swap3A_355], %swap3A_358 {add = true, strides = array<i32>} : memref<16x512xf32, #tpu.memory_space<vmem>>, vector<1x16xf32>,
          %div3A_359 = arith.divf %while3A_174#30, %broadcast_in_dim3A_180 : vector<16xf32>
          %swap3A_360 = arith.index_cast %scan3A_153 : i32 to index
          %swap3A_361 = arith.constant 480 : index
          %swap3A_362 = tpu.vector_load %arg10[%swap3A_360, %swap3A_361] {strides = array<i32>} : memref<16x512xf32, #tpu.memory_space<vmem>>, vector<1x16xf32>,
          %swap3A_363 = vector.shape_cast %swap3A_362 : vector<1x16xf32> to vector<16xf32>
          %swap3A_364 = vector.shape_cast %div3A_359 : vector<16xf32> to vector<1x16xf32>
          tpu.vector_store %arg10[%swap3A_360, %swap3A_361], %swap3A_364 {add = true, strides = array<i32>} : memref<16x512xf32, #tpu.memory_space<vmem>>, vector<1x16xf32>,
          %div3A_365 = arith.divf %while3A_174#31, %broadcast_in_dim3A_180 : vector<16xf32>
          %swap3A_366 = arith.index_cast %scan3A_153 : i32 to index
          %swap3A_367 = arith.constant 496 : index
          %swap3A_368 = tpu.vector_load %arg10[%swap3A_366, %swap3A_367] {strides = array<i32>} : memref<16x512xf32, #tpu.memory_space<vmem>>, vector<1x16xf32>,
          %swap3A_369 = vector.shape_cast %swap3A_368 : vector<1x16xf32> to vector<16xf32>
          %swap3A_370 = vector.shape_cast %div3A_365 : vector<16xf32> to vector<1x16xf32>
          tpu.vector_store %arg10[%swap3A_366, %swap3A_367], %swap3A_370 {add = true, strides = array<i32>} : memref<16x512xf32, #tpu.memory_space<vmem>>, vector<1x16xf32>,
        } else {
        }
        %scan3A_178 = arith.constant 0 : i32
        scf.yield %scan3A_178 : i32
      }
      %scan3A_63 = arith.constant 16 : i32
      %add3A_64 = arith.constant 4 : i32
      %add3A_65 = arith.addi %add3A_47, %add3A_64 : i32
      %lt3A = arith.constant 8 : i32
      %lt3A_66 = arith.cmpi slt, %add3A_65, %lt3A : i32
      %convert_element_type3A = arith.extui %lt3A_66 : i1 to i32
      %cond3A = arith.constant 0 : i32
      %cond3A_67 = arith.cmpi ne, %convert_element_type3A, %cond3A : i32
      scf.if %cond3A_67 {
        %add3A_153 = arith.constant 4 : i32
        %add3A_154 = arith.addi %add3A_47, %add3A_153 : i32
        %mul3A_155 = arith.constant 56 : i32
        %mul3A_156 = arith.muli %add3A_154, %mul3A_155 : i32
        %add3A_157 = arith.addi %mul3A_2, %mul3A_156 : i32
        %dma_start3A_158 = arith.constant 0 : i32
        %dma_start3A_159 = tpu.memref_slice %arg2[%add3A_157, %dma_start3A_158] : memref<32768x512xf32, #tpu.memory_space<hbm>> -> memref<56x512xf32, #tpu.memory_space<hbm>>
        %dma_start3A_160 = arith.constant 0 : i32
        %dma_start3A_161 = tpu.memref_slice %arg2[%add3A_157, %dma_start3A_160] : memref<32768x512xf32, #tpu.memory_space<hbm>> -> memref<56x512xf32, #tpu.memory_space<hbm>>
        tpu.enqueue_dma source(%dma_start3A_161 : memref<56x512xf32, #tpu.memory_space<hbm>>) target(%arg5 : memref<56x512xf32, #tpu.memory_space<vmem>>) target_semaphore(%arg11 : memref<!tpu.dma_semaphore, #tpu.memory_space<semaphore_mem>>)
      } else {
      }
      %mul3A_68 = arith.constant 4 : i32
      %mul3A_69 = arith.muli %scan3A_42, %mul3A_68 : i32
      %add3A_70 = arith.constant 1 : i32
      %add3A_71 = arith.addi %mul3A_69, %add3A_70 : i32
      %mul3A_72 = arith.constant 56 : i32
      %mul3A_73 = arith.muli %add3A_71, %mul3A_72 : i32
      %add3A_74 = arith.addi %mul3A_2, %mul3A_73 : i32
      %dma_wait3A_75 = arith.constant 0 : i32
      %dma_wait3A_76 = tpu.memref_slice %arg2[%add3A_74, %dma_wait3A_75] : memref<32768x512xf32, #tpu.memory_space<hbm>> -> memref<56x512xf32, #tpu.memory_space<hbm>>
      %dma_wait3A_77 = arith.constant 0 : i32
      %dma_wait3A_78 = tpu.memref_slice %arg2[%add3A_74, %dma_wait3A_77] : memref<32768x512xf32, #tpu.memory_space<hbm>> -> memref<56x512xf32, #tpu.memory_space<hbm>>
      tpu.wait_dma2 semaphore(%arg12 : memref<!tpu.dma_semaphore, #tpu.memory_space<semaphore_mem>>) src(%dma_wait3A_78 : memref<56x512xf32, #tpu.memory_space<hbm>>) dst(%arg6 : memref<56x512xf32, #tpu.memory_space<vmem>>)
      %mul3A_79 = arith.constant 56 : i32
      %mul3A_80 = arith.muli %add3A_71, %mul3A_79 : i32
      %add3A_81 = arith.addi %mul3A_2, %mul3A_80 : i32
      %scan3A_82 = arith.constant 0 : i32
      %scan3A_83 = arith.constant 0 : i32
      %scan3A_84 = arith.constant 16 : i32
      %scan3A_85 = arith.addi %scan3A_83, %scan3A_84 : i32
      %scan3A_86 = arith.constant 1 : i32
      %scan3A_87 = scf.for %scan3A_153 = %scan3A_83 to %scan3A_85 step %scan3A_86 iter_args(%scan3A_154 = %scan3A_82) -> (i32)  : i32 {
        %get3A = arith.index_cast %scan3A_153 : i32 to index
        %get3A_155 = tpu.vector_load %arg9[%get3A] {strides = array<i32>} : memref<32xi32, #tpu.memory_space<vmem>>, vector<16xi32>,
        %get3A_156 = vector.shape_cast %get3A_155 : vector<16xi32> to vector<16xi32>
        %slice3A = vector.extract_strided_slice %get3A_156 {offsets = [0], sizes = [1], strides = [1]} : vector<16xi32> to vector<1xi32>
        %squeeze3A = vector.extract %slice3A[0] : i32 from vector<1xi32>
        %add3A_157 = arith.constant 1 : i32
        %add3A_158 = arith.addi %scan3A_153, %add3A_157 : i32
        %get3A_159 = arith.index_cast %add3A_158 : i32 to index
        %get3A_160 = tpu.vector_load %arg9[%get3A_159] {strides = array<i32>} : memref<32xi32, #tpu.memory_space<vmem>>, vector<16xi32>,
        %get3A_161 = vector.shape_cast %get3A_160 : vector<16xi32> to vector<16xi32>
        %slice3A_162 = vector.extract_strided_slice %get3A_161 {offsets = [0], sizes = [1], strides = [1]} : vector<16xi32> to vector<1xi32>
        %squeeze3A_163 = vector.extract %slice3A_162[0] : i32 from vector<1xi32>
        %max3A = arith.maxsi %squeeze3A, %add3A_81 : i32
        %add3A_164 = arith.constant 56 : i32
        %add3A_165 = arith.addi %add3A_81, %add3A_164 : i32
        %min3A = arith.minsi %squeeze3A_163, %add3A_165 : i32
        %while3A = arith.subi %min3A, %max3A : i32
        %while3A_166 = arith.addi %max3A, %while3A : i32
        %while3A_167 = arith.constant 1 : i32
        %while3A_168 = arith.divsi %while3A, %while3A_167 : i32
        %while3A_169 = arith.muli %while3A_168, %while3A_167 : i32
        %while3A_170 = arith.addi %max3A, %while3A_169 : i32
        %while3A_171 = arith.constant 1 : i32
        %while3A_172:32 = scf.for %while3A_179 = %max3A to %while3A_170 step %while3A_171 iter_args(%while3A_180 = %broadcast_in_dim3A_26, %while3A_181 = %broadcast_in_dim3A_26, %while3A_182 = %broadcast_in_dim3A_26, %while3A_183 = %broadcast_in_dim3A_26, %while3A_184 = %broadcast_in_dim3A_26, %while3A_185 = %broadcast_in_dim3A_26, %while3A_186 = %broadcast_in_dim3A_26, %while3A_187 = %broadcast_in_dim3A_26, %while3A_188 = %broadcast_in_dim3A_26, %while3A_189 = %broadcast_in_dim3A_26, %while3A_190 = %broadcast_in_dim3A_26, %while3A_191 = %broadcast_in_dim3A_26, %while3A_192 = %broadcast_in_dim3A_26, %while3A_193 = %broadcast_in_dim3A_26, %while3A_194 = %broadcast_in_dim3A_26, %while3A_195 = %broadcast_in_dim3A_26, %while3A_196 = %broadcast_in_dim3A_26, %while3A_197 = %broadcast_in_dim3A_26, %while3A_198 = %broadcast_in_dim3A_26, %while3A_199 = %broadcast_in_dim3A_26, %while3A_200 = %broadcast_in_dim3A_26, %while3A_201 = %broadcast_in_dim3A_26, %while3A_202 = %broadcast_in_dim3A_26, %while3A_203 = %broadcast_in_dim3A_26, %while3A_204 = %broadcast_in_dim3A_26, %while3A_205 = %broadcast_in_dim3A_26, %while3A_206 = %broadcast_in_dim3A_26, %while3A_207 = %broadcast_in_dim3A_26, %while3A_208 = %broadcast_in_dim3A_26, %while3A_209 = %broadcast_in_dim3A_26, %while3A_210 = %broadcast_in_dim3A_26, %while3A_211 = %broadcast_in_dim3A_26) -> (vector<16xf32>, vector<16xf32>, vector<16xf32>, vector<16xf32>, vector<16xf32>, vector<16xf32>, vector<16xf32>, vector<16xf32>, vector<16xf32>, vector<16xf32>, vector<16xf32>, vector<16xf32>, vector<16xf32>, vector<16xf32>, vector<16xf32>, vector<16xf32>, vector<16xf32>, vector<16xf32>, vector<16xf32>, vector<16xf32>, vector<16xf32>, vector<16xf32>, vector<16xf32>, vector<16xf32>, vector<16xf32>, vector<16xf32>, vector<16xf32>, vector<16xf32>, vector<16xf32>, vector<16xf32>, vector<16xf32>, vector<16xf32>)  : i32 {
          %sub3A = arith.subi %while3A_179, %add3A_81 : i32
          %get3A_212 = arith.index_cast %sub3A : i32 to index
          %get3A_213 = arith.constant 0 : index
          %get3A_214 = tpu.vector_load %arg6[%get3A_212, %get3A_213] {strides = array<i32>} : memref<56x512xf32, #tpu.memory_space<vmem>>, vector<1x16xf32>,
          %get3A_215 = vector.shape_cast %get3A_214 : vector<1x16xf32> to vector<16xf32>
          %add3A_216 = arith.addf %while3A_180, %get3A_215 : vector<16xf32>
          %get3A_217 = arith.index_cast %sub3A : i32 to index
          %get3A_218 = arith.constant 16 : index
          %get3A_219 = tpu.vector_load %arg6[%get3A_217, %get3A_218] {strides = array<i32>} : memref<56x512xf32, #tpu.memory_space<vmem>>, vector<1x16xf32>,
          %get3A_220 = vector.shape_cast %get3A_219 : vector<1x16xf32> to vector<16xf32>
          %add3A_221 = arith.addf %while3A_181, %get3A_220 : vector<16xf32>
          %get3A_222 = arith.index_cast %sub3A : i32 to index
          %get3A_223 = arith.constant 32 : index
          %get3A_224 = tpu.vector_load %arg6[%get3A_222, %get3A_223] {strides = array<i32>} : memref<56x512xf32, #tpu.memory_space<vmem>>, vector<1x16xf32>,
          %get3A_225 = vector.shape_cast %get3A_224 : vector<1x16xf32> to vector<16xf32>
          %add3A_226 = arith.addf %while3A_182, %get3A_225 : vector<16xf32>
          %get3A_227 = arith.index_cast %sub3A : i32 to index
          %get3A_228 = arith.constant 48 : index
          %get3A_229 = tpu.vector_load %arg6[%get3A_227, %get3A_228] {strides = array<i32>} : memref<56x512xf32, #tpu.memory_space<vmem>>, vector<1x16xf32>,
          %get3A_230 = vector.shape_cast %get3A_229 : vector<1x16xf32> to vector<16xf32>
          %add3A_231 = arith.addf %while3A_183, %get3A_230 : vector<16xf32>
          %get3A_232 = arith.index_cast %sub3A : i32 to index
          %get3A_233 = arith.constant 64 : index
          %get3A_234 = tpu.vector_load %arg6[%get3A_232, %get3A_233] {strides = array<i32>} : memref<56x512xf32, #tpu.memory_space<vmem>>, vector<1x16xf32>,
          %get3A_235 = vector.shape_cast %get3A_234 : vector<1x16xf32> to vector<16xf32>
          %add3A_236 = arith.addf %while3A_184, %get3A_235 : vector<16xf32>
          %get3A_237 = arith.index_cast %sub3A : i32 to index
          %get3A_238 = arith.constant 80 : index
          %get3A_239 = tpu.vector_load %arg6[%get3A_237, %get3A_238] {strides = array<i32>} : memref<56x512xf32, #tpu.memory_space<vmem>>, vector<1x16xf32>,
          %get3A_240 = vector.shape_cast %get3A_239 : vector<1x16xf32> to vector<16xf32>
          %add3A_241 = arith.addf %while3A_185, %get3A_240 : vector<16xf32>
          %get3A_242 = arith.index_cast %sub3A : i32 to index
          %get3A_243 = arith.constant 96 : index
          %get3A_244 = tpu.vector_load %arg6[%get3A_242, %get3A_243] {strides = array<i32>} : memref<56x512xf32, #tpu.memory_space<vmem>>, vector<1x16xf32>,
          %get3A_245 = vector.shape_cast %get3A_244 : vector<1x16xf32> to vector<16xf32>
          %add3A_246 = arith.addf %while3A_186, %get3A_245 : vector<16xf32>
          %get3A_247 = arith.index_cast %sub3A : i32 to index
          %get3A_248 = arith.constant 112 : index
          %get3A_249 = tpu.vector_load %arg6[%get3A_247, %get3A_248] {strides = array<i32>} : memref<56x512xf32, #tpu.memory_space<vmem>>, vector<1x16xf32>,
          %get3A_250 = vector.shape_cast %get3A_249 : vector<1x16xf32> to vector<16xf32>
          %add3A_251 = arith.addf %while3A_187, %get3A_250 : vector<16xf32>
          %get3A_252 = arith.index_cast %sub3A : i32 to index
          %get3A_253 = arith.constant 128 : index
          %get3A_254 = tpu.vector_load %arg6[%get3A_252, %get3A_253] {strides = array<i32>} : memref<56x512xf32, #tpu.memory_space<vmem>>, vector<1x16xf32>,
          %get3A_255 = vector.shape_cast %get3A_254 : vector<1x16xf32> to vector<16xf32>
          %add3A_256 = arith.addf %while3A_188, %get3A_255 : vector<16xf32>
          %get3A_257 = arith.index_cast %sub3A : i32 to index
          %get3A_258 = arith.constant 144 : index
          %get3A_259 = tpu.vector_load %arg6[%get3A_257, %get3A_258] {strides = array<i32>} : memref<56x512xf32, #tpu.memory_space<vmem>>, vector<1x16xf32>,
          %get3A_260 = vector.shape_cast %get3A_259 : vector<1x16xf32> to vector<16xf32>
          %add3A_261 = arith.addf %while3A_189, %get3A_260 : vector<16xf32>
          %get3A_262 = arith.index_cast %sub3A : i32 to index
          %get3A_263 = arith.constant 160 : index
          %get3A_264 = tpu.vector_load %arg6[%get3A_262, %get3A_263] {strides = array<i32>} : memref<56x512xf32, #tpu.memory_space<vmem>>, vector<1x16xf32>,
          %get3A_265 = vector.shape_cast %get3A_264 : vector<1x16xf32> to vector<16xf32>
          %add3A_266 = arith.addf %while3A_190, %get3A_265 : vector<16xf32>
          %get3A_267 = arith.index_cast %sub3A : i32 to index
          %get3A_268 = arith.constant 176 : index
          %get3A_269 = tpu.vector_load %arg6[%get3A_267, %get3A_268] {strides = array<i32>} : memref<56x512xf32, #tpu.memory_space<vmem>>, vector<1x16xf32>,
          %get3A_270 = vector.shape_cast %get3A_269 : vector<1x16xf32> to vector<16xf32>
          %add3A_271 = arith.addf %while3A_191, %get3A_270 : vector<16xf32>
          %get3A_272 = arith.index_cast %sub3A : i32 to index
          %get3A_273 = arith.constant 192 : index
          %get3A_274 = tpu.vector_load %arg6[%get3A_272, %get3A_273] {strides = array<i32>} : memref<56x512xf32, #tpu.memory_space<vmem>>, vector<1x16xf32>,
          %get3A_275 = vector.shape_cast %get3A_274 : vector<1x16xf32> to vector<16xf32>
          %add3A_276 = arith.addf %while3A_192, %get3A_275 : vector<16xf32>
          %get3A_277 = arith.index_cast %sub3A : i32 to index
          %get3A_278 = arith.constant 208 : index
          %get3A_279 = tpu.vector_load %arg6[%get3A_277, %get3A_278] {strides = array<i32>} : memref<56x512xf32, #tpu.memory_space<vmem>>, vector<1x16xf32>,
          %get3A_280 = vector.shape_cast %get3A_279 : vector<1x16xf32> to vector<16xf32>
          %add3A_281 = arith.addf %while3A_193, %get3A_280 : vector<16xf32>
          %get3A_282 = arith.index_cast %sub3A : i32 to index
          %get3A_283 = arith.constant 224 : index
          %get3A_284 = tpu.vector_load %arg6[%get3A_282, %get3A_283] {strides = array<i32>} : memref<56x512xf32, #tpu.memory_space<vmem>>, vector<1x16xf32>,
          %get3A_285 = vector.shape_cast %get3A_284 : vector<1x16xf32> to vector<16xf32>
          %add3A_286 = arith.addf %while3A_194, %get3A_285 : vector<16xf32>
          %get3A_287 = arith.index_cast %sub3A : i32 to index
          %get3A_288 = arith.constant 240 : index
          %get3A_289 = tpu.vector_load %arg6[%get3A_287, %get3A_288] {strides = array<i32>} : memref<56x512xf32, #tpu.memory_space<vmem>>, vector<1x16xf32>,
          %get3A_290 = vector.shape_cast %get3A_289 : vector<1x16xf32> to vector<16xf32>
          %add3A_291 = arith.addf %while3A_195, %get3A_290 : vector<16xf32>
          %get3A_292 = arith.index_cast %sub3A : i32 to index
          %get3A_293 = arith.constant 256 : index
          %get3A_294 = tpu.vector_load %arg6[%get3A_292, %get3A_293] {strides = array<i32>} : memref<56x512xf32, #tpu.memory_space<vmem>>, vector<1x16xf32>,
          %get3A_295 = vector.shape_cast %get3A_294 : vector<1x16xf32> to vector<16xf32>
          %add3A_296 = arith.addf %while3A_196, %get3A_295 : vector<16xf32>
          %get3A_297 = arith.index_cast %sub3A : i32 to index
          %get3A_298 = arith.constant 272 : index
          %get3A_299 = tpu.vector_load %arg6[%get3A_297, %get3A_298] {strides = array<i32>} : memref<56x512xf32, #tpu.memory_space<vmem>>, vector<1x16xf32>,
          %get3A_300 = vector.shape_cast %get3A_299 : vector<1x16xf32> to vector<16xf32>
          %add3A_301 = arith.addf %while3A_197, %get3A_300 : vector<16xf32>
          %get3A_302 = arith.index_cast %sub3A : i32 to index
          %get3A_303 = arith.constant 288 : index
          %get3A_304 = tpu.vector_load %arg6[%get3A_302, %get3A_303] {strides = array<i32>} : memref<56x512xf32, #tpu.memory_space<vmem>>, vector<1x16xf32>,
          %get3A_305 = vector.shape_cast %get3A_304 : vector<1x16xf32> to vector<16xf32>
          %add3A_306 = arith.addf %while3A_198, %get3A_305 : vector<16xf32>
          %get3A_307 = arith.index_cast %sub3A : i32 to index
          %get3A_308 = arith.constant 304 : index
          %get3A_309 = tpu.vector_load %arg6[%get3A_307, %get3A_308] {strides = array<i32>} : memref<56x512xf32, #tpu.memory_space<vmem>>, vector<1x16xf32>,
          %get3A_310 = vector.shape_cast %get3A_309 : vector<1x16xf32> to vector<16xf32>
          %add3A_311 = arith.addf %while3A_199, %get3A_310 : vector<16xf32>
          %get3A_312 = arith.index_cast %sub3A : i32 to index
          %get3A_313 = arith.constant 320 : index
          %get3A_314 = tpu.vector_load %arg6[%get3A_312, %get3A_313] {strides = array<i32>} : memref<56x512xf32, #tpu.memory_space<vmem>>, vector<1x16xf32>,
          %get3A_315 = vector.shape_cast %get3A_314 : vector<1x16xf32> to vector<16xf32>
          %add3A_316 = arith.addf %while3A_200, %get3A_315 : vector<16xf32>
          %get3A_317 = arith.index_cast %sub3A : i32 to index
          %get3A_318 = arith.constant 336 : index
          %get3A_319 = tpu.vector_load %arg6[%get3A_317, %get3A_318] {strides = array<i32>} : memref<56x512xf32, #tpu.memory_space<vmem>>, vector<1x16xf32>,
          %get3A_320 = vector.shape_cast %get3A_319 : vector<1x16xf32> to vector<16xf32>
          %add3A_321 = arith.addf %while3A_201, %get3A_320 : vector<16xf32>
          %get3A_322 = arith.index_cast %sub3A : i32 to index
          %get3A_323 = arith.constant 352 : index
          %get3A_324 = tpu.vector_load %arg6[%get3A_322, %get3A_323] {strides = array<i32>} : memref<56x512xf32, #tpu.memory_space<vmem>>, vector<1x16xf32>,
          %get3A_325 = vector.shape_cast %get3A_324 : vector<1x16xf32> to vector<16xf32>
          %add3A_326 = arith.addf %while3A_202, %get3A_325 : vector<16xf32>
          %get3A_327 = arith.index_cast %sub3A : i32 to index
          %get3A_328 = arith.constant 368 : index
          %get3A_329 = tpu.vector_load %arg6[%get3A_327, %get3A_328] {strides = array<i32>} : memref<56x512xf32, #tpu.memory_space<vmem>>, vector<1x16xf32>,
          %get3A_330 = vector.shape_cast %get3A_329 : vector<1x16xf32> to vector<16xf32>
          %add3A_331 = arith.addf %while3A_203, %get3A_330 : vector<16xf32>
          %get3A_332 = arith.index_cast %sub3A : i32 to index
          %get3A_333 = arith.constant 384 : index
          %get3A_334 = tpu.vector_load %arg6[%get3A_332, %get3A_333] {strides = array<i32>} : memref<56x512xf32, #tpu.memory_space<vmem>>, vector<1x16xf32>,
          %get3A_335 = vector.shape_cast %get3A_334 : vector<1x16xf32> to vector<16xf32>
          %add3A_336 = arith.addf %while3A_204, %get3A_335 : vector<16xf32>
          %get3A_337 = arith.index_cast %sub3A : i32 to index
          %get3A_338 = arith.constant 400 : index
          %get3A_339 = tpu.vector_load %arg6[%get3A_337, %get3A_338] {strides = array<i32>} : memref<56x512xf32, #tpu.memory_space<vmem>>, vector<1x16xf32>,
          %get3A_340 = vector.shape_cast %get3A_339 : vector<1x16xf32> to vector<16xf32>
          %add3A_341 = arith.addf %while3A_205, %get3A_340 : vector<16xf32>
          %get3A_342 = arith.index_cast %sub3A : i32 to index
          %get3A_343 = arith.constant 416 : index
          %get3A_344 = tpu.vector_load %arg6[%get3A_342, %get3A_343] {strides = array<i32>} : memref<56x512xf32, #tpu.memory_space<vmem>>, vector<1x16xf32>,
          %get3A_345 = vector.shape_cast %get3A_344 : vector<1x16xf32> to vector<16xf32>
          %add3A_346 = arith.addf %while3A_206, %get3A_345 : vector<16xf32>
          %get3A_347 = arith.index_cast %sub3A : i32 to index
          %get3A_348 = arith.constant 432 : index
          %get3A_349 = tpu.vector_load %arg6[%get3A_347, %get3A_348] {strides = array<i32>} : memref<56x512xf32, #tpu.memory_space<vmem>>, vector<1x16xf32>,
          %get3A_350 = vector.shape_cast %get3A_349 : vector<1x16xf32> to vector<16xf32>
          %add3A_351 = arith.addf %while3A_207, %get3A_350 : vector<16xf32>
          %get3A_352 = arith.index_cast %sub3A : i32 to index
          %get3A_353 = arith.constant 448 : index
          %get3A_354 = tpu.vector_load %arg6[%get3A_352, %get3A_353] {strides = array<i32>} : memref<56x512xf32, #tpu.memory_space<vmem>>, vector<1x16xf32>,
          %get3A_355 = vector.shape_cast %get3A_354 : vector<1x16xf32> to vector<16xf32>
          %add3A_356 = arith.addf %while3A_208, %get3A_355 : vector<16xf32>
          %get3A_357 = arith.index_cast %sub3A : i32 to index
          %get3A_358 = arith.constant 464 : index
          %get3A_359 = tpu.vector_load %arg6[%get3A_357, %get3A_358] {strides = array<i32>} : memref<56x512xf32, #tpu.memory_space<vmem>>, vector<1x16xf32>,
          %get3A_360 = vector.shape_cast %get3A_359 : vector<1x16xf32> to vector<16xf32>
          %add3A_361 = arith.addf %while3A_209, %get3A_360 : vector<16xf32>
          %get3A_362 = arith.index_cast %sub3A : i32 to index
          %get3A_363 = arith.constant 480 : index
          %get3A_364 = tpu.vector_load %arg6[%get3A_362, %get3A_363] {strides = array<i32>} : memref<56x512xf32, #tpu.memory_space<vmem>>, vector<1x16xf32>,
          %get3A_365 = vector.shape_cast %get3A_364 : vector<1x16xf32> to vector<16xf32>
          %add3A_366 = arith.addf %while3A_210, %get3A_365 : vector<16xf32>
          %get3A_367 = arith.index_cast %sub3A : i32 to index
          %get3A_368 = arith.constant 496 : index
          %get3A_369 = tpu.vector_load %arg6[%get3A_367, %get3A_368] {strides = array<i32>} : memref<56x512xf32, #tpu.memory_space<vmem>>, vector<1x16xf32>,
          %get3A_370 = vector.shape_cast %get3A_369 : vector<1x16xf32> to vector<16xf32>
          %add3A_371 = arith.addf %while3A_211, %get3A_370 : vector<16xf32>
          scf.yield %add3A_216, %add3A_221, %add3A_226, %add3A_231, %add3A_236, %add3A_241, %add3A_246, %add3A_251, %add3A_256, %add3A_261, %add3A_266, %add3A_271, %add3A_276, %add3A_281, %add3A_286, %add3A_291, %add3A_296, %add3A_301, %add3A_306, %add3A_311, %add3A_316, %add3A_321, %add3A_326, %add3A_331, %add3A_336, %add3A_341, %add3A_346, %add3A_351, %add3A_356, %add3A_361, %add3A_366, %add3A_371 : vector<16xf32>, vector<16xf32>, vector<16xf32>, vector<16xf32>, vector<16xf32>, vector<16xf32>, vector<16xf32>, vector<16xf32>, vector<16xf32>, vector<16xf32>, vector<16xf32>, vector<16xf32>, vector<16xf32>, vector<16xf32>, vector<16xf32>, vector<16xf32>, vector<16xf32>, vector<16xf32>, vector<16xf32>, vector<16xf32>, vector<16xf32>, vector<16xf32>, vector<16xf32>, vector<16xf32>, vector<16xf32>, vector<16xf32>, vector<16xf32>, vector<16xf32>, vector<16xf32>, vector<16xf32>, vector<16xf32>, vector<16xf32>
        }
        %while3A_173 = arith.constant 1 : i32
        %while3A_174:32 = scf.for %while3A_179 = %while3A_170 to %while3A_166 step %while3A_173 iter_args(%while3A_180 = %while3A_172#0, %while3A_181 = %while3A_172#1, %while3A_182 = %while3A_172#2, %while3A_183 = %while3A_172#3, %while3A_184 = %while3A_172#4, %while3A_185 = %while3A_172#5, %while3A_186 = %while3A_172#6, %while3A_187 = %while3A_172#7, %while3A_188 = %while3A_172#8, %while3A_189 = %while3A_172#9, %while3A_190 = %while3A_172#10, %while3A_191 = %while3A_172#11, %while3A_192 = %while3A_172#12, %while3A_193 = %while3A_172#13, %while3A_194 = %while3A_172#14, %while3A_195 = %while3A_172#15, %while3A_196 = %while3A_172#16, %while3A_197 = %while3A_172#17, %while3A_198 = %while3A_172#18, %while3A_199 = %while3A_172#19, %while3A_200 = %while3A_172#20, %while3A_201 = %while3A_172#21, %while3A_202 = %while3A_172#22, %while3A_203 = %while3A_172#23, %while3A_204 = %while3A_172#24, %while3A_205 = %while3A_172#25, %while3A_206 = %while3A_172#26, %while3A_207 = %while3A_172#27, %while3A_208 = %while3A_172#28, %while3A_209 = %while3A_172#29, %while3A_210 = %while3A_172#30, %while3A_211 = %while3A_172#31) -> (vector<16xf32>, vector<16xf32>, vector<16xf32>, vector<16xf32>, vector<16xf32>, vector<16xf32>, vector<16xf32>, vector<16xf32>, vector<16xf32>, vector<16xf32>, vector<16xf32>, vector<16xf32>, vector<16xf32>, vector<16xf32>, vector<16xf32>, vector<16xf32>, vector<16xf32>, vector<16xf32>, vector<16xf32>, vector<16xf32>, vector<16xf32>, vector<16xf32>, vector<16xf32>, vector<16xf32>, vector<16xf32>, vector<16xf32>, vector<16xf32>, vector<16xf32>, vector<16xf32>, vector<16xf32>, vector<16xf32>, vector<16xf32>)  : i32 {
          %sub3A = arith.subi %while3A_179, %add3A_81 : i32
          %get3A_212 = arith.index_cast %sub3A : i32 to index
          %get3A_213 = arith.constant 0 : index
          %get3A_214 = tpu.vector_load %arg6[%get3A_212, %get3A_213] {strides = array<i32>} : memref<56x512xf32, #tpu.memory_space<vmem>>, vector<1x16xf32>,
          %get3A_215 = vector.shape_cast %get3A_214 : vector<1x16xf32> to vector<16xf32>
          %add3A_216 = arith.addf %while3A_180, %get3A_215 : vector<16xf32>
          %get3A_217 = arith.index_cast %sub3A : i32 to index
          %get3A_218 = arith.constant 16 : index
          %get3A_219 = tpu.vector_load %arg6[%get3A_217, %get3A_218] {strides = array<i32>} : memref<56x512xf32, #tpu.memory_space<vmem>>, vector<1x16xf32>,
          %get3A_220 = vector.shape_cast %get3A_219 : vector<1x16xf32> to vector<16xf32>
          %add3A_221 = arith.addf %while3A_181, %get3A_220 : vector<16xf32>
          %get3A_222 = arith.index_cast %sub3A : i32 to index
          %get3A_223 = arith.constant 32 : index
          %get3A_224 = tpu.vector_load %arg6[%get3A_222, %get3A_223] {strides = array<i32>} : memref<56x512xf32, #tpu.memory_space<vmem>>, vector<1x16xf32>,
          %get3A_225 = vector.shape_cast %get3A_224 : vector<1x16xf32> to vector<16xf32>
          %add3A_226 = arith.addf %while3A_182, %get3A_225 : vector<16xf32>
          %get3A_227 = arith.index_cast %sub3A : i32 to index
          %get3A_228 = arith.constant 48 : index
          %get3A_229 = tpu.vector_load %arg6[%get3A_227, %get3A_228] {strides = array<i32>} : memref<56x512xf32, #tpu.memory_space<vmem>>, vector<1x16xf32>,
          %get3A_230 = vector.shape_cast %get3A_229 : vector<1x16xf32> to vector<16xf32>
          %add3A_231 = arith.addf %while3A_183, %get3A_230 : vector<16xf32>
          %get3A_232 = arith.index_cast %sub3A : i32 to index
          %get3A_233 = arith.constant 64 : index
          %get3A_234 = tpu.vector_load %arg6[%get3A_232, %get3A_233] {strides = array<i32>} : memref<56x512xf32, #tpu.memory_space<vmem>>, vector<1x16xf32>,
          %get3A_235 = vector.shape_cast %get3A_234 : vector<1x16xf32> to vector<16xf32>
          %add3A_236 = arith.addf %while3A_184, %get3A_235 : vector<16xf32>
          %get3A_237 = arith.index_cast %sub3A : i32 to index
          %get3A_238 = arith.constant 80 : index
          %get3A_239 = tpu.vector_load %arg6[%get3A_237, %get3A_238] {strides = array<i32>} : memref<56x512xf32, #tpu.memory_space<vmem>>, vector<1x16xf32>,
          %get3A_240 = vector.shape_cast %get3A_239 : vector<1x16xf32> to vector<16xf32>
          %add3A_241 = arith.addf %while3A_185, %get3A_240 : vector<16xf32>
          %get3A_242 = arith.index_cast %sub3A : i32 to index
          %get3A_243 = arith.constant 96 : index
          %get3A_244 = tpu.vector_load %arg6[%get3A_242, %get3A_243] {strides = array<i32>} : memref<56x512xf32, #tpu.memory_space<vmem>>, vector<1x16xf32>,
          %get3A_245 = vector.shape_cast %get3A_244 : vector<1x16xf32> to vector<16xf32>
          %add3A_246 = arith.addf %while3A_186, %get3A_245 : vector<16xf32>
          %get3A_247 = arith.index_cast %sub3A : i32 to index
          %get3A_248 = arith.constant 112 : index
          %get3A_249 = tpu.vector_load %arg6[%get3A_247, %get3A_248] {strides = array<i32>} : memref<56x512xf32, #tpu.memory_space<vmem>>, vector<1x16xf32>,
          %get3A_250 = vector.shape_cast %get3A_249 : vector<1x16xf32> to vector<16xf32>
          %add3A_251 = arith.addf %while3A_187, %get3A_250 : vector<16xf32>
          %get3A_252 = arith.index_cast %sub3A : i32 to index
          %get3A_253 = arith.constant 128 : index
          %get3A_254 = tpu.vector_load %arg6[%get3A_252, %get3A_253] {strides = array<i32>} : memref<56x512xf32, #tpu.memory_space<vmem>>, vector<1x16xf32>,
          %get3A_255 = vector.shape_cast %get3A_254 : vector<1x16xf32> to vector<16xf32>
          %add3A_256 = arith.addf %while3A_188, %get3A_255 : vector<16xf32>
          %get3A_257 = arith.index_cast %sub3A : i32 to index
          %get3A_258 = arith.constant 144 : index
          %get3A_259 = tpu.vector_load %arg6[%get3A_257, %get3A_258] {strides = array<i32>} : memref<56x512xf32, #tpu.memory_space<vmem>>, vector<1x16xf32>,
          %get3A_260 = vector.shape_cast %get3A_259 : vector<1x16xf32> to vector<16xf32>
          %add3A_261 = arith.addf %while3A_189, %get3A_260 : vector<16xf32>
          %get3A_262 = arith.index_cast %sub3A : i32 to index
          %get3A_263 = arith.constant 160 : index
          %get3A_264 = tpu.vector_load %arg6[%get3A_262, %get3A_263] {strides = array<i32>} : memref<56x512xf32, #tpu.memory_space<vmem>>, vector<1x16xf32>,
          %get3A_265 = vector.shape_cast %get3A_264 : vector<1x16xf32> to vector<16xf32>
          %add3A_266 = arith.addf %while3A_190, %get3A_265 : vector<16xf32>
          %get3A_267 = arith.index_cast %sub3A : i32 to index
          %get3A_268 = arith.constant 176 : index
          %get3A_269 = tpu.vector_load %arg6[%get3A_267, %get3A_268] {strides = array<i32>} : memref<56x512xf32, #tpu.memory_space<vmem>>, vector<1x16xf32>,
          %get3A_270 = vector.shape_cast %get3A_269 : vector<1x16xf32> to vector<16xf32>
          %add3A_271 = arith.addf %while3A_191, %get3A_270 : vector<16xf32>
          %get3A_272 = arith.index_cast %sub3A : i32 to index
          %get3A_273 = arith.constant 192 : index
          %get3A_274 = tpu.vector_load %arg6[%get3A_272, %get3A_273] {strides = array<i32>} : memref<56x512xf32, #tpu.memory_space<vmem>>, vector<1x16xf32>,
          %get3A_275 = vector.shape_cast %get3A_274 : vector<1x16xf32> to vector<16xf32>
          %add3A_276 = arith.addf %while3A_192, %get3A_275 : vector<16xf32>
          %get3A_277 = arith.index_cast %sub3A : i32 to index
          %get3A_278 = arith.constant 208 : index
          %get3A_279 = tpu.vector_load %arg6[%get3A_277, %get3A_278] {strides = array<i32>} : memref<56x512xf32, #tpu.memory_space<vmem>>, vector<1x16xf32>,
          %get3A_280 = vector.shape_cast %get3A_279 : vector<1x16xf32> to vector<16xf32>
          %add3A_281 = arith.addf %while3A_193, %get3A_280 : vector<16xf32>
          %get3A_282 = arith.index_cast %sub3A : i32 to index
          %get3A_283 = arith.constant 224 : index
          %get3A_284 = tpu.vector_load %arg6[%get3A_282, %get3A_283] {strides = array<i32>} : memref<56x512xf32, #tpu.memory_space<vmem>>, vector<1x16xf32>,
          %get3A_285 = vector.shape_cast %get3A_284 : vector<1x16xf32> to vector<16xf32>
          %add3A_286 = arith.addf %while3A_194, %get3A_285 : vector<16xf32>
          %get3A_287 = arith.index_cast %sub3A : i32 to index
          %get3A_288 = arith.constant 240 : index
          %get3A_289 = tpu.vector_load %arg6[%get3A_287, %get3A_288] {strides = array<i32>} : memref<56x512xf32, #tpu.memory_space<vmem>>, vector<1x16xf32>,
          %get3A_290 = vector.shape_cast %get3A_289 : vector<1x16xf32> to vector<16xf32>
          %add3A_291 = arith.addf %while3A_195, %get3A_290 : vector<16xf32>
          %get3A_292 = arith.index_cast %sub3A : i32 to index
          %get3A_293 = arith.constant 256 : index
          %get3A_294 = tpu.vector_load %arg6[%get3A_292, %get3A_293] {strides = array<i32>} : memref<56x512xf32, #tpu.memory_space<vmem>>, vector<1x16xf32>,
          %get3A_295 = vector.shape_cast %get3A_294 : vector<1x16xf32> to vector<16xf32>
          %add3A_296 = arith.addf %while3A_196, %get3A_295 : vector<16xf32>
          %get3A_297 = arith.index_cast %sub3A : i32 to index
          %get3A_298 = arith.constant 272 : index
          %get3A_299 = tpu.vector_load %arg6[%get3A_297, %get3A_298] {strides = array<i32>} : memref<56x512xf32, #tpu.memory_space<vmem>>, vector<1x16xf32>,
          %get3A_300 = vector.shape_cast %get3A_299 : vector<1x16xf32> to vector<16xf32>
          %add3A_301 = arith.addf %while3A_197, %get3A_300 : vector<16xf32>
          %get3A_302 = arith.index_cast %sub3A : i32 to index
          %get3A_303 = arith.constant 288 : index
          %get3A_304 = tpu.vector_load %arg6[%get3A_302, %get3A_303] {strides = array<i32>} : memref<56x512xf32, #tpu.memory_space<vmem>>, vector<1x16xf32>,
          %get3A_305 = vector.shape_cast %get3A_304 : vector<1x16xf32> to vector<16xf32>
          %add3A_306 = arith.addf %while3A_198, %get3A_305 : vector<16xf32>
          %get3A_307 = arith.index_cast %sub3A : i32 to index
          %get3A_308 = arith.constant 304 : index
          %get3A_309 = tpu.vector_load %arg6[%get3A_307, %get3A_308] {strides = array<i32>} : memref<56x512xf32, #tpu.memory_space<vmem>>, vector<1x16xf32>,
          %get3A_310 = vector.shape_cast %get3A_309 : vector<1x16xf32> to vector<16xf32>
          %add3A_311 = arith.addf %while3A_199, %get3A_310 : vector<16xf32>
          %get3A_312 = arith.index_cast %sub3A : i32 to index
          %get3A_313 = arith.constant 320 : index
          %get3A_314 = tpu.vector_load %arg6[%get3A_312, %get3A_313] {strides = array<i32>} : memref<56x512xf32, #tpu.memory_space<vmem>>, vector<1x16xf32>,
          %get3A_315 = vector.shape_cast %get3A_314 : vector<1x16xf32> to vector<16xf32>
          %add3A_316 = arith.addf %while3A_200, %get3A_315 : vector<16xf32>
          %get3A_317 = arith.index_cast %sub3A : i32 to index
          %get3A_318 = arith.constant 336 : index
          %get3A_319 = tpu.vector_load %arg6[%get3A_317, %get3A_318] {strides = array<i32>} : memref<56x512xf32, #tpu.memory_space<vmem>>, vector<1x16xf32>,
          %get3A_320 = vector.shape_cast %get3A_319 : vector<1x16xf32> to vector<16xf32>
          %add3A_321 = arith.addf %while3A_201, %get3A_320 : vector<16xf32>
          %get3A_322 = arith.index_cast %sub3A : i32 to index
          %get3A_323 = arith.constant 352 : index
          %get3A_324 = tpu.vector_load %arg6[%get3A_322, %get3A_323] {strides = array<i32>} : memref<56x512xf32, #tpu.memory_space<vmem>>, vector<1x16xf32>,
          %get3A_325 = vector.shape_cast %get3A_324 : vector<1x16xf32> to vector<16xf32>
          %add3A_326 = arith.addf %while3A_202, %get3A_325 : vector<16xf32>
          %get3A_327 = arith.index_cast %sub3A : i32 to index
          %get3A_328 = arith.constant 368 : index
          %get3A_329 = tpu.vector_load %arg6[%get3A_327, %get3A_328] {strides = array<i32>} : memref<56x512xf32, #tpu.memory_space<vmem>>, vector<1x16xf32>,
          %get3A_330 = vector.shape_cast %get3A_329 : vector<1x16xf32> to vector<16xf32>
          %add3A_331 = arith.addf %while3A_203, %get3A_330 : vector<16xf32>
          %get3A_332 = arith.index_cast %sub3A : i32 to index
          %get3A_333 = arith.constant 384 : index
          %get3A_334 = tpu.vector_load %arg6[%get3A_332, %get3A_333] {strides = array<i32>} : memref<56x512xf32, #tpu.memory_space<vmem>>, vector<1x16xf32>,
          %get3A_335 = vector.shape_cast %get3A_334 : vector<1x16xf32> to vector<16xf32>
          %add3A_336 = arith.addf %while3A_204, %get3A_335 : vector<16xf32>
          %get3A_337 = arith.index_cast %sub3A : i32 to index
          %get3A_338 = arith.constant 400 : index
          %get3A_339 = tpu.vector_load %arg6[%get3A_337, %get3A_338] {strides = array<i32>} : memref<56x512xf32, #tpu.memory_space<vmem>>, vector<1x16xf32>,
          %get3A_340 = vector.shape_cast %get3A_339 : vector<1x16xf32> to vector<16xf32>
          %add3A_341 = arith.addf %while3A_205, %get3A_340 : vector<16xf32>
          %get3A_342 = arith.index_cast %sub3A : i32 to index
          %get3A_343 = arith.constant 416 : index
          %get3A_344 = tpu.vector_load %arg6[%get3A_342, %get3A_343] {strides = array<i32>} : memref<56x512xf32, #tpu.memory_space<vmem>>, vector<1x16xf32>,
          %get3A_345 = vector.shape_cast %get3A_344 : vector<1x16xf32> to vector<16xf32>
          %add3A_346 = arith.addf %while3A_206, %get3A_345 : vector<16xf32>
          %get3A_347 = arith.index_cast %sub3A : i32 to index
          %get3A_348 = arith.constant 432 : index
          %get3A_349 = tpu.vector_load %arg6[%get3A_347, %get3A_348] {strides = array<i32>} : memref<56x512xf32, #tpu.memory_space<vmem>>, vector<1x16xf32>,
          %get3A_350 = vector.shape_cast %get3A_349 : vector<1x16xf32> to vector<16xf32>
          %add3A_351 = arith.addf %while3A_207, %get3A_350 : vector<16xf32>
          %get3A_352 = arith.index_cast %sub3A : i32 to index
          %get3A_353 = arith.constant 448 : index
          %get3A_354 = tpu.vector_load %arg6[%get3A_352, %get3A_353] {strides = array<i32>} : memref<56x512xf32, #tpu.memory_space<vmem>>, vector<1x16xf32>,
          %get3A_355 = vector.shape_cast %get3A_354 : vector<1x16xf32> to vector<16xf32>
          %add3A_356 = arith.addf %while3A_208, %get3A_355 : vector<16xf32>
          %get3A_357 = arith.index_cast %sub3A : i32 to index
          %get3A_358 = arith.constant 464 : index
          %get3A_359 = tpu.vector_load %arg6[%get3A_357, %get3A_358] {strides = array<i32>} : memref<56x512xf32, #tpu.memory_space<vmem>>, vector<1x16xf32>,
          %get3A_360 = vector.shape_cast %get3A_359 : vector<1x16xf32> to vector<16xf32>
          %add3A_361 = arith.addf %while3A_209, %get3A_360 : vector<16xf32>
          %get3A_362 = arith.index_cast %sub3A : i32 to index
          %get3A_363 = arith.constant 480 : index
          %get3A_364 = tpu.vector_load %arg6[%get3A_362, %get3A_363] {strides = array<i32>} : memref<56x512xf32, #tpu.memory_space<vmem>>, vector<1x16xf32>,
          %get3A_365 = vector.shape_cast %get3A_364 : vector<1x16xf32> to vector<16xf32>
          %add3A_366 = arith.addf %while3A_210, %get3A_365 : vector<16xf32>
          %get3A_367 = arith.index_cast %sub3A : i32 to index
          %get3A_368 = arith.constant 496 : index
          %get3A_369 = tpu.vector_load %arg6[%get3A_367, %get3A_368] {strides = array<i32>} : memref<56x512xf32, #tpu.memory_space<vmem>>, vector<1x16xf32>,
          %get3A_370 = vector.shape_cast %get3A_369 : vector<1x16xf32> to vector<16xf32>
          %add3A_371 = arith.addf %while3A_211, %get3A_370 : vector<16xf32>
          scf.yield %add3A_216, %add3A_221, %add3A_226, %add3A_231, %add3A_236, %add3A_241, %add3A_246, %add3A_251, %add3A_256, %add3A_261, %add3A_266, %add3A_271, %add3A_276, %add3A_281, %add3A_286, %add3A_291, %add3A_296, %add3A_301, %add3A_306, %add3A_311, %add3A_316, %add3A_321, %add3A_326, %add3A_331, %add3A_336, %add3A_341, %add3A_346, %add3A_351, %add3A_356, %add3A_361, %add3A_366, %add3A_371 : vector<16xf32>, vector<16xf32>, vector<16xf32>, vector<16xf32>, vector<16xf32>, vector<16xf32>, vector<16xf32>, vector<16xf32>, vector<16xf32>, vector<16xf32>, vector<16xf32>, vector<16xf32>, vector<16xf32>, vector<16xf32>, vector<16xf32>, vector<16xf32>, vector<16xf32>, vector<16xf32>, vector<16xf32>, vector<16xf32>, vector<16xf32>, vector<16xf32>, vector<16xf32>, vector<16xf32>, vector<16xf32>, vector<16xf32>, vector<16xf32>, vector<16xf32>, vector<16xf32>, vector<16xf32>, vector<16xf32>, vector<16xf32>
        }
        %gt3A = arith.cmpi sgt, %min3A, %max3A : i32
        %convert_element_type3A_175 = arith.extui %gt3A : i1 to i32
        %cond3A_176 = arith.constant 0 : i32
        %cond3A_177 = arith.cmpi ne, %convert_element_type3A_175, %cond3A_176 : i32
        scf.if %cond3A_177 {
          %sub3A = arith.subi %squeeze3A_163, %squeeze3A : i32
          %convert_element_type3A_179 = arith.sitofp %sub3A : i32 to f32
          %broadcast_in_dim3A_180 = vector.broadcast %convert_element_type3A_179 : f32 to vector<16xf32>
          %div3A = arith.divf %while3A_174#0, %broadcast_in_dim3A_180 : vector<16xf32>
          %swap3A = arith.index_cast %scan3A_153 : i32 to index
          %swap3A_181 = arith.constant 0 : index
          %swap3A_182 = tpu.vector_load %arg10[%swap3A, %swap3A_181] {strides = array<i32>} : memref<16x512xf32, #tpu.memory_space<vmem>>, vector<1x16xf32>,
          %swap3A_183 = vector.shape_cast %swap3A_182 : vector<1x16xf32> to vector<16xf32>
          %swap3A_184 = vector.shape_cast %div3A : vector<16xf32> to vector<1x16xf32>
          tpu.vector_store %arg10[%swap3A, %swap3A_181], %swap3A_184 {add = true, strides = array<i32>} : memref<16x512xf32, #tpu.memory_space<vmem>>, vector<1x16xf32>,
          %div3A_185 = arith.divf %while3A_174#1, %broadcast_in_dim3A_180 : vector<16xf32>
          %swap3A_186 = arith.index_cast %scan3A_153 : i32 to index
          %swap3A_187 = arith.constant 16 : index
          %swap3A_188 = tpu.vector_load %arg10[%swap3A_186, %swap3A_187] {strides = array<i32>} : memref<16x512xf32, #tpu.memory_space<vmem>>, vector<1x16xf32>,
          %swap3A_189 = vector.shape_cast %swap3A_188 : vector<1x16xf32> to vector<16xf32>
          %swap3A_190 = vector.shape_cast %div3A_185 : vector<16xf32> to vector<1x16xf32>
          tpu.vector_store %arg10[%swap3A_186, %swap3A_187], %swap3A_190 {add = true, strides = array<i32>} : memref<16x512xf32, #tpu.memory_space<vmem>>, vector<1x16xf32>,
          %div3A_191 = arith.divf %while3A_174#2, %broadcast_in_dim3A_180 : vector<16xf32>
          %swap3A_192 = arith.index_cast %scan3A_153 : i32 to index
          %swap3A_193 = arith.constant 32 : index
          %swap3A_194 = tpu.vector_load %arg10[%swap3A_192, %swap3A_193] {strides = array<i32>} : memref<16x512xf32, #tpu.memory_space<vmem>>, vector<1x16xf32>,
          %swap3A_195 = vector.shape_cast %swap3A_194 : vector<1x16xf32> to vector<16xf32>
          %swap3A_196 = vector.shape_cast %div3A_191 : vector<16xf32> to vector<1x16xf32>
          tpu.vector_store %arg10[%swap3A_192, %swap3A_193], %swap3A_196 {add = true, strides = array<i32>} : memref<16x512xf32, #tpu.memory_space<vmem>>, vector<1x16xf32>,
          %div3A_197 = arith.divf %while3A_174#3, %broadcast_in_dim3A_180 : vector<16xf32>
          %swap3A_198 = arith.index_cast %scan3A_153 : i32 to index
          %swap3A_199 = arith.constant 48 : index
          %swap3A_200 = tpu.vector_load %arg10[%swap3A_198, %swap3A_199] {strides = array<i32>} : memref<16x512xf32, #tpu.memory_space<vmem>>, vector<1x16xf32>,
          %swap3A_201 = vector.shape_cast %swap3A_200 : vector<1x16xf32> to vector<16xf32>
          %swap3A_202 = vector.shape_cast %div3A_197 : vector<16xf32> to vector<1x16xf32>
          tpu.vector_store %arg10[%swap3A_198, %swap3A_199], %swap3A_202 {add = true, strides = array<i32>} : memref<16x512xf32, #tpu.memory_space<vmem>>, vector<1x16xf32>,
          %div3A_203 = arith.divf %while3A_174#4, %broadcast_in_dim3A_180 : vector<16xf32>
          %swap3A_204 = arith.index_cast %scan3A_153 : i32 to index
          %swap3A_205 = arith.constant 64 : index
          %swap3A_206 = tpu.vector_load %arg10[%swap3A_204, %swap3A_205] {strides = array<i32>} : memref<16x512xf32, #tpu.memory_space<vmem>>, vector<1x16xf32>,
          %swap3A_207 = vector.shape_cast %swap3A_206 : vector<1x16xf32> to vector<16xf32>
          %swap3A_208 = vector.shape_cast %div3A_203 : vector<16xf32> to vector<1x16xf32>
          tpu.vector_store %arg10[%swap3A_204, %swap3A_205], %swap3A_208 {add = true, strides = array<i32>} : memref<16x512xf32, #tpu.memory_space<vmem>>, vector<1x16xf32>,
          %div3A_209 = arith.divf %while3A_174#5, %broadcast_in_dim3A_180 : vector<16xf32>
          %swap3A_210 = arith.index_cast %scan3A_153 : i32 to index
          %swap3A_211 = arith.constant 80 : index
          %swap3A_212 = tpu.vector_load %arg10[%swap3A_210, %swap3A_211] {strides = array<i32>} : memref<16x512xf32, #tpu.memory_space<vmem>>, vector<1x16xf32>,
          %swap3A_213 = vector.shape_cast %swap3A_212 : vector<1x16xf32> to vector<16xf32>
          %swap3A_214 = vector.shape_cast %div3A_209 : vector<16xf32> to vector<1x16xf32>
          tpu.vector_store %arg10[%swap3A_210, %swap3A_211], %swap3A_214 {add = true, strides = array<i32>} : memref<16x512xf32, #tpu.memory_space<vmem>>, vector<1x16xf32>,
          %div3A_215 = arith.divf %while3A_174#6, %broadcast_in_dim3A_180 : vector<16xf32>
          %swap3A_216 = arith.index_cast %scan3A_153 : i32 to index
          %swap3A_217 = arith.constant 96 : index
          %swap3A_218 = tpu.vector_load %arg10[%swap3A_216, %swap3A_217] {strides = array<i32>} : memref<16x512xf32, #tpu.memory_space<vmem>>, vector<1x16xf32>,
          %swap3A_219 = vector.shape_cast %swap3A_218 : vector<1x16xf32> to vector<16xf32>
          %swap3A_220 = vector.shape_cast %div3A_215 : vector<16xf32> to vector<1x16xf32>
          tpu.vector_store %arg10[%swap3A_216, %swap3A_217], %swap3A_220 {add = true, strides = array<i32>} : memref<16x512xf32, #tpu.memory_space<vmem>>, vector<1x16xf32>,
          %div3A_221 = arith.divf %while3A_174#7, %broadcast_in_dim3A_180 : vector<16xf32>
          %swap3A_222 = arith.index_cast %scan3A_153 : i32 to index
          %swap3A_223 = arith.constant 112 : index
          %swap3A_224 = tpu.vector_load %arg10[%swap3A_222, %swap3A_223] {strides = array<i32>} : memref<16x512xf32, #tpu.memory_space<vmem>>, vector<1x16xf32>,
          %swap3A_225 = vector.shape_cast %swap3A_224 : vector<1x16xf32> to vector<16xf32>
          %swap3A_226 = vector.shape_cast %div3A_221 : vector<16xf32> to vector<1x16xf32>
          tpu.vector_store %arg10[%swap3A_222, %swap3A_223], %swap3A_226 {add = true, strides = array<i32>} : memref<16x512xf32, #tpu.memory_space<vmem>>, vector<1x16xf32>,
          %div3A_227 = arith.divf %while3A_174#8, %broadcast_in_dim3A_180 : vector<16xf32>
          %swap3A_228 = arith.index_cast %scan3A_153 : i32 to index
          %swap3A_229 = arith.constant 128 : index
          %swap3A_230 = tpu.vector_load %arg10[%swap3A_228, %swap3A_229] {strides = array<i32>} : memref<16x512xf32, #tpu.memory_space<vmem>>, vector<1x16xf32>,
          %swap3A_231 = vector.shape_cast %swap3A_230 : vector<1x16xf32> to vector<16xf32>
          %swap3A_232 = vector.shape_cast %div3A_227 : vector<16xf32> to vector<1x16xf32>
          tpu.vector_store %arg10[%swap3A_228, %swap3A_229], %swap3A_232 {add = true, strides = array<i32>} : memref<16x512xf32, #tpu.memory_space<vmem>>, vector<1x16xf32>,
          %div3A_233 = arith.divf %while3A_174#9, %broadcast_in_dim3A_180 : vector<16xf32>
          %swap3A_234 = arith.index_cast %scan3A_153 : i32 to index
          %swap3A_235 = arith.constant 144 : index
          %swap3A_236 = tpu.vector_load %arg10[%swap3A_234, %swap3A_235] {strides = array<i32>} : memref<16x512xf32, #tpu.memory_space<vmem>>, vector<1x16xf32>,
          %swap3A_237 = vector.shape_cast %swap3A_236 : vector<1x16xf32> to vector<16xf32>
          %swap3A_238 = vector.shape_cast %div3A_233 : vector<16xf32> to vector<1x16xf32>
          tpu.vector_store %arg10[%swap3A_234, %swap3A_235], %swap3A_238 {add = true, strides = array<i32>} : memref<16x512xf32, #tpu.memory_space<vmem>>, vector<1x16xf32>,
          %div3A_239 = arith.divf %while3A_174#10, %broadcast_in_dim3A_180 : vector<16xf32>
          %swap3A_240 = arith.index_cast %scan3A_153 : i32 to index
          %swap3A_241 = arith.constant 160 : index
          %swap3A_242 = tpu.vector_load %arg10[%swap3A_240, %swap3A_241] {strides = array<i32>} : memref<16x512xf32, #tpu.memory_space<vmem>>, vector<1x16xf32>,
          %swap3A_243 = vector.shape_cast %swap3A_242 : vector<1x16xf32> to vector<16xf32>
          %swap3A_244 = vector.shape_cast %div3A_239 : vector<16xf32> to vector<1x16xf32>
          tpu.vector_store %arg10[%swap3A_240, %swap3A_241], %swap3A_244 {add = true, strides = array<i32>} : memref<16x512xf32, #tpu.memory_space<vmem>>, vector<1x16xf32>,
          %div3A_245 = arith.divf %while3A_174#11, %broadcast_in_dim3A_180 : vector<16xf32>
          %swap3A_246 = arith.index_cast %scan3A_153 : i32 to index
          %swap3A_247 = arith.constant 176 : index
          %swap3A_248 = tpu.vector_load %arg10[%swap3A_246, %swap3A_247] {strides = array<i32>} : memref<16x512xf32, #tpu.memory_space<vmem>>, vector<1x16xf32>,
          %swap3A_249 = vector.shape_cast %swap3A_248 : vector<1x16xf32> to vector<16xf32>
          %swap3A_250 = vector.shape_cast %div3A_245 : vector<16xf32> to vector<1x16xf32>
          tpu.vector_store %arg10[%swap3A_246, %swap3A_247], %swap3A_250 {add = true, strides = array<i32>} : memref<16x512xf32, #tpu.memory_space<vmem>>, vector<1x16xf32>,
          %div3A_251 = arith.divf %while3A_174#12, %broadcast_in_dim3A_180 : vector<16xf32>
          %swap3A_252 = arith.index_cast %scan3A_153 : i32 to index
          %swap3A_253 = arith.constant 192 : index
          %swap3A_254 = tpu.vector_load %arg10[%swap3A_252, %swap3A_253] {strides = array<i32>} : memref<16x512xf32, #tpu.memory_space<vmem>>, vector<1x16xf32>,
          %swap3A_255 = vector.shape_cast %swap3A_254 : vector<1x16xf32> to vector<16xf32>
          %swap3A_256 = vector.shape_cast %div3A_251 : vector<16xf32> to vector<1x16xf32>
          tpu.vector_store %arg10[%swap3A_252, %swap3A_253], %swap3A_256 {add = true, strides = array<i32>} : memref<16x512xf32, #tpu.memory_space<vmem>>, vector<1x16xf32>,
          %div3A_257 = arith.divf %while3A_174#13, %broadcast_in_dim3A_180 : vector<16xf32>
          %swap3A_258 = arith.index_cast %scan3A_153 : i32 to index
          %swap3A_259 = arith.constant 208 : index
          %swap3A_260 = tpu.vector_load %arg10[%swap3A_258, %swap3A_259] {strides = array<i32>} : memref<16x512xf32, #tpu.memory_space<vmem>>, vector<1x16xf32>,
          %swap3A_261 = vector.shape_cast %swap3A_260 : vector<1x16xf32> to vector<16xf32>
          %swap3A_262 = vector.shape_cast %div3A_257 : vector<16xf32> to vector<1x16xf32>
          tpu.vector_store %arg10[%swap3A_258, %swap3A_259], %swap3A_262 {add = true, strides = array<i32>} : memref<16x512xf32, #tpu.memory_space<vmem>>, vector<1x16xf32>,
          %div3A_263 = arith.divf %while3A_174#14, %broadcast_in_dim3A_180 : vector<16xf32>
          %swap3A_264 = arith.index_cast %scan3A_153 : i32 to index
          %swap3A_265 = arith.constant 224 : index
          %swap3A_266 = tpu.vector_load %arg10[%swap3A_264, %swap3A_265] {strides = array<i32>} : memref<16x512xf32, #tpu.memory_space<vmem>>, vector<1x16xf32>,
          %swap3A_267 = vector.shape_cast %swap3A_266 : vector<1x16xf32> to vector<16xf32>
          %swap3A_268 = vector.shape_cast %div3A_263 : vector<16xf32> to vector<1x16xf32>
          tpu.vector_store %arg10[%swap3A_264, %swap3A_265], %swap3A_268 {add = true, strides = array<i32>} : memref<16x512xf32, #tpu.memory_space<vmem>>, vector<1x16xf32>,
          %div3A_269 = arith.divf %while3A_174#15, %broadcast_in_dim3A_180 : vector<16xf32>
          %swap3A_270 = arith.index_cast %scan3A_153 : i32 to index
          %swap3A_271 = arith.constant 240 : index
          %swap3A_272 = tpu.vector_load %arg10[%swap3A_270, %swap3A_271] {strides = array<i32>} : memref<16x512xf32, #tpu.memory_space<vmem>>, vector<1x16xf32>,
          %swap3A_273 = vector.shape_cast %swap3A_272 : vector<1x16xf32> to vector<16xf32>
          %swap3A_274 = vector.shape_cast %div3A_269 : vector<16xf32> to vector<1x16xf32>
          tpu.vector_store %arg10[%swap3A_270, %swap3A_271], %swap3A_274 {add = true, strides = array<i32>} : memref<16x512xf32, #tpu.memory_space<vmem>>, vector<1x16xf32>,
          %div3A_275 = arith.divf %while3A_174#16, %broadcast_in_dim3A_180 : vector<16xf32>
          %swap3A_276 = arith.index_cast %scan3A_153 : i32 to index
          %swap3A_277 = arith.constant 256 : index
          %swap3A_278 = tpu.vector_load %arg10[%swap3A_276, %swap3A_277] {strides = array<i32>} : memref<16x512xf32, #tpu.memory_space<vmem>>, vector<1x16xf32>,
          %swap3A_279 = vector.shape_cast %swap3A_278 : vector<1x16xf32> to vector<16xf32>
          %swap3A_280 = vector.shape_cast %div3A_275 : vector<16xf32> to vector<1x16xf32>
          tpu.vector_store %arg10[%swap3A_276, %swap3A_277], %swap3A_280 {add = true, strides = array<i32>} : memref<16x512xf32, #tpu.memory_space<vmem>>, vector<1x16xf32>,
          %div3A_281 = arith.divf %while3A_174#17, %broadcast_in_dim3A_180 : vector<16xf32>
          %swap3A_282 = arith.index_cast %scan3A_153 : i32 to index
          %swap3A_283 = arith.constant 272 : index
          %swap3A_284 = tpu.vector_load %arg10[%swap3A_282, %swap3A_283] {strides = array<i32>} : memref<16x512xf32, #tpu.memory_space<vmem>>, vector<1x16xf32>,
          %swap3A_285 = vector.shape_cast %swap3A_284 : vector<1x16xf32> to vector<16xf32>
          %swap3A_286 = vector.shape_cast %div3A_281 : vector<16xf32> to vector<1x16xf32>
          tpu.vector_store %arg10[%swap3A_282, %swap3A_283], %swap3A_286 {add = true, strides = array<i32>} : memref<16x512xf32, #tpu.memory_space<vmem>>, vector<1x16xf32>,
          %div3A_287 = arith.divf %while3A_174#18, %broadcast_in_dim3A_180 : vector<16xf32>
          %swap3A_288 = arith.index_cast %scan3A_153 : i32 to index
          %swap3A_289 = arith.constant 288 : index
          %swap3A_290 = tpu.vector_load %arg10[%swap3A_288, %swap3A_289] {strides = array<i32>} : memref<16x512xf32, #tpu.memory_space<vmem>>, vector<1x16xf32>,
          %swap3A_291 = vector.shape_cast %swap3A_290 : vector<1x16xf32> to vector<16xf32>
          %swap3A_292 = vector.shape_cast %div3A_287 : vector<16xf32> to vector<1x16xf32>
          tpu.vector_store %arg10[%swap3A_288, %swap3A_289], %swap3A_292 {add = true, strides = array<i32>} : memref<16x512xf32, #tpu.memory_space<vmem>>, vector<1x16xf32>,
          %div3A_293 = arith.divf %while3A_174#19, %broadcast_in_dim3A_180 : vector<16xf32>
          %swap3A_294 = arith.index_cast %scan3A_153 : i32 to index
          %swap3A_295 = arith.constant 304 : index
          %swap3A_296 = tpu.vector_load %arg10[%swap3A_294, %swap3A_295] {strides = array<i32>} : memref<16x512xf32, #tpu.memory_space<vmem>>, vector<1x16xf32>,
          %swap3A_297 = vector.shape_cast %swap3A_296 : vector<1x16xf32> to vector<16xf32>
          %swap3A_298 = vector.shape_cast %div3A_293 : vector<16xf32> to vector<1x16xf32>
          tpu.vector_store %arg10[%swap3A_294, %swap3A_295], %swap3A_298 {add = true, strides = array<i32>} : memref<16x512xf32, #tpu.memory_space<vmem>>, vector<1x16xf32>,
          %div3A_299 = arith.divf %while3A_174#20, %broadcast_in_dim3A_180 : vector<16xf32>
          %swap3A_300 = arith.index_cast %scan3A_153 : i32 to index
          %swap3A_301 = arith.constant 320 : index
          %swap3A_302 = tpu.vector_load %arg10[%swap3A_300, %swap3A_301] {strides = array<i32>} : memref<16x512xf32, #tpu.memory_space<vmem>>, vector<1x16xf32>,
          %swap3A_303 = vector.shape_cast %swap3A_302 : vector<1x16xf32> to vector<16xf32>
          %swap3A_304 = vector.shape_cast %div3A_299 : vector<16xf32> to vector<1x16xf32>
          tpu.vector_store %arg10[%swap3A_300, %swap3A_301], %swap3A_304 {add = true, strides = array<i32>} : memref<16x512xf32, #tpu.memory_space<vmem>>, vector<1x16xf32>,
          %div3A_305 = arith.divf %while3A_174#21, %broadcast_in_dim3A_180 : vector<16xf32>
          %swap3A_306 = arith.index_cast %scan3A_153 : i32 to index
          %swap3A_307 = arith.constant 336 : index
          %swap3A_308 = tpu.vector_load %arg10[%swap3A_306, %swap3A_307] {strides = array<i32>} : memref<16x512xf32, #tpu.memory_space<vmem>>, vector<1x16xf32>,
          %swap3A_309 = vector.shape_cast %swap3A_308 : vector<1x16xf32> to vector<16xf32>
          %swap3A_310 = vector.shape_cast %div3A_305 : vector<16xf32> to vector<1x16xf32>
          tpu.vector_store %arg10[%swap3A_306, %swap3A_307], %swap3A_310 {add = true, strides = array<i32>} : memref<16x512xf32, #tpu.memory_space<vmem>>, vector<1x16xf32>,
          %div3A_311 = arith.divf %while3A_174#22, %broadcast_in_dim3A_180 : vector<16xf32>
          %swap3A_312 = arith.index_cast %scan3A_153 : i32 to index
          %swap3A_313 = arith.constant 352 : index
          %swap3A_314 = tpu.vector_load %arg10[%swap3A_312, %swap3A_313] {strides = array<i32>} : memref<16x512xf32, #tpu.memory_space<vmem>>, vector<1x16xf32>,
          %swap3A_315 = vector.shape_cast %swap3A_314 : vector<1x16xf32> to vector<16xf32>
          %swap3A_316 = vector.shape_cast %div3A_311 : vector<16xf32> to vector<1x16xf32>
          tpu.vector_store %arg10[%swap3A_312, %swap3A_313], %swap3A_316 {add = true, strides = array<i32>} : memref<16x512xf32, #tpu.memory_space<vmem>>, vector<1x16xf32>,
          %div3A_317 = arith.divf %while3A_174#23, %broadcast_in_dim3A_180 : vector<16xf32>
          %swap3A_318 = arith.index_cast %scan3A_153 : i32 to index
          %swap3A_319 = arith.constant 368 : index
          %swap3A_320 = tpu.vector_load %arg10[%swap3A_318, %swap3A_319] {strides = array<i32>} : memref<16x512xf32, #tpu.memory_space<vmem>>, vector<1x16xf32>,
          %swap3A_321 = vector.shape_cast %swap3A_320 : vector<1x16xf32> to vector<16xf32>
          %swap3A_322 = vector.shape_cast %div3A_317 : vector<16xf32> to vector<1x16xf32>
          tpu.vector_store %arg10[%swap3A_318, %swap3A_319], %swap3A_322 {add = true, strides = array<i32>} : memref<16x512xf32, #tpu.memory_space<vmem>>, vector<1x16xf32>,
          %div3A_323 = arith.divf %while3A_174#24, %broadcast_in_dim3A_180 : vector<16xf32>
          %swap3A_324 = arith.index_cast %scan3A_153 : i32 to index
          %swap3A_325 = arith.constant 384 : index
          %swap3A_326 = tpu.vector_load %arg10[%swap3A_324, %swap3A_325] {strides = array<i32>} : memref<16x512xf32, #tpu.memory_space<vmem>>, vector<1x16xf32>,
          %swap3A_327 = vector.shape_cast %swap3A_326 : vector<1x16xf32> to vector<16xf32>
          %swap3A_328 = vector.shape_cast %div3A_323 : vector<16xf32> to vector<1x16xf32>
          tpu.vector_store %arg10[%swap3A_324, %swap3A_325], %swap3A_328 {add = true, strides = array<i32>} : memref<16x512xf32, #tpu.memory_space<vmem>>, vector<1x16xf32>,
          %div3A_329 = arith.divf %while3A_174#25, %broadcast_in_dim3A_180 : vector<16xf32>
          %swap3A_330 = arith.index_cast %scan3A_153 : i32 to index
          %swap3A_331 = arith.constant 400 : index
          %swap3A_332 = tpu.vector_load %arg10[%swap3A_330, %swap3A_331] {strides = array<i32>} : memref<16x512xf32, #tpu.memory_space<vmem>>, vector<1x16xf32>,
          %swap3A_333 = vector.shape_cast %swap3A_332 : vector<1x16xf32> to vector<16xf32>
          %swap3A_334 = vector.shape_cast %div3A_329 : vector<16xf32> to vector<1x16xf32>
          tpu.vector_store %arg10[%swap3A_330, %swap3A_331], %swap3A_334 {add = true, strides = array<i32>} : memref<16x512xf32, #tpu.memory_space<vmem>>, vector<1x16xf32>,
          %div3A_335 = arith.divf %while3A_174#26, %broadcast_in_dim3A_180 : vector<16xf32>
          %swap3A_336 = arith.index_cast %scan3A_153 : i32 to index
          %swap3A_337 = arith.constant 416 : index
          %swap3A_338 = tpu.vector_load %arg10[%swap3A_336, %swap3A_337] {strides = array<i32>} : memref<16x512xf32, #tpu.memory_space<vmem>>, vector<1x16xf32>,
          %swap3A_339 = vector.shape_cast %swap3A_338 : vector<1x16xf32> to vector<16xf32>
          %swap3A_340 = vector.shape_cast %div3A_335 : vector<16xf32> to vector<1x16xf32>
          tpu.vector_store %arg10[%swap3A_336, %swap3A_337], %swap3A_340 {add = true, strides = array<i32>} : memref<16x512xf32, #tpu.memory_space<vmem>>, vector<1x16xf32>,
          %div3A_341 = arith.divf %while3A_174#27, %broadcast_in_dim3A_180 : vector<16xf32>
          %swap3A_342 = arith.index_cast %scan3A_153 : i32 to index
          %swap3A_343 = arith.constant 432 : index
          %swap3A_344 = tpu.vector_load %arg10[%swap3A_342, %swap3A_343] {strides = array<i32>} : memref<16x512xf32, #tpu.memory_space<vmem>>, vector<1x16xf32>,
          %swap3A_345 = vector.shape_cast %swap3A_344 : vector<1x16xf32> to vector<16xf32>
          %swap3A_346 = vector.shape_cast %div3A_341 : vector<16xf32> to vector<1x16xf32>
          tpu.vector_store %arg10[%swap3A_342, %swap3A_343], %swap3A_346 {add = true, strides = array<i32>} : memref<16x512xf32, #tpu.memory_space<vmem>>, vector<1x16xf32>,
          %div3A_347 = arith.divf %while3A_174#28, %broadcast_in_dim3A_180 : vector<16xf32>
          %swap3A_348 = arith.index_cast %scan3A_153 : i32 to index
          %swap3A_349 = arith.constant 448 : index
          %swap3A_350 = tpu.vector_load %arg10[%swap3A_348, %swap3A_349] {strides = array<i32>} : memref<16x512xf32, #tpu.memory_space<vmem>>, vector<1x16xf32>,
          %swap3A_351 = vector.shape_cast %swap3A_350 : vector<1x16xf32> to vector<16xf32>
          %swap3A_352 = vector.shape_cast %div3A_347 : vector<16xf32> to vector<1x16xf32>
          tpu.vector_store %arg10[%swap3A_348, %swap3A_349], %swap3A_352 {add = true, strides = array<i32>} : memref<16x512xf32, #tpu.memory_space<vmem>>, vector<1x16xf32>,
          %div3A_353 = arith.divf %while3A_174#29, %broadcast_in_dim3A_180 : vector<16xf32>
          %swap3A_354 = arith.index_cast %scan3A_153 : i32 to index
          %swap3A_355 = arith.constant 464 : index
          %swap3A_356 = tpu.vector_load %arg10[%swap3A_354, %swap3A_355] {strides = array<i32>} : memref<16x512xf32, #tpu.memory_space<vmem>>, vector<1x16xf32>,
          %swap3A_357 = vector.shape_cast %swap3A_356 : vector<1x16xf32> to vector<16xf32>
          %swap3A_358 = vector.shape_cast %div3A_353 : vector<16xf32> to vector<1x16xf32>
          tpu.vector_store %arg10[%swap3A_354, %swap3A_355], %swap3A_358 {add = true, strides = array<i32>} : memref<16x512xf32, #tpu.memory_space<vmem>>, vector<1x16xf32>,
          %div3A_359 = arith.divf %while3A_174#30, %broadcast_in_dim3A_180 : vector<16xf32>
          %swap3A_360 = arith.index_cast %scan3A_153 : i32 to index
          %swap3A_361 = arith.constant 480 : index
          %swap3A_362 = tpu.vector_load %arg10[%swap3A_360, %swap3A_361] {strides = array<i32>} : memref<16x512xf32, #tpu.memory_space<vmem>>, vector<1x16xf32>,
          %swap3A_363 = vector.shape_cast %swap3A_362 : vector<1x16xf32> to vector<16xf32>
          %swap3A_364 = vector.shape_cast %div3A_359 : vector<16xf32> to vector<1x16xf32>
          tpu.vector_store %arg10[%swap3A_360, %swap3A_361], %swap3A_364 {add = true, strides = array<i32>} : memref<16x512xf32, #tpu.memory_space<vmem>>, vector<1x16xf32>,
          %div3A_365 = arith.divf %while3A_174#31, %broadcast_in_dim3A_180 : vector<16xf32>
          %swap3A_366 = arith.index_cast %scan3A_153 : i32 to index
          %swap3A_367 = arith.constant 496 : index
          %swap3A_368 = tpu.vector_load %arg10[%swap3A_366, %swap3A_367] {strides = array<i32>} : memref<16x512xf32, #tpu.memory_space<vmem>>, vector<1x16xf32>,
          %swap3A_369 = vector.shape_cast %swap3A_368 : vector<1x16xf32> to vector<16xf32>
          %swap3A_370 = vector.shape_cast %div3A_365 : vector<16xf32> to vector<1x16xf32>
          tpu.vector_store %arg10[%swap3A_366, %swap3A_367], %swap3A_370 {add = true, strides = array<i32>} : memref<16x512xf32, #tpu.memory_space<vmem>>, vector<1x16xf32>,
        } else {
        }
        %scan3A_178 = arith.constant 0 : i32
        scf.yield %scan3A_178 : i32
      }
      %scan3A_88 = arith.constant 16 : i32
      %add3A_89 = arith.constant 4 : i32
      %add3A_90 = arith.addi %add3A_71, %add3A_89 : i32
      %lt3A_91 = arith.constant 8 : i32
      %lt3A_92 = arith.cmpi slt, %add3A_90, %lt3A_91 : i32
      %convert_element_type3A_93 = arith.extui %lt3A_92 : i1 to i32
      %cond3A_94 = arith.constant 0 : i32
      %cond3A_95 = arith.cmpi ne, %convert_element_type3A_93, %cond3A_94 : i32
      scf.if %cond3A_95 {
        %add3A_153 = arith.constant 4 : i32
        %add3A_154 = arith.addi %add3A_71, %add3A_153 : i32
        %mul3A_155 = arith.constant 56 : i32
        %mul3A_156 = arith.muli %add3A_154, %mul3A_155 : i32
        %add3A_157 = arith.addi %mul3A_2, %mul3A_156 : i32
        %dma_start3A_158 = arith.constant 0 : i32
        %dma_start3A_159 = tpu.memref_slice %arg2[%add3A_157, %dma_start3A_158] : memref<32768x512xf32, #tpu.memory_space<hbm>> -> memref<56x512xf32, #tpu.memory_space<hbm>>
        %dma_start3A_160 = arith.constant 0 : i32
        %dma_start3A_161 = tpu.memref_slice %arg2[%add3A_157, %dma_start3A_160] : memref<32768x512xf32, #tpu.memory_space<hbm>> -> memref<56x512xf32, #tpu.memory_space<hbm>>
        tpu.enqueue_dma source(%dma_start3A_161 : memref<56x512xf32, #tpu.memory_space<hbm>>) target(%arg6 : memref<56x512xf32, #tpu.memory_space<vmem>>) target_semaphore(%arg12 : memref<!tpu.dma_semaphore, #tpu.memory_space<semaphore_mem>>)
      } else {
      }
      %mul3A_96 = arith.constant 4 : i32
      %mul3A_97 = arith.muli %scan3A_42, %mul3A_96 : i32
      %add3A_98 = arith.constant 2 : i32
      %add3A_99 = arith.addi %mul3A_97, %add3A_98 : i32
      %mul3A_100 = arith.constant 56 : i32
      %mul3A_101 = arith.muli %add3A_99, %mul3A_100 : i32
      %add3A_102 = arith.addi %mul3A_2, %mul3A_101 : i32
      %dma_wait3A_103 = arith.constant 0 : i32
      %dma_wait3A_104 = tpu.memref_slice %arg2[%add3A_102, %dma_wait3A_103] : memref<32768x512xf32, #tpu.memory_space<hbm>> -> memref<56x512xf32, #tpu.memory_space<hbm>>
      %dma_wait3A_105 = arith.constant 0 : i32
      %dma_wait3A_106 = tpu.memref_slice %arg2[%add3A_102, %dma_wait3A_105] : memref<32768x512xf32, #tpu.memory_space<hbm>> -> memref<56x512xf32, #tpu.memory_space<hbm>>
      tpu.wait_dma2 semaphore(%arg13 : memref<!tpu.dma_semaphore, #tpu.memory_space<semaphore_mem>>) src(%dma_wait3A_106 : memref<56x512xf32, #tpu.memory_space<hbm>>) dst(%arg7 : memref<56x512xf32, #tpu.memory_space<vmem>>)
      %mul3A_107 = arith.constant 56 : i32
      %mul3A_108 = arith.muli %add3A_99, %mul3A_107 : i32
      %add3A_109 = arith.addi %mul3A_2, %mul3A_108 : i32
      %scan3A_110 = arith.constant 0 : i32
      %scan3A_111 = arith.constant 0 : i32
      %scan3A_112 = arith.constant 16 : i32
      %scan3A_113 = arith.addi %scan3A_111, %scan3A_112 : i32
      %scan3A_114 = arith.constant 1 : i32
      %scan3A_115 = scf.for %scan3A_153 = %scan3A_111 to %scan3A_113 step %scan3A_114 iter_args(%scan3A_154 = %scan3A_110) -> (i32)  : i32 {
        %get3A = arith.index_cast %scan3A_153 : i32 to index
        %get3A_155 = tpu.vector_load %arg9[%get3A] {strides = array<i32>} : memref<32xi32, #tpu.memory_space<vmem>>, vector<16xi32>,
        %get3A_156 = vector.shape_cast %get3A_155 : vector<16xi32> to vector<16xi32>
        %slice3A = vector.extract_strided_slice %get3A_156 {offsets = [0], sizes = [1], strides = [1]} : vector<16xi32> to vector<1xi32>
        %squeeze3A = vector.extract %slice3A[0] : i32 from vector<1xi32>
        %add3A_157 = arith.constant 1 : i32
        %add3A_158 = arith.addi %scan3A_153, %add3A_157 : i32
        %get3A_159 = arith.index_cast %add3A_158 : i32 to index
        %get3A_160 = tpu.vector_load %arg9[%get3A_159] {strides = array<i32>} : memref<32xi32, #tpu.memory_space<vmem>>, vector<16xi32>,
        %get3A_161 = vector.shape_cast %get3A_160 : vector<16xi32> to vector<16xi32>
        %slice3A_162 = vector.extract_strided_slice %get3A_161 {offsets = [0], sizes = [1], strides = [1]} : vector<16xi32> to vector<1xi32>
        %squeeze3A_163 = vector.extract %slice3A_162[0] : i32 from vector<1xi32>
        %max3A = arith.maxsi %squeeze3A, %add3A_109 : i32
        %add3A_164 = arith.constant 56 : i32
        %add3A_165 = arith.addi %add3A_109, %add3A_164 : i32
        %min3A = arith.minsi %squeeze3A_163, %add3A_165 : i32
        %while3A = arith.subi %min3A, %max3A : i32
        %while3A_166 = arith.addi %max3A, %while3A : i32
        %while3A_167 = arith.constant 1 : i32
        %while3A_168 = arith.divsi %while3A, %while3A_167 : i32
        %while3A_169 = arith.muli %while3A_168, %while3A_167 : i32
        %while3A_170 = arith.addi %max3A, %while3A_169 : i32
        %while3A_171 = arith.constant 1 : i32
        %while3A_172:32 = scf.for %while3A_179 = %max3A to %while3A_170 step %while3A_171 iter_args(%while3A_180 = %broadcast_in_dim3A_26, %while3A_181 = %broadcast_in_dim3A_26, %while3A_182 = %broadcast_in_dim3A_26, %while3A_183 = %broadcast_in_dim3A_26, %while3A_184 = %broadcast_in_dim3A_26, %while3A_185 = %broadcast_in_dim3A_26, %while3A_186 = %broadcast_in_dim3A_26, %while3A_187 = %broadcast_in_dim3A_26, %while3A_188 = %broadcast_in_dim3A_26, %while3A_189 = %broadcast_in_dim3A_26, %while3A_190 = %broadcast_in_dim3A_26, %while3A_191 = %broadcast_in_dim3A_26, %while3A_192 = %broadcast_in_dim3A_26, %while3A_193 = %broadcast_in_dim3A_26, %while3A_194 = %broadcast_in_dim3A_26, %while3A_195 = %broadcast_in_dim3A_26, %while3A_196 = %broadcast_in_dim3A_26, %while3A_197 = %broadcast_in_dim3A_26, %while3A_198 = %broadcast_in_dim3A_26, %while3A_199 = %broadcast_in_dim3A_26, %while3A_200 = %broadcast_in_dim3A_26, %while3A_201 = %broadcast_in_dim3A_26, %while3A_202 = %broadcast_in_dim3A_26, %while3A_203 = %broadcast_in_dim3A_26, %while3A_204 = %broadcast_in_dim3A_26, %while3A_205 = %broadcast_in_dim3A_26, %while3A_206 = %broadcast_in_dim3A_26, %while3A_207 = %broadcast_in_dim3A_26, %while3A_208 = %broadcast_in_dim3A_26, %while3A_209 = %broadcast_in_dim3A_26, %while3A_210 = %broadcast_in_dim3A_26, %while3A_211 = %broadcast_in_dim3A_26) -> (vector<16xf32>, vector<16xf32>, vector<16xf32>, vector<16xf32>, vector<16xf32>, vector<16xf32>, vector<16xf32>, vector<16xf32>, vector<16xf32>, vector<16xf32>, vector<16xf32>, vector<16xf32>, vector<16xf32>, vector<16xf32>, vector<16xf32>, vector<16xf32>, vector<16xf32>, vector<16xf32>, vector<16xf32>, vector<16xf32>, vector<16xf32>, vector<16xf32>, vector<16xf32>, vector<16xf32>, vector<16xf32>, vector<16xf32>, vector<16xf32>, vector<16xf32>, vector<16xf32>, vector<16xf32>, vector<16xf32>, vector<16xf32>)  : i32 {
          %sub3A = arith.subi %while3A_179, %add3A_109 : i32
          %get3A_212 = arith.index_cast %sub3A : i32 to index
          %get3A_213 = arith.constant 0 : index
          %get3A_214 = tpu.vector_load %arg7[%get3A_212, %get3A_213] {strides = array<i32>} : memref<56x512xf32, #tpu.memory_space<vmem>>, vector<1x16xf32>,
          %get3A_215 = vector.shape_cast %get3A_214 : vector<1x16xf32> to vector<16xf32>
          %add3A_216 = arith.addf %while3A_180, %get3A_215 : vector<16xf32>
          %get3A_217 = arith.index_cast %sub3A : i32 to index
          %get3A_218 = arith.constant 16 : index
          %get3A_219 = tpu.vector_load %arg7[%get3A_217, %get3A_218] {strides = array<i32>} : memref<56x512xf32, #tpu.memory_space<vmem>>, vector<1x16xf32>,
          %get3A_220 = vector.shape_cast %get3A_219 : vector<1x16xf32> to vector<16xf32>
          %add3A_221 = arith.addf %while3A_181, %get3A_220 : vector<16xf32>
          %get3A_222 = arith.index_cast %sub3A : i32 to index
          %get3A_223 = arith.constant 32 : index
          %get3A_224 = tpu.vector_load %arg7[%get3A_222, %get3A_223] {strides = array<i32>} : memref<56x512xf32, #tpu.memory_space<vmem>>, vector<1x16xf32>,
          %get3A_225 = vector.shape_cast %get3A_224 : vector<1x16xf32> to vector<16xf32>
          %add3A_226 = arith.addf %while3A_182, %get3A_225 : vector<16xf32>
          %get3A_227 = arith.index_cast %sub3A : i32 to index
          %get3A_228 = arith.constant 48 : index
          %get3A_229 = tpu.vector_load %arg7[%get3A_227, %get3A_228] {strides = array<i32>} : memref<56x512xf32, #tpu.memory_space<vmem>>, vector<1x16xf32>,
          %get3A_230 = vector.shape_cast %get3A_229 : vector<1x16xf32> to vector<16xf32>
          %add3A_231 = arith.addf %while3A_183, %get3A_230 : vector<16xf32>
          %get3A_232 = arith.index_cast %sub3A : i32 to index
          %get3A_233 = arith.constant 64 : index
          %get3A_234 = tpu.vector_load %arg7[%get3A_232, %get3A_233] {strides = array<i32>} : memref<56x512xf32, #tpu.memory_space<vmem>>, vector<1x16xf32>,
          %get3A_235 = vector.shape_cast %get3A_234 : vector<1x16xf32> to vector<16xf32>
          %add3A_236 = arith.addf %while3A_184, %get3A_235 : vector<16xf32>
          %get3A_237 = arith.index_cast %sub3A : i32 to index
          %get3A_238 = arith.constant 80 : index
          %get3A_239 = tpu.vector_load %arg7[%get3A_237, %get3A_238] {strides = array<i32>} : memref<56x512xf32, #tpu.memory_space<vmem>>, vector<1x16xf32>,
          %get3A_240 = vector.shape_cast %get3A_239 : vector<1x16xf32> to vector<16xf32>
          %add3A_241 = arith.addf %while3A_185, %get3A_240 : vector<16xf32>
          %get3A_242 = arith.index_cast %sub3A : i32 to index
          %get3A_243 = arith.constant 96 : index
          %get3A_244 = tpu.vector_load %arg7[%get3A_242, %get3A_243] {strides = array<i32>} : memref<56x512xf32, #tpu.memory_space<vmem>>, vector<1x16xf32>,
          %get3A_245 = vector.shape_cast %get3A_244 : vector<1x16xf32> to vector<16xf32>
          %add3A_246 = arith.addf %while3A_186, %get3A_245 : vector<16xf32>
          %get3A_247 = arith.index_cast %sub3A : i32 to index
          %get3A_248 = arith.constant 112 : index
          %get3A_249 = tpu.vector_load %arg7[%get3A_247, %get3A_248] {strides = array<i32>} : memref<56x512xf32, #tpu.memory_space<vmem>>, vector<1x16xf32>,
          %get3A_250 = vector.shape_cast %get3A_249 : vector<1x16xf32> to vector<16xf32>
          %add3A_251 = arith.addf %while3A_187, %get3A_250 : vector<16xf32>
          %get3A_252 = arith.index_cast %sub3A : i32 to index
          %get3A_253 = arith.constant 128 : index
          %get3A_254 = tpu.vector_load %arg7[%get3A_252, %get3A_253] {strides = array<i32>} : memref<56x512xf32, #tpu.memory_space<vmem>>, vector<1x16xf32>,
          %get3A_255 = vector.shape_cast %get3A_254 : vector<1x16xf32> to vector<16xf32>
          %add3A_256 = arith.addf %while3A_188, %get3A_255 : vector<16xf32>
          %get3A_257 = arith.index_cast %sub3A : i32 to index
          %get3A_258 = arith.constant 144 : index
          %get3A_259 = tpu.vector_load %arg7[%get3A_257, %get3A_258] {strides = array<i32>} : memref<56x512xf32, #tpu.memory_space<vmem>>, vector<1x16xf32>,
          %get3A_260 = vector.shape_cast %get3A_259 : vector<1x16xf32> to vector<16xf32>
          %add3A_261 = arith.addf %while3A_189, %get3A_260 : vector<16xf32>
          %get3A_262 = arith.index_cast %sub3A : i32 to index
          %get3A_263 = arith.constant 160 : index
          %get3A_264 = tpu.vector_load %arg7[%get3A_262, %get3A_263] {strides = array<i32>} : memref<56x512xf32, #tpu.memory_space<vmem>>, vector<1x16xf32>,
          %get3A_265 = vector.shape_cast %get3A_264 : vector<1x16xf32> to vector<16xf32>
          %add3A_266 = arith.addf %while3A_190, %get3A_265 : vector<16xf32>
          %get3A_267 = arith.index_cast %sub3A : i32 to index
          %get3A_268 = arith.constant 176 : index
          %get3A_269 = tpu.vector_load %arg7[%get3A_267, %get3A_268] {strides = array<i32>} : memref<56x512xf32, #tpu.memory_space<vmem>>, vector<1x16xf32>,
          %get3A_270 = vector.shape_cast %get3A_269 : vector<1x16xf32> to vector<16xf32>
          %add3A_271 = arith.addf %while3A_191, %get3A_270 : vector<16xf32>
          %get3A_272 = arith.index_cast %sub3A : i32 to index
          %get3A_273 = arith.constant 192 : index
          %get3A_274 = tpu.vector_load %arg7[%get3A_272, %get3A_273] {strides = array<i32>} : memref<56x512xf32, #tpu.memory_space<vmem>>, vector<1x16xf32>,
          %get3A_275 = vector.shape_cast %get3A_274 : vector<1x16xf32> to vector<16xf32>
          %add3A_276 = arith.addf %while3A_192, %get3A_275 : vector<16xf32>
          %get3A_277 = arith.index_cast %sub3A : i32 to index
          %get3A_278 = arith.constant 208 : index
          %get3A_279 = tpu.vector_load %arg7[%get3A_277, %get3A_278] {strides = array<i32>} : memref<56x512xf32, #tpu.memory_space<vmem>>, vector<1x16xf32>,
          %get3A_280 = vector.shape_cast %get3A_279 : vector<1x16xf32> to vector<16xf32>
          %add3A_281 = arith.addf %while3A_193, %get3A_280 : vector<16xf32>
          %get3A_282 = arith.index_cast %sub3A : i32 to index
          %get3A_283 = arith.constant 224 : index
          %get3A_284 = tpu.vector_load %arg7[%get3A_282, %get3A_283] {strides = array<i32>} : memref<56x512xf32, #tpu.memory_space<vmem>>, vector<1x16xf32>,
          %get3A_285 = vector.shape_cast %get3A_284 : vector<1x16xf32> to vector<16xf32>
          %add3A_286 = arith.addf %while3A_194, %get3A_285 : vector<16xf32>
          %get3A_287 = arith.index_cast %sub3A : i32 to index
          %get3A_288 = arith.constant 240 : index
          %get3A_289 = tpu.vector_load %arg7[%get3A_287, %get3A_288] {strides = array<i32>} : memref<56x512xf32, #tpu.memory_space<vmem>>, vector<1x16xf32>,
          %get3A_290 = vector.shape_cast %get3A_289 : vector<1x16xf32> to vector<16xf32>
          %add3A_291 = arith.addf %while3A_195, %get3A_290 : vector<16xf32>
          %get3A_292 = arith.index_cast %sub3A : i32 to index
          %get3A_293 = arith.constant 256 : index
          %get3A_294 = tpu.vector_load %arg7[%get3A_292, %get3A_293] {strides = array<i32>} : memref<56x512xf32, #tpu.memory_space<vmem>>, vector<1x16xf32>,
          %get3A_295 = vector.shape_cast %get3A_294 : vector<1x16xf32> to vector<16xf32>
          %add3A_296 = arith.addf %while3A_196, %get3A_295 : vector<16xf32>
          %get3A_297 = arith.index_cast %sub3A : i32 to index
          %get3A_298 = arith.constant 272 : index
          %get3A_299 = tpu.vector_load %arg7[%get3A_297, %get3A_298] {strides = array<i32>} : memref<56x512xf32, #tpu.memory_space<vmem>>, vector<1x16xf32>,
          %get3A_300 = vector.shape_cast %get3A_299 : vector<1x16xf32> to vector<16xf32>
          %add3A_301 = arith.addf %while3A_197, %get3A_300 : vector<16xf32>
          %get3A_302 = arith.index_cast %sub3A : i32 to index
          %get3A_303 = arith.constant 288 : index
          %get3A_304 = tpu.vector_load %arg7[%get3A_302, %get3A_303] {strides = array<i32>} : memref<56x512xf32, #tpu.memory_space<vmem>>, vector<1x16xf32>,
          %get3A_305 = vector.shape_cast %get3A_304 : vector<1x16xf32> to vector<16xf32>
          %add3A_306 = arith.addf %while3A_198, %get3A_305 : vector<16xf32>
          %get3A_307 = arith.index_cast %sub3A : i32 to index
          %get3A_308 = arith.constant 304 : index
          %get3A_309 = tpu.vector_load %arg7[%get3A_307, %get3A_308] {strides = array<i32>} : memref<56x512xf32, #tpu.memory_space<vmem>>, vector<1x16xf32>,
          %get3A_310 = vector.shape_cast %get3A_309 : vector<1x16xf32> to vector<16xf32>
          %add3A_311 = arith.addf %while3A_199, %get3A_310 : vector<16xf32>
          %get3A_312 = arith.index_cast %sub3A : i32 to index
          %get3A_313 = arith.constant 320 : index
          %get3A_314 = tpu.vector_load %arg7[%get3A_312, %get3A_313] {strides = array<i32>} : memref<56x512xf32, #tpu.memory_space<vmem>>, vector<1x16xf32>,
          %get3A_315 = vector.shape_cast %get3A_314 : vector<1x16xf32> to vector<16xf32>
          %add3A_316 = arith.addf %while3A_200, %get3A_315 : vector<16xf32>
          %get3A_317 = arith.index_cast %sub3A : i32 to index
          %get3A_318 = arith.constant 336 : index
          %get3A_319 = tpu.vector_load %arg7[%get3A_317, %get3A_318] {strides = array<i32>} : memref<56x512xf32, #tpu.memory_space<vmem>>, vector<1x16xf32>,
          %get3A_320 = vector.shape_cast %get3A_319 : vector<1x16xf32> to vector<16xf32>
          %add3A_321 = arith.addf %while3A_201, %get3A_320 : vector<16xf32>
          %get3A_322 = arith.index_cast %sub3A : i32 to index
          %get3A_323 = arith.constant 352 : index
          %get3A_324 = tpu.vector_load %arg7[%get3A_322, %get3A_323] {strides = array<i32>} : memref<56x512xf32, #tpu.memory_space<vmem>>, vector<1x16xf32>,
          %get3A_325 = vector.shape_cast %get3A_324 : vector<1x16xf32> to vector<16xf32>
          %add3A_326 = arith.addf %while3A_202, %get3A_325 : vector<16xf32>
          %get3A_327 = arith.index_cast %sub3A : i32 to index
          %get3A_328 = arith.constant 368 : index
          %get3A_329 = tpu.vector_load %arg7[%get3A_327, %get3A_328] {strides = array<i32>} : memref<56x512xf32, #tpu.memory_space<vmem>>, vector<1x16xf32>,
          %get3A_330 = vector.shape_cast %get3A_329 : vector<1x16xf32> to vector<16xf32>
          %add3A_331 = arith.addf %while3A_203, %get3A_330 : vector<16xf32>
          %get3A_332 = arith.index_cast %sub3A : i32 to index
          %get3A_333 = arith.constant 384 : index
          %get3A_334 = tpu.vector_load %arg7[%get3A_332, %get3A_333] {strides = array<i32>} : memref<56x512xf32, #tpu.memory_space<vmem>>, vector<1x16xf32>,
          %get3A_335 = vector.shape_cast %get3A_334 : vector<1x16xf32> to vector<16xf32>
          %add3A_336 = arith.addf %while3A_204, %get3A_335 : vector<16xf32>
          %get3A_337 = arith.index_cast %sub3A : i32 to index
          %get3A_338 = arith.constant 400 : index
          %get3A_339 = tpu.vector_load %arg7[%get3A_337, %get3A_338] {strides = array<i32>} : memref<56x512xf32, #tpu.memory_space<vmem>>, vector<1x16xf32>,
          %get3A_340 = vector.shape_cast %get3A_339 : vector<1x16xf32> to vector<16xf32>
          %add3A_341 = arith.addf %while3A_205, %get3A_340 : vector<16xf32>
          %get3A_342 = arith.index_cast %sub3A : i32 to index
          %get3A_343 = arith.constant 416 : index
          %get3A_344 = tpu.vector_load %arg7[%get3A_342, %get3A_343] {strides = array<i32>} : memref<56x512xf32, #tpu.memory_space<vmem>>, vector<1x16xf32>,
          %get3A_345 = vector.shape_cast %get3A_344 : vector<1x16xf32> to vector<16xf32>
          %add3A_346 = arith.addf %while3A_206, %get3A_345 : vector<16xf32>
          %get3A_347 = arith.index_cast %sub3A : i32 to index
          %get3A_348 = arith.constant 432 : index
          %get3A_349 = tpu.vector_load %arg7[%get3A_347, %get3A_348] {strides = array<i32>} : memref<56x512xf32, #tpu.memory_space<vmem>>, vector<1x16xf32>,
          %get3A_350 = vector.shape_cast %get3A_349 : vector<1x16xf32> to vector<16xf32>
          %add3A_351 = arith.addf %while3A_207, %get3A_350 : vector<16xf32>
          %get3A_352 = arith.index_cast %sub3A : i32 to index
          %get3A_353 = arith.constant 448 : index
          %get3A_354 = tpu.vector_load %arg7[%get3A_352, %get3A_353] {strides = array<i32>} : memref<56x512xf32, #tpu.memory_space<vmem>>, vector<1x16xf32>,
          %get3A_355 = vector.shape_cast %get3A_354 : vector<1x16xf32> to vector<16xf32>
          %add3A_356 = arith.addf %while3A_208, %get3A_355 : vector<16xf32>
          %get3A_357 = arith.index_cast %sub3A : i32 to index
          %get3A_358 = arith.constant 464 : index
          %get3A_359 = tpu.vector_load %arg7[%get3A_357, %get3A_358] {strides = array<i32>} : memref<56x512xf32, #tpu.memory_space<vmem>>, vector<1x16xf32>,
          %get3A_360 = vector.shape_cast %get3A_359 : vector<1x16xf32> to vector<16xf32>
          %add3A_361 = arith.addf %while3A_209, %get3A_360 : vector<16xf32>
          %get3A_362 = arith.index_cast %sub3A : i32 to index
          %get3A_363 = arith.constant 480 : index
          %get3A_364 = tpu.vector_load %arg7[%get3A_362, %get3A_363] {strides = array<i32>} : memref<56x512xf32, #tpu.memory_space<vmem>>, vector<1x16xf32>,
          %get3A_365 = vector.shape_cast %get3A_364 : vector<1x16xf32> to vector<16xf32>
          %add3A_366 = arith.addf %while3A_210, %get3A_365 : vector<16xf32>
          %get3A_367 = arith.index_cast %sub3A : i32 to index
          %get3A_368 = arith.constant 496 : index
          %get3A_369 = tpu.vector_load %arg7[%get3A_367, %get3A_368] {strides = array<i32>} : memref<56x512xf32, #tpu.memory_space<vmem>>, vector<1x16xf32>,
          %get3A_370 = vector.shape_cast %get3A_369 : vector<1x16xf32> to vector<16xf32>
          %add3A_371 = arith.addf %while3A_211, %get3A_370 : vector<16xf32>
          scf.yield %add3A_216, %add3A_221, %add3A_226, %add3A_231, %add3A_236, %add3A_241, %add3A_246, %add3A_251, %add3A_256, %add3A_261, %add3A_266, %add3A_271, %add3A_276, %add3A_281, %add3A_286, %add3A_291, %add3A_296, %add3A_301, %add3A_306, %add3A_311, %add3A_316, %add3A_321, %add3A_326, %add3A_331, %add3A_336, %add3A_341, %add3A_346, %add3A_351, %add3A_356, %add3A_361, %add3A_366, %add3A_371 : vector<16xf32>, vector<16xf32>, vector<16xf32>, vector<16xf32>, vector<16xf32>, vector<16xf32>, vector<16xf32>, vector<16xf32>, vector<16xf32>, vector<16xf32>, vector<16xf32>, vector<16xf32>, vector<16xf32>, vector<16xf32>, vector<16xf32>, vector<16xf32>, vector<16xf32>, vector<16xf32>, vector<16xf32>, vector<16xf32>, vector<16xf32>, vector<16xf32>, vector<16xf32>, vector<16xf32>, vector<16xf32>, vector<16xf32>, vector<16xf32>, vector<16xf32>, vector<16xf32>, vector<16xf32>, vector<16xf32>, vector<16xf32>
        }
        %while3A_173 = arith.constant 1 : i32
        %while3A_174:32 = scf.for %while3A_179 = %while3A_170 to %while3A_166 step %while3A_173 iter_args(%while3A_180 = %while3A_172#0, %while3A_181 = %while3A_172#1, %while3A_182 = %while3A_172#2, %while3A_183 = %while3A_172#3, %while3A_184 = %while3A_172#4, %while3A_185 = %while3A_172#5, %while3A_186 = %while3A_172#6, %while3A_187 = %while3A_172#7, %while3A_188 = %while3A_172#8, %while3A_189 = %while3A_172#9, %while3A_190 = %while3A_172#10, %while3A_191 = %while3A_172#11, %while3A_192 = %while3A_172#12, %while3A_193 = %while3A_172#13, %while3A_194 = %while3A_172#14, %while3A_195 = %while3A_172#15, %while3A_196 = %while3A_172#16, %while3A_197 = %while3A_172#17, %while3A_198 = %while3A_172#18, %while3A_199 = %while3A_172#19, %while3A_200 = %while3A_172#20, %while3A_201 = %while3A_172#21, %while3A_202 = %while3A_172#22, %while3A_203 = %while3A_172#23, %while3A_204 = %while3A_172#24, %while3A_205 = %while3A_172#25, %while3A_206 = %while3A_172#26, %while3A_207 = %while3A_172#27, %while3A_208 = %while3A_172#28, %while3A_209 = %while3A_172#29, %while3A_210 = %while3A_172#30, %while3A_211 = %while3A_172#31) -> (vector<16xf32>, vector<16xf32>, vector<16xf32>, vector<16xf32>, vector<16xf32>, vector<16xf32>, vector<16xf32>, vector<16xf32>, vector<16xf32>, vector<16xf32>, vector<16xf32>, vector<16xf32>, vector<16xf32>, vector<16xf32>, vector<16xf32>, vector<16xf32>, vector<16xf32>, vector<16xf32>, vector<16xf32>, vector<16xf32>, vector<16xf32>, vector<16xf32>, vector<16xf32>, vector<16xf32>, vector<16xf32>, vector<16xf32>, vector<16xf32>, vector<16xf32>, vector<16xf32>, vector<16xf32>, vector<16xf32>, vector<16xf32>)  : i32 {
          %sub3A = arith.subi %while3A_179, %add3A_109 : i32
          %get3A_212 = arith.index_cast %sub3A : i32 to index
          %get3A_213 = arith.constant 0 : index
          %get3A_214 = tpu.vector_load %arg7[%get3A_212, %get3A_213] {strides = array<i32>} : memref<56x512xf32, #tpu.memory_space<vmem>>, vector<1x16xf32>,
          %get3A_215 = vector.shape_cast %get3A_214 : vector<1x16xf32> to vector<16xf32>
          %add3A_216 = arith.addf %while3A_180, %get3A_215 : vector<16xf32>
          %get3A_217 = arith.index_cast %sub3A : i32 to index
          %get3A_218 = arith.constant 16 : index
          %get3A_219 = tpu.vector_load %arg7[%get3A_217, %get3A_218] {strides = array<i32>} : memref<56x512xf32, #tpu.memory_space<vmem>>, vector<1x16xf32>,
          %get3A_220 = vector.shape_cast %get3A_219 : vector<1x16xf32> to vector<16xf32>
          %add3A_221 = arith.addf %while3A_181, %get3A_220 : vector<16xf32>
          %get3A_222 = arith.index_cast %sub3A : i32 to index
          %get3A_223 = arith.constant 32 : index
          %get3A_224 = tpu.vector_load %arg7[%get3A_222, %get3A_223] {strides = array<i32>} : memref<56x512xf32, #tpu.memory_space<vmem>>, vector<1x16xf32>,
          %get3A_225 = vector.shape_cast %get3A_224 : vector<1x16xf32> to vector<16xf32>
          %add3A_226 = arith.addf %while3A_182, %get3A_225 : vector<16xf32>
          %get3A_227 = arith.index_cast %sub3A : i32 to index
          %get3A_228 = arith.constant 48 : index
          %get3A_229 = tpu.vector_load %arg7[%get3A_227, %get3A_228] {strides = array<i32>} : memref<56x512xf32, #tpu.memory_space<vmem>>, vector<1x16xf32>,
          %get3A_230 = vector.shape_cast %get3A_229 : vector<1x16xf32> to vector<16xf32>
          %add3A_231 = arith.addf %while3A_183, %get3A_230 : vector<16xf32>
          %get3A_232 = arith.index_cast %sub3A : i32 to index
          %get3A_233 = arith.constant 64 : index
          %get3A_234 = tpu.vector_load %arg7[%get3A_232, %get3A_233] {strides = array<i32>} : memref<56x512xf32, #tpu.memory_space<vmem>>, vector<1x16xf32>,
          %get3A_235 = vector.shape_cast %get3A_234 : vector<1x16xf32> to vector<16xf32>
          %add3A_236 = arith.addf %while3A_184, %get3A_235 : vector<16xf32>
          %get3A_237 = arith.index_cast %sub3A : i32 to index
          %get3A_238 = arith.constant 80 : index
          %get3A_239 = tpu.vector_load %arg7[%get3A_237, %get3A_238] {strides = array<i32>} : memref<56x512xf32, #tpu.memory_space<vmem>>, vector<1x16xf32>,
          %get3A_240 = vector.shape_cast %get3A_239 : vector<1x16xf32> to vector<16xf32>
          %add3A_241 = arith.addf %while3A_185, %get3A_240 : vector<16xf32>
          %get3A_242 = arith.index_cast %sub3A : i32 to index
          %get3A_243 = arith.constant 96 : index
          %get3A_244 = tpu.vector_load %arg7[%get3A_242, %get3A_243] {strides = array<i32>} : memref<56x512xf32, #tpu.memory_space<vmem>>, vector<1x16xf32>,
          %get3A_245 = vector.shape_cast %get3A_244 : vector<1x16xf32> to vector<16xf32>
          %add3A_246 = arith.addf %while3A_186, %get3A_245 : vector<16xf32>
          %get3A_247 = arith.index_cast %sub3A : i32 to index
          %get3A_248 = arith.constant 112 : index
          %get3A_249 = tpu.vector_load %arg7[%get3A_247, %get3A_248] {strides = array<i32>} : memref<56x512xf32, #tpu.memory_space<vmem>>, vector<1x16xf32>,
          %get3A_250 = vector.shape_cast %get3A_249 : vector<1x16xf32> to vector<16xf32>
          %add3A_251 = arith.addf %while3A_187, %get3A_250 : vector<16xf32>
          %get3A_252 = arith.index_cast %sub3A : i32 to index
          %get3A_253 = arith.constant 128 : index
          %get3A_254 = tpu.vector_load %arg7[%get3A_252, %get3A_253] {strides = array<i32>} : memref<56x512xf32, #tpu.memory_space<vmem>>, vector<1x16xf32>,
          %get3A_255 = vector.shape_cast %get3A_254 : vector<1x16xf32> to vector<16xf32>
          %add3A_256 = arith.addf %while3A_188, %get3A_255 : vector<16xf32>
          %get3A_257 = arith.index_cast %sub3A : i32 to index
          %get3A_258 = arith.constant 144 : index
          %get3A_259 = tpu.vector_load %arg7[%get3A_257, %get3A_258] {strides = array<i32>} : memref<56x512xf32, #tpu.memory_space<vmem>>, vector<1x16xf32>,
          %get3A_260 = vector.shape_cast %get3A_259 : vector<1x16xf32> to vector<16xf32>
          %add3A_261 = arith.addf %while3A_189, %get3A_260 : vector<16xf32>
          %get3A_262 = arith.index_cast %sub3A : i32 to index
          %get3A_263 = arith.constant 160 : index
          %get3A_264 = tpu.vector_load %arg7[%get3A_262, %get3A_263] {strides = array<i32>} : memref<56x512xf32, #tpu.memory_space<vmem>>, vector<1x16xf32>,
          %get3A_265 = vector.shape_cast %get3A_264 : vector<1x16xf32> to vector<16xf32>
          %add3A_266 = arith.addf %while3A_190, %get3A_265 : vector<16xf32>
          %get3A_267 = arith.index_cast %sub3A : i32 to index
          %get3A_268 = arith.constant 176 : index
          %get3A_269 = tpu.vector_load %arg7[%get3A_267, %get3A_268] {strides = array<i32>} : memref<56x512xf32, #tpu.memory_space<vmem>>, vector<1x16xf32>,
          %get3A_270 = vector.shape_cast %get3A_269 : vector<1x16xf32> to vector<16xf32>
          %add3A_271 = arith.addf %while3A_191, %get3A_270 : vector<16xf32>
          %get3A_272 = arith.index_cast %sub3A : i32 to index
          %get3A_273 = arith.constant 192 : index
          %get3A_274 = tpu.vector_load %arg7[%get3A_272, %get3A_273] {strides = array<i32>} : memref<56x512xf32, #tpu.memory_space<vmem>>, vector<1x16xf32>,
          %get3A_275 = vector.shape_cast %get3A_274 : vector<1x16xf32> to vector<16xf32>
          %add3A_276 = arith.addf %while3A_192, %get3A_275 : vector<16xf32>
          %get3A_277 = arith.index_cast %sub3A : i32 to index
          %get3A_278 = arith.constant 208 : index
          %get3A_279 = tpu.vector_load %arg7[%get3A_277, %get3A_278] {strides = array<i32>} : memref<56x512xf32, #tpu.memory_space<vmem>>, vector<1x16xf32>,
          %get3A_280 = vector.shape_cast %get3A_279 : vector<1x16xf32> to vector<16xf32>
          %add3A_281 = arith.addf %while3A_193, %get3A_280 : vector<16xf32>
          %get3A_282 = arith.index_cast %sub3A : i32 to index
          %get3A_283 = arith.constant 224 : index
          %get3A_284 = tpu.vector_load %arg7[%get3A_282, %get3A_283] {strides = array<i32>} : memref<56x512xf32, #tpu.memory_space<vmem>>, vector<1x16xf32>,
          %get3A_285 = vector.shape_cast %get3A_284 : vector<1x16xf32> to vector<16xf32>
          %add3A_286 = arith.addf %while3A_194, %get3A_285 : vector<16xf32>
          %get3A_287 = arith.index_cast %sub3A : i32 to index
          %get3A_288 = arith.constant 240 : index
          %get3A_289 = tpu.vector_load %arg7[%get3A_287, %get3A_288] {strides = array<i32>} : memref<56x512xf32, #tpu.memory_space<vmem>>, vector<1x16xf32>,
          %get3A_290 = vector.shape_cast %get3A_289 : vector<1x16xf32> to vector<16xf32>
          %add3A_291 = arith.addf %while3A_195, %get3A_290 : vector<16xf32>
          %get3A_292 = arith.index_cast %sub3A : i32 to index
          %get3A_293 = arith.constant 256 : index
          %get3A_294 = tpu.vector_load %arg7[%get3A_292, %get3A_293] {strides = array<i32>} : memref<56x512xf32, #tpu.memory_space<vmem>>, vector<1x16xf32>,
          %get3A_295 = vector.shape_cast %get3A_294 : vector<1x16xf32> to vector<16xf32>
          %add3A_296 = arith.addf %while3A_196, %get3A_295 : vector<16xf32>
          %get3A_297 = arith.index_cast %sub3A : i32 to index
          %get3A_298 = arith.constant 272 : index
          %get3A_299 = tpu.vector_load %arg7[%get3A_297, %get3A_298] {strides = array<i32>} : memref<56x512xf32, #tpu.memory_space<vmem>>, vector<1x16xf32>,
          %get3A_300 = vector.shape_cast %get3A_299 : vector<1x16xf32> to vector<16xf32>
          %add3A_301 = arith.addf %while3A_197, %get3A_300 : vector<16xf32>
          %get3A_302 = arith.index_cast %sub3A : i32 to index
          %get3A_303 = arith.constant 288 : index
          %get3A_304 = tpu.vector_load %arg7[%get3A_302, %get3A_303] {strides = array<i32>} : memref<56x512xf32, #tpu.memory_space<vmem>>, vector<1x16xf32>,
          %get3A_305 = vector.shape_cast %get3A_304 : vector<1x16xf32> to vector<16xf32>
          %add3A_306 = arith.addf %while3A_198, %get3A_305 : vector<16xf32>
          %get3A_307 = arith.index_cast %sub3A : i32 to index
          %get3A_308 = arith.constant 304 : index
          %get3A_309 = tpu.vector_load %arg7[%get3A_307, %get3A_308] {strides = array<i32>} : memref<56x512xf32, #tpu.memory_space<vmem>>, vector<1x16xf32>,
          %get3A_310 = vector.shape_cast %get3A_309 : vector<1x16xf32> to vector<16xf32>
          %add3A_311 = arith.addf %while3A_199, %get3A_310 : vector<16xf32>
          %get3A_312 = arith.index_cast %sub3A : i32 to index
          %get3A_313 = arith.constant 320 : index
          %get3A_314 = tpu.vector_load %arg7[%get3A_312, %get3A_313] {strides = array<i32>} : memref<56x512xf32, #tpu.memory_space<vmem>>, vector<1x16xf32>,
          %get3A_315 = vector.shape_cast %get3A_314 : vector<1x16xf32> to vector<16xf32>
          %add3A_316 = arith.addf %while3A_200, %get3A_315 : vector<16xf32>
          %get3A_317 = arith.index_cast %sub3A : i32 to index
          %get3A_318 = arith.constant 336 : index
          %get3A_319 = tpu.vector_load %arg7[%get3A_317, %get3A_318] {strides = array<i32>} : memref<56x512xf32, #tpu.memory_space<vmem>>, vector<1x16xf32>,
          %get3A_320 = vector.shape_cast %get3A_319 : vector<1x16xf32> to vector<16xf32>
          %add3A_321 = arith.addf %while3A_201, %get3A_320 : vector<16xf32>
          %get3A_322 = arith.index_cast %sub3A : i32 to index
          %get3A_323 = arith.constant 352 : index
          %get3A_324 = tpu.vector_load %arg7[%get3A_322, %get3A_323] {strides = array<i32>} : memref<56x512xf32, #tpu.memory_space<vmem>>, vector<1x16xf32>,
          %get3A_325 = vector.shape_cast %get3A_324 : vector<1x16xf32> to vector<16xf32>
          %add3A_326 = arith.addf %while3A_202, %get3A_325 : vector<16xf32>
          %get3A_327 = arith.index_cast %sub3A : i32 to index
          %get3A_328 = arith.constant 368 : index
          %get3A_329 = tpu.vector_load %arg7[%get3A_327, %get3A_328] {strides = array<i32>} : memref<56x512xf32, #tpu.memory_space<vmem>>, vector<1x16xf32>,
          %get3A_330 = vector.shape_cast %get3A_329 : vector<1x16xf32> to vector<16xf32>
          %add3A_331 = arith.addf %while3A_203, %get3A_330 : vector<16xf32>
          %get3A_332 = arith.index_cast %sub3A : i32 to index
          %get3A_333 = arith.constant 384 : index
          %get3A_334 = tpu.vector_load %arg7[%get3A_332, %get3A_333] {strides = array<i32>} : memref<56x512xf32, #tpu.memory_space<vmem>>, vector<1x16xf32>,
          %get3A_335 = vector.shape_cast %get3A_334 : vector<1x16xf32> to vector<16xf32>
          %add3A_336 = arith.addf %while3A_204, %get3A_335 : vector<16xf32>
          %get3A_337 = arith.index_cast %sub3A : i32 to index
          %get3A_338 = arith.constant 400 : index
          %get3A_339 = tpu.vector_load %arg7[%get3A_337, %get3A_338] {strides = array<i32>} : memref<56x512xf32, #tpu.memory_space<vmem>>, vector<1x16xf32>,
          %get3A_340 = vector.shape_cast %get3A_339 : vector<1x16xf32> to vector<16xf32>
          %add3A_341 = arith.addf %while3A_205, %get3A_340 : vector<16xf32>
          %get3A_342 = arith.index_cast %sub3A : i32 to index
          %get3A_343 = arith.constant 416 : index
          %get3A_344 = tpu.vector_load %arg7[%get3A_342, %get3A_343] {strides = array<i32>} : memref<56x512xf32, #tpu.memory_space<vmem>>, vector<1x16xf32>,
          %get3A_345 = vector.shape_cast %get3A_344 : vector<1x16xf32> to vector<16xf32>
          %add3A_346 = arith.addf %while3A_206, %get3A_345 : vector<16xf32>
          %get3A_347 = arith.index_cast %sub3A : i32 to index
          %get3A_348 = arith.constant 432 : index
          %get3A_349 = tpu.vector_load %arg7[%get3A_347, %get3A_348] {strides = array<i32>} : memref<56x512xf32, #tpu.memory_space<vmem>>, vector<1x16xf32>,
          %get3A_350 = vector.shape_cast %get3A_349 : vector<1x16xf32> to vector<16xf32>
          %add3A_351 = arith.addf %while3A_207, %get3A_350 : vector<16xf32>
          %get3A_352 = arith.index_cast %sub3A : i32 to index
          %get3A_353 = arith.constant 448 : index
          %get3A_354 = tpu.vector_load %arg7[%get3A_352, %get3A_353] {strides = array<i32>} : memref<56x512xf32, #tpu.memory_space<vmem>>, vector<1x16xf32>,
          %get3A_355 = vector.shape_cast %get3A_354 : vector<1x16xf32> to vector<16xf32>
          %add3A_356 = arith.addf %while3A_208, %get3A_355 : vector<16xf32>
          %get3A_357 = arith.index_cast %sub3A : i32 to index
          %get3A_358 = arith.constant 464 : index
          %get3A_359 = tpu.vector_load %arg7[%get3A_357, %get3A_358] {strides = array<i32>} : memref<56x512xf32, #tpu.memory_space<vmem>>, vector<1x16xf32>,
          %get3A_360 = vector.shape_cast %get3A_359 : vector<1x16xf32> to vector<16xf32>
          %add3A_361 = arith.addf %while3A_209, %get3A_360 : vector<16xf32>
          %get3A_362 = arith.index_cast %sub3A : i32 to index
          %get3A_363 = arith.constant 480 : index
          %get3A_364 = tpu.vector_load %arg7[%get3A_362, %get3A_363] {strides = array<i32>} : memref<56x512xf32, #tpu.memory_space<vmem>>, vector<1x16xf32>,
          %get3A_365 = vector.shape_cast %get3A_364 : vector<1x16xf32> to vector<16xf32>
          %add3A_366 = arith.addf %while3A_210, %get3A_365 : vector<16xf32>
          %get3A_367 = arith.index_cast %sub3A : i32 to index
          %get3A_368 = arith.constant 496 : index
          %get3A_369 = tpu.vector_load %arg7[%get3A_367, %get3A_368] {strides = array<i32>} : memref<56x512xf32, #tpu.memory_space<vmem>>, vector<1x16xf32>,
          %get3A_370 = vector.shape_cast %get3A_369 : vector<1x16xf32> to vector<16xf32>
          %add3A_371 = arith.addf %while3A_211, %get3A_370 : vector<16xf32>
          scf.yield %add3A_216, %add3A_221, %add3A_226, %add3A_231, %add3A_236, %add3A_241, %add3A_246, %add3A_251, %add3A_256, %add3A_261, %add3A_266, %add3A_271, %add3A_276, %add3A_281, %add3A_286, %add3A_291, %add3A_296, %add3A_301, %add3A_306, %add3A_311, %add3A_316, %add3A_321, %add3A_326, %add3A_331, %add3A_336, %add3A_341, %add3A_346, %add3A_351, %add3A_356, %add3A_361, %add3A_366, %add3A_371 : vector<16xf32>, vector<16xf32>, vector<16xf32>, vector<16xf32>, vector<16xf32>, vector<16xf32>, vector<16xf32>, vector<16xf32>, vector<16xf32>, vector<16xf32>, vector<16xf32>, vector<16xf32>, vector<16xf32>, vector<16xf32>, vector<16xf32>, vector<16xf32>, vector<16xf32>, vector<16xf32>, vector<16xf32>, vector<16xf32>, vector<16xf32>, vector<16xf32>, vector<16xf32>, vector<16xf32>, vector<16xf32>, vector<16xf32>, vector<16xf32>, vector<16xf32>, vector<16xf32>, vector<16xf32>, vector<16xf32>, vector<16xf32>
        }
        %gt3A = arith.cmpi sgt, %min3A, %max3A : i32
        %convert_element_type3A_175 = arith.extui %gt3A : i1 to i32
        %cond3A_176 = arith.constant 0 : i32
        %cond3A_177 = arith.cmpi ne, %convert_element_type3A_175, %cond3A_176 : i32
        scf.if %cond3A_177 {
          %sub3A = arith.subi %squeeze3A_163, %squeeze3A : i32
          %convert_element_type3A_179 = arith.sitofp %sub3A : i32 to f32
          %broadcast_in_dim3A_180 = vector.broadcast %convert_element_type3A_179 : f32 to vector<16xf32>
          %div3A = arith.divf %while3A_174#0, %broadcast_in_dim3A_180 : vector<16xf32>
          %swap3A = arith.index_cast %scan3A_153 : i32 to index
          %swap3A_181 = arith.constant 0 : index
          %swap3A_182 = tpu.vector_load %arg10[%swap3A, %swap3A_181] {strides = array<i32>} : memref<16x512xf32, #tpu.memory_space<vmem>>, vector<1x16xf32>,
          %swap3A_183 = vector.shape_cast %swap3A_182 : vector<1x16xf32> to vector<16xf32>
          %swap3A_184 = vector.shape_cast %div3A : vector<16xf32> to vector<1x16xf32>
          tpu.vector_store %arg10[%swap3A, %swap3A_181], %swap3A_184 {add = true, strides = array<i32>} : memref<16x512xf32, #tpu.memory_space<vmem>>, vector<1x16xf32>,
          %div3A_185 = arith.divf %while3A_174#1, %broadcast_in_dim3A_180 : vector<16xf32>
          %swap3A_186 = arith.index_cast %scan3A_153 : i32 to index
          %swap3A_187 = arith.constant 16 : index
          %swap3A_188 = tpu.vector_load %arg10[%swap3A_186, %swap3A_187] {strides = array<i32>} : memref<16x512xf32, #tpu.memory_space<vmem>>, vector<1x16xf32>,
          %swap3A_189 = vector.shape_cast %swap3A_188 : vector<1x16xf32> to vector<16xf32>
          %swap3A_190 = vector.shape_cast %div3A_185 : vector<16xf32> to vector<1x16xf32>
          tpu.vector_store %arg10[%swap3A_186, %swap3A_187], %swap3A_190 {add = true, strides = array<i32>} : memref<16x512xf32, #tpu.memory_space<vmem>>, vector<1x16xf32>,
          %div3A_191 = arith.divf %while3A_174#2, %broadcast_in_dim3A_180 : vector<16xf32>
          %swap3A_192 = arith.index_cast %scan3A_153 : i32 to index
          %swap3A_193 = arith.constant 32 : index
          %swap3A_194 = tpu.vector_load %arg10[%swap3A_192, %swap3A_193] {strides = array<i32>} : memref<16x512xf32, #tpu.memory_space<vmem>>, vector<1x16xf32>,
          %swap3A_195 = vector.shape_cast %swap3A_194 : vector<1x16xf32> to vector<16xf32>
          %swap3A_196 = vector.shape_cast %div3A_191 : vector<16xf32> to vector<1x16xf32>
          tpu.vector_store %arg10[%swap3A_192, %swap3A_193], %swap3A_196 {add = true, strides = array<i32>} : memref<16x512xf32, #tpu.memory_space<vmem>>, vector<1x16xf32>,
          %div3A_197 = arith.divf %while3A_174#3, %broadcast_in_dim3A_180 : vector<16xf32>
          %swap3A_198 = arith.index_cast %scan3A_153 : i32 to index
          %swap3A_199 = arith.constant 48 : index
          %swap3A_200 = tpu.vector_load %arg10[%swap3A_198, %swap3A_199] {strides = array<i32>} : memref<16x512xf32, #tpu.memory_space<vmem>>, vector<1x16xf32>,
          %swap3A_201 = vector.shape_cast %swap3A_200 : vector<1x16xf32> to vector<16xf32>
          %swap3A_202 = vector.shape_cast %div3A_197 : vector<16xf32> to vector<1x16xf32>
          tpu.vector_store %arg10[%swap3A_198, %swap3A_199], %swap3A_202 {add = true, strides = array<i32>} : memref<16x512xf32, #tpu.memory_space<vmem>>, vector<1x16xf32>,
          %div3A_203 = arith.divf %while3A_174#4, %broadcast_in_dim3A_180 : vector<16xf32>
          %swap3A_204 = arith.index_cast %scan3A_153 : i32 to index
          %swap3A_205 = arith.constant 64 : index
          %swap3A_206 = tpu.vector_load %arg10[%swap3A_204, %swap3A_205] {strides = array<i32>} : memref<16x512xf32, #tpu.memory_space<vmem>>, vector<1x16xf32>,
          %swap3A_207 = vector.shape_cast %swap3A_206 : vector<1x16xf32> to vector<16xf32>
          %swap3A_208 = vector.shape_cast %div3A_203 : vector<16xf32> to vector<1x16xf32>
          tpu.vector_store %arg10[%swap3A_204, %swap3A_205], %swap3A_208 {add = true, strides = array<i32>} : memref<16x512xf32, #tpu.memory_space<vmem>>, vector<1x16xf32>,
          %div3A_209 = arith.divf %while3A_174#5, %broadcast_in_dim3A_180 : vector<16xf32>
          %swap3A_210 = arith.index_cast %scan3A_153 : i32 to index
          %swap3A_211 = arith.constant 80 : index
          %swap3A_212 = tpu.vector_load %arg10[%swap3A_210, %swap3A_211] {strides = array<i32>} : memref<16x512xf32, #tpu.memory_space<vmem>>, vector<1x16xf32>,
          %swap3A_213 = vector.shape_cast %swap3A_212 : vector<1x16xf32> to vector<16xf32>
          %swap3A_214 = vector.shape_cast %div3A_209 : vector<16xf32> to vector<1x16xf32>
          tpu.vector_store %arg10[%swap3A_210, %swap3A_211], %swap3A_214 {add = true, strides = array<i32>} : memref<16x512xf32, #tpu.memory_space<vmem>>, vector<1x16xf32>,
          %div3A_215 = arith.divf %while3A_174#6, %broadcast_in_dim3A_180 : vector<16xf32>
          %swap3A_216 = arith.index_cast %scan3A_153 : i32 to index
          %swap3A_217 = arith.constant 96 : index
          %swap3A_218 = tpu.vector_load %arg10[%swap3A_216, %swap3A_217] {strides = array<i32>} : memref<16x512xf32, #tpu.memory_space<vmem>>, vector<1x16xf32>,
          %swap3A_219 = vector.shape_cast %swap3A_218 : vector<1x16xf32> to vector<16xf32>
          %swap3A_220 = vector.shape_cast %div3A_215 : vector<16xf32> to vector<1x16xf32>
          tpu.vector_store %arg10[%swap3A_216, %swap3A_217], %swap3A_220 {add = true, strides = array<i32>} : memref<16x512xf32, #tpu.memory_space<vmem>>, vector<1x16xf32>,
          %div3A_221 = arith.divf %while3A_174#7, %broadcast_in_dim3A_180 : vector<16xf32>
          %swap3A_222 = arith.index_cast %scan3A_153 : i32 to index
          %swap3A_223 = arith.constant 112 : index
          %swap3A_224 = tpu.vector_load %arg10[%swap3A_222, %swap3A_223] {strides = array<i32>} : memref<16x512xf32, #tpu.memory_space<vmem>>, vector<1x16xf32>,
          %swap3A_225 = vector.shape_cast %swap3A_224 : vector<1x16xf32> to vector<16xf32>
          %swap3A_226 = vector.shape_cast %div3A_221 : vector<16xf32> to vector<1x16xf32>
          tpu.vector_store %arg10[%swap3A_222, %swap3A_223], %swap3A_226 {add = true, strides = array<i32>} : memref<16x512xf32, #tpu.memory_space<vmem>>, vector<1x16xf32>,
          %div3A_227 = arith.divf %while3A_174#8, %broadcast_in_dim3A_180 : vector<16xf32>
          %swap3A_228 = arith.index_cast %scan3A_153 : i32 to index
          %swap3A_229 = arith.constant 128 : index
          %swap3A_230 = tpu.vector_load %arg10[%swap3A_228, %swap3A_229] {strides = array<i32>} : memref<16x512xf32, #tpu.memory_space<vmem>>, vector<1x16xf32>,
          %swap3A_231 = vector.shape_cast %swap3A_230 : vector<1x16xf32> to vector<16xf32>
          %swap3A_232 = vector.shape_cast %div3A_227 : vector<16xf32> to vector<1x16xf32>
          tpu.vector_store %arg10[%swap3A_228, %swap3A_229], %swap3A_232 {add = true, strides = array<i32>} : memref<16x512xf32, #tpu.memory_space<vmem>>, vector<1x16xf32>,
          %div3A_233 = arith.divf %while3A_174#9, %broadcast_in_dim3A_180 : vector<16xf32>
          %swap3A_234 = arith.index_cast %scan3A_153 : i32 to index
          %swap3A_235 = arith.constant 144 : index
          %swap3A_236 = tpu.vector_load %arg10[%swap3A_234, %swap3A_235] {strides = array<i32>} : memref<16x512xf32, #tpu.memory_space<vmem>>, vector<1x16xf32>,
          %swap3A_237 = vector.shape_cast %swap3A_236 : vector<1x16xf32> to vector<16xf32>
          %swap3A_238 = vector.shape_cast %div3A_233 : vector<16xf32> to vector<1x16xf32>
          tpu.vector_store %arg10[%swap3A_234, %swap3A_235], %swap3A_238 {add = true, strides = array<i32>} : memref<16x512xf32, #tpu.memory_space<vmem>>, vector<1x16xf32>,
          %div3A_239 = arith.divf %while3A_174#10, %broadcast_in_dim3A_180 : vector<16xf32>
          %swap3A_240 = arith.index_cast %scan3A_153 : i32 to index
          %swap3A_241 = arith.constant 160 : index
          %swap3A_242 = tpu.vector_load %arg10[%swap3A_240, %swap3A_241] {strides = array<i32>} : memref<16x512xf32, #tpu.memory_space<vmem>>, vector<1x16xf32>,
          %swap3A_243 = vector.shape_cast %swap3A_242 : vector<1x16xf32> to vector<16xf32>
          %swap3A_244 = vector.shape_cast %div3A_239 : vector<16xf32> to vector<1x16xf32>
          tpu.vector_store %arg10[%swap3A_240, %swap3A_241], %swap3A_244 {add = true, strides = array<i32>} : memref<16x512xf32, #tpu.memory_space<vmem>>, vector<1x16xf32>,
          %div3A_245 = arith.divf %while3A_174#11, %broadcast_in_dim3A_180 : vector<16xf32>
          %swap3A_246 = arith.index_cast %scan3A_153 : i32 to index
          %swap3A_247 = arith.constant 176 : index
          %swap3A_248 = tpu.vector_load %arg10[%swap3A_246, %swap3A_247] {strides = array<i32>} : memref<16x512xf32, #tpu.memory_space<vmem>>, vector<1x16xf32>,
          %swap3A_249 = vector.shape_cast %swap3A_248 : vector<1x16xf32> to vector<16xf32>
          %swap3A_250 = vector.shape_cast %div3A_245 : vector<16xf32> to vector<1x16xf32>
          tpu.vector_store %arg10[%swap3A_246, %swap3A_247], %swap3A_250 {add = true, strides = array<i32>} : memref<16x512xf32, #tpu.memory_space<vmem>>, vector<1x16xf32>,
          %div3A_251 = arith.divf %while3A_174#12, %broadcast_in_dim3A_180 : vector<16xf32>
          %swap3A_252 = arith.index_cast %scan3A_153 : i32 to index
          %swap3A_253 = arith.constant 192 : index
          %swap3A_254 = tpu.vector_load %arg10[%swap3A_252, %swap3A_253] {strides = array<i32>} : memref<16x512xf32, #tpu.memory_space<vmem>>, vector<1x16xf32>,
          %swap3A_255 = vector.shape_cast %swap3A_254 : vector<1x16xf32> to vector<16xf32>
          %swap3A_256 = vector.shape_cast %div3A_251 : vector<16xf32> to vector<1x16xf32>
          tpu.vector_store %arg10[%swap3A_252, %swap3A_253], %swap3A_256 {add = true, strides = array<i32>} : memref<16x512xf32, #tpu.memory_space<vmem>>, vector<1x16xf32>,
          %div3A_257 = arith.divf %while3A_174#13, %broadcast_in_dim3A_180 : vector<16xf32>
          %swap3A_258 = arith.index_cast %scan3A_153 : i32 to index
          %swap3A_259 = arith.constant 208 : index
          %swap3A_260 = tpu.vector_load %arg10[%swap3A_258, %swap3A_259] {strides = array<i32>} : memref<16x512xf32, #tpu.memory_space<vmem>>, vector<1x16xf32>,
          %swap3A_261 = vector.shape_cast %swap3A_260 : vector<1x16xf32> to vector<16xf32>
          %swap3A_262 = vector.shape_cast %div3A_257 : vector<16xf32> to vector<1x16xf32>
          tpu.vector_store %arg10[%swap3A_258, %swap3A_259], %swap3A_262 {add = true, strides = array<i32>} : memref<16x512xf32, #tpu.memory_space<vmem>>, vector<1x16xf32>,
          %div3A_263 = arith.divf %while3A_174#14, %broadcast_in_dim3A_180 : vector<16xf32>
          %swap3A_264 = arith.index_cast %scan3A_153 : i32 to index
          %swap3A_265 = arith.constant 224 : index
          %swap3A_266 = tpu.vector_load %arg10[%swap3A_264, %swap3A_265] {strides = array<i32>} : memref<16x512xf32, #tpu.memory_space<vmem>>, vector<1x16xf32>,
          %swap3A_267 = vector.shape_cast %swap3A_266 : vector<1x16xf32> to vector<16xf32>
          %swap3A_268 = vector.shape_cast %div3A_263 : vector<16xf32> to vector<1x16xf32>
          tpu.vector_store %arg10[%swap3A_264, %swap3A_265], %swap3A_268 {add = true, strides = array<i32>} : memref<16x512xf32, #tpu.memory_space<vmem>>, vector<1x16xf32>,
          %div3A_269 = arith.divf %while3A_174#15, %broadcast_in_dim3A_180 : vector<16xf32>
          %swap3A_270 = arith.index_cast %scan3A_153 : i32 to index
          %swap3A_271 = arith.constant 240 : index
          %swap3A_272 = tpu.vector_load %arg10[%swap3A_270, %swap3A_271] {strides = array<i32>} : memref<16x512xf32, #tpu.memory_space<vmem>>, vector<1x16xf32>,
          %swap3A_273 = vector.shape_cast %swap3A_272 : vector<1x16xf32> to vector<16xf32>
          %swap3A_274 = vector.shape_cast %div3A_269 : vector<16xf32> to vector<1x16xf32>
          tpu.vector_store %arg10[%swap3A_270, %swap3A_271], %swap3A_274 {add = true, strides = array<i32>} : memref<16x512xf32, #tpu.memory_space<vmem>>, vector<1x16xf32>,
          %div3A_275 = arith.divf %while3A_174#16, %broadcast_in_dim3A_180 : vector<16xf32>
          %swap3A_276 = arith.index_cast %scan3A_153 : i32 to index
          %swap3A_277 = arith.constant 256 : index
          %swap3A_278 = tpu.vector_load %arg10[%swap3A_276, %swap3A_277] {strides = array<i32>} : memref<16x512xf32, #tpu.memory_space<vmem>>, vector<1x16xf32>,
          %swap3A_279 = vector.shape_cast %swap3A_278 : vector<1x16xf32> to vector<16xf32>
          %swap3A_280 = vector.shape_cast %div3A_275 : vector<16xf32> to vector<1x16xf32>
          tpu.vector_store %arg10[%swap3A_276, %swap3A_277], %swap3A_280 {add = true, strides = array<i32>} : memref<16x512xf32, #tpu.memory_space<vmem>>, vector<1x16xf32>,
          %div3A_281 = arith.divf %while3A_174#17, %broadcast_in_dim3A_180 : vector<16xf32>
          %swap3A_282 = arith.index_cast %scan3A_153 : i32 to index
          %swap3A_283 = arith.constant 272 : index
          %swap3A_284 = tpu.vector_load %arg10[%swap3A_282, %swap3A_283] {strides = array<i32>} : memref<16x512xf32, #tpu.memory_space<vmem>>, vector<1x16xf32>,
          %swap3A_285 = vector.shape_cast %swap3A_284 : vector<1x16xf32> to vector<16xf32>
          %swap3A_286 = vector.shape_cast %div3A_281 : vector<16xf32> to vector<1x16xf32>
          tpu.vector_store %arg10[%swap3A_282, %swap3A_283], %swap3A_286 {add = true, strides = array<i32>} : memref<16x512xf32, #tpu.memory_space<vmem>>, vector<1x16xf32>,
          %div3A_287 = arith.divf %while3A_174#18, %broadcast_in_dim3A_180 : vector<16xf32>
          %swap3A_288 = arith.index_cast %scan3A_153 : i32 to index
          %swap3A_289 = arith.constant 288 : index
          %swap3A_290 = tpu.vector_load %arg10[%swap3A_288, %swap3A_289] {strides = array<i32>} : memref<16x512xf32, #tpu.memory_space<vmem>>, vector<1x16xf32>,
          %swap3A_291 = vector.shape_cast %swap3A_290 : vector<1x16xf32> to vector<16xf32>
          %swap3A_292 = vector.shape_cast %div3A_287 : vector<16xf32> to vector<1x16xf32>
          tpu.vector_store %arg10[%swap3A_288, %swap3A_289], %swap3A_292 {add = true, strides = array<i32>} : memref<16x512xf32, #tpu.memory_space<vmem>>, vector<1x16xf32>,
          %div3A_293 = arith.divf %while3A_174#19, %broadcast_in_dim3A_180 : vector<16xf32>
          %swap3A_294 = arith.index_cast %scan3A_153 : i32 to index
          %swap3A_295 = arith.constant 304 : index
          %swap3A_296 = tpu.vector_load %arg10[%swap3A_294, %swap3A_295] {strides = array<i32>} : memref<16x512xf32, #tpu.memory_space<vmem>>, vector<1x16xf32>,
          %swap3A_297 = vector.shape_cast %swap3A_296 : vector<1x16xf32> to vector<16xf32>
          %swap3A_298 = vector.shape_cast %div3A_293 : vector<16xf32> to vector<1x16xf32>
          tpu.vector_store %arg10[%swap3A_294, %swap3A_295], %swap3A_298 {add = true, strides = array<i32>} : memref<16x512xf32, #tpu.memory_space<vmem>>, vector<1x16xf32>,
          %div3A_299 = arith.divf %while3A_174#20, %broadcast_in_dim3A_180 : vector<16xf32>
          %swap3A_300 = arith.index_cast %scan3A_153 : i32 to index
          %swap3A_301 = arith.constant 320 : index
          %swap3A_302 = tpu.vector_load %arg10[%swap3A_300, %swap3A_301] {strides = array<i32>} : memref<16x512xf32, #tpu.memory_space<vmem>>, vector<1x16xf32>,
          %swap3A_303 = vector.shape_cast %swap3A_302 : vector<1x16xf32> to vector<16xf32>
          %swap3A_304 = vector.shape_cast %div3A_299 : vector<16xf32> to vector<1x16xf32>
          tpu.vector_store %arg10[%swap3A_300, %swap3A_301], %swap3A_304 {add = true, strides = array<i32>} : memref<16x512xf32, #tpu.memory_space<vmem>>, vector<1x16xf32>,
          %div3A_305 = arith.divf %while3A_174#21, %broadcast_in_dim3A_180 : vector<16xf32>
          %swap3A_306 = arith.index_cast %scan3A_153 : i32 to index
          %swap3A_307 = arith.constant 336 : index
          %swap3A_308 = tpu.vector_load %arg10[%swap3A_306, %swap3A_307] {strides = array<i32>} : memref<16x512xf32, #tpu.memory_space<vmem>>, vector<1x16xf32>,
          %swap3A_309 = vector.shape_cast %swap3A_308 : vector<1x16xf32> to vector<16xf32>
          %swap3A_310 = vector.shape_cast %div3A_305 : vector<16xf32> to vector<1x16xf32>
          tpu.vector_store %arg10[%swap3A_306, %swap3A_307], %swap3A_310 {add = true, strides = array<i32>} : memref<16x512xf32, #tpu.memory_space<vmem>>, vector<1x16xf32>,
          %div3A_311 = arith.divf %while3A_174#22, %broadcast_in_dim3A_180 : vector<16xf32>
          %swap3A_312 = arith.index_cast %scan3A_153 : i32 to index
          %swap3A_313 = arith.constant 352 : index
          %swap3A_314 = tpu.vector_load %arg10[%swap3A_312, %swap3A_313] {strides = array<i32>} : memref<16x512xf32, #tpu.memory_space<vmem>>, vector<1x16xf32>,
          %swap3A_315 = vector.shape_cast %swap3A_314 : vector<1x16xf32> to vector<16xf32>
          %swap3A_316 = vector.shape_cast %div3A_311 : vector<16xf32> to vector<1x16xf32>
          tpu.vector_store %arg10[%swap3A_312, %swap3A_313], %swap3A_316 {add = true, strides = array<i32>} : memref<16x512xf32, #tpu.memory_space<vmem>>, vector<1x16xf32>,
          %div3A_317 = arith.divf %while3A_174#23, %broadcast_in_dim3A_180 : vector<16xf32>
          %swap3A_318 = arith.index_cast %scan3A_153 : i32 to index
          %swap3A_319 = arith.constant 368 : index
          %swap3A_320 = tpu.vector_load %arg10[%swap3A_318, %swap3A_319] {strides = array<i32>} : memref<16x512xf32, #tpu.memory_space<vmem>>, vector<1x16xf32>,
          %swap3A_321 = vector.shape_cast %swap3A_320 : vector<1x16xf32> to vector<16xf32>
          %swap3A_322 = vector.shape_cast %div3A_317 : vector<16xf32> to vector<1x16xf32>
          tpu.vector_store %arg10[%swap3A_318, %swap3A_319], %swap3A_322 {add = true, strides = array<i32>} : memref<16x512xf32, #tpu.memory_space<vmem>>, vector<1x16xf32>,
          %div3A_323 = arith.divf %while3A_174#24, %broadcast_in_dim3A_180 : vector<16xf32>
          %swap3A_324 = arith.index_cast %scan3A_153 : i32 to index
          %swap3A_325 = arith.constant 384 : index
          %swap3A_326 = tpu.vector_load %arg10[%swap3A_324, %swap3A_325] {strides = array<i32>} : memref<16x512xf32, #tpu.memory_space<vmem>>, vector<1x16xf32>,
          %swap3A_327 = vector.shape_cast %swap3A_326 : vector<1x16xf32> to vector<16xf32>
          %swap3A_328 = vector.shape_cast %div3A_323 : vector<16xf32> to vector<1x16xf32>
          tpu.vector_store %arg10[%swap3A_324, %swap3A_325], %swap3A_328 {add = true, strides = array<i32>} : memref<16x512xf32, #tpu.memory_space<vmem>>, vector<1x16xf32>,
          %div3A_329 = arith.divf %while3A_174#25, %broadcast_in_dim3A_180 : vector<16xf32>
          %swap3A_330 = arith.index_cast %scan3A_153 : i32 to index
          %swap3A_331 = arith.constant 400 : index
          %swap3A_332 = tpu.vector_load %arg10[%swap3A_330, %swap3A_331] {strides = array<i32>} : memref<16x512xf32, #tpu.memory_space<vmem>>, vector<1x16xf32>,
          %swap3A_333 = vector.shape_cast %swap3A_332 : vector<1x16xf32> to vector<16xf32>
          %swap3A_334 = vector.shape_cast %div3A_329 : vector<16xf32> to vector<1x16xf32>
          tpu.vector_store %arg10[%swap3A_330, %swap3A_331], %swap3A_334 {add = true, strides = array<i32>} : memref<16x512xf32, #tpu.memory_space<vmem>>, vector<1x16xf32>,
          %div3A_335 = arith.divf %while3A_174#26, %broadcast_in_dim3A_180 : vector<16xf32>
          %swap3A_336 = arith.index_cast %scan3A_153 : i32 to index
          %swap3A_337 = arith.constant 416 : index
          %swap3A_338 = tpu.vector_load %arg10[%swap3A_336, %swap3A_337] {strides = array<i32>} : memref<16x512xf32, #tpu.memory_space<vmem>>, vector<1x16xf32>,
          %swap3A_339 = vector.shape_cast %swap3A_338 : vector<1x16xf32> to vector<16xf32>
          %swap3A_340 = vector.shape_cast %div3A_335 : vector<16xf32> to vector<1x16xf32>
          tpu.vector_store %arg10[%swap3A_336, %swap3A_337], %swap3A_340 {add = true, strides = array<i32>} : memref<16x512xf32, #tpu.memory_space<vmem>>, vector<1x16xf32>,
          %div3A_341 = arith.divf %while3A_174#27, %broadcast_in_dim3A_180 : vector<16xf32>
          %swap3A_342 = arith.index_cast %scan3A_153 : i32 to index
          %swap3A_343 = arith.constant 432 : index
          %swap3A_344 = tpu.vector_load %arg10[%swap3A_342, %swap3A_343] {strides = array<i32>} : memref<16x512xf32, #tpu.memory_space<vmem>>, vector<1x16xf32>,
          %swap3A_345 = vector.shape_cast %swap3A_344 : vector<1x16xf32> to vector<16xf32>
          %swap3A_346 = vector.shape_cast %div3A_341 : vector<16xf32> to vector<1x16xf32>
          tpu.vector_store %arg10[%swap3A_342, %swap3A_343], %swap3A_346 {add = true, strides = array<i32>} : memref<16x512xf32, #tpu.memory_space<vmem>>, vector<1x16xf32>,
          %div3A_347 = arith.divf %while3A_174#28, %broadcast_in_dim3A_180 : vector<16xf32>
          %swap3A_348 = arith.index_cast %scan3A_153 : i32 to index
          %swap3A_349 = arith.constant 448 : index
          %swap3A_350 = tpu.vector_load %arg10[%swap3A_348, %swap3A_349] {strides = array<i32>} : memref<16x512xf32, #tpu.memory_space<vmem>>, vector<1x16xf32>,
          %swap3A_351 = vector.shape_cast %swap3A_350 : vector<1x16xf32> to vector<16xf32>
          %swap3A_352 = vector.shape_cast %div3A_347 : vector<16xf32> to vector<1x16xf32>
          tpu.vector_store %arg10[%swap3A_348, %swap3A_349], %swap3A_352 {add = true, strides = array<i32>} : memref<16x512xf32, #tpu.memory_space<vmem>>, vector<1x16xf32>,
          %div3A_353 = arith.divf %while3A_174#29, %broadcast_in_dim3A_180 : vector<16xf32>
          %swap3A_354 = arith.index_cast %scan3A_153 : i32 to index
          %swap3A_355 = arith.constant 464 : index
          %swap3A_356 = tpu.vector_load %arg10[%swap3A_354, %swap3A_355] {strides = array<i32>} : memref<16x512xf32, #tpu.memory_space<vmem>>, vector<1x16xf32>,
          %swap3A_357 = vector.shape_cast %swap3A_356 : vector<1x16xf32> to vector<16xf32>
          %swap3A_358 = vector.shape_cast %div3A_353 : vector<16xf32> to vector<1x16xf32>
          tpu.vector_store %arg10[%swap3A_354, %swap3A_355], %swap3A_358 {add = true, strides = array<i32>} : memref<16x512xf32, #tpu.memory_space<vmem>>, vector<1x16xf32>,
          %div3A_359 = arith.divf %while3A_174#30, %broadcast_in_dim3A_180 : vector<16xf32>
          %swap3A_360 = arith.index_cast %scan3A_153 : i32 to index
          %swap3A_361 = arith.constant 480 : index
          %swap3A_362 = tpu.vector_load %arg10[%swap3A_360, %swap3A_361] {strides = array<i32>} : memref<16x512xf32, #tpu.memory_space<vmem>>, vector<1x16xf32>,
          %swap3A_363 = vector.shape_cast %swap3A_362 : vector<1x16xf32> to vector<16xf32>
          %swap3A_364 = vector.shape_cast %div3A_359 : vector<16xf32> to vector<1x16xf32>
          tpu.vector_store %arg10[%swap3A_360, %swap3A_361], %swap3A_364 {add = true, strides = array<i32>} : memref<16x512xf32, #tpu.memory_space<vmem>>, vector<1x16xf32>,
          %div3A_365 = arith.divf %while3A_174#31, %broadcast_in_dim3A_180 : vector<16xf32>
          %swap3A_366 = arith.index_cast %scan3A_153 : i32 to index
          %swap3A_367 = arith.constant 496 : index
          %swap3A_368 = tpu.vector_load %arg10[%swap3A_366, %swap3A_367] {strides = array<i32>} : memref<16x512xf32, #tpu.memory_space<vmem>>, vector<1x16xf32>,
          %swap3A_369 = vector.shape_cast %swap3A_368 : vector<1x16xf32> to vector<16xf32>
          %swap3A_370 = vector.shape_cast %div3A_365 : vector<16xf32> to vector<1x16xf32>
          tpu.vector_store %arg10[%swap3A_366, %swap3A_367], %swap3A_370 {add = true, strides = array<i32>} : memref<16x512xf32, #tpu.memory_space<vmem>>, vector<1x16xf32>,
        } else {
        }
        %scan3A_178 = arith.constant 0 : i32
        scf.yield %scan3A_178 : i32
      }
      %scan3A_116 = arith.constant 16 : i32
      %add3A_117 = arith.constant 4 : i32
      %add3A_118 = arith.addi %add3A_99, %add3A_117 : i32
      %lt3A_119 = arith.constant 8 : i32
      %lt3A_120 = arith.cmpi slt, %add3A_118, %lt3A_119 : i32
      %convert_element_type3A_121 = arith.extui %lt3A_120 : i1 to i32
      %cond3A_122 = arith.constant 0 : i32
      %cond3A_123 = arith.cmpi ne, %convert_element_type3A_121, %cond3A_122 : i32
      scf.if %cond3A_123 {
        %add3A_153 = arith.constant 4 : i32
        %add3A_154 = arith.addi %add3A_99, %add3A_153 : i32
        %mul3A_155 = arith.constant 56 : i32
        %mul3A_156 = arith.muli %add3A_154, %mul3A_155 : i32
        %add3A_157 = arith.addi %mul3A_2, %mul3A_156 : i32
        %dma_start3A_158 = arith.constant 0 : i32
        %dma_start3A_159 = tpu.memref_slice %arg2[%add3A_157, %dma_start3A_158] : memref<32768x512xf32, #tpu.memory_space<hbm>> -> memref<56x512xf32, #tpu.memory_space<hbm>>
        %dma_start3A_160 = arith.constant 0 : i32
        %dma_start3A_161 = tpu.memref_slice %arg2[%add3A_157, %dma_start3A_160] : memref<32768x512xf32, #tpu.memory_space<hbm>> -> memref<56x512xf32, #tpu.memory_space<hbm>>
        tpu.enqueue_dma source(%dma_start3A_161 : memref<56x512xf32, #tpu.memory_space<hbm>>) target(%arg7 : memref<56x512xf32, #tpu.memory_space<vmem>>) target_semaphore(%arg13 : memref<!tpu.dma_semaphore, #tpu.memory_space<semaphore_mem>>)
      } else {
      }
      %mul3A_124 = arith.constant 4 : i32
      %mul3A_125 = arith.muli %scan3A_42, %mul3A_124 : i32
      %add3A_126 = arith.constant 3 : i32
      %add3A_127 = arith.addi %mul3A_125, %add3A_126 : i32
      %mul3A_128 = arith.constant 56 : i32
      %mul3A_129 = arith.muli %add3A_127, %mul3A_128 : i32
      %add3A_130 = arith.addi %mul3A_2, %mul3A_129 : i32
      %dma_wait3A_131 = arith.constant 0 : i32
      %dma_wait3A_132 = tpu.memref_slice %arg2[%add3A_130, %dma_wait3A_131] : memref<32768x512xf32, #tpu.memory_space<hbm>> -> memref<56x512xf32, #tpu.memory_space<hbm>>
      %dma_wait3A_133 = arith.constant 0 : i32
      %dma_wait3A_134 = tpu.memref_slice %arg2[%add3A_130, %dma_wait3A_133] : memref<32768x512xf32, #tpu.memory_space<hbm>> -> memref<56x512xf32, #tpu.memory_space<hbm>>
      tpu.wait_dma2 semaphore(%arg14 : memref<!tpu.dma_semaphore, #tpu.memory_space<semaphore_mem>>) src(%dma_wait3A_134 : memref<56x512xf32, #tpu.memory_space<hbm>>) dst(%arg8 : memref<56x512xf32, #tpu.memory_space<vmem>>)
      %mul3A_135 = arith.constant 56 : i32
      %mul3A_136 = arith.muli %add3A_127, %mul3A_135 : i32
      %add3A_137 = arith.addi %mul3A_2, %mul3A_136 : i32
      %scan3A_138 = arith.constant 0 : i32
      %scan3A_139 = arith.constant 0 : i32
      %scan3A_140 = arith.constant 16 : i32
      %scan3A_141 = arith.addi %scan3A_139, %scan3A_140 : i32
      %scan3A_142 = arith.constant 1 : i32
      %scan3A_143 = scf.for %scan3A_153 = %scan3A_139 to %scan3A_141 step %scan3A_142 iter_args(%scan3A_154 = %scan3A_138) -> (i32)  : i32 {
        %get3A = arith.index_cast %scan3A_153 : i32 to index
        %get3A_155 = tpu.vector_load %arg9[%get3A] {strides = array<i32>} : memref<32xi32, #tpu.memory_space<vmem>>, vector<16xi32>,
        %get3A_156 = vector.shape_cast %get3A_155 : vector<16xi32> to vector<16xi32>
        %slice3A = vector.extract_strided_slice %get3A_156 {offsets = [0], sizes = [1], strides = [1]} : vector<16xi32> to vector<1xi32>
        %squeeze3A = vector.extract %slice3A[0] : i32 from vector<1xi32>
        %add3A_157 = arith.constant 1 : i32
        %add3A_158 = arith.addi %scan3A_153, %add3A_157 : i32
        %get3A_159 = arith.index_cast %add3A_158 : i32 to index
        %get3A_160 = tpu.vector_load %arg9[%get3A_159] {strides = array<i32>} : memref<32xi32, #tpu.memory_space<vmem>>, vector<16xi32>,
        %get3A_161 = vector.shape_cast %get3A_160 : vector<16xi32> to vector<16xi32>
        %slice3A_162 = vector.extract_strided_slice %get3A_161 {offsets = [0], sizes = [1], strides = [1]} : vector<16xi32> to vector<1xi32>
        %squeeze3A_163 = vector.extract %slice3A_162[0] : i32 from vector<1xi32>
        %max3A = arith.maxsi %squeeze3A, %add3A_137 : i32
        %add3A_164 = arith.constant 56 : i32
        %add3A_165 = arith.addi %add3A_137, %add3A_164 : i32
        %min3A = arith.minsi %squeeze3A_163, %add3A_165 : i32
        %while3A = arith.subi %min3A, %max3A : i32
        %while3A_166 = arith.addi %max3A, %while3A : i32
        %while3A_167 = arith.constant 1 : i32
        %while3A_168 = arith.divsi %while3A, %while3A_167 : i32
        %while3A_169 = arith.muli %while3A_168, %while3A_167 : i32
        %while3A_170 = arith.addi %max3A, %while3A_169 : i32
        %while3A_171 = arith.constant 1 : i32
        %while3A_172:32 = scf.for %while3A_179 = %max3A to %while3A_170 step %while3A_171 iter_args(%while3A_180 = %broadcast_in_dim3A_26, %while3A_181 = %broadcast_in_dim3A_26, %while3A_182 = %broadcast_in_dim3A_26, %while3A_183 = %broadcast_in_dim3A_26, %while3A_184 = %broadcast_in_dim3A_26, %while3A_185 = %broadcast_in_dim3A_26, %while3A_186 = %broadcast_in_dim3A_26, %while3A_187 = %broadcast_in_dim3A_26, %while3A_188 = %broadcast_in_dim3A_26, %while3A_189 = %broadcast_in_dim3A_26, %while3A_190 = %broadcast_in_dim3A_26, %while3A_191 = %broadcast_in_dim3A_26, %while3A_192 = %broadcast_in_dim3A_26, %while3A_193 = %broadcast_in_dim3A_26, %while3A_194 = %broadcast_in_dim3A_26, %while3A_195 = %broadcast_in_dim3A_26, %while3A_196 = %broadcast_in_dim3A_26, %while3A_197 = %broadcast_in_dim3A_26, %while3A_198 = %broadcast_in_dim3A_26, %while3A_199 = %broadcast_in_dim3A_26, %while3A_200 = %broadcast_in_dim3A_26, %while3A_201 = %broadcast_in_dim3A_26, %while3A_202 = %broadcast_in_dim3A_26, %while3A_203 = %broadcast_in_dim3A_26, %while3A_204 = %broadcast_in_dim3A_26, %while3A_205 = %broadcast_in_dim3A_26, %while3A_206 = %broadcast_in_dim3A_26, %while3A_207 = %broadcast_in_dim3A_26, %while3A_208 = %broadcast_in_dim3A_26, %while3A_209 = %broadcast_in_dim3A_26, %while3A_210 = %broadcast_in_dim3A_26, %while3A_211 = %broadcast_in_dim3A_26) -> (vector<16xf32>, vector<16xf32>, vector<16xf32>, vector<16xf32>, vector<16xf32>, vector<16xf32>, vector<16xf32>, vector<16xf32>, vector<16xf32>, vector<16xf32>, vector<16xf32>, vector<16xf32>, vector<16xf32>, vector<16xf32>, vector<16xf32>, vector<16xf32>, vector<16xf32>, vector<16xf32>, vector<16xf32>, vector<16xf32>, vector<16xf32>, vector<16xf32>, vector<16xf32>, vector<16xf32>, vector<16xf32>, vector<16xf32>, vector<16xf32>, vector<16xf32>, vector<16xf32>, vector<16xf32>, vector<16xf32>, vector<16xf32>)  : i32 {
          %sub3A = arith.subi %while3A_179, %add3A_137 : i32
          %get3A_212 = arith.index_cast %sub3A : i32 to index
          %get3A_213 = arith.constant 0 : index
          %get3A_214 = tpu.vector_load %arg8[%get3A_212, %get3A_213] {strides = array<i32>} : memref<56x512xf32, #tpu.memory_space<vmem>>, vector<1x16xf32>,
          %get3A_215 = vector.shape_cast %get3A_214 : vector<1x16xf32> to vector<16xf32>
          %add3A_216 = arith.addf %while3A_180, %get3A_215 : vector<16xf32>
          %get3A_217 = arith.index_cast %sub3A : i32 to index
          %get3A_218 = arith.constant 16 : index
          %get3A_219 = tpu.vector_load %arg8[%get3A_217, %get3A_218] {strides = array<i32>} : memref<56x512xf32, #tpu.memory_space<vmem>>, vector<1x16xf32>,
          %get3A_220 = vector.shape_cast %get3A_219 : vector<1x16xf32> to vector<16xf32>
          %add3A_221 = arith.addf %while3A_181, %get3A_220 : vector<16xf32>
          %get3A_222 = arith.index_cast %sub3A : i32 to index
          %get3A_223 = arith.constant 32 : index
          %get3A_224 = tpu.vector_load %arg8[%get3A_222, %get3A_223] {strides = array<i32>} : memref<56x512xf32, #tpu.memory_space<vmem>>, vector<1x16xf32>,
          %get3A_225 = vector.shape_cast %get3A_224 : vector<1x16xf32> to vector<16xf32>
          %add3A_226 = arith.addf %while3A_182, %get3A_225 : vector<16xf32>
          %get3A_227 = arith.index_cast %sub3A : i32 to index
          %get3A_228 = arith.constant 48 : index
          %get3A_229 = tpu.vector_load %arg8[%get3A_227, %get3A_228] {strides = array<i32>} : memref<56x512xf32, #tpu.memory_space<vmem>>, vector<1x16xf32>,
          %get3A_230 = vector.shape_cast %get3A_229 : vector<1x16xf32> to vector<16xf32>
          %add3A_231 = arith.addf %while3A_183, %get3A_230 : vector<16xf32>
          %get3A_232 = arith.index_cast %sub3A : i32 to index
          %get3A_233 = arith.constant 64 : index
          %get3A_234 = tpu.vector_load %arg8[%get3A_232, %get3A_233] {strides = array<i32>} : memref<56x512xf32, #tpu.memory_space<vmem>>, vector<1x16xf32>,
          %get3A_235 = vector.shape_cast %get3A_234 : vector<1x16xf32> to vector<16xf32>
          %add3A_236 = arith.addf %while3A_184, %get3A_235 : vector<16xf32>
          %get3A_237 = arith.index_cast %sub3A : i32 to index
          %get3A_238 = arith.constant 80 : index
          %get3A_239 = tpu.vector_load %arg8[%get3A_237, %get3A_238] {strides = array<i32>} : memref<56x512xf32, #tpu.memory_space<vmem>>, vector<1x16xf32>,
          %get3A_240 = vector.shape_cast %get3A_239 : vector<1x16xf32> to vector<16xf32>
          %add3A_241 = arith.addf %while3A_185, %get3A_240 : vector<16xf32>
          %get3A_242 = arith.index_cast %sub3A : i32 to index
          %get3A_243 = arith.constant 96 : index
          %get3A_244 = tpu.vector_load %arg8[%get3A_242, %get3A_243] {strides = array<i32>} : memref<56x512xf32, #tpu.memory_space<vmem>>, vector<1x16xf32>,
          %get3A_245 = vector.shape_cast %get3A_244 : vector<1x16xf32> to vector<16xf32>
          %add3A_246 = arith.addf %while3A_186, %get3A_245 : vector<16xf32>
          %get3A_247 = arith.index_cast %sub3A : i32 to index
          %get3A_248 = arith.constant 112 : index
          %get3A_249 = tpu.vector_load %arg8[%get3A_247, %get3A_248] {strides = array<i32>} : memref<56x512xf32, #tpu.memory_space<vmem>>, vector<1x16xf32>,
          %get3A_250 = vector.shape_cast %get3A_249 : vector<1x16xf32> to vector<16xf32>
          %add3A_251 = arith.addf %while3A_187, %get3A_250 : vector<16xf32>
          %get3A_252 = arith.index_cast %sub3A : i32 to index
          %get3A_253 = arith.constant 128 : index
          %get3A_254 = tpu.vector_load %arg8[%get3A_252, %get3A_253] {strides = array<i32>} : memref<56x512xf32, #tpu.memory_space<vmem>>, vector<1x16xf32>,
          %get3A_255 = vector.shape_cast %get3A_254 : vector<1x16xf32> to vector<16xf32>
          %add3A_256 = arith.addf %while3A_188, %get3A_255 : vector<16xf32>
          %get3A_257 = arith.index_cast %sub3A : i32 to index
          %get3A_258 = arith.constant 144 : index
          %get3A_259 = tpu.vector_load %arg8[%get3A_257, %get3A_258] {strides = array<i32>} : memref<56x512xf32, #tpu.memory_space<vmem>>, vector<1x16xf32>,
          %get3A_260 = vector.shape_cast %get3A_259 : vector<1x16xf32> to vector<16xf32>
          %add3A_261 = arith.addf %while3A_189, %get3A_260 : vector<16xf32>
          %get3A_262 = arith.index_cast %sub3A : i32 to index
          %get3A_263 = arith.constant 160 : index
          %get3A_264 = tpu.vector_load %arg8[%get3A_262, %get3A_263] {strides = array<i32>} : memref<56x512xf32, #tpu.memory_space<vmem>>, vector<1x16xf32>,
          %get3A_265 = vector.shape_cast %get3A_264 : vector<1x16xf32> to vector<16xf32>
          %add3A_266 = arith.addf %while3A_190, %get3A_265 : vector<16xf32>
          %get3A_267 = arith.index_cast %sub3A : i32 to index
          %get3A_268 = arith.constant 176 : index
          %get3A_269 = tpu.vector_load %arg8[%get3A_267, %get3A_268] {strides = array<i32>} : memref<56x512xf32, #tpu.memory_space<vmem>>, vector<1x16xf32>,
          %get3A_270 = vector.shape_cast %get3A_269 : vector<1x16xf32> to vector<16xf32>
          %add3A_271 = arith.addf %while3A_191, %get3A_270 : vector<16xf32>
          %get3A_272 = arith.index_cast %sub3A : i32 to index
          %get3A_273 = arith.constant 192 : index
          %get3A_274 = tpu.vector_load %arg8[%get3A_272, %get3A_273] {strides = array<i32>} : memref<56x512xf32, #tpu.memory_space<vmem>>, vector<1x16xf32>,
          %get3A_275 = vector.shape_cast %get3A_274 : vector<1x16xf32> to vector<16xf32>
          %add3A_276 = arith.addf %while3A_192, %get3A_275 : vector<16xf32>
          %get3A_277 = arith.index_cast %sub3A : i32 to index
          %get3A_278 = arith.constant 208 : index
          %get3A_279 = tpu.vector_load %arg8[%get3A_277, %get3A_278] {strides = array<i32>} : memref<56x512xf32, #tpu.memory_space<vmem>>, vector<1x16xf32>,
          %get3A_280 = vector.shape_cast %get3A_279 : vector<1x16xf32> to vector<16xf32>
          %add3A_281 = arith.addf %while3A_193, %get3A_280 : vector<16xf32>
          %get3A_282 = arith.index_cast %sub3A : i32 to index
          %get3A_283 = arith.constant 224 : index
          %get3A_284 = tpu.vector_load %arg8[%get3A_282, %get3A_283] {strides = array<i32>} : memref<56x512xf32, #tpu.memory_space<vmem>>, vector<1x16xf32>,
          %get3A_285 = vector.shape_cast %get3A_284 : vector<1x16xf32> to vector<16xf32>
          %add3A_286 = arith.addf %while3A_194, %get3A_285 : vector<16xf32>
          %get3A_287 = arith.index_cast %sub3A : i32 to index
          %get3A_288 = arith.constant 240 : index
          %get3A_289 = tpu.vector_load %arg8[%get3A_287, %get3A_288] {strides = array<i32>} : memref<56x512xf32, #tpu.memory_space<vmem>>, vector<1x16xf32>,
          %get3A_290 = vector.shape_cast %get3A_289 : vector<1x16xf32> to vector<16xf32>
          %add3A_291 = arith.addf %while3A_195, %get3A_290 : vector<16xf32>
          %get3A_292 = arith.index_cast %sub3A : i32 to index
          %get3A_293 = arith.constant 256 : index
          %get3A_294 = tpu.vector_load %arg8[%get3A_292, %get3A_293] {strides = array<i32>} : memref<56x512xf32, #tpu.memory_space<vmem>>, vector<1x16xf32>,
          %get3A_295 = vector.shape_cast %get3A_294 : vector<1x16xf32> to vector<16xf32>
          %add3A_296 = arith.addf %while3A_196, %get3A_295 : vector<16xf32>
          %get3A_297 = arith.index_cast %sub3A : i32 to index
          %get3A_298 = arith.constant 272 : index
          %get3A_299 = tpu.vector_load %arg8[%get3A_297, %get3A_298] {strides = array<i32>} : memref<56x512xf32, #tpu.memory_space<vmem>>, vector<1x16xf32>,
          %get3A_300 = vector.shape_cast %get3A_299 : vector<1x16xf32> to vector<16xf32>
          %add3A_301 = arith.addf %while3A_197, %get3A_300 : vector<16xf32>
          %get3A_302 = arith.index_cast %sub3A : i32 to index
          %get3A_303 = arith.constant 288 : index
          %get3A_304 = tpu.vector_load %arg8[%get3A_302, %get3A_303] {strides = array<i32>} : memref<56x512xf32, #tpu.memory_space<vmem>>, vector<1x16xf32>,
          %get3A_305 = vector.shape_cast %get3A_304 : vector<1x16xf32> to vector<16xf32>
          %add3A_306 = arith.addf %while3A_198, %get3A_305 : vector<16xf32>
          %get3A_307 = arith.index_cast %sub3A : i32 to index
          %get3A_308 = arith.constant 304 : index
          %get3A_309 = tpu.vector_load %arg8[%get3A_307, %get3A_308] {strides = array<i32>} : memref<56x512xf32, #tpu.memory_space<vmem>>, vector<1x16xf32>,
          %get3A_310 = vector.shape_cast %get3A_309 : vector<1x16xf32> to vector<16xf32>
          %add3A_311 = arith.addf %while3A_199, %get3A_310 : vector<16xf32>
          %get3A_312 = arith.index_cast %sub3A : i32 to index
          %get3A_313 = arith.constant 320 : index
          %get3A_314 = tpu.vector_load %arg8[%get3A_312, %get3A_313] {strides = array<i32>} : memref<56x512xf32, #tpu.memory_space<vmem>>, vector<1x16xf32>,
          %get3A_315 = vector.shape_cast %get3A_314 : vector<1x16xf32> to vector<16xf32>
          %add3A_316 = arith.addf %while3A_200, %get3A_315 : vector<16xf32>
          %get3A_317 = arith.index_cast %sub3A : i32 to index
          %get3A_318 = arith.constant 336 : index
          %get3A_319 = tpu.vector_load %arg8[%get3A_317, %get3A_318] {strides = array<i32>} : memref<56x512xf32, #tpu.memory_space<vmem>>, vector<1x16xf32>,
          %get3A_320 = vector.shape_cast %get3A_319 : vector<1x16xf32> to vector<16xf32>
          %add3A_321 = arith.addf %while3A_201, %get3A_320 : vector<16xf32>
          %get3A_322 = arith.index_cast %sub3A : i32 to index
          %get3A_323 = arith.constant 352 : index
          %get3A_324 = tpu.vector_load %arg8[%get3A_322, %get3A_323] {strides = array<i32>} : memref<56x512xf32, #tpu.memory_space<vmem>>, vector<1x16xf32>,
          %get3A_325 = vector.shape_cast %get3A_324 : vector<1x16xf32> to vector<16xf32>
          %add3A_326 = arith.addf %while3A_202, %get3A_325 : vector<16xf32>
          %get3A_327 = arith.index_cast %sub3A : i32 to index
          %get3A_328 = arith.constant 368 : index
          %get3A_329 = tpu.vector_load %arg8[%get3A_327, %get3A_328] {strides = array<i32>} : memref<56x512xf32, #tpu.memory_space<vmem>>, vector<1x16xf32>,
          %get3A_330 = vector.shape_cast %get3A_329 : vector<1x16xf32> to vector<16xf32>
          %add3A_331 = arith.addf %while3A_203, %get3A_330 : vector<16xf32>
          %get3A_332 = arith.index_cast %sub3A : i32 to index
          %get3A_333 = arith.constant 384 : index
          %get3A_334 = tpu.vector_load %arg8[%get3A_332, %get3A_333] {strides = array<i32>} : memref<56x512xf32, #tpu.memory_space<vmem>>, vector<1x16xf32>,
          %get3A_335 = vector.shape_cast %get3A_334 : vector<1x16xf32> to vector<16xf32>
          %add3A_336 = arith.addf %while3A_204, %get3A_335 : vector<16xf32>
          %get3A_337 = arith.index_cast %sub3A : i32 to index
          %get3A_338 = arith.constant 400 : index
          %get3A_339 = tpu.vector_load %arg8[%get3A_337, %get3A_338] {strides = array<i32>} : memref<56x512xf32, #tpu.memory_space<vmem>>, vector<1x16xf32>,
          %get3A_340 = vector.shape_cast %get3A_339 : vector<1x16xf32> to vector<16xf32>
          %add3A_341 = arith.addf %while3A_205, %get3A_340 : vector<16xf32>
          %get3A_342 = arith.index_cast %sub3A : i32 to index
          %get3A_343 = arith.constant 416 : index
          %get3A_344 = tpu.vector_load %arg8[%get3A_342, %get3A_343] {strides = array<i32>} : memref<56x512xf32, #tpu.memory_space<vmem>>, vector<1x16xf32>,
          %get3A_345 = vector.shape_cast %get3A_344 : vector<1x16xf32> to vector<16xf32>
          %add3A_346 = arith.addf %while3A_206, %get3A_345 : vector<16xf32>
          %get3A_347 = arith.index_cast %sub3A : i32 to index
          %get3A_348 = arith.constant 432 : index
          %get3A_349 = tpu.vector_load %arg8[%get3A_347, %get3A_348] {strides = array<i32>} : memref<56x512xf32, #tpu.memory_space<vmem>>, vector<1x16xf32>,
          %get3A_350 = vector.shape_cast %get3A_349 : vector<1x16xf32> to vector<16xf32>
          %add3A_351 = arith.addf %while3A_207, %get3A_350 : vector<16xf32>
          %get3A_352 = arith.index_cast %sub3A : i32 to index
          %get3A_353 = arith.constant 448 : index
          %get3A_354 = tpu.vector_load %arg8[%get3A_352, %get3A_353] {strides = array<i32>} : memref<56x512xf32, #tpu.memory_space<vmem>>, vector<1x16xf32>,
          %get3A_355 = vector.shape_cast %get3A_354 : vector<1x16xf32> to vector<16xf32>
          %add3A_356 = arith.addf %while3A_208, %get3A_355 : vector<16xf32>
          %get3A_357 = arith.index_cast %sub3A : i32 to index
          %get3A_358 = arith.constant 464 : index
          %get3A_359 = tpu.vector_load %arg8[%get3A_357, %get3A_358] {strides = array<i32>} : memref<56x512xf32, #tpu.memory_space<vmem>>, vector<1x16xf32>,
          %get3A_360 = vector.shape_cast %get3A_359 : vector<1x16xf32> to vector<16xf32>
          %add3A_361 = arith.addf %while3A_209, %get3A_360 : vector<16xf32>
          %get3A_362 = arith.index_cast %sub3A : i32 to index
          %get3A_363 = arith.constant 480 : index
          %get3A_364 = tpu.vector_load %arg8[%get3A_362, %get3A_363] {strides = array<i32>} : memref<56x512xf32, #tpu.memory_space<vmem>>, vector<1x16xf32>,
          %get3A_365 = vector.shape_cast %get3A_364 : vector<1x16xf32> to vector<16xf32>
          %add3A_366 = arith.addf %while3A_210, %get3A_365 : vector<16xf32>
          %get3A_367 = arith.index_cast %sub3A : i32 to index
          %get3A_368 = arith.constant 496 : index
          %get3A_369 = tpu.vector_load %arg8[%get3A_367, %get3A_368] {strides = array<i32>} : memref<56x512xf32, #tpu.memory_space<vmem>>, vector<1x16xf32>,
          %get3A_370 = vector.shape_cast %get3A_369 : vector<1x16xf32> to vector<16xf32>
          %add3A_371 = arith.addf %while3A_211, %get3A_370 : vector<16xf32>
          scf.yield %add3A_216, %add3A_221, %add3A_226, %add3A_231, %add3A_236, %add3A_241, %add3A_246, %add3A_251, %add3A_256, %add3A_261, %add3A_266, %add3A_271, %add3A_276, %add3A_281, %add3A_286, %add3A_291, %add3A_296, %add3A_301, %add3A_306, %add3A_311, %add3A_316, %add3A_321, %add3A_326, %add3A_331, %add3A_336, %add3A_341, %add3A_346, %add3A_351, %add3A_356, %add3A_361, %add3A_366, %add3A_371 : vector<16xf32>, vector<16xf32>, vector<16xf32>, vector<16xf32>, vector<16xf32>, vector<16xf32>, vector<16xf32>, vector<16xf32>, vector<16xf32>, vector<16xf32>, vector<16xf32>, vector<16xf32>, vector<16xf32>, vector<16xf32>, vector<16xf32>, vector<16xf32>, vector<16xf32>, vector<16xf32>, vector<16xf32>, vector<16xf32>, vector<16xf32>, vector<16xf32>, vector<16xf32>, vector<16xf32>, vector<16xf32>, vector<16xf32>, vector<16xf32>, vector<16xf32>, vector<16xf32>, vector<16xf32>, vector<16xf32>, vector<16xf32>
        }
        %while3A_173 = arith.constant 1 : i32
        %while3A_174:32 = scf.for %while3A_179 = %while3A_170 to %while3A_166 step %while3A_173 iter_args(%while3A_180 = %while3A_172#0, %while3A_181 = %while3A_172#1, %while3A_182 = %while3A_172#2, %while3A_183 = %while3A_172#3, %while3A_184 = %while3A_172#4, %while3A_185 = %while3A_172#5, %while3A_186 = %while3A_172#6, %while3A_187 = %while3A_172#7, %while3A_188 = %while3A_172#8, %while3A_189 = %while3A_172#9, %while3A_190 = %while3A_172#10, %while3A_191 = %while3A_172#11, %while3A_192 = %while3A_172#12, %while3A_193 = %while3A_172#13, %while3A_194 = %while3A_172#14, %while3A_195 = %while3A_172#15, %while3A_196 = %while3A_172#16, %while3A_197 = %while3A_172#17, %while3A_198 = %while3A_172#18, %while3A_199 = %while3A_172#19, %while3A_200 = %while3A_172#20, %while3A_201 = %while3A_172#21, %while3A_202 = %while3A_172#22, %while3A_203 = %while3A_172#23, %while3A_204 = %while3A_172#24, %while3A_205 = %while3A_172#25, %while3A_206 = %while3A_172#26, %while3A_207 = %while3A_172#27, %while3A_208 = %while3A_172#28, %while3A_209 = %while3A_172#29, %while3A_210 = %while3A_172#30, %while3A_211 = %while3A_172#31) -> (vector<16xf32>, vector<16xf32>, vector<16xf32>, vector<16xf32>, vector<16xf32>, vector<16xf32>, vector<16xf32>, vector<16xf32>, vector<16xf32>, vector<16xf32>, vector<16xf32>, vector<16xf32>, vector<16xf32>, vector<16xf32>, vector<16xf32>, vector<16xf32>, vector<16xf32>, vector<16xf32>, vector<16xf32>, vector<16xf32>, vector<16xf32>, vector<16xf32>, vector<16xf32>, vector<16xf32>, vector<16xf32>, vector<16xf32>, vector<16xf32>, vector<16xf32>, vector<16xf32>, vector<16xf32>, vector<16xf32>, vector<16xf32>)  : i32 {
          %sub3A = arith.subi %while3A_179, %add3A_137 : i32
          %get3A_212 = arith.index_cast %sub3A : i32 to index
          %get3A_213 = arith.constant 0 : index
          %get3A_214 = tpu.vector_load %arg8[%get3A_212, %get3A_213] {strides = array<i32>} : memref<56x512xf32, #tpu.memory_space<vmem>>, vector<1x16xf32>,
          %get3A_215 = vector.shape_cast %get3A_214 : vector<1x16xf32> to vector<16xf32>
          %add3A_216 = arith.addf %while3A_180, %get3A_215 : vector<16xf32>
          %get3A_217 = arith.index_cast %sub3A : i32 to index
          %get3A_218 = arith.constant 16 : index
          %get3A_219 = tpu.vector_load %arg8[%get3A_217, %get3A_218] {strides = array<i32>} : memref<56x512xf32, #tpu.memory_space<vmem>>, vector<1x16xf32>,
          %get3A_220 = vector.shape_cast %get3A_219 : vector<1x16xf32> to vector<16xf32>
          %add3A_221 = arith.addf %while3A_181, %get3A_220 : vector<16xf32>
          %get3A_222 = arith.index_cast %sub3A : i32 to index
          %get3A_223 = arith.constant 32 : index
          %get3A_224 = tpu.vector_load %arg8[%get3A_222, %get3A_223] {strides = array<i32>} : memref<56x512xf32, #tpu.memory_space<vmem>>, vector<1x16xf32>,
          %get3A_225 = vector.shape_cast %get3A_224 : vector<1x16xf32> to vector<16xf32>
          %add3A_226 = arith.addf %while3A_182, %get3A_225 : vector<16xf32>
          %get3A_227 = arith.index_cast %sub3A : i32 to index
          %get3A_228 = arith.constant 48 : index
          %get3A_229 = tpu.vector_load %arg8[%get3A_227, %get3A_228] {strides = array<i32>} : memref<56x512xf32, #tpu.memory_space<vmem>>, vector<1x16xf32>,
          %get3A_230 = vector.shape_cast %get3A_229 : vector<1x16xf32> to vector<16xf32>
          %add3A_231 = arith.addf %while3A_183, %get3A_230 : vector<16xf32>
          %get3A_232 = arith.index_cast %sub3A : i32 to index
          %get3A_233 = arith.constant 64 : index
          %get3A_234 = tpu.vector_load %arg8[%get3A_232, %get3A_233] {strides = array<i32>} : memref<56x512xf32, #tpu.memory_space<vmem>>, vector<1x16xf32>,
          %get3A_235 = vector.shape_cast %get3A_234 : vector<1x16xf32> to vector<16xf32>
          %add3A_236 = arith.addf %while3A_184, %get3A_235 : vector<16xf32>
          %get3A_237 = arith.index_cast %sub3A : i32 to index
          %get3A_238 = arith.constant 80 : index
          %get3A_239 = tpu.vector_load %arg8[%get3A_237, %get3A_238] {strides = array<i32>} : memref<56x512xf32, #tpu.memory_space<vmem>>, vector<1x16xf32>,
          %get3A_240 = vector.shape_cast %get3A_239 : vector<1x16xf32> to vector<16xf32>
          %add3A_241 = arith.addf %while3A_185, %get3A_240 : vector<16xf32>
          %get3A_242 = arith.index_cast %sub3A : i32 to index
          %get3A_243 = arith.constant 96 : index
          %get3A_244 = tpu.vector_load %arg8[%get3A_242, %get3A_243] {strides = array<i32>} : memref<56x512xf32, #tpu.memory_space<vmem>>, vector<1x16xf32>,
          %get3A_245 = vector.shape_cast %get3A_244 : vector<1x16xf32> to vector<16xf32>
          %add3A_246 = arith.addf %while3A_186, %get3A_245 : vector<16xf32>
          %get3A_247 = arith.index_cast %sub3A : i32 to index
          %get3A_248 = arith.constant 112 : index
          %get3A_249 = tpu.vector_load %arg8[%get3A_247, %get3A_248] {strides = array<i32>} : memref<56x512xf32, #tpu.memory_space<vmem>>, vector<1x16xf32>,
          %get3A_250 = vector.shape_cast %get3A_249 : vector<1x16xf32> to vector<16xf32>
          %add3A_251 = arith.addf %while3A_187, %get3A_250 : vector<16xf32>
          %get3A_252 = arith.index_cast %sub3A : i32 to index
          %get3A_253 = arith.constant 128 : index
          %get3A_254 = tpu.vector_load %arg8[%get3A_252, %get3A_253] {strides = array<i32>} : memref<56x512xf32, #tpu.memory_space<vmem>>, vector<1x16xf32>,
          %get3A_255 = vector.shape_cast %get3A_254 : vector<1x16xf32> to vector<16xf32>
          %add3A_256 = arith.addf %while3A_188, %get3A_255 : vector<16xf32>
          %get3A_257 = arith.index_cast %sub3A : i32 to index
          %get3A_258 = arith.constant 144 : index
          %get3A_259 = tpu.vector_load %arg8[%get3A_257, %get3A_258] {strides = array<i32>} : memref<56x512xf32, #tpu.memory_space<vmem>>, vector<1x16xf32>,
          %get3A_260 = vector.shape_cast %get3A_259 : vector<1x16xf32> to vector<16xf32>
          %add3A_261 = arith.addf %while3A_189, %get3A_260 : vector<16xf32>
          %get3A_262 = arith.index_cast %sub3A : i32 to index
          %get3A_263 = arith.constant 160 : index
          %get3A_264 = tpu.vector_load %arg8[%get3A_262, %get3A_263] {strides = array<i32>} : memref<56x512xf32, #tpu.memory_space<vmem>>, vector<1x16xf32>,
          %get3A_265 = vector.shape_cast %get3A_264 : vector<1x16xf32> to vector<16xf32>
          %add3A_266 = arith.addf %while3A_190, %get3A_265 : vector<16xf32>
          %get3A_267 = arith.index_cast %sub3A : i32 to index
          %get3A_268 = arith.constant 176 : index
          %get3A_269 = tpu.vector_load %arg8[%get3A_267, %get3A_268] {strides = array<i32>} : memref<56x512xf32, #tpu.memory_space<vmem>>, vector<1x16xf32>,
          %get3A_270 = vector.shape_cast %get3A_269 : vector<1x16xf32> to vector<16xf32>
          %add3A_271 = arith.addf %while3A_191, %get3A_270 : vector<16xf32>
          %get3A_272 = arith.index_cast %sub3A : i32 to index
          %get3A_273 = arith.constant 192 : index
          %get3A_274 = tpu.vector_load %arg8[%get3A_272, %get3A_273] {strides = array<i32>} : memref<56x512xf32, #tpu.memory_space<vmem>>, vector<1x16xf32>,
          %get3A_275 = vector.shape_cast %get3A_274 : vector<1x16xf32> to vector<16xf32>
          %add3A_276 = arith.addf %while3A_192, %get3A_275 : vector<16xf32>
          %get3A_277 = arith.index_cast %sub3A : i32 to index
          %get3A_278 = arith.constant 208 : index
          %get3A_279 = tpu.vector_load %arg8[%get3A_277, %get3A_278] {strides = array<i32>} : memref<56x512xf32, #tpu.memory_space<vmem>>, vector<1x16xf32>,
          %get3A_280 = vector.shape_cast %get3A_279 : vector<1x16xf32> to vector<16xf32>
          %add3A_281 = arith.addf %while3A_193, %get3A_280 : vector<16xf32>
          %get3A_282 = arith.index_cast %sub3A : i32 to index
          %get3A_283 = arith.constant 224 : index
          %get3A_284 = tpu.vector_load %arg8[%get3A_282, %get3A_283] {strides = array<i32>} : memref<56x512xf32, #tpu.memory_space<vmem>>, vector<1x16xf32>,
          %get3A_285 = vector.shape_cast %get3A_284 : vector<1x16xf32> to vector<16xf32>
          %add3A_286 = arith.addf %while3A_194, %get3A_285 : vector<16xf32>
          %get3A_287 = arith.index_cast %sub3A : i32 to index
          %get3A_288 = arith.constant 240 : index
          %get3A_289 = tpu.vector_load %arg8[%get3A_287, %get3A_288] {strides = array<i32>} : memref<56x512xf32, #tpu.memory_space<vmem>>, vector<1x16xf32>,
          %get3A_290 = vector.shape_cast %get3A_289 : vector<1x16xf32> to vector<16xf32>
          %add3A_291 = arith.addf %while3A_195, %get3A_290 : vector<16xf32>
          %get3A_292 = arith.index_cast %sub3A : i32 to index
          %get3A_293 = arith.constant 256 : index
          %get3A_294 = tpu.vector_load %arg8[%get3A_292, %get3A_293] {strides = array<i32>} : memref<56x512xf32, #tpu.memory_space<vmem>>, vector<1x16xf32>,
          %get3A_295 = vector.shape_cast %get3A_294 : vector<1x16xf32> to vector<16xf32>
          %add3A_296 = arith.addf %while3A_196, %get3A_295 : vector<16xf32>
          %get3A_297 = arith.index_cast %sub3A : i32 to index
          %get3A_298 = arith.constant 272 : index
          %get3A_299 = tpu.vector_load %arg8[%get3A_297, %get3A_298] {strides = array<i32>} : memref<56x512xf32, #tpu.memory_space<vmem>>, vector<1x16xf32>,
          %get3A_300 = vector.shape_cast %get3A_299 : vector<1x16xf32> to vector<16xf32>
          %add3A_301 = arith.addf %while3A_197, %get3A_300 : vector<16xf32>
          %get3A_302 = arith.index_cast %sub3A : i32 to index
          %get3A_303 = arith.constant 288 : index
          %get3A_304 = tpu.vector_load %arg8[%get3A_302, %get3A_303] {strides = array<i32>} : memref<56x512xf32, #tpu.memory_space<vmem>>, vector<1x16xf32>,
          %get3A_305 = vector.shape_cast %get3A_304 : vector<1x16xf32> to vector<16xf32>
          %add3A_306 = arith.addf %while3A_198, %get3A_305 : vector<16xf32>
          %get3A_307 = arith.index_cast %sub3A : i32 to index
          %get3A_308 = arith.constant 304 : index
          %get3A_309 = tpu.vector_load %arg8[%get3A_307, %get3A_308] {strides = array<i32>} : memref<56x512xf32, #tpu.memory_space<vmem>>, vector<1x16xf32>,
          %get3A_310 = vector.shape_cast %get3A_309 : vector<1x16xf32> to vector<16xf32>
          %add3A_311 = arith.addf %while3A_199, %get3A_310 : vector<16xf32>
          %get3A_312 = arith.index_cast %sub3A : i32 to index
          %get3A_313 = arith.constant 320 : index
          %get3A_314 = tpu.vector_load %arg8[%get3A_312, %get3A_313] {strides = array<i32>} : memref<56x512xf32, #tpu.memory_space<vmem>>, vector<1x16xf32>,
          %get3A_315 = vector.shape_cast %get3A_314 : vector<1x16xf32> to vector<16xf32>
          %add3A_316 = arith.addf %while3A_200, %get3A_315 : vector<16xf32>
          %get3A_317 = arith.index_cast %sub3A : i32 to index
          %get3A_318 = arith.constant 336 : index
          %get3A_319 = tpu.vector_load %arg8[%get3A_317, %get3A_318] {strides = array<i32>} : memref<56x512xf32, #tpu.memory_space<vmem>>, vector<1x16xf32>,
          %get3A_320 = vector.shape_cast %get3A_319 : vector<1x16xf32> to vector<16xf32>
          %add3A_321 = arith.addf %while3A_201, %get3A_320 : vector<16xf32>
          %get3A_322 = arith.index_cast %sub3A : i32 to index
          %get3A_323 = arith.constant 352 : index
          %get3A_324 = tpu.vector_load %arg8[%get3A_322, %get3A_323] {strides = array<i32>} : memref<56x512xf32, #tpu.memory_space<vmem>>, vector<1x16xf32>,
          %get3A_325 = vector.shape_cast %get3A_324 : vector<1x16xf32> to vector<16xf32>
          %add3A_326 = arith.addf %while3A_202, %get3A_325 : vector<16xf32>
          %get3A_327 = arith.index_cast %sub3A : i32 to index
          %get3A_328 = arith.constant 368 : index
          %get3A_329 = tpu.vector_load %arg8[%get3A_327, %get3A_328] {strides = array<i32>} : memref<56x512xf32, #tpu.memory_space<vmem>>, vector<1x16xf32>,
          %get3A_330 = vector.shape_cast %get3A_329 : vector<1x16xf32> to vector<16xf32>
          %add3A_331 = arith.addf %while3A_203, %get3A_330 : vector<16xf32>
          %get3A_332 = arith.index_cast %sub3A : i32 to index
          %get3A_333 = arith.constant 384 : index
          %get3A_334 = tpu.vector_load %arg8[%get3A_332, %get3A_333] {strides = array<i32>} : memref<56x512xf32, #tpu.memory_space<vmem>>, vector<1x16xf32>,
          %get3A_335 = vector.shape_cast %get3A_334 : vector<1x16xf32> to vector<16xf32>
          %add3A_336 = arith.addf %while3A_204, %get3A_335 : vector<16xf32>
          %get3A_337 = arith.index_cast %sub3A : i32 to index
          %get3A_338 = arith.constant 400 : index
          %get3A_339 = tpu.vector_load %arg8[%get3A_337, %get3A_338] {strides = array<i32>} : memref<56x512xf32, #tpu.memory_space<vmem>>, vector<1x16xf32>,
          %get3A_340 = vector.shape_cast %get3A_339 : vector<1x16xf32> to vector<16xf32>
          %add3A_341 = arith.addf %while3A_205, %get3A_340 : vector<16xf32>
          %get3A_342 = arith.index_cast %sub3A : i32 to index
          %get3A_343 = arith.constant 416 : index
          %get3A_344 = tpu.vector_load %arg8[%get3A_342, %get3A_343] {strides = array<i32>} : memref<56x512xf32, #tpu.memory_space<vmem>>, vector<1x16xf32>,
          %get3A_345 = vector.shape_cast %get3A_344 : vector<1x16xf32> to vector<16xf32>
          %add3A_346 = arith.addf %while3A_206, %get3A_345 : vector<16xf32>
          %get3A_347 = arith.index_cast %sub3A : i32 to index
          %get3A_348 = arith.constant 432 : index
          %get3A_349 = tpu.vector_load %arg8[%get3A_347, %get3A_348] {strides = array<i32>} : memref<56x512xf32, #tpu.memory_space<vmem>>, vector<1x16xf32>,
          %get3A_350 = vector.shape_cast %get3A_349 : vector<1x16xf32> to vector<16xf32>
          %add3A_351 = arith.addf %while3A_207, %get3A_350 : vector<16xf32>
          %get3A_352 = arith.index_cast %sub3A : i32 to index
          %get3A_353 = arith.constant 448 : index
          %get3A_354 = tpu.vector_load %arg8[%get3A_352, %get3A_353] {strides = array<i32>} : memref<56x512xf32, #tpu.memory_space<vmem>>, vector<1x16xf32>,
          %get3A_355 = vector.shape_cast %get3A_354 : vector<1x16xf32> to vector<16xf32>
          %add3A_356 = arith.addf %while3A_208, %get3A_355 : vector<16xf32>
          %get3A_357 = arith.index_cast %sub3A : i32 to index
          %get3A_358 = arith.constant 464 : index
          %get3A_359 = tpu.vector_load %arg8[%get3A_357, %get3A_358] {strides = array<i32>} : memref<56x512xf32, #tpu.memory_space<vmem>>, vector<1x16xf32>,
          %get3A_360 = vector.shape_cast %get3A_359 : vector<1x16xf32> to vector<16xf32>
          %add3A_361 = arith.addf %while3A_209, %get3A_360 : vector<16xf32>
          %get3A_362 = arith.index_cast %sub3A : i32 to index
          %get3A_363 = arith.constant 480 : index
          %get3A_364 = tpu.vector_load %arg8[%get3A_362, %get3A_363] {strides = array<i32>} : memref<56x512xf32, #tpu.memory_space<vmem>>, vector<1x16xf32>,
          %get3A_365 = vector.shape_cast %get3A_364 : vector<1x16xf32> to vector<16xf32>
          %add3A_366 = arith.addf %while3A_210, %get3A_365 : vector<16xf32>
          %get3A_367 = arith.index_cast %sub3A : i32 to index
          %get3A_368 = arith.constant 496 : index
          %get3A_369 = tpu.vector_load %arg8[%get3A_367, %get3A_368] {strides = array<i32>} : memref<56x512xf32, #tpu.memory_space<vmem>>, vector<1x16xf32>,
          %get3A_370 = vector.shape_cast %get3A_369 : vector<1x16xf32> to vector<16xf32>
          %add3A_371 = arith.addf %while3A_211, %get3A_370 : vector<16xf32>
          scf.yield %add3A_216, %add3A_221, %add3A_226, %add3A_231, %add3A_236, %add3A_241, %add3A_246, %add3A_251, %add3A_256, %add3A_261, %add3A_266, %add3A_271, %add3A_276, %add3A_281, %add3A_286, %add3A_291, %add3A_296, %add3A_301, %add3A_306, %add3A_311, %add3A_316, %add3A_321, %add3A_326, %add3A_331, %add3A_336, %add3A_341, %add3A_346, %add3A_351, %add3A_356, %add3A_361, %add3A_366, %add3A_371 : vector<16xf32>, vector<16xf32>, vector<16xf32>, vector<16xf32>, vector<16xf32>, vector<16xf32>, vector<16xf32>, vector<16xf32>, vector<16xf32>, vector<16xf32>, vector<16xf32>, vector<16xf32>, vector<16xf32>, vector<16xf32>, vector<16xf32>, vector<16xf32>, vector<16xf32>, vector<16xf32>, vector<16xf32>, vector<16xf32>, vector<16xf32>, vector<16xf32>, vector<16xf32>, vector<16xf32>, vector<16xf32>, vector<16xf32>, vector<16xf32>, vector<16xf32>, vector<16xf32>, vector<16xf32>, vector<16xf32>, vector<16xf32>
        }
        %gt3A = arith.cmpi sgt, %min3A, %max3A : i32
        %convert_element_type3A_175 = arith.extui %gt3A : i1 to i32
        %cond3A_176 = arith.constant 0 : i32
        %cond3A_177 = arith.cmpi ne, %convert_element_type3A_175, %cond3A_176 : i32
        scf.if %cond3A_177 {
          %sub3A = arith.subi %squeeze3A_163, %squeeze3A : i32
          %convert_element_type3A_179 = arith.sitofp %sub3A : i32 to f32
          %broadcast_in_dim3A_180 = vector.broadcast %convert_element_type3A_179 : f32 to vector<16xf32>
          %div3A = arith.divf %while3A_174#0, %broadcast_in_dim3A_180 : vector<16xf32>
          %swap3A = arith.index_cast %scan3A_153 : i32 to index
          %swap3A_181 = arith.constant 0 : index
          %swap3A_182 = tpu.vector_load %arg10[%swap3A, %swap3A_181] {strides = array<i32>} : memref<16x512xf32, #tpu.memory_space<vmem>>, vector<1x16xf32>,
          %swap3A_183 = vector.shape_cast %swap3A_182 : vector<1x16xf32> to vector<16xf32>
          %swap3A_184 = vector.shape_cast %div3A : vector<16xf32> to vector<1x16xf32>
          tpu.vector_store %arg10[%swap3A, %swap3A_181], %swap3A_184 {add = true, strides = array<i32>} : memref<16x512xf32, #tpu.memory_space<vmem>>, vector<1x16xf32>,
          %div3A_185 = arith.divf %while3A_174#1, %broadcast_in_dim3A_180 : vector<16xf32>
          %swap3A_186 = arith.index_cast %scan3A_153 : i32 to index
          %swap3A_187 = arith.constant 16 : index
          %swap3A_188 = tpu.vector_load %arg10[%swap3A_186, %swap3A_187] {strides = array<i32>} : memref<16x512xf32, #tpu.memory_space<vmem>>, vector<1x16xf32>,
          %swap3A_189 = vector.shape_cast %swap3A_188 : vector<1x16xf32> to vector<16xf32>
          %swap3A_190 = vector.shape_cast %div3A_185 : vector<16xf32> to vector<1x16xf32>
          tpu.vector_store %arg10[%swap3A_186, %swap3A_187], %swap3A_190 {add = true, strides = array<i32>} : memref<16x512xf32, #tpu.memory_space<vmem>>, vector<1x16xf32>,
          %div3A_191 = arith.divf %while3A_174#2, %broadcast_in_dim3A_180 : vector<16xf32>
          %swap3A_192 = arith.index_cast %scan3A_153 : i32 to index
          %swap3A_193 = arith.constant 32 : index
          %swap3A_194 = tpu.vector_load %arg10[%swap3A_192, %swap3A_193] {strides = array<i32>} : memref<16x512xf32, #tpu.memory_space<vmem>>, vector<1x16xf32>,
          %swap3A_195 = vector.shape_cast %swap3A_194 : vector<1x16xf32> to vector<16xf32>
          %swap3A_196 = vector.shape_cast %div3A_191 : vector<16xf32> to vector<1x16xf32>
          tpu.vector_store %arg10[%swap3A_192, %swap3A_193], %swap3A_196 {add = true, strides = array<i32>} : memref<16x512xf32, #tpu.memory_space<vmem>>, vector<1x16xf32>,
          %div3A_197 = arith.divf %while3A_174#3, %broadcast_in_dim3A_180 : vector<16xf32>
          %swap3A_198 = arith.index_cast %scan3A_153 : i32 to index
          %swap3A_199 = arith.constant 48 : index
          %swap3A_200 = tpu.vector_load %arg10[%swap3A_198, %swap3A_199] {strides = array<i32>} : memref<16x512xf32, #tpu.memory_space<vmem>>, vector<1x16xf32>,
          %swap3A_201 = vector.shape_cast %swap3A_200 : vector<1x16xf32> to vector<16xf32>
          %swap3A_202 = vector.shape_cast %div3A_197 : vector<16xf32> to vector<1x16xf32>
          tpu.vector_store %arg10[%swap3A_198, %swap3A_199], %swap3A_202 {add = true, strides = array<i32>} : memref<16x512xf32, #tpu.memory_space<vmem>>, vector<1x16xf32>,
          %div3A_203 = arith.divf %while3A_174#4, %broadcast_in_dim3A_180 : vector<16xf32>
          %swap3A_204 = arith.index_cast %scan3A_153 : i32 to index
          %swap3A_205 = arith.constant 64 : index
          %swap3A_206 = tpu.vector_load %arg10[%swap3A_204, %swap3A_205] {strides = array<i32>} : memref<16x512xf32, #tpu.memory_space<vmem>>, vector<1x16xf32>,
          %swap3A_207 = vector.shape_cast %swap3A_206 : vector<1x16xf32> to vector<16xf32>
          %swap3A_208 = vector.shape_cast %div3A_203 : vector<16xf32> to vector<1x16xf32>
          tpu.vector_store %arg10[%swap3A_204, %swap3A_205], %swap3A_208 {add = true, strides = array<i32>} : memref<16x512xf32, #tpu.memory_space<vmem>>, vector<1x16xf32>,
          %div3A_209 = arith.divf %while3A_174#5, %broadcast_in_dim3A_180 : vector<16xf32>
          %swap3A_210 = arith.index_cast %scan3A_153 : i32 to index
          %swap3A_211 = arith.constant 80 : index
          %swap3A_212 = tpu.vector_load %arg10[%swap3A_210, %swap3A_211] {strides = array<i32>} : memref<16x512xf32, #tpu.memory_space<vmem>>, vector<1x16xf32>,
          %swap3A_213 = vector.shape_cast %swap3A_212 : vector<1x16xf32> to vector<16xf32>
          %swap3A_214 = vector.shape_cast %div3A_209 : vector<16xf32> to vector<1x16xf32>
          tpu.vector_store %arg10[%swap3A_210, %swap3A_211], %swap3A_214 {add = true, strides = array<i32>} : memref<16x512xf32, #tpu.memory_space<vmem>>, vector<1x16xf32>,
          %div3A_215 = arith.divf %while3A_174#6, %broadcast_in_dim3A_180 : vector<16xf32>
          %swap3A_216 = arith.index_cast %scan3A_153 : i32 to index
          %swap3A_217 = arith.constant 96 : index
          %swap3A_218 = tpu.vector_load %arg10[%swap3A_216, %swap3A_217] {strides = array<i32>} : memref<16x512xf32, #tpu.memory_space<vmem>>, vector<1x16xf32>,
          %swap3A_219 = vector.shape_cast %swap3A_218 : vector<1x16xf32> to vector<16xf32>
          %swap3A_220 = vector.shape_cast %div3A_215 : vector<16xf32> to vector<1x16xf32>
          tpu.vector_store %arg10[%swap3A_216, %swap3A_217], %swap3A_220 {add = true, strides = array<i32>} : memref<16x512xf32, #tpu.memory_space<vmem>>, vector<1x16xf32>,
          %div3A_221 = arith.divf %while3A_174#7, %broadcast_in_dim3A_180 : vector<16xf32>
          %swap3A_222 = arith.index_cast %scan3A_153 : i32 to index
          %swap3A_223 = arith.constant 112 : index
          %swap3A_224 = tpu.vector_load %arg10[%swap3A_222, %swap3A_223] {strides = array<i32>} : memref<16x512xf32, #tpu.memory_space<vmem>>, vector<1x16xf32>,
          %swap3A_225 = vector.shape_cast %swap3A_224 : vector<1x16xf32> to vector<16xf32>
          %swap3A_226 = vector.shape_cast %div3A_221 : vector<16xf32> to vector<1x16xf32>
          tpu.vector_store %arg10[%swap3A_222, %swap3A_223], %swap3A_226 {add = true, strides = array<i32>} : memref<16x512xf32, #tpu.memory_space<vmem>>, vector<1x16xf32>,
          %div3A_227 = arith.divf %while3A_174#8, %broadcast_in_dim3A_180 : vector<16xf32>
          %swap3A_228 = arith.index_cast %scan3A_153 : i32 to index
          %swap3A_229 = arith.constant 128 : index
          %swap3A_230 = tpu.vector_load %arg10[%swap3A_228, %swap3A_229] {strides = array<i32>} : memref<16x512xf32, #tpu.memory_space<vmem>>, vector<1x16xf32>,
          %swap3A_231 = vector.shape_cast %swap3A_230 : vector<1x16xf32> to vector<16xf32>
          %swap3A_232 = vector.shape_cast %div3A_227 : vector<16xf32> to vector<1x16xf32>
          tpu.vector_store %arg10[%swap3A_228, %swap3A_229], %swap3A_232 {add = true, strides = array<i32>} : memref<16x512xf32, #tpu.memory_space<vmem>>, vector<1x16xf32>,
          %div3A_233 = arith.divf %while3A_174#9, %broadcast_in_dim3A_180 : vector<16xf32>
          %swap3A_234 = arith.index_cast %scan3A_153 : i32 to index
          %swap3A_235 = arith.constant 144 : index
          %swap3A_236 = tpu.vector_load %arg10[%swap3A_234, %swap3A_235] {strides = array<i32>} : memref<16x512xf32, #tpu.memory_space<vmem>>, vector<1x16xf32>,
          %swap3A_237 = vector.shape_cast %swap3A_236 : vector<1x16xf32> to vector<16xf32>
          %swap3A_238 = vector.shape_cast %div3A_233 : vector<16xf32> to vector<1x16xf32>
          tpu.vector_store %arg10[%swap3A_234, %swap3A_235], %swap3A_238 {add = true, strides = array<i32>} : memref<16x512xf32, #tpu.memory_space<vmem>>, vector<1x16xf32>,
          %div3A_239 = arith.divf %while3A_174#10, %broadcast_in_dim3A_180 : vector<16xf32>
          %swap3A_240 = arith.index_cast %scan3A_153 : i32 to index
          %swap3A_241 = arith.constant 160 : index
          %swap3A_242 = tpu.vector_load %arg10[%swap3A_240, %swap3A_241] {strides = array<i32>} : memref<16x512xf32, #tpu.memory_space<vmem>>, vector<1x16xf32>,
          %swap3A_243 = vector.shape_cast %swap3A_242 : vector<1x16xf32> to vector<16xf32>
          %swap3A_244 = vector.shape_cast %div3A_239 : vector<16xf32> to vector<1x16xf32>
          tpu.vector_store %arg10[%swap3A_240, %swap3A_241], %swap3A_244 {add = true, strides = array<i32>} : memref<16x512xf32, #tpu.memory_space<vmem>>, vector<1x16xf32>,
          %div3A_245 = arith.divf %while3A_174#11, %broadcast_in_dim3A_180 : vector<16xf32>
          %swap3A_246 = arith.index_cast %scan3A_153 : i32 to index
          %swap3A_247 = arith.constant 176 : index
          %swap3A_248 = tpu.vector_load %arg10[%swap3A_246, %swap3A_247] {strides = array<i32>} : memref<16x512xf32, #tpu.memory_space<vmem>>, vector<1x16xf32>,
          %swap3A_249 = vector.shape_cast %swap3A_248 : vector<1x16xf32> to vector<16xf32>
          %swap3A_250 = vector.shape_cast %div3A_245 : vector<16xf32> to vector<1x16xf32>
          tpu.vector_store %arg10[%swap3A_246, %swap3A_247], %swap3A_250 {add = true, strides = array<i32>} : memref<16x512xf32, #tpu.memory_space<vmem>>, vector<1x16xf32>,
          %div3A_251 = arith.divf %while3A_174#12, %broadcast_in_dim3A_180 : vector<16xf32>
          %swap3A_252 = arith.index_cast %scan3A_153 : i32 to index
          %swap3A_253 = arith.constant 192 : index
          %swap3A_254 = tpu.vector_load %arg10[%swap3A_252, %swap3A_253] {strides = array<i32>} : memref<16x512xf32, #tpu.memory_space<vmem>>, vector<1x16xf32>,
          %swap3A_255 = vector.shape_cast %swap3A_254 : vector<1x16xf32> to vector<16xf32>
          %swap3A_256 = vector.shape_cast %div3A_251 : vector<16xf32> to vector<1x16xf32>
          tpu.vector_store %arg10[%swap3A_252, %swap3A_253], %swap3A_256 {add = true, strides = array<i32>} : memref<16x512xf32, #tpu.memory_space<vmem>>, vector<1x16xf32>,
          %div3A_257 = arith.divf %while3A_174#13, %broadcast_in_dim3A_180 : vector<16xf32>
          %swap3A_258 = arith.index_cast %scan3A_153 : i32 to index
          %swap3A_259 = arith.constant 208 : index
          %swap3A_260 = tpu.vector_load %arg10[%swap3A_258, %swap3A_259] {strides = array<i32>} : memref<16x512xf32, #tpu.memory_space<vmem>>, vector<1x16xf32>,
          %swap3A_261 = vector.shape_cast %swap3A_260 : vector<1x16xf32> to vector<16xf32>
          %swap3A_262 = vector.shape_cast %div3A_257 : vector<16xf32> to vector<1x16xf32>
          tpu.vector_store %arg10[%swap3A_258, %swap3A_259], %swap3A_262 {add = true, strides = array<i32>} : memref<16x512xf32, #tpu.memory_space<vmem>>, vector<1x16xf32>,
          %div3A_263 = arith.divf %while3A_174#14, %broadcast_in_dim3A_180 : vector<16xf32>
          %swap3A_264 = arith.index_cast %scan3A_153 : i32 to index
          %swap3A_265 = arith.constant 224 : index
          %swap3A_266 = tpu.vector_load %arg10[%swap3A_264, %swap3A_265] {strides = array<i32>} : memref<16x512xf32, #tpu.memory_space<vmem>>, vector<1x16xf32>,
          %swap3A_267 = vector.shape_cast %swap3A_266 : vector<1x16xf32> to vector<16xf32>
          %swap3A_268 = vector.shape_cast %div3A_263 : vector<16xf32> to vector<1x16xf32>
          tpu.vector_store %arg10[%swap3A_264, %swap3A_265], %swap3A_268 {add = true, strides = array<i32>} : memref<16x512xf32, #tpu.memory_space<vmem>>, vector<1x16xf32>,
          %div3A_269 = arith.divf %while3A_174#15, %broadcast_in_dim3A_180 : vector<16xf32>
          %swap3A_270 = arith.index_cast %scan3A_153 : i32 to index
          %swap3A_271 = arith.constant 240 : index
          %swap3A_272 = tpu.vector_load %arg10[%swap3A_270, %swap3A_271] {strides = array<i32>} : memref<16x512xf32, #tpu.memory_space<vmem>>, vector<1x16xf32>,
          %swap3A_273 = vector.shape_cast %swap3A_272 : vector<1x16xf32> to vector<16xf32>
          %swap3A_274 = vector.shape_cast %div3A_269 : vector<16xf32> to vector<1x16xf32>
          tpu.vector_store %arg10[%swap3A_270, %swap3A_271], %swap3A_274 {add = true, strides = array<i32>} : memref<16x512xf32, #tpu.memory_space<vmem>>, vector<1x16xf32>,
          %div3A_275 = arith.divf %while3A_174#16, %broadcast_in_dim3A_180 : vector<16xf32>
          %swap3A_276 = arith.index_cast %scan3A_153 : i32 to index
          %swap3A_277 = arith.constant 256 : index
          %swap3A_278 = tpu.vector_load %arg10[%swap3A_276, %swap3A_277] {strides = array<i32>} : memref<16x512xf32, #tpu.memory_space<vmem>>, vector<1x16xf32>,
          %swap3A_279 = vector.shape_cast %swap3A_278 : vector<1x16xf32> to vector<16xf32>
          %swap3A_280 = vector.shape_cast %div3A_275 : vector<16xf32> to vector<1x16xf32>
          tpu.vector_store %arg10[%swap3A_276, %swap3A_277], %swap3A_280 {add = true, strides = array<i32>} : memref<16x512xf32, #tpu.memory_space<vmem>>, vector<1x16xf32>,
          %div3A_281 = arith.divf %while3A_174#17, %broadcast_in_dim3A_180 : vector<16xf32>
          %swap3A_282 = arith.index_cast %scan3A_153 : i32 to index
          %swap3A_283 = arith.constant 272 : index
          %swap3A_284 = tpu.vector_load %arg10[%swap3A_282, %swap3A_283] {strides = array<i32>} : memref<16x512xf32, #tpu.memory_space<vmem>>, vector<1x16xf32>,
          %swap3A_285 = vector.shape_cast %swap3A_284 : vector<1x16xf32> to vector<16xf32>
          %swap3A_286 = vector.shape_cast %div3A_281 : vector<16xf32> to vector<1x16xf32>
          tpu.vector_store %arg10[%swap3A_282, %swap3A_283], %swap3A_286 {add = true, strides = array<i32>} : memref<16x512xf32, #tpu.memory_space<vmem>>, vector<1x16xf32>,
          %div3A_287 = arith.divf %while3A_174#18, %broadcast_in_dim3A_180 : vector<16xf32>
          %swap3A_288 = arith.index_cast %scan3A_153 : i32 to index
          %swap3A_289 = arith.constant 288 : index
          %swap3A_290 = tpu.vector_load %arg10[%swap3A_288, %swap3A_289] {strides = array<i32>} : memref<16x512xf32, #tpu.memory_space<vmem>>, vector<1x16xf32>,
          %swap3A_291 = vector.shape_cast %swap3A_290 : vector<1x16xf32> to vector<16xf32>
          %swap3A_292 = vector.shape_cast %div3A_287 : vector<16xf32> to vector<1x16xf32>
          tpu.vector_store %arg10[%swap3A_288, %swap3A_289], %swap3A_292 {add = true, strides = array<i32>} : memref<16x512xf32, #tpu.memory_space<vmem>>, vector<1x16xf32>,
          %div3A_293 = arith.divf %while3A_174#19, %broadcast_in_dim3A_180 : vector<16xf32>
          %swap3A_294 = arith.index_cast %scan3A_153 : i32 to index
          %swap3A_295 = arith.constant 304 : index
          %swap3A_296 = tpu.vector_load %arg10[%swap3A_294, %swap3A_295] {strides = array<i32>} : memref<16x512xf32, #tpu.memory_space<vmem>>, vector<1x16xf32>,
          %swap3A_297 = vector.shape_cast %swap3A_296 : vector<1x16xf32> to vector<16xf32>
          %swap3A_298 = vector.shape_cast %div3A_293 : vector<16xf32> to vector<1x16xf32>
          tpu.vector_store %arg10[%swap3A_294, %swap3A_295], %swap3A_298 {add = true, strides = array<i32>} : memref<16x512xf32, #tpu.memory_space<vmem>>, vector<1x16xf32>,
          %div3A_299 = arith.divf %while3A_174#20, %broadcast_in_dim3A_180 : vector<16xf32>
          %swap3A_300 = arith.index_cast %scan3A_153 : i32 to index
          %swap3A_301 = arith.constant 320 : index
          %swap3A_302 = tpu.vector_load %arg10[%swap3A_300, %swap3A_301] {strides = array<i32>} : memref<16x512xf32, #tpu.memory_space<vmem>>, vector<1x16xf32>,
          %swap3A_303 = vector.shape_cast %swap3A_302 : vector<1x16xf32> to vector<16xf32>
          %swap3A_304 = vector.shape_cast %div3A_299 : vector<16xf32> to vector<1x16xf32>
          tpu.vector_store %arg10[%swap3A_300, %swap3A_301], %swap3A_304 {add = true, strides = array<i32>} : memref<16x512xf32, #tpu.memory_space<vmem>>, vector<1x16xf32>,
          %div3A_305 = arith.divf %while3A_174#21, %broadcast_in_dim3A_180 : vector<16xf32>
          %swap3A_306 = arith.index_cast %scan3A_153 : i32 to index
          %swap3A_307 = arith.constant 336 : index
          %swap3A_308 = tpu.vector_load %arg10[%swap3A_306, %swap3A_307] {strides = array<i32>} : memref<16x512xf32, #tpu.memory_space<vmem>>, vector<1x16xf32>,
          %swap3A_309 = vector.shape_cast %swap3A_308 : vector<1x16xf32> to vector<16xf32>
          %swap3A_310 = vector.shape_cast %div3A_305 : vector<16xf32> to vector<1x16xf32>
          tpu.vector_store %arg10[%swap3A_306, %swap3A_307], %swap3A_310 {add = true, strides = array<i32>} : memref<16x512xf32, #tpu.memory_space<vmem>>, vector<1x16xf32>,
          %div3A_311 = arith.divf %while3A_174#22, %broadcast_in_dim3A_180 : vector<16xf32>
          %swap3A_312 = arith.index_cast %scan3A_153 : i32 to index
          %swap3A_313 = arith.constant 352 : index
          %swap3A_314 = tpu.vector_load %arg10[%swap3A_312, %swap3A_313] {strides = array<i32>} : memref<16x512xf32, #tpu.memory_space<vmem>>, vector<1x16xf32>,
          %swap3A_315 = vector.shape_cast %swap3A_314 : vector<1x16xf32> to vector<16xf32>
          %swap3A_316 = vector.shape_cast %div3A_311 : vector<16xf32> to vector<1x16xf32>
          tpu.vector_store %arg10[%swap3A_312, %swap3A_313], %swap3A_316 {add = true, strides = array<i32>} : memref<16x512xf32, #tpu.memory_space<vmem>>, vector<1x16xf32>,
          %div3A_317 = arith.divf %while3A_174#23, %broadcast_in_dim3A_180 : vector<16xf32>
          %swap3A_318 = arith.index_cast %scan3A_153 : i32 to index
          %swap3A_319 = arith.constant 368 : index
          %swap3A_320 = tpu.vector_load %arg10[%swap3A_318, %swap3A_319] {strides = array<i32>} : memref<16x512xf32, #tpu.memory_space<vmem>>, vector<1x16xf32>,
          %swap3A_321 = vector.shape_cast %swap3A_320 : vector<1x16xf32> to vector<16xf32>
          %swap3A_322 = vector.shape_cast %div3A_317 : vector<16xf32> to vector<1x16xf32>
          tpu.vector_store %arg10[%swap3A_318, %swap3A_319], %swap3A_322 {add = true, strides = array<i32>} : memref<16x512xf32, #tpu.memory_space<vmem>>, vector<1x16xf32>,
          %div3A_323 = arith.divf %while3A_174#24, %broadcast_in_dim3A_180 : vector<16xf32>
          %swap3A_324 = arith.index_cast %scan3A_153 : i32 to index
          %swap3A_325 = arith.constant 384 : index
          %swap3A_326 = tpu.vector_load %arg10[%swap3A_324, %swap3A_325] {strides = array<i32>} : memref<16x512xf32, #tpu.memory_space<vmem>>, vector<1x16xf32>,
          %swap3A_327 = vector.shape_cast %swap3A_326 : vector<1x16xf32> to vector<16xf32>
          %swap3A_328 = vector.shape_cast %div3A_323 : vector<16xf32> to vector<1x16xf32>
          tpu.vector_store %arg10[%swap3A_324, %swap3A_325], %swap3A_328 {add = true, strides = array<i32>} : memref<16x512xf32, #tpu.memory_space<vmem>>, vector<1x16xf32>,
          %div3A_329 = arith.divf %while3A_174#25, %broadcast_in_dim3A_180 : vector<16xf32>
          %swap3A_330 = arith.index_cast %scan3A_153 : i32 to index
          %swap3A_331 = arith.constant 400 : index
          %swap3A_332 = tpu.vector_load %arg10[%swap3A_330, %swap3A_331] {strides = array<i32>} : memref<16x512xf32, #tpu.memory_space<vmem>>, vector<1x16xf32>,
          %swap3A_333 = vector.shape_cast %swap3A_332 : vector<1x16xf32> to vector<16xf32>
          %swap3A_334 = vector.shape_cast %div3A_329 : vector<16xf32> to vector<1x16xf32>
          tpu.vector_store %arg10[%swap3A_330, %swap3A_331], %swap3A_334 {add = true, strides = array<i32>} : memref<16x512xf32, #tpu.memory_space<vmem>>, vector<1x16xf32>,
          %div3A_335 = arith.divf %while3A_174#26, %broadcast_in_dim3A_180 : vector<16xf32>
          %swap3A_336 = arith.index_cast %scan3A_153 : i32 to index
          %swap3A_337 = arith.constant 416 : index
          %swap3A_338 = tpu.vector_load %arg10[%swap3A_336, %swap3A_337] {strides = array<i32>} : memref<16x512xf32, #tpu.memory_space<vmem>>, vector<1x16xf32>,
          %swap3A_339 = vector.shape_cast %swap3A_338 : vector<1x16xf32> to vector<16xf32>
          %swap3A_340 = vector.shape_cast %div3A_335 : vector<16xf32> to vector<1x16xf32>
          tpu.vector_store %arg10[%swap3A_336, %swap3A_337], %swap3A_340 {add = true, strides = array<i32>} : memref<16x512xf32, #tpu.memory_space<vmem>>, vector<1x16xf32>,
          %div3A_341 = arith.divf %while3A_174#27, %broadcast_in_dim3A_180 : vector<16xf32>
          %swap3A_342 = arith.index_cast %scan3A_153 : i32 to index
          %swap3A_343 = arith.constant 432 : index
          %swap3A_344 = tpu.vector_load %arg10[%swap3A_342, %swap3A_343] {strides = array<i32>} : memref<16x512xf32, #tpu.memory_space<vmem>>, vector<1x16xf32>,
          %swap3A_345 = vector.shape_cast %swap3A_344 : vector<1x16xf32> to vector<16xf32>
          %swap3A_346 = vector.shape_cast %div3A_341 : vector<16xf32> to vector<1x16xf32>
          tpu.vector_store %arg10[%swap3A_342, %swap3A_343], %swap3A_346 {add = true, strides = array<i32>} : memref<16x512xf32, #tpu.memory_space<vmem>>, vector<1x16xf32>,
          %div3A_347 = arith.divf %while3A_174#28, %broadcast_in_dim3A_180 : vector<16xf32>
          %swap3A_348 = arith.index_cast %scan3A_153 : i32 to index
          %swap3A_349 = arith.constant 448 : index
          %swap3A_350 = tpu.vector_load %arg10[%swap3A_348, %swap3A_349] {strides = array<i32>} : memref<16x512xf32, #tpu.memory_space<vmem>>, vector<1x16xf32>,
          %swap3A_351 = vector.shape_cast %swap3A_350 : vector<1x16xf32> to vector<16xf32>
          %swap3A_352 = vector.shape_cast %div3A_347 : vector<16xf32> to vector<1x16xf32>
          tpu.vector_store %arg10[%swap3A_348, %swap3A_349], %swap3A_352 {add = true, strides = array<i32>} : memref<16x512xf32, #tpu.memory_space<vmem>>, vector<1x16xf32>,
          %div3A_353 = arith.divf %while3A_174#29, %broadcast_in_dim3A_180 : vector<16xf32>
          %swap3A_354 = arith.index_cast %scan3A_153 : i32 to index
          %swap3A_355 = arith.constant 464 : index
          %swap3A_356 = tpu.vector_load %arg10[%swap3A_354, %swap3A_355] {strides = array<i32>} : memref<16x512xf32, #tpu.memory_space<vmem>>, vector<1x16xf32>,
          %swap3A_357 = vector.shape_cast %swap3A_356 : vector<1x16xf32> to vector<16xf32>
          %swap3A_358 = vector.shape_cast %div3A_353 : vector<16xf32> to vector<1x16xf32>
          tpu.vector_store %arg10[%swap3A_354, %swap3A_355], %swap3A_358 {add = true, strides = array<i32>} : memref<16x512xf32, #tpu.memory_space<vmem>>, vector<1x16xf32>,
          %div3A_359 = arith.divf %while3A_174#30, %broadcast_in_dim3A_180 : vector<16xf32>
          %swap3A_360 = arith.index_cast %scan3A_153 : i32 to index
          %swap3A_361 = arith.constant 480 : index
          %swap3A_362 = tpu.vector_load %arg10[%swap3A_360, %swap3A_361] {strides = array<i32>} : memref<16x512xf32, #tpu.memory_space<vmem>>, vector<1x16xf32>,
          %swap3A_363 = vector.shape_cast %swap3A_362 : vector<1x16xf32> to vector<16xf32>
          %swap3A_364 = vector.shape_cast %div3A_359 : vector<16xf32> to vector<1x16xf32>
          tpu.vector_store %arg10[%swap3A_360, %swap3A_361], %swap3A_364 {add = true, strides = array<i32>} : memref<16x512xf32, #tpu.memory_space<vmem>>, vector<1x16xf32>,
          %div3A_365 = arith.divf %while3A_174#31, %broadcast_in_dim3A_180 : vector<16xf32>
          %swap3A_366 = arith.index_cast %scan3A_153 : i32 to index
          %swap3A_367 = arith.constant 496 : index
          %swap3A_368 = tpu.vector_load %arg10[%swap3A_366, %swap3A_367] {strides = array<i32>} : memref<16x512xf32, #tpu.memory_space<vmem>>, vector<1x16xf32>,
          %swap3A_369 = vector.shape_cast %swap3A_368 : vector<1x16xf32> to vector<16xf32>
          %swap3A_370 = vector.shape_cast %div3A_365 : vector<16xf32> to vector<1x16xf32>
          tpu.vector_store %arg10[%swap3A_366, %swap3A_367], %swap3A_370 {add = true, strides = array<i32>} : memref<16x512xf32, #tpu.memory_space<vmem>>, vector<1x16xf32>,
        } else {
        }
        %scan3A_178 = arith.constant 0 : i32
        scf.yield %scan3A_178 : i32
      }
      %scan3A_144 = arith.constant 16 : i32
      %add3A_145 = arith.constant 4 : i32
      %add3A_146 = arith.addi %add3A_127, %add3A_145 : i32
      %lt3A_147 = arith.constant 8 : i32
      %lt3A_148 = arith.cmpi slt, %add3A_146, %lt3A_147 : i32
      %convert_element_type3A_149 = arith.extui %lt3A_148 : i1 to i32
      %cond3A_150 = arith.constant 0 : i32
      %cond3A_151 = arith.cmpi ne, %convert_element_type3A_149, %cond3A_150 : i32
      scf.if %cond3A_151 {
        %add3A_153 = arith.constant 4 : i32
        %add3A_154 = arith.addi %add3A_127, %add3A_153 : i32
        %mul3A_155 = arith.constant 56 : i32
        %mul3A_156 = arith.muli %add3A_154, %mul3A_155 : i32
        %add3A_157 = arith.addi %mul3A_2, %mul3A_156 : i32
        %dma_start3A_158 = arith.constant 0 : i32
        %dma_start3A_159 = tpu.memref_slice %arg2[%add3A_157, %dma_start3A_158] : memref<32768x512xf32, #tpu.memory_space<hbm>> -> memref<56x512xf32, #tpu.memory_space<hbm>>
        %dma_start3A_160 = arith.constant 0 : i32
        %dma_start3A_161 = tpu.memref_slice %arg2[%add3A_157, %dma_start3A_160] : memref<32768x512xf32, #tpu.memory_space<hbm>> -> memref<56x512xf32, #tpu.memory_space<hbm>>
        tpu.enqueue_dma source(%dma_start3A_161 : memref<56x512xf32, #tpu.memory_space<hbm>>) target(%arg8 : memref<56x512xf32, #tpu.memory_space<vmem>>) target_semaphore(%arg14 : memref<!tpu.dma_semaphore, #tpu.memory_space<semaphore_mem>>)
      } else {
      }
      %scan3A_152 = arith.constant 0 : i32
      scf.yield %scan3A_152 : i32
    }
    %scan3A_39 = arith.constant 2 : i32
    %mul3A_40 = arith.constant 16 : i32
    %mul3A_41 = arith.muli %add3A, %mul3A_40 : i32
    "tpu.region"() ({
      %run_scoped3A = tpu.sem_alloc : memref<!tpu.dma_semaphore, #tpu.memory_space<semaphore_mem>>
      %dma_start3A_42 = arith.constant 0 : i32
      %dma_start3A_43 = tpu.memref_slice %arg4[%mul3A_41, %dma_start3A_42] : memref<512x512xf32, #tpu.memory_space<hbm>> -> memref<16x512xf32, #tpu.memory_space<hbm>>
      %dma_start3A_44 = arith.constant 0 : i32
      %dma_start3A_45 = tpu.memref_slice %arg4[%mul3A_41, %dma_start3A_44] : memref<512x512xf32, #tpu.memory_space<hbm>> -> memref<16x512xf32, #tpu.memory_space<hbm>>
      tpu.enqueue_dma source(%arg10 : memref<16x512xf32, #tpu.memory_space<vmem>>) target(%dma_start3A_45 : memref<16x512xf32, #tpu.memory_space<hbm>>) target_semaphore(%run_scoped3A : memref<!tpu.dma_semaphore, #tpu.memory_space<semaphore_mem>>)
      %dma_wait3A = arith.constant 0 : i32
      %dma_wait3A_46 = tpu.memref_slice %arg4[%mul3A_41, %dma_wait3A] : memref<512x512xf32, #tpu.memory_space<hbm>> -> memref<16x512xf32, #tpu.memory_space<hbm>>
      %dma_wait3A_47 = arith.constant 0 : i32
      %dma_wait3A_48 = tpu.memref_slice %arg4[%mul3A_41, %dma_wait3A_47] : memref<512x512xf32, #tpu.memory_space<hbm>> -> memref<16x512xf32, #tpu.memory_space<hbm>>
      tpu.wait_dma2 semaphore(%run_scoped3A : memref<!tpu.dma_semaphore, #tpu.memory_space<semaphore_mem>>) src(%arg10 : memref<16x512xf32, #tpu.memory_space<vmem>>) dst(%dma_wait3A_48 : memref<16x512xf32, #tpu.memory_space<hbm>>)
      tpu.yield
    }) : () -> ()
    return
  }
}

module attributes {stable_mosaic.version = 14 : i64} {
  func.func @_merge_body(%arg0: memref<512x512xf32, #tpu.memory_space<vmem>>, %arg1: memref<16x512xf32, #tpu.memory_space<vmem>>, %arg2: memref<16x512xf32, #tpu.memory_space<vmem>>) attributes {dimension_semantics = [], scalar_prefetch = 0 : i64, scratch_operands = 0 : i64, tpu.core_type = #tpu.core_type<tc>} {
    %get3A = arith.constant 0 : index
    %get3A_0 = arith.constant 0 : index
    %get3A_1 = vector.load %arg1[%get3A, %get3A_0] : memref<16x512xf32, #tpu.memory_space<vmem>>, vector<16x512xf32>
    %get3A_2 = arith.constant 0 : index
    %get3A_3 = arith.constant 0 : index
    %get3A_4 = vector.load %arg0[%get3A_2, %get3A_3] : memref<512x512xf32, #tpu.memory_space<vmem>>, vector<16x512xf32>
    %add3A = arith.addf %get3A_1, %get3A_4 : vector<16x512xf32>
    %get3A_5 = arith.constant 16 : index
    %get3A_6 = arith.constant 0 : index
    %get3A_7 = vector.load %arg0[%get3A_5, %get3A_6] : memref<512x512xf32, #tpu.memory_space<vmem>>, vector<16x512xf32>
    %add3A_8 = arith.addf %add3A, %get3A_7 : vector<16x512xf32>
    %get3A_9 = arith.constant 32 : index
    %get3A_10 = arith.constant 0 : index
    %get3A_11 = vector.load %arg0[%get3A_9, %get3A_10] : memref<512x512xf32, #tpu.memory_space<vmem>>, vector<16x512xf32>
    %add3A_12 = arith.addf %add3A_8, %get3A_11 : vector<16x512xf32>
    %get3A_13 = arith.constant 48 : index
    %get3A_14 = arith.constant 0 : index
    %get3A_15 = vector.load %arg0[%get3A_13, %get3A_14] : memref<512x512xf32, #tpu.memory_space<vmem>>, vector<16x512xf32>
    %add3A_16 = arith.addf %add3A_12, %get3A_15 : vector<16x512xf32>
    %get3A_17 = arith.constant 64 : index
    %get3A_18 = arith.constant 0 : index
    %get3A_19 = vector.load %arg0[%get3A_17, %get3A_18] : memref<512x512xf32, #tpu.memory_space<vmem>>, vector<16x512xf32>
    %add3A_20 = arith.addf %add3A_16, %get3A_19 : vector<16x512xf32>
    %get3A_21 = arith.constant 80 : index
    %get3A_22 = arith.constant 0 : index
    %get3A_23 = vector.load %arg0[%get3A_21, %get3A_22] : memref<512x512xf32, #tpu.memory_space<vmem>>, vector<16x512xf32>
    %add3A_24 = arith.addf %add3A_20, %get3A_23 : vector<16x512xf32>
    %get3A_25 = arith.constant 96 : index
    %get3A_26 = arith.constant 0 : index
    %get3A_27 = vector.load %arg0[%get3A_25, %get3A_26] : memref<512x512xf32, #tpu.memory_space<vmem>>, vector<16x512xf32>
    %add3A_28 = arith.addf %add3A_24, %get3A_27 : vector<16x512xf32>
    %get3A_29 = arith.constant 112 : index
    %get3A_30 = arith.constant 0 : index
    %get3A_31 = vector.load %arg0[%get3A_29, %get3A_30] : memref<512x512xf32, #tpu.memory_space<vmem>>, vector<16x512xf32>
    %add3A_32 = arith.addf %add3A_28, %get3A_31 : vector<16x512xf32>
    %get3A_33 = arith.constant 128 : index
    %get3A_34 = arith.constant 0 : index
    %get3A_35 = vector.load %arg0[%get3A_33, %get3A_34] : memref<512x512xf32, #tpu.memory_space<vmem>>, vector<16x512xf32>
    %add3A_36 = arith.addf %add3A_32, %get3A_35 : vector<16x512xf32>
    %get3A_37 = arith.constant 144 : index
    %get3A_38 = arith.constant 0 : index
    %get3A_39 = vector.load %arg0[%get3A_37, %get3A_38] : memref<512x512xf32, #tpu.memory_space<vmem>>, vector<16x512xf32>
    %add3A_40 = arith.addf %add3A_36, %get3A_39 : vector<16x512xf32>
    %get3A_41 = arith.constant 160 : index
    %get3A_42 = arith.constant 0 : index
    %get3A_43 = vector.load %arg0[%get3A_41, %get3A_42] : memref<512x512xf32, #tpu.memory_space<vmem>>, vector<16x512xf32>
    %add3A_44 = arith.addf %add3A_40, %get3A_43 : vector<16x512xf32>
    %get3A_45 = arith.constant 176 : index
    %get3A_46 = arith.constant 0 : index
    %get3A_47 = vector.load %arg0[%get3A_45, %get3A_46] : memref<512x512xf32, #tpu.memory_space<vmem>>, vector<16x512xf32>
    %add3A_48 = arith.addf %add3A_44, %get3A_47 : vector<16x512xf32>
    %get3A_49 = arith.constant 192 : index
    %get3A_50 = arith.constant 0 : index
    %get3A_51 = vector.load %arg0[%get3A_49, %get3A_50] : memref<512x512xf32, #tpu.memory_space<vmem>>, vector<16x512xf32>
    %add3A_52 = arith.addf %add3A_48, %get3A_51 : vector<16x512xf32>
    %get3A_53 = arith.constant 208 : index
    %get3A_54 = arith.constant 0 : index
    %get3A_55 = vector.load %arg0[%get3A_53, %get3A_54] : memref<512x512xf32, #tpu.memory_space<vmem>>, vector<16x512xf32>
    %add3A_56 = arith.addf %add3A_52, %get3A_55 : vector<16x512xf32>
    %get3A_57 = arith.constant 224 : index
    %get3A_58 = arith.constant 0 : index
    %get3A_59 = vector.load %arg0[%get3A_57, %get3A_58] : memref<512x512xf32, #tpu.memory_space<vmem>>, vector<16x512xf32>
    %add3A_60 = arith.addf %add3A_56, %get3A_59 : vector<16x512xf32>
    %get3A_61 = arith.constant 240 : index
    %get3A_62 = arith.constant 0 : index
    %get3A_63 = vector.load %arg0[%get3A_61, %get3A_62] : memref<512x512xf32, #tpu.memory_space<vmem>>, vector<16x512xf32>
    %add3A_64 = arith.addf %add3A_60, %get3A_63 : vector<16x512xf32>
    %get3A_65 = arith.constant 256 : index
    %get3A_66 = arith.constant 0 : index
    %get3A_67 = vector.load %arg0[%get3A_65, %get3A_66] : memref<512x512xf32, #tpu.memory_space<vmem>>, vector<16x512xf32>
    %add3A_68 = arith.addf %add3A_64, %get3A_67 : vector<16x512xf32>
    %get3A_69 = arith.constant 272 : index
    %get3A_70 = arith.constant 0 : index
    %get3A_71 = vector.load %arg0[%get3A_69, %get3A_70] : memref<512x512xf32, #tpu.memory_space<vmem>>, vector<16x512xf32>
    %add3A_72 = arith.addf %add3A_68, %get3A_71 : vector<16x512xf32>
    %get3A_73 = arith.constant 288 : index
    %get3A_74 = arith.constant 0 : index
    %get3A_75 = vector.load %arg0[%get3A_73, %get3A_74] : memref<512x512xf32, #tpu.memory_space<vmem>>, vector<16x512xf32>
    %add3A_76 = arith.addf %add3A_72, %get3A_75 : vector<16x512xf32>
    %get3A_77 = arith.constant 304 : index
    %get3A_78 = arith.constant 0 : index
    %get3A_79 = vector.load %arg0[%get3A_77, %get3A_78] : memref<512x512xf32, #tpu.memory_space<vmem>>, vector<16x512xf32>
    %add3A_80 = arith.addf %add3A_76, %get3A_79 : vector<16x512xf32>
    %get3A_81 = arith.constant 320 : index
    %get3A_82 = arith.constant 0 : index
    %get3A_83 = vector.load %arg0[%get3A_81, %get3A_82] : memref<512x512xf32, #tpu.memory_space<vmem>>, vector<16x512xf32>
    %add3A_84 = arith.addf %add3A_80, %get3A_83 : vector<16x512xf32>
    %get3A_85 = arith.constant 336 : index
    %get3A_86 = arith.constant 0 : index
    %get3A_87 = vector.load %arg0[%get3A_85, %get3A_86] : memref<512x512xf32, #tpu.memory_space<vmem>>, vector<16x512xf32>
    %add3A_88 = arith.addf %add3A_84, %get3A_87 : vector<16x512xf32>
    %get3A_89 = arith.constant 352 : index
    %get3A_90 = arith.constant 0 : index
    %get3A_91 = vector.load %arg0[%get3A_89, %get3A_90] : memref<512x512xf32, #tpu.memory_space<vmem>>, vector<16x512xf32>
    %add3A_92 = arith.addf %add3A_88, %get3A_91 : vector<16x512xf32>
    %get3A_93 = arith.constant 368 : index
    %get3A_94 = arith.constant 0 : index
    %get3A_95 = vector.load %arg0[%get3A_93, %get3A_94] : memref<512x512xf32, #tpu.memory_space<vmem>>, vector<16x512xf32>
    %add3A_96 = arith.addf %add3A_92, %get3A_95 : vector<16x512xf32>
    %get3A_97 = arith.constant 384 : index
    %get3A_98 = arith.constant 0 : index
    %get3A_99 = vector.load %arg0[%get3A_97, %get3A_98] : memref<512x512xf32, #tpu.memory_space<vmem>>, vector<16x512xf32>
    %add3A_100 = arith.addf %add3A_96, %get3A_99 : vector<16x512xf32>
    %get3A_101 = arith.constant 400 : index
    %get3A_102 = arith.constant 0 : index
    %get3A_103 = vector.load %arg0[%get3A_101, %get3A_102] : memref<512x512xf32, #tpu.memory_space<vmem>>, vector<16x512xf32>
    %add3A_104 = arith.addf %add3A_100, %get3A_103 : vector<16x512xf32>
    %get3A_105 = arith.constant 416 : index
    %get3A_106 = arith.constant 0 : index
    %get3A_107 = vector.load %arg0[%get3A_105, %get3A_106] : memref<512x512xf32, #tpu.memory_space<vmem>>, vector<16x512xf32>
    %add3A_108 = arith.addf %add3A_104, %get3A_107 : vector<16x512xf32>
    %get3A_109 = arith.constant 432 : index
    %get3A_110 = arith.constant 0 : index
    %get3A_111 = vector.load %arg0[%get3A_109, %get3A_110] : memref<512x512xf32, #tpu.memory_space<vmem>>, vector<16x512xf32>
    %add3A_112 = arith.addf %add3A_108, %get3A_111 : vector<16x512xf32>
    %get3A_113 = arith.constant 448 : index
    %get3A_114 = arith.constant 0 : index
    %get3A_115 = vector.load %arg0[%get3A_113, %get3A_114] : memref<512x512xf32, #tpu.memory_space<vmem>>, vector<16x512xf32>
    %add3A_116 = arith.addf %add3A_112, %get3A_115 : vector<16x512xf32>
    %get3A_117 = arith.constant 464 : index
    %get3A_118 = arith.constant 0 : index
    %get3A_119 = vector.load %arg0[%get3A_117, %get3A_118] : memref<512x512xf32, #tpu.memory_space<vmem>>, vector<16x512xf32>
    %add3A_120 = arith.addf %add3A_116, %get3A_119 : vector<16x512xf32>
    %get3A_121 = arith.constant 480 : index
    %get3A_122 = arith.constant 0 : index
    %get3A_123 = vector.load %arg0[%get3A_121, %get3A_122] : memref<512x512xf32, #tpu.memory_space<vmem>>, vector<16x512xf32>
    %add3A_124 = arith.addf %add3A_120, %get3A_123 : vector<16x512xf32>
    %get3A_125 = arith.constant 496 : index
    %get3A_126 = arith.constant 0 : index
    %get3A_127 = vector.load %arg0[%get3A_125, %get3A_126] : memref<512x512xf32, #tpu.memory_space<vmem>>, vector<16x512xf32>
    %add3A_128 = arith.addf %add3A_124, %get3A_127 : vector<16x512xf32>
    %swap3A = arith.constant 0 : index
    %swap3A_129 = arith.constant 0 : index
    %swap3A_130 = vector.load %arg2[%swap3A, %swap3A_129] : memref<16x512xf32, #tpu.memory_space<vmem>>, vector<16x512xf32>
    tpu.vector_store %arg2[%swap3A, %swap3A_129], %add3A_128 {strides = array<i32>} : memref<16x512xf32, #tpu.memory_space<vmem>>, vector<16x512xf32>,
    return
  }
}

module attributes {stable_mosaic.version = 14 : i64} {
  func.func @_tc_body(%arg0: i32, %arg1: memref<17xi32, #tpu.memory_space<smem>>, %arg2: memref<2048x512xf32, #tpu.memory_space<vmem>>, %arg3: memref<16x512xf32, #tpu.memory_space<vmem>>) attributes {dimension_semantics = [#tpu.dimension_semantics<arbitrary>], iteration_bounds = array<i64: 9>, scalar_prefetch = 0 : i64, scratch_operands = 0 : i64, tpu.core_type = #tpu.core_type<tc>, window_params = [{transform_indices = @transform_0, window_bounds = array<i64: 17>}, {transform_indices = @transform_1, window_bounds = array<i64: 2048, 512>}, {pipeline_mode = #tpu.pipeline_mode<synchronous>, transform_indices = @transform_2, window_bounds = array<i64: 16, 512>}]} {
    %eq3A = arith.constant 0 : i32
    %eq3A_0 = arith.cmpi eq, %arg0, %eq3A : i32
    %convert_element_type3A = arith.extui %eq3A_0 : i1 to i32
    %cond3A = arith.constant 0 : i32
    %cond3A_1 = arith.cmpi ne, %convert_element_type3A, %cond3A : i32
    scf.if %cond3A_1 {
      %broadcast_in_dim3A_123 = arith.constant 0.000000e+00 : f32
      %broadcast_in_dim3A_124 = vector.broadcast %broadcast_in_dim3A_123 : f32 to vector<16x512xf32>
      %swap3A_125 = arith.constant 0 : index
      %swap3A_126 = arith.constant 0 : index
      %swap3A_127 = vector.load %arg3[%swap3A_125, %swap3A_126] : memref<16x512xf32, #tpu.memory_space<vmem>>, vector<16x512xf32>
      tpu.vector_store %arg3[%swap3A_125, %swap3A_126], %broadcast_in_dim3A_124 {strides = array<i32>} : memref<16x512xf32, #tpu.memory_space<vmem>>, vector<16x512xf32>,
    } else {
    }
    %get3A = arith.constant 0 : index
    %get3A_2 = memref.load %arg1[%get3A] : memref<17xi32, #tpu.memory_space<smem>>
    %get3A_3 = arith.constant 1 : index
    %get3A_4 = memref.load %arg1[%get3A_3] : memref<17xi32, #tpu.memory_space<smem>>
    %get3A_5 = arith.constant 2 : index
    %get3A_6 = memref.load %arg1[%get3A_5] : memref<17xi32, #tpu.memory_space<smem>>
    %get3A_7 = arith.constant 3 : index
    %get3A_8 = memref.load %arg1[%get3A_7] : memref<17xi32, #tpu.memory_space<smem>>
    %get3A_9 = arith.constant 4 : index
    %get3A_10 = memref.load %arg1[%get3A_9] : memref<17xi32, #tpu.memory_space<smem>>
    %get3A_11 = arith.constant 5 : index
    %get3A_12 = memref.load %arg1[%get3A_11] : memref<17xi32, #tpu.memory_space<smem>>
    %get3A_13 = arith.constant 6 : index
    %get3A_14 = memref.load %arg1[%get3A_13] : memref<17xi32, #tpu.memory_space<smem>>
    %get3A_15 = arith.constant 7 : index
    %get3A_16 = memref.load %arg1[%get3A_15] : memref<17xi32, #tpu.memory_space<smem>>
    %get3A_17 = arith.constant 8 : index
    %get3A_18 = memref.load %arg1[%get3A_17] : memref<17xi32, #tpu.memory_space<smem>>
    %get3A_19 = arith.constant 9 : index
    %get3A_20 = memref.load %arg1[%get3A_19] : memref<17xi32, #tpu.memory_space<smem>>
    %get3A_21 = arith.constant 10 : index
    %get3A_22 = memref.load %arg1[%get3A_21] : memref<17xi32, #tpu.memory_space<smem>>
    %get3A_23 = arith.constant 11 : index
    %get3A_24 = memref.load %arg1[%get3A_23] : memref<17xi32, #tpu.memory_space<smem>>
    %get3A_25 = arith.constant 12 : index
    %get3A_26 = memref.load %arg1[%get3A_25] : memref<17xi32, #tpu.memory_space<smem>>
    %get3A_27 = arith.constant 13 : index
    %get3A_28 = memref.load %arg1[%get3A_27] : memref<17xi32, #tpu.memory_space<smem>>
    %get3A_29 = arith.constant 14 : index
    %get3A_30 = memref.load %arg1[%get3A_29] : memref<17xi32, #tpu.memory_space<smem>>
    %get3A_31 = arith.constant 15 : index
    %get3A_32 = memref.load %arg1[%get3A_31] : memref<17xi32, #tpu.memory_space<smem>>
    %stack3A = vector.broadcast %get3A_2 : i32 to vector<1xi32>
    %stack3A_33 = vector.broadcast %get3A_4 : i32 to vector<1xi32>
    %stack3A_34 = vector.broadcast %get3A_6 : i32 to vector<1xi32>
    %stack3A_35 = vector.broadcast %get3A_8 : i32 to vector<1xi32>
    %stack3A_36 = vector.broadcast %get3A_10 : i32 to vector<1xi32>
    %stack3A_37 = vector.broadcast %get3A_12 : i32 to vector<1xi32>
    %stack3A_38 = vector.broadcast %get3A_14 : i32 to vector<1xi32>
    %stack3A_39 = vector.broadcast %get3A_16 : i32 to vector<1xi32>
    %stack3A_40 = vector.broadcast %get3A_18 : i32 to vector<1xi32>
    %stack3A_41 = vector.broadcast %get3A_20 : i32 to vector<1xi32>
    %stack3A_42 = vector.broadcast %get3A_22 : i32 to vector<1xi32>
    %stack3A_43 = vector.broadcast %get3A_24 : i32 to vector<1xi32>
    %stack3A_44 = vector.broadcast %get3A_26 : i32 to vector<1xi32>
    %stack3A_45 = vector.broadcast %get3A_28 : i32 to vector<1xi32>
    %stack3A_46 = vector.broadcast %get3A_30 : i32 to vector<1xi32>
    %stack3A_47 = vector.broadcast %get3A_32 : i32 to vector<1xi32>
    %stack3A_48 = tpu.concatenate %stack3A, %stack3A_33, %stack3A_34, %stack3A_35, %stack3A_36, %stack3A_37, %stack3A_38, %stack3A_39, %stack3A_40, %stack3A_41, %stack3A_42, %stack3A_43, %stack3A_44, %stack3A_45, %stack3A_46, %stack3A_47 in 0 : vector<1xi32>, vector<1xi32>, vector<1xi32>, vector<1xi32>, vector<1xi32>, vector<1xi32>, vector<1xi32>, vector<1xi32>, vector<1xi32>, vector<1xi32>, vector<1xi32>, vector<1xi32>, vector<1xi32>, vector<1xi32>, vector<1xi32>, vector<1xi32> -> vector<16xi32>
    %get3A_49 = arith.constant 1 : index
    %get3A_50 = memref.load %arg1[%get3A_49] : memref<17xi32, #tpu.memory_space<smem>>
    %get3A_51 = arith.constant 2 : index
    %get3A_52 = memref.load %arg1[%get3A_51] : memref<17xi32, #tpu.memory_space<smem>>
    %get3A_53 = arith.constant 3 : index
    %get3A_54 = memref.load %arg1[%get3A_53] : memref<17xi32, #tpu.memory_space<smem>>
    %get3A_55 = arith.constant 4 : index
    %get3A_56 = memref.load %arg1[%get3A_55] : memref<17xi32, #tpu.memory_space<smem>>
    %get3A_57 = arith.constant 5 : index
    %get3A_58 = memref.load %arg1[%get3A_57] : memref<17xi32, #tpu.memory_space<smem>>
    %get3A_59 = arith.constant 6 : index
    %get3A_60 = memref.load %arg1[%get3A_59] : memref<17xi32, #tpu.memory_space<smem>>
    %get3A_61 = arith.constant 7 : index
    %get3A_62 = memref.load %arg1[%get3A_61] : memref<17xi32, #tpu.memory_space<smem>>
    %get3A_63 = arith.constant 8 : index
    %get3A_64 = memref.load %arg1[%get3A_63] : memref<17xi32, #tpu.memory_space<smem>>
    %get3A_65 = arith.constant 9 : index
    %get3A_66 = memref.load %arg1[%get3A_65] : memref<17xi32, #tpu.memory_space<smem>>
    %get3A_67 = arith.constant 10 : index
    %get3A_68 = memref.load %arg1[%get3A_67] : memref<17xi32, #tpu.memory_space<smem>>
    %get3A_69 = arith.constant 11 : index
    %get3A_70 = memref.load %arg1[%get3A_69] : memref<17xi32, #tpu.memory_space<smem>>
    %get3A_71 = arith.constant 12 : index
    %get3A_72 = memref.load %arg1[%get3A_71] : memref<17xi32, #tpu.memory_space<smem>>
    %get3A_73 = arith.constant 13 : index
    %get3A_74 = memref.load %arg1[%get3A_73] : memref<17xi32, #tpu.memory_space<smem>>
    %get3A_75 = arith.constant 14 : index
    %get3A_76 = memref.load %arg1[%get3A_75] : memref<17xi32, #tpu.memory_space<smem>>
    %get3A_77 = arith.constant 15 : index
    %get3A_78 = memref.load %arg1[%get3A_77] : memref<17xi32, #tpu.memory_space<smem>>
    %get3A_79 = arith.constant 16 : index
    %get3A_80 = memref.load %arg1[%get3A_79] : memref<17xi32, #tpu.memory_space<smem>>
    %stack3A_81 = vector.broadcast %get3A_50 : i32 to vector<1xi32>
    %stack3A_82 = vector.broadcast %get3A_52 : i32 to vector<1xi32>
    %stack3A_83 = vector.broadcast %get3A_54 : i32 to vector<1xi32>
    %stack3A_84 = vector.broadcast %get3A_56 : i32 to vector<1xi32>
    %stack3A_85 = vector.broadcast %get3A_58 : i32 to vector<1xi32>
    %stack3A_86 = vector.broadcast %get3A_60 : i32 to vector<1xi32>
    %stack3A_87 = vector.broadcast %get3A_62 : i32 to vector<1xi32>
    %stack3A_88 = vector.broadcast %get3A_64 : i32 to vector<1xi32>
    %stack3A_89 = vector.broadcast %get3A_66 : i32 to vector<1xi32>
    %stack3A_90 = vector.broadcast %get3A_68 : i32 to vector<1xi32>
    %stack3A_91 = vector.broadcast %get3A_70 : i32 to vector<1xi32>
    %stack3A_92 = vector.broadcast %get3A_72 : i32 to vector<1xi32>
    %stack3A_93 = vector.broadcast %get3A_74 : i32 to vector<1xi32>
    %stack3A_94 = vector.broadcast %get3A_76 : i32 to vector<1xi32>
    %stack3A_95 = vector.broadcast %get3A_78 : i32 to vector<1xi32>
    %stack3A_96 = vector.broadcast %get3A_80 : i32 to vector<1xi32>
    %stack3A_97 = tpu.concatenate %stack3A_81, %stack3A_82, %stack3A_83, %stack3A_84, %stack3A_85, %stack3A_86, %stack3A_87, %stack3A_88, %stack3A_89, %stack3A_90, %stack3A_91, %stack3A_92, %stack3A_93, %stack3A_94, %stack3A_95, %stack3A_96 in 0 : vector<1xi32>, vector<1xi32>, vector<1xi32>, vector<1xi32>, vector<1xi32>, vector<1xi32>, vector<1xi32>, vector<1xi32>, vector<1xi32>, vector<1xi32>, vector<1xi32>, vector<1xi32>, vector<1xi32>, vector<1xi32>, vector<1xi32>, vector<1xi32> -> vector<16xi32>
    %sub3A = arith.subi %stack3A_97, %stack3A_48 : vector<16xi32>
    %convert_element_type3A_98 = arith.sitofp %sub3A : vector<16xi32> to vector<16xf32>
    %div3A = arith.constant 1.000000e+00 : f32
    %div3A_99 = vector.broadcast %div3A : f32 to vector<16xf32>
    %div3A_100 = arith.divf %div3A_99, %convert_element_type3A_98 : vector<16xf32>
    %add3A = arith.constant 7 : i32
    %add3A_101 = arith.addi %add3A, %arg0 : i32
    %mul3A = arith.constant 2048 : i32
    %mul3A_102 = arith.muli %add3A_101, %mul3A : i32
    %iota3A = tpu.iota {dimensions = array<i32: 1>} : vector<16x2048xi32>
    %add3A_103 = vector.broadcast %mul3A_102 : i32 to vector<16x2048xi32>
    %add3A_104 = arith.addi %add3A_103, %iota3A : vector<16x2048xi32>
    %broadcast_in_dim3A = vector.shape_cast %stack3A_48 : vector<16xi32> to vector<16x1xi32>
    %ge3A = vector.broadcast %broadcast_in_dim3A : vector<16x1xi32> to vector<16x2048xi32>
    %ge3A_105 = arith.cmpi sge, %add3A_104, %ge3A : vector<16x2048xi32>
    %broadcast_in_dim3A_106 = vector.shape_cast %stack3A_97 : vector<16xi32> to vector<16x1xi32>
    %lt3A = vector.broadcast %broadcast_in_dim3A_106 : vector<16x1xi32> to vector<16x2048xi32>
    %lt3A_107 = arith.cmpi slt, %add3A_104, %lt3A : vector<16x2048xi32>
    %and3A = arith.andi %ge3A_105, %lt3A_107 : vector<16x2048xi1>
    %convert_element_type3A_108 = arith.extui %and3A : vector<16x2048xi1> to vector<16x2048xi32>
    %convert_element_type3A_109 = arith.sitofp %convert_element_type3A_108 : vector<16x2048xi32> to vector<16x2048xf32>
    %get3A_110 = arith.constant 0 : index
    %get3A_111 = arith.constant 0 : index
    %get3A_112 = vector.load %arg2[%get3A_110, %get3A_111] : memref<2048x512xf32, #tpu.memory_space<vmem>>, vector<2048x512xf32>
    %dot_general3A = arith.constant dense<0.000000e+00> : vector<16x512xf32>
    %dot_general3A_113 = tpu.matmul %convert_element_type3A_109, %get3A_112, %dot_general3A {dimension_numbers = #tpu.dot_dimension_numbers<[1], [0], [0], [1], [0, 0, 1, 1], [], []>, precision = #tpu.contract_precision<fp32>, transpose_lhs_hint = false} : vector<16x2048xf32>, vector<2048x512xf32>, vector<16x512xf32> -> vector<16x512xf32>
    %get3A_114 = arith.constant 0 : index
    %get3A_115 = arith.constant 0 : index
    %get3A_116 = vector.load %arg3[%get3A_114, %get3A_115] : memref<16x512xf32, #tpu.memory_space<vmem>>, vector<16x512xf32>
    %broadcast_in_dim3A_117 = vector.shape_cast %div3A_100 : vector<16xf32> to vector<16x1xf32>
    %mul3A_118 = vector.broadcast %broadcast_in_dim3A_117 : vector<16x1xf32> to vector<16x512xf32>
    %mul3A_119 = arith.mulf %dot_general3A_113, %mul3A_118 : vector<16x512xf32>
    %add3A_120 = arith.addf %get3A_116, %mul3A_119 : vector<16x512xf32>
    %swap3A = arith.constant 0 : index
    %swap3A_121 = arith.constant 0 : index
    %swap3A_122 = vector.load %arg3[%swap3A, %swap3A_121] : memref<16x512xf32, #tpu.memory_space<vmem>>, vector<16x512xf32>
    tpu.vector_store %arg3[%swap3A, %swap3A_121], %add3A_120 {strides = array<i32>} : memref<16x512xf32, #tpu.memory_space<vmem>>, vector<16x512xf32>,
    return
  }
  func.func @transform_0(%arg0: i32) -> i32 {
    %c0_i32 = arith.constant 0 : i32
    %c0_i32_0 = arith.constant 0 : i32
    return %c0_i32 : i32
  }
  func.func @transform_1(%arg0: i32) -> (i32, i32) {
    %add3A = arith.constant 7 : i32
    %add3A_0 = arith.addi %add3A, %arg0 : i32
    %c0_i32 = arith.constant 0 : i32
    %c0_i32_1 = arith.constant 0 : i32
    return %add3A_0, %c0_i32 : i32, i32
  }
  func.func @transform_2(%arg0: i32) -> (i32, i32) {
    %c0_i32 = arith.constant 0 : i32
    %c0_i32_0 = arith.constant 0 : i32
    %c0_i32_1 = arith.constant 0 : i32
    return %c0_i32, %c0_i32_0 : i32, i32
  }
}

</mosaic_0001>

<sc_bundles>
// kernel: kernel.5.cloned.1.call-start
scs
__scs_entry_jumppad:
0x0: {  	(pc) =	sbr.rel $0x88, $3  }
0x1: {  	(tag) =	ssettag $0x0;
	lr =	simm.s32 $0x1  }
0x2: {  	[smem:$0x3F9F] =	sst lr;
	_ =	strace $0xD0000000  }
0x3: {  	_ = 	snop  }
0x4: {  	_ = 	snop  }
0x5: {  	_ = 	snop  }
0x6: {  	_ = 	snop  }
0x7: {  	_ = 	snop  }
__scs_overlays_trampoline_lowered:
0x8: {  	[smem:$0x3FAE] =	sst s0  }
0x9: {  	[smem:$0x3FAF] =	sst s1  }
0xa: {  	[smem:$0x3FB0] =	sst s2  }
0xb: {  	[smem:$0x3FB1] =	sst s3  }
0xc: {  	[smem:$0x3FB2] =	sst s4  }
0xd: {  	[smem:$0x3FB3] =	sst s5  }
0xe: {  	[smem:$0x3FB4] =	sst s6  }
0xf: {  	[smem:$0x3FB5] =	sst s7  }
0x10: {  	[smem:$0x3FB6] =	sst s8  }
0x11: {  	[smem:$0x3FB7] =	sst s9;
	s0 =	simm.s32 @!p0 $0x0  }
0x12: {  	s1 =	sld [smem:$0x3F9D];
	s0 =	simm.s32 @p0 $0x1  }
0x13: {  	[smem:$0x3FB8] =	sst s0;
	s0 =	simm.s32 @!p1 $0x0  }
0x14: {  	s2 =	sld [smem:$0x3F9C];
	s0 =	simm.s32 @p1 $0x1  }
0x15: {  	[smem:$0x3FB9] =	sst s0;
	s0 =	simm.s32 @!p2 $0x0  }
0x16: {  	s3 =	sld [smem:$0x3FDB];
	s0 =	simm.s32 @p2 $0x1  }
0x17: {  	s4 =	simm.s32 $0x1BF5;
	[smem:$0x3FBB] =	sst s0  }
0x18: {  	s0 =	sld [smem:$0x3F9E];
	_ =	swait.ge [sflag:s4], $0x0  }
0x19: {  	s7 =	sld [smem:$0x3F9F]  }
0x1a: {  	s8 =	sadd.s32 $0xFFFFE003, lr  }
0x1b: {  	s9 =	sadd.s32 $0xFFFFFEF7, lr;
	s5 =	simm.s32 $0xFFFFFFFF;
	p2 =	slt.u32 s8, $0xFFFFF086  }
0x1c: {  	p1 =	slt.u32 s9, $0xF7A;
	s5 =	simm.s32 @!p2 $0x0  }
0x1d: {  	s5 =	simm.s32 @p1 $0x1;
	p0 =	seq.s32 s7, s2  }
0x1e: {  	s7 =	smul.u32 @!p0 $0xF7A, s2;
	p2 =	seq.s32 @!p0 s5, $0x0  }
0x1f: {  	s9 =	smul.u32 $0xF7A, s1;
	s8 =	simm.s32 @!p0 $0x1BF5;
	p2 =	por !p2, p0  }
0x20: {  	[sflag:s8] =	ssyncset.s32 @!p0 $0xFFFFF086;
	s6 =	sadd.s32 @!p0 s3, s7;
	s7 =	simm.s32 @!p0 $0x108  }
0x21: {  	s3 =	sadd.s32 s3, s9;
	s6 =	sadd.s32 @!p0 $0x88, s6;
	s7 =	simm.s32 @p2 $0x1082  }
0x22: {  	[simem:s7], [sflag:s8] =	dma.local @!p0 [hbm:s6], $0xF7A  }
0x23: {  	s9 =	sor.u32 $0xD0000000, s2;
	s6 =	simm.s32 $0x108;
	_ =	swait.ge @!p0 [sflag:s8], $0x0  }
0x24: {  	s3 =	sadd.s32 $0x88, s3;
	s6 =	simm.s32 @!p1 $0x1082;
	[sflag:s4] =	ssyncset.s32 $0xFFFFF086  }
0x25: {  	[simem:s6], [sflag:s4] =	dma.local [hbm:s3], $0xF7A  }
0x26: {  	[smem:$0x3F9F] =	sst s1;
	(tag) =	ssettag s2;
	_ =	strace s9  }
0x27: {  	s1 =	sld [smem:$0x3FAF]  }
0x28: {  	s2 =	sld [smem:$0x3FB0]  }
0x29: {  	s4 =	sld [smem:$0x3FB2]  }
0x2a: {  	p0 =	seq.s32 s5, $0x0;
	s5 =	sld [smem:$0x3FB3]  }
0x2b: {  	s6 =	sld [smem:$0x3FB4]  }
0x2c: {  	s7 =	sld [smem:$0x3FB5]  }
0x2d: {  	s3 =	simm.s32 $0x108;
	s8 =	sld [smem:$0x3FB6]  }
0x2e: {  	s3 =	simm.s32 @!p0 $0x1082;
	s9 =	sld [smem:$0x3FB7]  }
0x2f: {  	lr =	sadd.s32 s0, s3;
	s0 =	sld [smem:$0x3FAE]  }
0x30: {  	s3 =	sld [smem:$0x3FB1]  }
0x31: {  	[smem:$0x3FBA] =	sst s10  }
0x32: {  	s10 =	sld [smem:$0x3FB8];
	_ =	sdelay $0x3  }
0x33: {  	p0 =	seq.s32 s10, $0x1;
	s10 =	sld [smem:$0x3FBA];
	_ =	sdelay $0x3  }
0x34: {  	[smem:$0x3FBA] =	sst s10  }
0x35: {  	s10 =	sld [smem:$0x3FB9];
	_ =	sdelay $0x3  }
0x36: {  	p1 =	seq.s32 s10, $0x1;
	s10 =	sld [smem:$0x3FBA];
	_ =	sdelay $0x3  }
0x37: {  	[smem:$0x3FBA] =	sst s10  }
0x38: {  	s10 =	sld [smem:$0x3FBB]  }
0x39: {  	_ = 	snop;
	(pc) =	sbr.ind lr, $3  }
0x3a: {  	_ = 	snop  }
0x3b: {  	_ = 	snop  }
0x3c: {  	p2 =	seq.s32 s10, $0x1;
	s10 =	sld [smem:$0x3FBA]  }
0x3d: {  	_ =	shalt  }
0x3e: {  	_ =	shalt  }
0x3f: {  	_ =	shalt  }
0x40: {  	_ =	shalt  }
0x41: {  	_ =	shalt  }
0x42: {  	_ =	shalt  }
0x43: {  	_ =	shalt  }
0x44: {  	_ =	shalt  }
0x45: {  	_ =	shalt  }
0x46: {  	_ =	shalt  }
0x47: {  	_ =	shalt  }
0x48: {  	_ =	shalt  }
0x49: {  	_ =	shalt  }
0x4a: {  	_ =	shalt  }
0x4b: {  	_ =	shalt  }
0x4c: {  	_ =	shalt  }
0x4d: {  	_ =	shalt  }
0x4e: {  	_ =	shalt  }
0x4f: {  	_ =	shalt  }
0x50: {  	_ =	shalt  }
0x51: {  	_ =	shalt  }
0x52: {  	_ =	shalt  }
0x53: {  	_ =	shalt  }
0x54: {  	_ =	shalt  }
0x55: {  	_ =	shalt  }
0x56: {  	_ =	shalt  }
0x57: {  	_ =	shalt  }
0x58: {  	_ =	shalt  }
0x59: {  	_ =	shalt  }
0x5a: {  	_ =	shalt  }
0x5b: {  	_ =	shalt  }
0x5c: {  	_ =	shalt  }
0x5d: {  	_ =	shalt  }
0x5e: {  	_ =	shalt  }
0x5f: {  	_ =	shalt  }
0x60: {  	_ =	shalt  }
0x61: {  	_ =	shalt  }
0x62: {  	_ =	shalt  }
0x63: {  	_ =	shalt  }
0x64: {  	_ =	shalt  }
0x65: {  	_ =	shalt  }
0x66: {  	_ =	shalt  }
0x67: {  	_ =	shalt  }
0x68: {  	_ =	shalt  }
0x69: {  	_ =	shalt  }
0x6a: {  	_ =	shalt  }
0x6b: {  	_ =	shalt  }
0x6c: {  	_ =	shalt  }
0x6d: {  	_ =	shalt  }
0x6e: {  	_ =	shalt  }
0x6f: {  	_ =	shalt  }
0x70: {  	_ =	shalt  }
0x71: {  	_ =	shalt  }
0x72: {  	_ =	shalt  }
0x73: {  	_ =	shalt  }
0x74: {  	_ =	shalt  }
0x75: {  	_ =	shalt  }
0x76: {  	_ =	shalt  }
0x77: {  	_ =	shalt  }
0x78: {  	_ =	shalt  }
0x79: {  	_ =	shalt  }
0x7a: {  	_ =	shalt  }
0x7b: {  	_ =	shalt  }
0x7c: {  	_ =	shalt  }
0x7d: {  	_ =	shalt  }
0x7e: {  	_ =	shalt  }
0x7f: {  	_ =	shalt  }
0x80: {  	_ =	shalt  }
0x81: {  	_ =	shalt  }
0x82: {  	_ =	shalt  }
0x83: {  	_ =	shalt  }
0x84: {  	_ =	shalt  }
0x85: {  	_ =	shalt  }
0x86: {  	_ =	shalt  }
0x87: {  	_ =	shalt  }
.Lfunc_end0:
.L_simem_size_0:
called_computation_lowered:
.L_overlay_start_0:
0x88: {  	s2 =	sld [smem:$0x3FD9]  }
0x89: {  	s3 =	sld [smem:$0x3FFE];
	_ =	sdelay $0x1  }
0x8a: {  	s1 =	srdreg.scid  }
0x8b: {  	s0 =	sand.u32 $0x1, s1  }
0x8c: {  	s17 =	sshll.u32 s0, $0xA;
	s2 =	sadd.s32 s3, s2  }
0x8d: {  	s2 =	sadd.s32 s2, s17  }
0x8e: {  	[smem:$0x3FC6] =	sst s2  }
0x8f: {  	_ = 	snop  }
0x90: {  	s2 =	sld [smem:$0x3FC9]  }
0x91: {  	s18 =	sld [smem:$0x3FC8];
	(tm) =	ssettm $0x1  }
0x92: {  	s4 =	sld [smem:$0x3FFB];
	_ =	sdelay $0x3  }
0x93: {  	_ =	strace s4  }
0x94: {  	s4 =	sld [smem:$0x3FFC];
	_ =	sdelay $0x3  }
0x95: {  	_ =	strace s4  }
0x96: {  	s4 =	sld [smem:$0x3FFD];
	_ =	sdelay $0x3  }
0x97: {  	_ =	strace s4  }
0x98: {  	_ =	strace $0x8FFFFFFF  }
0x99: {  	s19 =	sld [smem:$0x3FDB];
	_ =	sdelay $0x1  }
0x9a: {  	s5 =	simm.s32 $_scs_section_size  }
0x9b: {  	s6 =	simm.s32 $_size__tile_overlayer_lowered;
	s7 =	simm.s32 $_tile_overlayer_lowered  }
0x9c: {  	s22 =	simm.s32 $0x1BFF;
	s21 =	sshll.u32 s7, $0x1;
	s4 =	sadd.s32 s5, s19  }
0x9d: {  	s8 =	simm.s32 $0x0;
	s20 =	sshll.u32 s6, $0x1;
	s6 =	sadd.s32 s21, s4  }
0x9e: {  	[timem:s8], [sflag:s22] =	dma.local [hbm:s6], s20  }
0x9f: {  	_ =	swait.ge [sflag:s22], s20  }
0xa0: {  	s5 =	ssub.s32 $0x0, s20;
	[sflag:s22] =	ssyncset.done $0x0  }
0xa1: {  	[sflag:s22] =	ssyncadd.s32 s5;
	_ =	sdelay $0x1  }
0xa2: {  	s23 =	simm.s32 $0x1B8B  }
0xa3: {  	_ =	swait.ge [sflag:s23], $0x1  }
0xa4: {  	[sflag:s23] =	ssyncset.done $0x0  }
0xa5: {  	s25 =	simm.s32 $0x1B8E;
	s24 =	sld [smem:$0x3FFE];
	[sflag:s23] =	ssyncadd.s32 $0xFFFFFFFF  }
0xa6: {  	s26 =	simm.s32 $execute0_lowered;
	[smem:$0x3FD2] =	sst s25  }
0xa7: {  	s6 =	sshll.u32 s26, $0x1;
	_ =	strace $0x80000046;
	[dreg:$0x1] =	wrdreg $0xFFFFFFFF  }
0xa8: {  	s28 =	simm.s32 $_size_execute0_lowered;
	s4 =	sadd.s32 s4, s6;
	[dreg:$0x0] =	wrdreg $0x0  }
0xa9: {  	s6 =	sshll.u32 s28, $0x1;
	[dreg:$0x2] =	wrdreg s4  }
0xaa: {  	[dreg:$0x3] =	wrdreg s6  }
0xab: {  	[dreg:$0x4] =	wrdreg $0xC0  }
0xac: {  	_ =	task [dreg:s8], $0x5FFFF  }
0xad: {  	[dreg:$0x1] =	wrdreg $0xFFFFFFFF  }
0xae: {  	[dreg:$0x0] =	wrdreg $0x60  }
0xaf: {  	[dreg:$0x2] =	wrdreg s2  }
0xb0: {  	[dreg:$0x3] =	wrdreg s18  }
0xb1: {  	[dreg:$0x4] =	wrdreg s24  }
0xb2: {  	[dreg:$0x5] =	wrdreg $0x9  }
0xb3: {  	_ =	task.clear_ibuf [dreg:s8], $0x6FFFF;
	_ =	strace $0x90000046  }
0xb4: {  	s29 =	simm.s32 $0x9;
	_ =	strace $0x80000048  }
0xb5: {  	_ =	swait.ge [sflag:s29], $0x1  }
0xb6: {  	[sflag:s29] =	ssyncadd.s32 $0xFFFFFFFF  }
0xb7: {  	_ =	strace $0x90000048  }
0xb8: {  	_ =	sfence  }
0xb9: {  	s30 =	sld [smem:$0x0];
	_ =	sdelay $0x2  }
0xba: {  	s31 =	sshll.u32 s1, $0xD;
	s1 =	sshrl.u32 s1, $0x2  }
0xbb: {  	s3 =	sand.u32 $0x4000, s31;
	s1 =	sadd.s32 s1, s30  }
0xbc: {  	s0 =	sor.u32 s3, s0;
	s1 =	sshll.u32 s1, $0x11  }
0xbd: {  	s0 =	sor.u32 s1, s0  }
0xbe: {  	s0 =	sadd.s32 $0x8F2B, s0  }
0xbf: {  	[sflag:s0] =	ssyncadd.remote.s32 $0x1  }
0xc0: {  	_ =	sfence.sel $0xFFFF  }
0xc1: {  	[dreg:$0x0] =	wrdreg $0xFFFFFFFF;
	(pc) =	sbr.abs _section_cstart, $3  }
0xc2: {  	[dreg:$0x1] =	wrdreg $0xFFFFFFFF  }
0xc3: {  	_ =	task.clear_ibuf [dreg:s8], $0x2FFFF;
	_ =	strace $0x9FFFFFFF  }
0xc4: {  	(tm) =	ssettm $0x7FFFFFFF  }
0xc5: {  	_ =	shalt  }
tec
execute0_lowered:
.L_overlay_start_1:
0x0: {  	(tag) =	ssettag $0x1  }
0x1: {  	s0 =	rddreg [dreg:$0x0]  }
0x2: {  	s1 =	rddreg [dreg:$0x2]  }
0x3: {  	s2 =	srdreg.scid;
	s10 =	stileid.u32  }
0x4: {  	s3 =	simm.s32 $0x0;
	s28 =	simm.s32 $0x1;
	s29 =	simm.s32 $0x2  }
0x5: {  	s30 =	simm.s32 $0x3;
	s31 =	simm.s32 $0x4;
	s2 =	sand.u32 $0x1, s2  }
0x6: {  	s4 =	sshll.u32 s10, $0x1;
	[smem:$0x7FF] =	sst s3;
	s25 =	smul.u32 $0x380, s10  }
0x7: {  	s4 =	sor.u32 s2, s4;
	s7 =	ssub.s32 $0x2, s2;
	s2 =	smul.u32 $0x1C0, s2  }
0x8: {  	_ =	strace $0x80000047;
	s5 =	smul.u32 $0x38000, s4;
	s6 =	sshll.u32 s4, $0xA  }
0x9: {  	s8 =	smul.u32 $0x7000, s4;
	s21 =	sshrl.u32 s7, $0x1;
	s1 =	sadd.s32 s6, s1  }
0xa: {  	s6 =	ssub.s32 s7, s21;
	s17 =	sadd.s32 s2, s25;
	s2 =	simm.s32 $0x5  }
0xb: {  	s5 =	sshrl.u32 s5, $0x3;
	s22 =	sadd.s32 s0, s8;
	s1 =	sadd.s32 $0x800, s1  }
0xc: {  	s26 =	smax.u32 s6, $0x1;
	s19 =	sxor.u32 $0xFFFFFFC8, s17;
	s20 =	ssub.s32 $0xFFFFFF90, s17  }
0xd: {  	s21 =	ssub.s32 $0xFFFFFF58, s17;
	s0 =	sadd.s32 s0, s5;
	[dreg:$0x4] =	wrdreg s22  }
0xe: {  	s5 =	smul.u32 $0x1C0, s4;
	s23 =	sadd.s32 $0xE00, s22;
	[dreg:$0x8] =	wrdreg s1  }
.Ltmp0:
0xf: {  	s9 =	sadd.s32 $0x3800, s22;
	[dreg:$0x9] =	wrdreg s26;
	(pc) =	sbr.rel .LBB2_1-.Ltmp0, $4  }
0x10: {  	s11 =	sadd.s32 $0x4600, s22;
	[dreg:$0x5] =	wrdreg s23;
	s24 =	sadd.s32 $0x1C00, s0  }
0x11: {  	s13 =	sadd.s32 $0x5400, s22;
	s0 =	sadd.s32 $0x2A00, s0;
	[dreg:$0x6] =	wrdreg s24  }
0x12: {  	s15 =	sadd.s32 $0x6200, s22;
	s1 =	simm.s32 $0x0;
	[dreg:$0x7] =	wrdreg s0  }
0x13: {  	v0 =	vimm.f32 $0.0e+00;
	s10 =	sor.u32 $0x38, s5;
	s12 =	sadd.s32 $0x70, s5;
	s14 =	sadd.s32 $0xA8, s5  }
.LBB2_30:
0x14: {  	s0 =	rddreg [dreg:$0x8];
	s1 =	simm.s32 $0x1C080;
	s2 =	simm.s32 $0x5  }
0x15: {  	[hbm4b:s0+s3] =	stream.linear.scatter [tilespmem:s1], [sflag:$0x5], $0x2000, $0x38;
	[tilespmem:$0x1E080] =	vst v63  }
0x16: {  	_ =	swait.ge [sflag:s2], $0x2000  }
0x17: {  	s25 =	rddreg [dreg:$0xa]  }
0x18: {  	s26 =	rddreg [dreg:$0x9];
	s1 =	sadd.s32 $0x1, s25  }
0x19: {  	p0 =	sne.s32 s1, s26  }
.Ltmp1:
0x1a: {  	_ = 	snop;
	(pc) =	sbr.rel @!p0 .LBB2_31-.Ltmp1, $3  }
0x1b: {  	_ =	sdelay $0x1  }
0x1c: {  	[sflag:s2] =	ssyncset.done $0x0  }
0x1d: {  	[sflag:s2] =	ssyncadd.s32 $0xFFFFE000  }
.LBB2_1:
0x1e: {  	[dreg:$0xa] =	wrdreg s1  }
0x1f: {  	s0 =	rddreg [dreg:$0x4]  }
0x20: {  	[tilespmem:s3], [sflag:$0x1] =	stream.linear.gather [hbm4b:s0+s3], $0x7000, $0x38;
	[tilespmem:$0x1E080] =	vst v63  }
0x21: {  	s4 =	rddreg [dreg:$0x5];
	s6 =	simm.s32 $0x7000  }
0x22: {  	[tilespmem:s6], [sflag:$0x2] =	stream.linear.gather [hbm4b:s4+s3], $0x7000, $0x38;
	[tilespmem:$0x1E080] =	vst v63  }
0x23: {  	s7 =	rddreg [dreg:$0x6];
	s8 =	simm.s32 $0xE000  }
0x24: {  	[tilespmem:s8], [sflag:$0x3] =	stream.linear.gather [hbm4b:s7+s3], $0x7000, $0x38;
	[tilespmem:$0x1E080] =	vst v63  }
0x25: {  	s16 =	rddreg [dreg:$0x7];
	s18 =	simm.s32 $0x15000  }
0x26: {  	[tilespmem:s18], [sflag:$0x4] =	stream.linear.gather [hbm4b:s16+s3], $0x7000, $0x38;
	[tilespmem:$0x1E080] =	vst v63  }
0x27: {  	s22 =	rddreg [dreg:$0x1];
	s23 =	simm.s32 $0x1C000  }
0x28: {  	[tilespmem:s23], [sflag:$0x5] =	stream.linear.gather [hbm4b:s22+s3], $0x11, $0x38;
	[tilespmem:$0x1E080] =	vst v63  }
0x29: {  	_ =	swait.ge [sflag:s2], $0x11  }
0x2a: {  	s24 =	sand.u32 $0x1000, s3;
	s25 =	sand.u32 $0x380, s3;
	[sflag:s2] =	ssyncset.done $0x0  }
0x2b: {  	s1 =	sor.u32 s25, s24;
	[sflag:s2] =	ssyncadd.s32 $0xFFFFFFEF  }
0x2c: {  	s0 =	sadd.s32 $0x1C080, s1;
	[tilespmem:s1+$0x1C080] =	vst v0  }
0x2d: {  	[tilespmem:s0+$0x40] =	vst v0  }
0x2e: {  	[tilespmem:s0+$0x50] =	vst v0  }
0x2f: {  	[tilespmem:s0+$0x60] =	vst v0  }
0x30: {  	[tilespmem:s0+$0x70] =	vst v0  }
0x31: {  	[tilespmem:s0+$0x400] =	vst v0  }
0x32: {  	[tilespmem:s0+$0x410] =	vst v0  }
0x33: {  	[tilespmem:s0+$0x420] =	vst v0  }
0x34: {  	[tilespmem:s0+$0x430] =	vst v0  }
0x35: {  	[tilespmem:s0+$0x440] =	vst v0  }
0x36: {  	[tilespmem:s0+$0x450] =	vst v0  }
0x37: {  	[tilespmem:s0+$0x460] =	vst v0  }
0x38: {  	[tilespmem:s0+$0x470] =	vst v0  }
0x39: {  	[tilespmem:s0+$0x800] =	vst v0  }
0x3a: {  	[tilespmem:s0+$0x810] =	vst v0  }
0x3b: {  	[tilespmem:s0+$0x820] =	vst v0  }
0x3c: {  	[tilespmem:s0+$0x830] =	vst v0  }
0x3d: {  	[tilespmem:s0+$0x840] =	vst v0  }
0x3e: {  	[tilespmem:s0+$0x850] =	vst v0  }
0x3f: {  	[tilespmem:s0+$0x860] =	vst v0  }
0x40: {  	[tilespmem:s0+$0x870] =	vst v0  }
0x41: {  	[tilespmem:s0+$0xC00] =	vst v0  }
0x42: {  	[tilespmem:s0+$0xC10] =	vst v0  }
0x43: {  	[tilespmem:s0+$0xC20] =	vst v0  }
0x44: {  	[tilespmem:s0+$0xC30] =	vst v0  }
0x45: {  	[tilespmem:s0+$0xC40] =	vst v0  }
0x46: {  	[tilespmem:s0+$0xC50] =	vst v0  }
0x47: {  	[tilespmem:s0+$0xC60] =	vst v0  }
0x48: {  	[tilespmem:s0+$0x10] =	vst v0  }
0x49: {  	s26 =	simm.s32 $0x200;
	s2 =	simm.s32 $0x80;
	[tilespmem:s0+$0x20] =	vst v0  }
0x4a: {  	s4 =	simm.s32 $0x400;
	s1 =	sand.u32 $0x1000, s26;
	s6 =	sand.u32 $0x380, s2;
	[tilespmem:s0+$0x30] =	vst v0  }
.LBB2_2:
0x4b: {  	p0 =	sne.s32 s4, $0x1E00;
	s1 =	sor.u32 s6, s1;
	[tilespmem:s0+$0xC70] =	vst v0  }
0x4c: {  	s0 =	sadd.s32 $0x1C080, s1;
	[tilespmem:s1+$0x1C080] =	vst v0  }
0x4d: {  	[tilespmem:s0+$0x10] =	vst v0  }
0x4e: {  	[tilespmem:s0+$0x20] =	vst v0  }
0x4f: {  	[tilespmem:s0+$0x30] =	vst v0  }
0x50: {  	[tilespmem:s0+$0x40] =	vst v0  }
0x51: {  	[tilespmem:s0+$0x50] =	vst v0  }
0x52: {  	[tilespmem:s0+$0x60] =	vst v0  }
0x53: {  	[tilespmem:s0+$0x70] =	vst v0  }
0x54: {  	[tilespmem:s0+$0x400] =	vst v0  }
0x55: {  	[tilespmem:s0+$0x410] =	vst v0  }
0x56: {  	[tilespmem:s0+$0x420] =	vst v0  }
0x57: {  	[tilespmem:s0+$0x430] =	vst v0  }
0x58: {  	[tilespmem:s0+$0x440] =	vst v0  }
0x59: {  	[tilespmem:s0+$0x450] =	vst v0  }
0x5a: {  	[tilespmem:s0+$0x460] =	vst v0  }
0x5b: {  	[tilespmem:s0+$0x470] =	vst v0  }
0x5c: {  	[tilespmem:s0+$0x800] =	vst v0  }
0x5d: {  	[tilespmem:s0+$0x810] =	vst v0  }
0x5e: {  	[tilespmem:s0+$0x820] =	vst v0  }
0x5f: {  	[tilespmem:s0+$0x830] =	vst v0  }
0x60: {  	[tilespmem:s0+$0x840] =	vst v0  }
0x61: {  	[tilespmem:s0+$0x850] =	vst v0  }
0x62: {  	[tilespmem:s0+$0x860] =	vst v0  }
0x63: {  	[tilespmem:s0+$0x870] =	vst v0  }
0x64: {  	[tilespmem:s0+$0xC00] =	vst v0  }
0x65: {  	[tilespmem:s0+$0xC10] =	vst v0  }
.Ltmp2:
0x66: {  	[tilespmem:s0+$0xC20] =	vst v0;
	(pc) =	sbr.rel @p0 .LBB2_2-.Ltmp2, $4  }
0x67: {  	[tilespmem:s0+$0xC30] =	vst v0  }
0x68: {  	[tilespmem:s0+$0xC40] =	vst v0  }
0x69: {  	s2 =	sadd.s32 $0x80, s2;
	[tilespmem:s0+$0xC50] =	vst v0  }
0x6a: {  	s1 =	sand.u32 $0x1000, s4;
	s6 =	sand.u32 $0x380, s2;
	s4 =	sadd.s32 $0x200, s4;
	[tilespmem:s0+$0xC60] =	vst v0  }
0x6b: {  	s1 =	sor.u32 s6, s1;
	[tilespmem:s0+$0xC70] =	vst v0  }
0x6c: {  	s26 =	sadd.s32 $0x1C080, s1;
	[tilespmem:s1+$0x1C080] =	vst v0  }
0x6d: {  	[tilespmem:s26+$0x10] =	vst v0  }
0x6e: {  	[tilespmem:s26+$0x20] =	vst v0  }
0x6f: {  	[tilespmem:s26+$0x30] =	vst v0  }
0x70: {  	[tilespmem:s26+$0x40] =	vst v0  }
0x71: {  	[tilespmem:s26+$0x50] =	vst v0  }
0x72: {  	[tilespmem:s26+$0x60] =	vst v0  }
0x73: {  	[tilespmem:s26+$0x70] =	vst v0  }
0x74: {  	[tilespmem:s26+$0x400] =	vst v0  }
0x75: {  	[tilespmem:s26+$0x410] =	vst v0  }
0x76: {  	[tilespmem:s26+$0x420] =	vst v0  }
0x77: {  	[tilespmem:s26+$0x430] =	vst v0  }
0x78: {  	[tilespmem:s26+$0x440] =	vst v0  }
0x79: {  	[tilespmem:s26+$0x450] =	vst v0  }
0x7a: {  	[tilespmem:s26+$0x460] =	vst v0  }
0x7b: {  	[tilespmem:s26+$0x470] =	vst v0  }
0x7c: {  	[tilespmem:s26+$0x800] =	vst v0  }
0x7d: {  	[tilespmem:s26+$0x810] =	vst v0  }
0x7e: {  	[tilespmem:s26+$0x820] =	vst v0  }
0x7f: {  	[tilespmem:s26+$0x830] =	vst v0  }
0x80: {  	[tilespmem:s26+$0x840] =	vst v0  }
0x81: {  	[tilespmem:s26+$0x850] =	vst v0  }
0x82: {  	[tilespmem:s26+$0x860] =	vst v0  }
0x83: {  	[tilespmem:s26+$0x870] =	vst v0  }
0x84: {  	[tilespmem:s26+$0xC00] =	vst v0  }
0x85: {  	[tilespmem:s26+$0xC10] =	vst v0  }
0x86: {  	[tilespmem:s26+$0xC20] =	vst v0  }
0x87: {  	[tilespmem:s26+$0xC30] =	vst v0  }
0x88: {  	[tilespmem:s26+$0xC40] =	vst v0  }
0x89: {  	[tilespmem:s26+$0xC50] =	vst v0  }
0x8a: {  	[tilespmem:s26+$0xC60] =	vst v0  }
0x8b: {  	s2 =	simm.s32 $0x0;
	p0 =	por $0x1, $0x1;
	[tilespmem:s26+$0xC70] =	vst v0  }
.LBB2_4:
.Ltmp3:
0x8c: {  	(pc) =	sbr.rel .LBB2_5-.Ltmp3, $4  }
0x8d: {  	_ = 	snop  }
0x8e: {  	_ =	swait.ge [sflag:s28], $0x7000;
	s0 =	sadd.s32 s2, s17;
	s22 =	sadd.s32 s5, s2  }
0x8f: {  	[sflag:s28] =	ssyncset.done $0x0;
	s0 =	sshll.u32 s0, $0x9;
	s16 =	sadd.s32 $0x38, s22  }
0x90: {  	[sflag:s28] =	ssyncadd.s32 $0xFFFF9000;
	s25 =	ssub.s32 $0x0, s0;
	s0 =	simm.s32 $0x0  }
.LBB2_8:
0x91: {  	s1 =	ssub.s32 s7, s6  }
0x92: {  	s1 =	scvt.s32.f32 s1;
	_ =	sdelay $0x1  }
0x93: {  	v38 =	vmov s1  }
0x94: {  	(erf) = vrcp.f32 v38;
	_ =	sdelay $0x7  }
0x95: {  	s24 =	sshll.u32 s0, $0x9;
	s4 =	sshll.u32 s0, $0x7  }
0x96: {  	s4 =	sand.u32 $0x380, s4;
	s1 =	sand.u32 $0x1000, s24;
	v38 =	vpop (erf)  }
0x97: {  	v39 =	vld [tilespmem:s8+$0xC50];
	s1 =	sor.u32 s4, s1;
	v32 =	vmul.f32 v32, v38  }
0x98: {  	v40 =	vld [tilespmem:s8+$0xC60];
	s4 =	sadd.s32 $0x1C080, s1;
	v31 =	vmul.f32 v31, v38  }
0x99: {  	s26 =	sor.u32 $0x10, s4;
	v30 =	vmul.f32 v30, v38;
	[tilespmem:s1+$0x1C080] =	vst.add.f32.msk $0xffff, v32  }
0x9a: {  	s6 =	sor.u32 $0x20, s4;
	v29 =	vmul.f32 v29, v38;
	[tilespmem:s26+$0x0] =	vst.add.f32.msk $0xffff, v31  }
0x9b: {  	s7 =	sor.u32 $0x30, s4;
	v28 =	vmul.f32 v28, v38;
	[tilespmem:s6+$0x0] =	vst.add.f32.msk $0xffff, v30  }
0x9c: {  	s8 =	sor.u32 $0x40, s4;
	v27 =	vmul.f32 v27, v38;
	[tilespmem:s7+$0x0] =	vst.add.f32.msk $0xffff, v29  }
0x9d: {  	s18 =	sor.u32 $0x50, s4;
	v26 =	vmul.f32 v26, v38;
	[tilespmem:s8+$0x0] =	vst.add.f32.msk $0xffff, v28  }
0x9e: {  	s23 =	sor.u32 $0x60, s4;
	v25 =	vmul.f32 v25, v38;
	[tilespmem:s18+$0x0] =	vst.add.f32.msk $0xffff, v27  }
0x9f: {  	s24 =	sor.u32 $0x70, s4;
	v24 =	vmul.f32 v24, v38;
	[tilespmem:s23+$0x0] =	vst.add.f32.msk $0xffff, v26  }
0xa0: {  	v22 =	vmul.f32 v22, v38;
	[tilespmem:s24+$0x0] =	vst.add.f32.msk $0xffff, v25  }
0xa1: {  	v23 =	vmul.f32 v23, v38;
	[tilespmem:s4+$0x400] =	vst.add.f32.msk $0xffff, v24  }
0xa2: {  	v20 =	vmul.f32 v20, v38;
	[tilespmem:s4+$0x410] =	vst.add.f32.msk $0xffff, v22  }
0xa3: {  	v21 =	vmul.f32 v21, v38;
	[tilespmem:s4+$0x420] =	vst.add.f32.msk $0xffff, v23  }
0xa4: {  	v18 =	vmul.f32 v18, v38;
	[tilespmem:s4+$0x430] =	vst.add.f32.msk $0xffff, v20  }
0xa5: {  	v19 =	vmul.f32 v19, v38;
	[tilespmem:s4+$0x440] =	vst.add.f32.msk $0xffff, v21  }
0xa6: {  	v17 =	vmul.f32 v17, v38;
	[tilespmem:s4+$0x450] =	vst.add.f32.msk $0xffff, v18  }
0xa7: {  	v16 =	vmul.f32 v16, v38;
	[tilespmem:s4+$0x460] =	vst.add.f32.msk $0xffff, v19  }
0xa8: {  	v15 =	vmul.f32 v15, v38;
	s26 =	sor.u32 $0x800, s4;
	[tilespmem:s4+$0x470] =	vst.add.f32.msk $0xffff, v17  }
0xa9: {  	v14 =	vmul.f32 v14, v38;
	s6 =	sor.u32 $0x810, s4;
	[tilespmem:s26+$0x0] =	vst.add.f32.msk $0xffff, v16  }
0xaa: {  	v13 =	vmul.f32 v13, v38;
	s7 =	sor.u32 $0x820, s4;
	[tilespmem:s6+$0x0] =	vst.add.f32.msk $0xffff, v15  }
0xab: {  	v11 =	vmul.f32 v11, v38;
	s8 =	sor.u32 $0x830, s4;
	[tilespmem:s7+$0x0] =	vst.add.f32.msk $0xffff, v14  }
0xac: {  	v10 =	vmul.f32 v10, v38;
	s18 =	sor.u32 $0x840, s4;
	[tilespmem:s8+$0x0] =	vst.add.f32.msk $0xffff, v13  }
0xad: {  	v2 =	vadd.f32 v37, v2;
	v9 =	vmul.f32 v9, v38;
	s23 =	sor.u32 $0x850, s4;
	[tilespmem:s18+$0x0] =	vst.add.f32.msk $0xffff, v11  }
0xae: {  	v62 =	vadd.f32 v36, v12;
	v6 =	vmul.f32 v6, v38;
	s24 =	sor.u32 $0x860, s4;
	[tilespmem:s23+$0x0] =	vst.add.f32.msk $0xffff, v10  }
0xaf: {  	v5 =	vadd.f32 v34, v5;
	v2 =	vmul.f32 v2, v38;
	s26 =	sor.u32 $0x870, s4;
	[tilespmem:s24+$0x0] =	vst.add.f32.msk $0xffff, v9  }
0xb0: {  	v8 =	vadd.f32 v33, v8;
	v63 =	vmul.f32 v62, v38;
	[tilespmem:s26+$0x0] =	vst.add.f32.msk $0xffff, v6  }
0xb1: {  	v4 =	vadd.f32 v39, v4;
	v5 =	vmul.f32 v5, v38;
	[tilespmem:s4+$0xC00] =	vst.add.f32.msk $0xffff, v2  }
0xb2: {  	v7 =	vadd.f32 v35, v7;
	v2 =	vmul.f32 v8, v38;
	[tilespmem:s4+$0xC10] =	vst.add.f32.msk $0xffff, v63  }
0xb3: {  	v4 =	vmul.f32 v4, v38;
	[tilespmem:s4+$0xC30] =	vst.add.f32.msk $0xffff, v5  }
0xb4: {  	v3 =	vadd.f32 v40, v3;
	[tilespmem:s4+$0xC20] =	vst.add.f32.msk $0xffff, v2;
	v2 =	vmul.f32 v7, v38  }
0xb5: {  	v1 =	vmul.f32 v1, v38;
	[tilespmem:s4+$0xC50] =	vst.add.f32.msk $0xffff, v4  }
0xb6: {  	[tilespmem:s4+$0xC40] =	vst.add.f32.msk $0xffff, v2;
	v2 =	vmul.f32 v3, v38  }
0xb7: {  	[tilespmem:s4+$0xC70] =	vst.add.f32.msk $0xffff, v1  }
0xb8: {  	[tilespmem:s4+$0xC60] =	vst.add.f32.msk $0xffff, v2  }
.LBB2_9:
0xb9: {  	s0 =	sadd.s32 $0x1, s0  }
0xba: {  	p1 =	sne.s32 s0, $0x10  }
.Ltmp4:
0xbb: {  	_ = 	snop;
	(pc) =	sbr.rel @!p1 .LBB2_10-.Ltmp4, $1  }
0xbc: {  	_ =	sdelay $0x3  }
.LBB2_5:
0xbd: {  	v1 =	vld [tilespmem:s0+$0x1C000]  }
0xbe: {  	v2 =	vld [tilespmem:s0+$0x1C001];
	_ =	sdelay $0x3  }
0xbf: {  	(v2sf) =	vpush v1, $0x0  }
0xc0: {  	(v2sf) =	vpush v2, $0x0;
	_ =	sdelay $0xd  }
0xc1: {  	s6 =	spop (v2sf)  }
0xc2: {  	s4 =	smov.u32 s22;
	s7 =	spop (v2sf)  }
0xc3: {  	s23 =	smov.u32 s16;
	p1 =	sgt.s32 s6, s22;
	p2 =	slt.s32 s7, s16  }
0xc4: {  	s4 =	smov.u32 @p1 s6;
	s23 =	smov.u32 @p2 s7  }
0xc5: {  	p1 =	sge.s32 s4, s23  }
.Ltmp5:
0xc6: {  	_ = 	snop;
	(pc) =	sbr.rel @p1 .LBB2_9-.Ltmp5, $1  }
0xc7: {  	_ =	sdelay $0x3  }
0xc8: {  	s1 =	sshll.u32 s4, $0x9  }
0xc9: {  	s26 =	sshll.u32 s4, $0x7;
	s1 =	sadd.s32 s1, s25  }
0xca: {  	s18 =	sand.u32 $0x380, s26;
	s8 =	sand.u32 $0xFFFFF000, s1  }
0xcb: {  	s8 =	sor.u32 s18, s8  }
0xcc: {  	v1 =	vld [tilespmem:s8+$0xC70]  }
0xcd: {  	v3 =	vld [tilespmem:s8+$0x0]  }
0xce: {  	v4 =	vld [tilespmem:s8+$0x10]  }
0xcf: {  	v5 =	vld [tilespmem:s8+$0x20]  }
0xd0: {  	v6 =	vld [tilespmem:s8+$0x30]  }
0xd1: {  	v7 =	vld [tilespmem:s8+$0x40]  }
0xd2: {  	v8 =	vld [tilespmem:s8+$0x50]  }
0xd3: {  	v9 =	vld [tilespmem:s8+$0x60]  }
0xd4: {  	v10 =	vld [tilespmem:s8+$0x70]  }
0xd5: {  	v11 =	vld [tilespmem:s8+$0x400]  }
0xd6: {  	v12 =	vld [tilespmem:s8+$0x410]  }
0xd7: {  	v13 =	vld [tilespmem:s8+$0x420]  }
0xd8: {  	v14 =	vld [tilespmem:s8+$0x430]  }
0xd9: {  	v15 =	vld [tilespmem:s8+$0x440]  }
0xda: {  	v16 =	vld [tilespmem:s8+$0x450]  }
0xdb: {  	v17 =	vld [tilespmem:s8+$0x460]  }
0xdc: {  	v2 =	vimm.f32 $0.0e+00;
	v33 =	vld [tilespmem:s8+$0x470]  }
0xdd: {  	v34 =	vld [tilespmem:s8+$0x800];
	v1 =	vadd.f32 v1, v2  }
0xde: {  	v32 =	vadd.f32 v3, v2;
	v31 =	vadd.f32 v4, v2;
	v3 =	vld [tilespmem:s8+$0x810]  }
0xdf: {  	v30 =	vadd.f32 v5, v2;
	v29 =	vadd.f32 v6, v2;
	v4 =	vld [tilespmem:s8+$0x820]  }
0xe0: {  	v28 =	vadd.f32 v7, v2;
	v27 =	vadd.f32 v8, v2;
	v5 =	vld [tilespmem:s8+$0x830]  }
0xe1: {  	v26 =	vadd.f32 v9, v2;
	v25 =	vadd.f32 v10, v2;
	v6 =	vld [tilespmem:s8+$0x840]  }
0xe2: {  	v24 =	vadd.f32 v11, v2;
	v22 =	vadd.f32 v12, v2;
	v7 =	vld [tilespmem:s8+$0x850]  }
0xe3: {  	v23 =	vadd.f32 v13, v2;
	v20 =	vadd.f32 v14, v2;
	v8 =	vld [tilespmem:s8+$0x860]  }
0xe4: {  	v21 =	vadd.f32 v15, v2;
	v18 =	vadd.f32 v16, v2;
	v12 =	vld [tilespmem:s8+$0x870]  }
0xe5: {  	s18 =	sadd.s32 $0x1, s4;
	v19 =	vadd.f32 v17, v2;
	v17 =	vadd.f32 v33, v2  }
0xe6: {  	p1 =	slt.s32 s18, s23;
	v16 =	vadd.f32 v34, v2;
	v15 =	vadd.f32 v3, v2  }
.Ltmp6:
0xe7: {  	v37 =	vld [tilespmem:s8+$0xC00];
	v14 =	vadd.f32 v4, v2;
	v13 =	vadd.f32 v5, v2;
	(pc) =	sbr.rel @!p1 .LBB2_8-.Ltmp6, $4  }
0xe8: {  	v36 =	vld [tilespmem:s8+$0xC10];
	v11 =	vadd.f32 v6, v2;
	v10 =	vadd.f32 v7, v2  }
0xe9: {  	v33 =	vld [tilespmem:s8+$0xC20];
	v9 =	vadd.f32 v8, v2;
	v6 =	vadd.f32 v12, v2  }
0xea: {  	v34 =	vld [tilespmem:s8+$0xC30];
	v12 =	vimm.f32 $0.0e+00;
	v8 =	vimm.f32 $0.0e+00;
	v5 =	vimm.f32 $0.0e+00  }
0xeb: {  	s4 =	sadd.s32 $0x80, s26;
	s26 =	sadd.s32 $0x200, s1;
	v35 =	vld [tilespmem:s8+$0xC40];
	v7 =	vimm.f32 $0.0e+00;
	v4 =	vimm.f32 $0.0e+00;
	v3 =	vimm.f32 $0.0e+00  }
.LBB2_7:
0xec: {  	s1 =	sand.u32 $0xFFFFF000, s26;
	s24 =	sand.u32 $0x380, s4;
	s18 =	sadd.s32 $0x1, s18;
	v2 =	vadd.f32 v37, v2;
	v37 =	vld [tilespmem:s8+$0xC50]  }
0xed: {  	v12 =	vadd.f32 v36, v12;
	p1 =	slt.s32 s18, s23;
	v36 =	vld [tilespmem:s8+$0xC60];
	s8 =	sor.u32 s24, s1  }
0xee: {  	v8 =	vadd.f32 v33, v8;
	v38 =	vld [tilespmem:s8+$0xC70]  }
0xef: {  	v5 =	vadd.f32 v34, v5;
	v33 =	vld [tilespmem:s8+$0x0]  }
0xf0: {  	v7 =	vadd.f32 v35, v7;
	v34 =	vld [tilespmem:s8+$0x10]  }
0xf1: {  	v35 =	vld [tilespmem:s8+$0x20];
	v4 =	vadd.f32 v37, v4  }
0xf2: {  	v37 =	vld [tilespmem:s8+$0x30];
	v3 =	vadd.f32 v36, v3  }
0xf3: {  	v36 =	vld [tilespmem:s8+$0x40];
	v1 =	vadd.f32 v38, v1  }
0xf4: {  	v32 =	vadd.f32 v33, v32;
	v33 =	vld [tilespmem:s8+$0x50]  }
0xf5: {  	v31 =	vadd.f32 v34, v31;
	v34 =	vld [tilespmem:s8+$0x60]  }
0xf6: {  	v30 =	vadd.f32 v35, v30;
	v35 =	vld [tilespmem:s8+$0x70]  }
0xf7: {  	v29 =	vadd.f32 v37, v29;
	v37 =	vld [tilespmem:s8+$0x400]  }
0xf8: {  	v28 =	vadd.f32 v36, v28;
	v36 =	vld [tilespmem:s8+$0x410]  }
0xf9: {  	v27 =	vadd.f32 v33, v27;
	v33 =	vld [tilespmem:s8+$0x420]  }
0xfa: {  	v26 =	vadd.f32 v34, v26;
	v34 =	vld [tilespmem:s8+$0x430]  }
0xfb: {  	v25 =	vadd.f32 v35, v25;
	v35 =	vld [tilespmem:s8+$0x440]  }
0xfc: {  	v24 =	vadd.f32 v37, v24;
	v37 =	vld [tilespmem:s8+$0x450]  }
0xfd: {  	v22 =	vadd.f32 v36, v22;
	v36 =	vld [tilespmem:s8+$0x460]  }
0xfe: {  	v23 =	vadd.f32 v33, v23;
	v33 =	vld [tilespmem:s8+$0x470]  }
0xff: {  	v20 =	vadd.f32 v34, v20;
	v34 =	vld [tilespmem:s8+$0x800]  }
0x100: {  	v21 =	vadd.f32 v35, v21;
	v35 =	vld [tilespmem:s8+$0x810]  }
0x101: {  	v18 =	vadd.f32 v37, v18;
	v37 =	vld [tilespmem:s8+$0x820]  }
0x102: {  	v19 =	vadd.f32 v36, v19;
	v36 =	vld [tilespmem:s8+$0x830]  }
0x103: {  	v17 =	vadd.f32 v33, v17;
	v33 =	vld [tilespmem:s8+$0x840]  }
0x104: {  	v16 =	vadd.f32 v34, v16;
	v34 =	vld [tilespmem:s8+$0x850]  }
0x105: {  	v15 =	vadd.f32 v35, v15;
	v35 =	vld [tilespmem:s8+$0x860]  }
0x106: {  	v14 =	vadd.f32 v37, v14;
	v38 =	vld [tilespmem:s8+$0x870]  }
.Ltmp7:
0x107: {  	v13 =	vadd.f32 v36, v13;
	v37 =	vld [tilespmem:s8+$0xC00];
	(pc) =	sbr.rel @p1 .LBB2_7-.Ltmp7, $4  }
0x108: {  	v11 =	vadd.f32 v33, v11;
	v36 =	vld [tilespmem:s8+$0xC10]  }
0x109: {  	v10 =	vadd.f32 v34, v10;
	v33 =	vld [tilespmem:s8+$0xC20]  }
0x10a: {  	v9 =	vadd.f32 v35, v9;
	v34 =	vld [tilespmem:s8+$0xC30]  }
0x10b: {  	s4 =	sadd.s32 $0x80, s4;
	s26 =	sadd.s32 $0x200, s26;
	v6 =	vadd.f32 v38, v6;
	v35 =	vld [tilespmem:s8+$0xC40]  }
.Ltmp8:
0x10c: {  	_ = 	snop;
	(pc) =	sbr.rel .LBB2_8-.Ltmp8, $1  }
0x10d: {  	_ =	sdelay $0x3  }
.LBB2_10:
.Ltmp9:
0x10e: {  	s0 =	simm.s32 @p0 $0x0;
	(pc) =	sbr.rel .LBB2_11-.Ltmp9, $4  }
0x10f: {  	[tilespmem:s0], [sflag:$0x1] =	stream.linear.gather @p0 [hbm4b:s9+s0], $0x7000, $0x38;
	[tilespmem:$0x1E080] =	vst v63  }
0x110: {  	_ =	swait.ge [sflag:s29], $0x7000  }
0x111: {  	s22 =	sadd.s32 s2, s10;
	s25 =	ssub.s32 s19, s2;
	[sflag:s29] =	ssyncset.done $0x0  }
0x112: {  	s23 =	sadd.s32 $0x38, s22;
	s0 =	simm.s32 $0x0;
	[sflag:s29] =	ssyncadd.s32 $0xFFFF9000  }
.LBB2_14:
0x113: {  	s1 =	ssub.s32 s7, s6  }
0x114: {  	s1 =	scvt.s32.f32 s1;
	_ =	sdelay $0x1  }
0x115: {  	v38 =	vmov s1  }
0x116: {  	(erf) = vrcp.f32 v38;
	_ =	sdelay $0x7  }
0x117: {  	s24 =	sshll.u32 s0, $0x9;
	s4 =	sshll.u32 s0, $0x7  }
0x118: {  	s4 =	sand.u32 $0x380, s4;
	s1 =	sand.u32 $0x1000, s24;
	v38 =	vpop (erf)  }
0x119: {  	v39 =	vld [tilespmem:s8+$0x7C50];
	s1 =	sor.u32 s4, s1;
	v32 =	vmul.f32 v32, v38  }
0x11a: {  	v40 =	vld [tilespmem:s8+$0x7C60];
	s4 =	sadd.s32 $0x1C080, s1;
	v31 =	vmul.f32 v31, v38  }
0x11b: {  	s26 =	sor.u32 $0x10, s4;
	v30 =	vmul.f32 v30, v38;
	[tilespmem:s1+$0x1C080] =	vst.add.f32.msk $0xffff, v32  }
0x11c: {  	s6 =	sor.u32 $0x20, s4;
	v29 =	vmul.f32 v29, v38;
	[tilespmem:s26+$0x0] =	vst.add.f32.msk $0xffff, v31  }
0x11d: {  	s7 =	sor.u32 $0x30, s4;
	v28 =	vmul.f32 v28, v38;
	[tilespmem:s6+$0x0] =	vst.add.f32.msk $0xffff, v30  }
0x11e: {  	s8 =	sor.u32 $0x40, s4;
	v27 =	vmul.f32 v27, v38;
	[tilespmem:s7+$0x0] =	vst.add.f32.msk $0xffff, v29  }
0x11f: {  	s16 =	sor.u32 $0x50, s4;
	v26 =	vmul.f32 v26, v38;
	[tilespmem:s8+$0x0] =	vst.add.f32.msk $0xffff, v28  }
0x120: {  	s18 =	sor.u32 $0x60, s4;
	v25 =	vmul.f32 v25, v38;
	[tilespmem:s16+$0x0] =	vst.add.f32.msk $0xffff, v27  }
0x121: {  	s24 =	sor.u32 $0x70, s4;
	v24 =	vmul.f32 v24, v38;
	[tilespmem:s18+$0x0] =	vst.add.f32.msk $0xffff, v26  }
0x122: {  	v22 =	vmul.f32 v22, v38;
	[tilespmem:s24+$0x0] =	vst.add.f32.msk $0xffff, v25  }
0x123: {  	v23 =	vmul.f32 v23, v38;
	[tilespmem:s4+$0x400] =	vst.add.f32.msk $0xffff, v24  }
0x124: {  	v20 =	vmul.f32 v20, v38;
	[tilespmem:s4+$0x410] =	vst.add.f32.msk $0xffff, v22  }
0x125: {  	v21 =	vmul.f32 v21, v38;
	[tilespmem:s4+$0x420] =	vst.add.f32.msk $0xffff, v23  }
0x126: {  	v18 =	vmul.f32 v18, v38;
	[tilespmem:s4+$0x430] =	vst.add.f32.msk $0xffff, v20  }
0x127: {  	v19 =	vmul.f32 v19, v38;
	[tilespmem:s4+$0x440] =	vst.add.f32.msk $0xffff, v21  }
0x128: {  	v17 =	vmul.f32 v17, v38;
	[tilespmem:s4+$0x450] =	vst.add.f32.msk $0xffff, v18  }
0x129: {  	v16 =	vmul.f32 v16, v38;
	[tilespmem:s4+$0x460] =	vst.add.f32.msk $0xffff, v19  }
0x12a: {  	v15 =	vmul.f32 v15, v38;
	s26 =	sor.u32 $0x800, s4;
	[tilespmem:s4+$0x470] =	vst.add.f32.msk $0xffff, v17  }
0x12b: {  	v14 =	vmul.f32 v14, v38;
	s6 =	sor.u32 $0x810, s4;
	[tilespmem:s26+$0x0] =	vst.add.f32.msk $0xffff, v16  }
0x12c: {  	v13 =	vmul.f32 v13, v38;
	s7 =	sor.u32 $0x820, s4;
	[tilespmem:s6+$0x0] =	vst.add.f32.msk $0xffff, v15  }
0x12d: {  	v11 =	vmul.f32 v11, v38;
	s8 =	sor.u32 $0x830, s4;
	[tilespmem:s7+$0x0] =	vst.add.f32.msk $0xffff, v14  }
0x12e: {  	v10 =	vmul.f32 v10, v38;
	s16 =	sor.u32 $0x840, s4;
	[tilespmem:s8+$0x0] =	vst.add.f32.msk $0xffff, v13  }
0x12f: {  	v2 =	vadd.f32 v37, v2;
	v9 =	vmul.f32 v9, v38;
	s18 =	sor.u32 $0x850, s4;
	[tilespmem:s16+$0x0] =	vst.add.f32.msk $0xffff, v11  }
0x130: {  	v62 =	vadd.f32 v36, v12;
	v6 =	vmul.f32 v6, v38;
	s24 =	sor.u32 $0x860, s4;
	[tilespmem:s18+$0x0] =	vst.add.f32.msk $0xffff, v10  }
0x131: {  	v5 =	vadd.f32 v34, v5;
	v2 =	vmul.f32 v2, v38;
	s26 =	sor.u32 $0x870, s4;
	[tilespmem:s24+$0x0] =	vst.add.f32.msk $0xffff, v9  }
0x132: {  	v8 =	vadd.f32 v33, v8;
	v63 =	vmul.f32 v62, v38;
	[tilespmem:s26+$0x0] =	vst.add.f32.msk $0xffff, v6  }
0x133: {  	v4 =	vadd.f32 v39, v4;
	v5 =	vmul.f32 v5, v38;
	[tilespmem:s4+$0xC00] =	vst.add.f32.msk $0xffff, v2  }
0x134: {  	v7 =	vadd.f32 v35, v7;
	v2 =	vmul.f32 v8, v38;
	[tilespmem:s4+$0xC10] =	vst.add.f32.msk $0xffff, v63  }
0x135: {  	v4 =	vmul.f32 v4, v38;
	[tilespmem:s4+$0xC30] =	vst.add.f32.msk $0xffff, v5  }
0x136: {  	v3 =	vadd.f32 v40, v3;
	[tilespmem:s4+$0xC20] =	vst.add.f32.msk $0xffff, v2;
	v2 =	vmul.f32 v7, v38  }
0x137: {  	v1 =	vmul.f32 v1, v38;
	[tilespmem:s4+$0xC50] =	vst.add.f32.msk $0xffff, v4  }
0x138: {  	[tilespmem:s4+$0xC40] =	vst.add.f32.msk $0xffff, v2;
	v2 =	vmul.f32 v3, v38  }
0x139: {  	[tilespmem:s4+$0xC70] =	vst.add.f32.msk $0xffff, v1  }
0x13a: {  	[tilespmem:s4+$0xC60] =	vst.add.f32.msk $0xffff, v2  }
.LBB2_15:
0x13b: {  	s0 =	sadd.s32 $0x1, s0  }
0x13c: {  	p1 =	sne.s32 s0, $0x10  }
.Ltmp10:
0x13d: {  	_ = 	snop;
	(pc) =	sbr.rel @!p1 .LBB2_16-.Ltmp10, $1  }
0x13e: {  	_ =	sdelay $0x3  }
.LBB2_11:
0x13f: {  	v1 =	vld [tilespmem:s0+$0x1C000]  }
0x140: {  	v2 =	vld [tilespmem:s0+$0x1C001];
	_ =	sdelay $0x3  }
0x141: {  	(v2sf) =	vpush v1, $0x0  }
0x142: {  	(v2sf) =	vpush v2, $0x0;
	_ =	sdelay $0xd  }
0x143: {  	s6 =	spop (v2sf)  }
0x144: {  	s1 =	smov.u32 s22;
	s7 =	spop (v2sf)  }
0x145: {  	s16 =	smov.u32 s23;
	p1 =	sgt.s32 s6, s22;
	p2 =	slt.s32 s7, s23  }
0x146: {  	s1 =	smov.u32 @p1 s6;
	s16 =	smov.u32 @p2 s7  }
0x147: {  	p1 =	sge.s32 s1, s16  }
.Ltmp11:
0x148: {  	_ = 	snop;
	(pc) =	sbr.rel @p1 .LBB2_15-.Ltmp11, $1  }
0x149: {  	_ =	sdelay $0x3  }
0x14a: {  	s8 =	sadd.s32 s1, s25  }
0x14b: {  	s4 =	sshll.u32 s1, $0x7;
	s26 =	sshll.u32 s8, $0x9  }
0x14c: {  	s18 =	sand.u32 $0x380, s4;
	s8 =	sand.u32 $0xFFFFF000, s26  }
0x14d: {  	s8 =	sor.u32 s18, s8  }
0x14e: {  	v1 =	vld [tilespmem:s8+$0x7C70]  }
0x14f: {  	v3 =	vld [tilespmem:s8+$0x7000]  }
0x150: {  	v4 =	vld [tilespmem:s8+$0x7010]  }
0x151: {  	v5 =	vld [tilespmem:s8+$0x7020]  }
0x152: {  	v6 =	vld [tilespmem:s8+$0x7030]  }
0x153: {  	v7 =	vld [tilespmem:s8+$0x7040]  }
0x154: {  	v8 =	vld [tilespmem:s8+$0x7050]  }
0x155: {  	v9 =	vld [tilespmem:s8+$0x7060]  }
0x156: {  	v10 =	vld [tilespmem:s8+$0x7070]  }
0x157: {  	v11 =	vld [tilespmem:s8+$0x7400]  }
0x158: {  	v12 =	vld [tilespmem:s8+$0x7410]  }
0x159: {  	v13 =	vld [tilespmem:s8+$0x7420]  }
0x15a: {  	v14 =	vld [tilespmem:s8+$0x7430]  }
0x15b: {  	v15 =	vld [tilespmem:s8+$0x7440]  }
0x15c: {  	v16 =	vld [tilespmem:s8+$0x7450]  }
0x15d: {  	v17 =	vld [tilespmem:s8+$0x7460]  }
0x15e: {  	v2 =	vimm.f32 $0.0e+00;
	v33 =	vld [tilespmem:s8+$0x7470]  }
0x15f: {  	v34 =	vld [tilespmem:s8+$0x7800];
	v1 =	vadd.f32 v1, v2  }
0x160: {  	v32 =	vadd.f32 v3, v2;
	v31 =	vadd.f32 v4, v2;
	v3 =	vld [tilespmem:s8+$0x7810]  }
0x161: {  	v30 =	vadd.f32 v5, v2;
	v29 =	vadd.f32 v6, v2;
	v4 =	vld [tilespmem:s8+$0x7820]  }
0x162: {  	v28 =	vadd.f32 v7, v2;
	v27 =	vadd.f32 v8, v2;
	v5 =	vld [tilespmem:s8+$0x7830]  }
0x163: {  	v26 =	vadd.f32 v9, v2;
	v25 =	vadd.f32 v10, v2;
	v6 =	vld [tilespmem:s8+$0x7840]  }
0x164: {  	v24 =	vadd.f32 v11, v2;
	v22 =	vadd.f32 v12, v2;
	v7 =	vld [tilespmem:s8+$0x7850]  }
0x165: {  	v23 =	vadd.f32 v13, v2;
	v20 =	vadd.f32 v14, v2;
	v8 =	vld [tilespmem:s8+$0x7860]  }
0x166: {  	v21 =	vadd.f32 v15, v2;
	v18 =	vadd.f32 v16, v2;
	v12 =	vld [tilespmem:s8+$0x7870]  }
0x167: {  	s18 =	sadd.s32 $0x1, s1;
	v19 =	vadd.f32 v17, v2;
	v17 =	vadd.f32 v33, v2  }
0x168: {  	p1 =	slt.s32 s18, s16;
	v16 =	vadd.f32 v34, v2;
	v15 =	vadd.f32 v3, v2  }
.Ltmp12:
0x169: {  	v37 =	vld [tilespmem:s8+$0x7C00];
	v14 =	vadd.f32 v4, v2;
	v13 =	vadd.f32 v5, v2;
	(pc) =	sbr.rel @!p1 .LBB2_14-.Ltmp12, $4  }
0x16a: {  	v36 =	vld [tilespmem:s8+$0x7C10];
	v11 =	vadd.f32 v6, v2;
	v10 =	vadd.f32 v7, v2  }
0x16b: {  	v33 =	vld [tilespmem:s8+$0x7C20];
	v9 =	vadd.f32 v8, v2;
	v6 =	vadd.f32 v12, v2  }
0x16c: {  	v34 =	vld [tilespmem:s8+$0x7C30];
	v12 =	vimm.f32 $0.0e+00;
	v8 =	vimm.f32 $0.0e+00;
	v5 =	vimm.f32 $0.0e+00  }
0x16d: {  	s4 =	sadd.s32 $0x80, s4;
	s26 =	sadd.s32 $0x200, s26;
	v35 =	vld [tilespmem:s8+$0x7C40];
	v7 =	vimm.f32 $0.0e+00;
	v4 =	vimm.f32 $0.0e+00;
	v3 =	vimm.f32 $0.0e+00  }
.LBB2_13:
0x16e: {  	s1 =	sand.u32 $0xFFFFF000, s26;
	s24 =	sand.u32 $0x380, s4;
	s18 =	sadd.s32 $0x1, s18;
	v2 =	vadd.f32 v37, v2;
	v37 =	vld [tilespmem:s8+$0x7C50]  }
0x16f: {  	v12 =	vadd.f32 v36, v12;
	p1 =	slt.s32 s18, s16;
	v36 =	vld [tilespmem:s8+$0x7C60];
	s8 =	sor.u32 s24, s1  }
0x170: {  	v8 =	vadd.f32 v33, v8;
	v38 =	vld [tilespmem:s8+$0x7C70]  }
0x171: {  	v5 =	vadd.f32 v34, v5;
	v33 =	vld [tilespmem:s8+$0x7000]  }
0x172: {  	v7 =	vadd.f32 v35, v7;
	v34 =	vld [tilespmem:s8+$0x7010]  }
0x173: {  	v35 =	vld [tilespmem:s8+$0x7020];
	v4 =	vadd.f32 v37, v4  }
0x174: {  	v37 =	vld [tilespmem:s8+$0x7030];
	v3 =	vadd.f32 v36, v3  }
0x175: {  	v36 =	vld [tilespmem:s8+$0x7040];
	v1 =	vadd.f32 v38, v1  }
0x176: {  	v32 =	vadd.f32 v33, v32;
	v33 =	vld [tilespmem:s8+$0x7050]  }
0x177: {  	v31 =	vadd.f32 v34, v31;
	v34 =	vld [tilespmem:s8+$0x7060]  }
0x178: {  	v30 =	vadd.f32 v35, v30;
	v35 =	vld [tilespmem:s8+$0x7070]  }
0x179: {  	v29 =	vadd.f32 v37, v29;
	v37 =	vld [tilespmem:s8+$0x7400]  }
0x17a: {  	v28 =	vadd.f32 v36, v28;
	v36 =	vld [tilespmem:s8+$0x7410]  }
0x17b: {  	v27 =	vadd.f32 v33, v27;
	v33 =	vld [tilespmem:s8+$0x7420]  }
0x17c: {  	v26 =	vadd.f32 v34, v26;
	v34 =	vld [tilespmem:s8+$0x7430]  }
0x17d: {  	v25 =	vadd.f32 v35, v25;
	v35 =	vld [tilespmem:s8+$0x7440]  }
0x17e: {  	v24 =	vadd.f32 v37, v24;
	v37 =	vld [tilespmem:s8+$0x7450]  }
0x17f: {  	v22 =	vadd.f32 v36, v22;
	v36 =	vld [tilespmem:s8+$0x7460]  }
0x180: {  	v23 =	vadd.f32 v33, v23;
	v33 =	vld [tilespmem:s8+$0x7470]  }
0x181: {  	v20 =	vadd.f32 v34, v20;
	v34 =	vld [tilespmem:s8+$0x7800]  }
0x182: {  	v21 =	vadd.f32 v35, v21;
	v35 =	vld [tilespmem:s8+$0x7810]  }
0x183: {  	v18 =	vadd.f32 v37, v18;
	v37 =	vld [tilespmem:s8+$0x7820]  }
0x184: {  	v19 =	vadd.f32 v36, v19;
	v36 =	vld [tilespmem:s8+$0x7830]  }
0x185: {  	v17 =	vadd.f32 v33, v17;
	v33 =	vld [tilespmem:s8+$0x7840]  }
0x186: {  	v16 =	vadd.f32 v34, v16;
	v34 =	vld [tilespmem:s8+$0x7850]  }
0x187: {  	v15 =	vadd.f32 v35, v15;
	v35 =	vld [tilespmem:s8+$0x7860]  }
0x188: {  	v14 =	vadd.f32 v37, v14;
	v38 =	vld [tilespmem:s8+$0x7870]  }
.Ltmp13:
0x189: {  	v13 =	vadd.f32 v36, v13;
	v37 =	vld [tilespmem:s8+$0x7C00];
	(pc) =	sbr.rel @p1 .LBB2_13-.Ltmp13, $4  }
0x18a: {  	v11 =	vadd.f32 v33, v11;
	v36 =	vld [tilespmem:s8+$0x7C10]  }
0x18b: {  	v10 =	vadd.f32 v34, v10;
	v33 =	vld [tilespmem:s8+$0x7C20]  }
0x18c: {  	v9 =	vadd.f32 v35, v9;
	v34 =	vld [tilespmem:s8+$0x7C30]  }
0x18d: {  	s4 =	sadd.s32 $0x80, s4;
	s26 =	sadd.s32 $0x200, s26;
	v6 =	vadd.f32 v38, v6;
	v35 =	vld [tilespmem:s8+$0x7C40]  }
.Ltmp14:
0x18e: {  	_ = 	snop;
	(pc) =	sbr.rel .LBB2_14-.Ltmp14, $1  }
0x18f: {  	_ =	sdelay $0x3  }
.LBB2_16:
.Ltmp15:
0x190: {  	s0 =	simm.s32 @p0 $0x0;
	s1 =	simm.s32 @p0 $0x7000;
	(pc) =	sbr.rel .LBB2_17-.Ltmp15, $4  }
0x191: {  	[tilespmem:s1], [sflag:$0x2] =	stream.linear.gather @p0 [hbm4b:s11+s0], $0x7000, $0x38;
	[tilespmem:$0x1E080] =	vst v63  }
0x192: {  	_ =	swait.ge [sflag:s30], $0x7000  }
0x193: {  	s22 =	sadd.s32 s2, s12;
	s25 =	ssub.s32 s20, s2;
	[sflag:s30] =	ssyncset.done $0x0  }
0x194: {  	s23 =	sadd.s32 $0x38, s22;
	s0 =	simm.s32 $0x0;
	[sflag:s30] =	ssyncadd.s32 $0xFFFF9000  }
.LBB2_20:
0x195: {  	s1 =	ssub.s32 s7, s6  }
0x196: {  	s1 =	scvt.s32.f32 s1;
	_ =	sdelay $0x1  }
0x197: {  	v38 =	vmov s1  }
0x198: {  	(erf) = vrcp.f32 v38;
	_ =	sdelay $0x7  }
0x199: {  	s24 =	sshll.u32 s0, $0x9;
	s4 =	sshll.u32 s0, $0x7  }
0x19a: {  	s4 =	sand.u32 $0x380, s4;
	s1 =	sand.u32 $0x1000, s24;
	v38 =	vpop (erf)  }
0x19b: {  	v39 =	vld [tilespmem:s8+$0xEC50];
	s1 =	sor.u32 s4, s1;
	v32 =	vmul.f32 v32, v38  }
0x19c: {  	v40 =	vld [tilespmem:s8+$0xEC60];
	s4 =	sadd.s32 $0x1C080, s1;
	v31 =	vmul.f32 v31, v38  }
0x19d: {  	s26 =	sor.u32 $0x10, s4;
	v30 =	vmul.f32 v30, v38;
	[tilespmem:s1+$0x1C080] =	vst.add.f32.msk $0xffff, v32  }
0x19e: {  	s6 =	sor.u32 $0x20, s4;
	v29 =	vmul.f32 v29, v38;
	[tilespmem:s26+$0x0] =	vst.add.f32.msk $0xffff, v31  }
0x19f: {  	s7 =	sor.u32 $0x30, s4;
	v28 =	vmul.f32 v28, v38;
	[tilespmem:s6+$0x0] =	vst.add.f32.msk $0xffff, v30  }
0x1a0: {  	s8 =	sor.u32 $0x40, s4;
	v27 =	vmul.f32 v27, v38;
	[tilespmem:s7+$0x0] =	vst.add.f32.msk $0xffff, v29  }
0x1a1: {  	s16 =	sor.u32 $0x50, s4;
	v26 =	vmul.f32 v26, v38;
	[tilespmem:s8+$0x0] =	vst.add.f32.msk $0xffff, v28  }
0x1a2: {  	s18 =	sor.u32 $0x60, s4;
	v25 =	vmul.f32 v25, v38;
	[tilespmem:s16+$0x0] =	vst.add.f32.msk $0xffff, v27  }
0x1a3: {  	s24 =	sor.u32 $0x70, s4;
	v24 =	vmul.f32 v24, v38;
	[tilespmem:s18+$0x0] =	vst.add.f32.msk $0xffff, v26  }
0x1a4: {  	v22 =	vmul.f32 v22, v38;
	[tilespmem:s24+$0x0] =	vst.add.f32.msk $0xffff, v25  }
0x1a5: {  	v23 =	vmul.f32 v23, v38;
	[tilespmem:s4+$0x400] =	vst.add.f32.msk $0xffff, v24  }
0x1a6: {  	v20 =	vmul.f32 v20, v38;
	[tilespmem:s4+$0x410] =	vst.add.f32.msk $0xffff, v22  }
0x1a7: {  	v21 =	vmul.f32 v21, v38;
	[tilespmem:s4+$0x420] =	vst.add.f32.msk $0xffff, v23  }
0x1a8: {  	v18 =	vmul.f32 v18, v38;
	[tilespmem:s4+$0x430] =	vst.add.f32.msk $0xffff, v20  }
0x1a9: {  	v19 =	vmul.f32 v19, v38;
	[tilespmem:s4+$0x440] =	vst.add.f32.msk $0xffff, v21  }
0x1aa: {  	v17 =	vmul.f32 v17, v38;
	[tilespmem:s4+$0x450] =	vst.add.f32.msk $0xffff, v18  }
0x1ab: {  	v16 =	vmul.f32 v16, v38;
	[tilespmem:s4+$0x460] =	vst.add.f32.msk $0xffff, v19  }
0x1ac: {  	v15 =	vmul.f32 v15, v38;
	s26 =	sor.u32 $0x800, s4;
	[tilespmem:s4+$0x470] =	vst.add.f32.msk $0xffff, v17  }
0x1ad: {  	v14 =	vmul.f32 v14, v38;
	s6 =	sor.u32 $0x810, s4;
	[tilespmem:s26+$0x0] =	vst.add.f32.msk $0xffff, v16  }
0x1ae: {  	v13 =	vmul.f32 v13, v38;
	s7 =	sor.u32 $0x820, s4;
	[tilespmem:s6+$0x0] =	vst.add.f32.msk $0xffff, v15  }
0x1af: {  	v11 =	vmul.f32 v11, v38;
	s8 =	sor.u32 $0x830, s4;
	[tilespmem:s7+$0x0] =	vst.add.f32.msk $0xffff, v14  }
0x1b0: {  	v10 =	vmul.f32 v10, v38;
	s16 =	sor.u32 $0x840, s4;
	[tilespmem:s8+$0x0] =	vst.add.f32.msk $0xffff, v13  }
0x1b1: {  	v2 =	vadd.f32 v37, v2;
	v9 =	vmul.f32 v9, v38;
	s18 =	sor.u32 $0x850, s4;
	[tilespmem:s16+$0x0] =	vst.add.f32.msk $0xffff, v11  }
0x1b2: {  	v62 =	vadd.f32 v36, v12;
	v6 =	vmul.f32 v6, v38;
	s24 =	sor.u32 $0x860, s4;
	[tilespmem:s18+$0x0] =	vst.add.f32.msk $0xffff, v10  }
0x1b3: {  	v5 =	vadd.f32 v34, v5;
	v2 =	vmul.f32 v2, v38;
	s26 =	sor.u32 $0x870, s4;
	[tilespmem:s24+$0x0] =	vst.add.f32.msk $0xffff, v9  }
0x1b4: {  	v8 =	vadd.f32 v33, v8;
	v63 =	vmul.f32 v62, v38;
	[tilespmem:s26+$0x0] =	vst.add.f32.msk $0xffff, v6  }
0x1b5: {  	v4 =	vadd.f32 v39, v4;
	v5 =	vmul.f32 v5, v38;
	[tilespmem:s4+$0xC00] =	vst.add.f32.msk $0xffff, v2  }
0x1b6: {  	v7 =	vadd.f32 v35, v7;
	v2 =	vmul.f32 v8, v38;
	[tilespmem:s4+$0xC10] =	vst.add.f32.msk $0xffff, v63  }
0x1b7: {  	v4 =	vmul.f32 v4, v38;
	[tilespmem:s4+$0xC30] =	vst.add.f32.msk $0xffff, v5  }
0x1b8: {  	v3 =	vadd.f32 v40, v3;
	[tilespmem:s4+$0xC20] =	vst.add.f32.msk $0xffff, v2;
	v2 =	vmul.f32 v7, v38  }
0x1b9: {  	v1 =	vmul.f32 v1, v38;
	[tilespmem:s4+$0xC50] =	vst.add.f32.msk $0xffff, v4  }
0x1ba: {  	[tilespmem:s4+$0xC40] =	vst.add.f32.msk $0xffff, v2;
	v2 =	vmul.f32 v3, v38  }
0x1bb: {  	[tilespmem:s4+$0xC70] =	vst.add.f32.msk $0xffff, v1  }
0x1bc: {  	[tilespmem:s4+$0xC60] =	vst.add.f32.msk $0xffff, v2  }
.LBB2_21:
0x1bd: {  	s0 =	sadd.s32 $0x1, s0  }
0x1be: {  	p1 =	sne.s32 s0, $0x10  }
.Ltmp16:
0x1bf: {  	_ = 	snop;
	(pc) =	sbr.rel @!p1 .LBB2_22-.Ltmp16, $1  }
0x1c0: {  	_ =	sdelay $0x3  }
.LBB2_17:
0x1c1: {  	v1 =	vld [tilespmem:s0+$0x1C000]  }
0x1c2: {  	v2 =	vld [tilespmem:s0+$0x1C001];
	_ =	sdelay $0x3  }
0x1c3: {  	(v2sf) =	vpush v1, $0x0  }
0x1c4: {  	(v2sf) =	vpush v2, $0x0;
	_ =	sdelay $0xd  }
0x1c5: {  	s6 =	spop (v2sf)  }
0x1c6: {  	s1 =	smov.u32 s22;
	s7 =	spop (v2sf)  }
0x1c7: {  	s16 =	smov.u32 s23;
	p1 =	sgt.s32 s6, s22;
	p2 =	slt.s32 s7, s23  }
0x1c8: {  	s1 =	smov.u32 @p1 s6;
	s16 =	smov.u32 @p2 s7  }
0x1c9: {  	p1 =	sge.s32 s1, s16  }
.Ltmp17:
0x1ca: {  	_ = 	snop;
	(pc) =	sbr.rel @p1 .LBB2_21-.Ltmp17, $1  }
0x1cb: {  	_ =	sdelay $0x3  }
0x1cc: {  	s8 =	sadd.s32 s1, s25  }
0x1cd: {  	s4 =	sshll.u32 s1, $0x7;
	s26 =	sshll.u32 s8, $0x9  }
0x1ce: {  	s18 =	sand.u32 $0x380, s4;
	s8 =	sand.u32 $0xFFFFF000, s26  }
0x1cf: {  	s8 =	sor.u32 s18, s8  }
0x1d0: {  	v1 =	vld [tilespmem:s8+$0xEC70]  }
0x1d1: {  	v3 =	vld [tilespmem:s8+$0xE000]  }
0x1d2: {  	v4 =	vld [tilespmem:s8+$0xE010]  }
0x1d3: {  	v5 =	vld [tilespmem:s8+$0xE020]  }
0x1d4: {  	v6 =	vld [tilespmem:s8+$0xE030]  }
0x1d5: {  	v7 =	vld [tilespmem:s8+$0xE040]  }
0x1d6: {  	v8 =	vld [tilespmem:s8+$0xE050]  }
0x1d7: {  	v9 =	vld [tilespmem:s8+$0xE060]  }
0x1d8: {  	v10 =	vld [tilespmem:s8+$0xE070]  }
0x1d9: {  	v11 =	vld [tilespmem:s8+$0xE400]  }
0x1da: {  	v12 =	vld [tilespmem:s8+$0xE410]  }
0x1db: {  	v13 =	vld [tilespmem:s8+$0xE420]  }
0x1dc: {  	v14 =	vld [tilespmem:s8+$0xE430]  }
0x1dd: {  	v15 =	vld [tilespmem:s8+$0xE440]  }
0x1de: {  	v16 =	vld [tilespmem:s8+$0xE450]  }
0x1df: {  	v17 =	vld [tilespmem:s8+$0xE460]  }
0x1e0: {  	v2 =	vimm.f32 $0.0e+00;
	v33 =	vld [tilespmem:s8+$0xE470]  }
0x1e1: {  	v34 =	vld [tilespmem:s8+$0xE800];
	v1 =	vadd.f32 v1, v2  }
0x1e2: {  	v32 =	vadd.f32 v3, v2;
	v31 =	vadd.f32 v4, v2;
	v3 =	vld [tilespmem:s8+$0xE810]  }
0x1e3: {  	v30 =	vadd.f32 v5, v2;
	v29 =	vadd.f32 v6, v2;
	v4 =	vld [tilespmem:s8+$0xE820]  }
0x1e4: {  	v28 =	vadd.f32 v7, v2;
	v27 =	vadd.f32 v8, v2;
	v5 =	vld [tilespmem:s8+$0xE830]  }
0x1e5: {  	v26 =	vadd.f32 v9, v2;
	v25 =	vadd.f32 v10, v2;
	v6 =	vld [tilespmem:s8+$0xE840]  }
0x1e6: {  	v24 =	vadd.f32 v11, v2;
	v22 =	vadd.f32 v12, v2;
	v7 =	vld [tilespmem:s8+$0xE850]  }
0x1e7: {  	v23 =	vadd.f32 v13, v2;
	v20 =	vadd.f32 v14, v2;
	v8 =	vld [tilespmem:s8+$0xE860]  }
0x1e8: {  	v21 =	vadd.f32 v15, v2;
	v18 =	vadd.f32 v16, v2;
	v12 =	vld [tilespmem:s8+$0xE870]  }
0x1e9: {  	s18 =	sadd.s32 $0x1, s1;
	v19 =	vadd.f32 v17, v2;
	v17 =	vadd.f32 v33, v2  }
0x1ea: {  	p1 =	slt.s32 s18, s16;
	v16 =	vadd.f32 v34, v2;
	v15 =	vadd.f32 v3, v2  }
.Ltmp18:
0x1eb: {  	v37 =	vld [tilespmem:s8+$0xEC00];
	v14 =	vadd.f32 v4, v2;
	v13 =	vadd.f32 v5, v2;
	(pc) =	sbr.rel @!p1 .LBB2_20-.Ltmp18, $4  }
0x1ec: {  	v36 =	vld [tilespmem:s8+$0xEC10];
	v11 =	vadd.f32 v6, v2;
	v10 =	vadd.f32 v7, v2  }
0x1ed: {  	v33 =	vld [tilespmem:s8+$0xEC20];
	v9 =	vadd.f32 v8, v2;
	v6 =	vadd.f32 v12, v2  }
0x1ee: {  	v34 =	vld [tilespmem:s8+$0xEC30];
	v12 =	vimm.f32 $0.0e+00;
	v8 =	vimm.f32 $0.0e+00;
	v5 =	vimm.f32 $0.0e+00  }
0x1ef: {  	s4 =	sadd.s32 $0x80, s4;
	s26 =	sadd.s32 $0x200, s26;
	v35 =	vld [tilespmem:s8+$0xEC40];
	v7 =	vimm.f32 $0.0e+00;
	v4 =	vimm.f32 $0.0e+00;
	v3 =	vimm.f32 $0.0e+00  }
.LBB2_19:
0x1f0: {  	s1 =	sand.u32 $0xFFFFF000, s26;
	s24 =	sand.u32 $0x380, s4;
	s18 =	sadd.s32 $0x1, s18;
	v2 =	vadd.f32 v37, v2;
	v37 =	vld [tilespmem:s8+$0xEC50]  }
0x1f1: {  	v12 =	vadd.f32 v36, v12;
	p1 =	slt.s32 s18, s16;
	v36 =	vld [tilespmem:s8+$0xEC60];
	s8 =	sor.u32 s24, s1  }
0x1f2: {  	v8 =	vadd.f32 v33, v8;
	v38 =	vld [tilespmem:s8+$0xEC70]  }
0x1f3: {  	v5 =	vadd.f32 v34, v5;
	v33 =	vld [tilespmem:s8+$0xE000]  }
0x1f4: {  	v7 =	vadd.f32 v35, v7;
	v34 =	vld [tilespmem:s8+$0xE010]  }
0x1f5: {  	v35 =	vld [tilespmem:s8+$0xE020];
	v4 =	vadd.f32 v37, v4  }
0x1f6: {  	v37 =	vld [tilespmem:s8+$0xE030];
	v3 =	vadd.f32 v36, v3  }
0x1f7: {  	v36 =	vld [tilespmem:s8+$0xE040];
	v1 =	vadd.f32 v38, v1  }
0x1f8: {  	v32 =	vadd.f32 v33, v32;
	v33 =	vld [tilespmem:s8+$0xE050]  }
0x1f9: {  	v31 =	vadd.f32 v34, v31;
	v34 =	vld [tilespmem:s8+$0xE060]  }
0x1fa: {  	v30 =	vadd.f32 v35, v30;
	v35 =	vld [tilespmem:s8+$0xE070]  }
0x1fb: {  	v29 =	vadd.f32 v37, v29;
	v37 =	vld [tilespmem:s8+$0xE400]  }
0x1fc: {  	v28 =	vadd.f32 v36, v28;
	v36 =	vld [tilespmem:s8+$0xE410]  }
0x1fd: {  	v27 =	vadd.f32 v33, v27;
	v33 =	vld [tilespmem:s8+$0xE420]  }
0x1fe: {  	v26 =	vadd.f32 v34, v26;
	v34 =	vld [tilespmem:s8+$0xE430]  }
0x1ff: {  	v25 =	vadd.f32 v35, v25;
	v35 =	vld [tilespmem:s8+$0xE440]  }
0x200: {  	v24 =	vadd.f32 v37, v24;
	v37 =	vld [tilespmem:s8+$0xE450]  }
0x201: {  	v22 =	vadd.f32 v36, v22;
	v36 =	vld [tilespmem:s8+$0xE460]  }
0x202: {  	v23 =	vadd.f32 v33, v23;
	v33 =	vld [tilespmem:s8+$0xE470]  }
0x203: {  	v20 =	vadd.f32 v34, v20;
	v34 =	vld [tilespmem:s8+$0xE800]  }
0x204: {  	v21 =	vadd.f32 v35, v21;
	v35 =	vld [tilespmem:s8+$0xE810]  }
0x205: {  	v18 =	vadd.f32 v37, v18;
	v37 =	vld [tilespmem:s8+$0xE820]  }
0x206: {  	v19 =	vadd.f32 v36, v19;
	v36 =	vld [tilespmem:s8+$0xE830]  }
0x207: {  	v17 =	vadd.f32 v33, v17;
	v33 =	vld [tilespmem:s8+$0xE840]  }
0x208: {  	v16 =	vadd.f32 v34, v16;
	v34 =	vld [tilespmem:s8+$0xE850]  }
0x209: {  	v15 =	vadd.f32 v35, v15;
	v35 =	vld [tilespmem:s8+$0xE860]  }
0x20a: {  	v14 =	vadd.f32 v37, v14;
	v38 =	vld [tilespmem:s8+$0xE870]  }
.Ltmp19:
0x20b: {  	v13 =	vadd.f32 v36, v13;
	v37 =	vld [tilespmem:s8+$0xEC00];
	(pc) =	sbr.rel @p1 .LBB2_19-.Ltmp19, $4  }
0x20c: {  	v11 =	vadd.f32 v33, v11;
	v36 =	vld [tilespmem:s8+$0xEC10]  }
0x20d: {  	v10 =	vadd.f32 v34, v10;
	v33 =	vld [tilespmem:s8+$0xEC20]  }
0x20e: {  	v9 =	vadd.f32 v35, v9;
	v34 =	vld [tilespmem:s8+$0xEC30]  }
0x20f: {  	s4 =	sadd.s32 $0x80, s4;
	s26 =	sadd.s32 $0x200, s26;
	v6 =	vadd.f32 v38, v6;
	v35 =	vld [tilespmem:s8+$0xEC40]  }
.Ltmp20:
0x210: {  	_ = 	snop;
	(pc) =	sbr.rel .LBB2_20-.Ltmp20, $1  }
0x211: {  	_ =	sdelay $0x3  }
.LBB2_22:
.Ltmp21:
0x212: {  	s0 =	simm.s32 @p0 $0x0;
	s1 =	simm.s32 @p0 $0xE000;
	(pc) =	sbr.rel .LBB2_23-.Ltmp21, $4  }
0x213: {  	[tilespmem:s1], [sflag:$0x3] =	stream.linear.gather @p0 [hbm4b:s13+s0], $0x7000, $0x38;
	[tilespmem:$0x1E080] =	vst v63  }
0x214: {  	_ =	swait.ge [sflag:s31], $0x7000  }
0x215: {  	s22 =	sadd.s32 s2, s14;
	s2 =	ssub.s32 s21, s2;
	[sflag:s31] =	ssyncset.done $0x0  }
0x216: {  	s25 =	simm.s32 $0x0;
	s23 =	sadd.s32 $0x38, s22;
	[sflag:s31] =	ssyncadd.s32 $0xFFFF9000  }
.LBB2_26:
0x217: {  	s0 =	ssub.s32 s6, s0  }
0x218: {  	s0 =	scvt.s32.f32 s0;
	_ =	sdelay $0x1  }
0x219: {  	v38 =	vmov s0  }
0x21a: {  	(erf) = vrcp.f32 v38;
	_ =	sdelay $0x7  }
0x21b: {  	s4 =	sshll.u32 s25, $0x9;
	s1 =	sshll.u32 s25, $0x7  }
0x21c: {  	s1 =	sand.u32 $0x380, s1;
	s0 =	sand.u32 $0x1000, s4;
	v38 =	vpop (erf)  }
0x21d: {  	v39 =	vld [tilespmem:s8+$0xC50];
	s1 =	sor.u32 s1, s0;
	v32 =	vmul.f32 v32, v38  }
0x21e: {  	v40 =	vld [tilespmem:s8+$0xC60];
	s0 =	sadd.s32 $0x1C080, s1;
	v31 =	vmul.f32 v31, v38  }
0x21f: {  	s6 =	sor.u32 $0x10, s0;
	v30 =	vmul.f32 v30, v38;
	[tilespmem:s1+$0x1C080] =	vst.add.f32.msk $0xffff, v32  }
0x220: {  	s7 =	sor.u32 $0x20, s0;
	v29 =	vmul.f32 v29, v38;
	[tilespmem:s6+$0x0] =	vst.add.f32.msk $0xffff, v31  }
0x221: {  	s8 =	sor.u32 $0x30, s0;
	v28 =	vmul.f32 v28, v38;
	[tilespmem:s7+$0x0] =	vst.add.f32.msk $0xffff, v30  }
0x222: {  	s16 =	sor.u32 $0x40, s0;
	v27 =	vmul.f32 v27, v38;
	[tilespmem:s8+$0x0] =	vst.add.f32.msk $0xffff, v29  }
0x223: {  	s18 =	sor.u32 $0x50, s0;
	v26 =	vmul.f32 v26, v38;
	[tilespmem:s16+$0x0] =	vst.add.f32.msk $0xffff, v28  }
0x224: {  	s24 =	sor.u32 $0x60, s0;
	v25 =	vmul.f32 v25, v38;
	[tilespmem:s18+$0x0] =	vst.add.f32.msk $0xffff, v27  }
0x225: {  	s26 =	sor.u32 $0x70, s0;
	v24 =	vmul.f32 v24, v38;
	[tilespmem:s24+$0x0] =	vst.add.f32.msk $0xffff, v26  }
0x226: {  	v22 =	vmul.f32 v22, v38;
	[tilespmem:s26+$0x0] =	vst.add.f32.msk $0xffff, v25  }
0x227: {  	v23 =	vmul.f32 v23, v38;
	[tilespmem:s0+$0x400] =	vst.add.f32.msk $0xffff, v24  }
0x228: {  	v20 =	vmul.f32 v20, v38;
	[tilespmem:s0+$0x410] =	vst.add.f32.msk $0xffff, v22  }
0x229: {  	v21 =	vmul.f32 v21, v38;
	[tilespmem:s0+$0x420] =	vst.add.f32.msk $0xffff, v23  }
0x22a: {  	v18 =	vmul.f32 v18, v38;
	[tilespmem:s0+$0x430] =	vst.add.f32.msk $0xffff, v20  }
0x22b: {  	v19 =	vmul.f32 v19, v38;
	[tilespmem:s0+$0x440] =	vst.add.f32.msk $0xffff, v21  }
0x22c: {  	v17 =	vmul.f32 v17, v38;
	[tilespmem:s0+$0x450] =	vst.add.f32.msk $0xffff, v18  }
0x22d: {  	v16 =	vmul.f32 v16, v38;
	[tilespmem:s0+$0x460] =	vst.add.f32.msk $0xffff, v19  }
0x22e: {  	s4 =	sor.u32 $0x800, s0;
	v15 =	vmul.f32 v15, v38;
	[tilespmem:s0+$0x470] =	vst.add.f32.msk $0xffff, v17  }
0x22f: {  	v14 =	vmul.f32 v14, v38;
	s6 =	sor.u32 $0x810, s0;
	[tilespmem:s4+$0x0] =	vst.add.f32.msk $0xffff, v16  }
0x230: {  	v13 =	vmul.f32 v13, v38;
	s7 =	sor.u32 $0x820, s0;
	[tilespmem:s6+$0x0] =	vst.add.f32.msk $0xffff, v15  }
0x231: {  	v11 =	vmul.f32 v11, v38;
	s8 =	sor.u32 $0x830, s0;
	[tilespmem:s7+$0x0] =	vst.add.f32.msk $0xffff, v14  }
0x232: {  	v10 =	vmul.f32 v10, v38;
	s16 =	sor.u32 $0x840, s0;
	[tilespmem:s8+$0x0] =	vst.add.f32.msk $0xffff, v13  }
0x233: {  	v2 =	vadd.f32 v37, v2;
	v9 =	vmul.f32 v9, v38;
	s18 =	sor.u32 $0x850, s0;
	[tilespmem:s16+$0x0] =	vst.add.f32.msk $0xffff, v11  }
0x234: {  	v62 =	vadd.f32 v36, v12;
	v6 =	vmul.f32 v6, v38;
	s24 =	sor.u32 $0x860, s0;
	[tilespmem:s18+$0x0] =	vst.add.f32.msk $0xffff, v10  }
0x235: {  	v5 =	vadd.f32 v34, v5;
	v2 =	vmul.f32 v2, v38;
	s26 =	sor.u32 $0x870, s0;
	[tilespmem:s24+$0x0] =	vst.add.f32.msk $0xffff, v9  }
0x236: {  	v8 =	vadd.f32 v33, v8;
	v63 =	vmul.f32 v62, v38;
	[tilespmem:s26+$0x0] =	vst.add.f32.msk $0xffff, v6  }
0x237: {  	v4 =	vadd.f32 v39, v4;
	v5 =	vmul.f32 v5, v38;
	[tilespmem:s0+$0xC00] =	vst.add.f32.msk $0xffff, v2  }
0x238: {  	v7 =	vadd.f32 v35, v7;
	v2 =	vmul.f32 v8, v38;
	[tilespmem:s0+$0xC10] =	vst.add.f32.msk $0xffff, v63  }
0x239: {  	v4 =	vmul.f32 v4, v38;
	[tilespmem:s0+$0xC30] =	vst.add.f32.msk $0xffff, v5  }
0x23a: {  	v3 =	vadd.f32 v40, v3;
	[tilespmem:s0+$0xC20] =	vst.add.f32.msk $0xffff, v2;
	v2 =	vmul.f32 v7, v38  }
0x23b: {  	v1 =	vmul.f32 v1, v38;
	[tilespmem:s0+$0xC50] =	vst.add.f32.msk $0xffff, v4  }
0x23c: {  	[tilespmem:s0+$0xC40] =	vst.add.f32.msk $0xffff, v2;
	v2 =	vmul.f32 v3, v38  }
0x23d: {  	[tilespmem:s0+$0xC70] =	vst.add.f32.msk $0xffff, v1  }
0x23e: {  	[tilespmem:s0+$0xC60] =	vst.add.f32.msk $0xffff, v2  }
.LBB2_27:
0x23f: {  	s25 =	sadd.s32 $0x1, s25  }
0x240: {  	p1 =	sne.s32 s25, $0x10  }
.Ltmp22:
0x241: {  	_ = 	snop;
	(pc) =	sbr.rel @!p1 .LBB2_28-.Ltmp22, $1  }
0x242: {  	_ =	sdelay $0x3  }
.LBB2_23:
0x243: {  	v1 =	vld [tilespmem:s25+$0x1C000]  }
0x244: {  	v2 =	vld [tilespmem:s25+$0x1C001];
	_ =	sdelay $0x3  }
0x245: {  	(v2sf) =	vpush v1, $0x0  }
0x246: {  	(v2sf) =	vpush v2, $0x0;
	_ =	sdelay $0xd  }
0x247: {  	s0 =	spop (v2sf)  }
0x248: {  	s4 =	smov.u32 s22;
	s6 =	spop (v2sf)  }
0x249: {  	s7 =	smov.u32 s23;
	p1 =	sgt.s32 s0, s22;
	p2 =	slt.s32 s6, s23  }
0x24a: {  	s4 =	smov.u32 @p1 s0;
	s7 =	smov.u32 @p2 s6  }
0x24b: {  	p1 =	sge.s32 s4, s7  }
.Ltmp23:
0x24c: {  	_ = 	snop;
	(pc) =	sbr.rel @p1 .LBB2_27-.Ltmp23, $1  }
0x24d: {  	_ =	sdelay $0x3  }
0x24e: {  	s1 =	sadd.s32 s4, s2  }
0x24f: {  	s18 =	sshll.u32 s4, $0x7;
	s26 =	sshll.u32 s1, $0x9  }
0x250: {  	s8 =	sand.u32 $0x380, s18;
	s1 =	sand.u32 $0xFFFFF000, s26  }
0x251: {  	s1 =	sor.u32 s8, s1  }
0x252: {  	s8 =	sadd.s32 $0x15000, s1;
	v1 =	vld [tilespmem:s1+$0x15000]  }
0x253: {  	v3 =	vld [tilespmem:s8+$0xC70]  }
0x254: {  	v4 =	vld [tilespmem:s8+$0x10]  }
0x255: {  	v5 =	vld [tilespmem:s8+$0x20]  }
0x256: {  	v6 =	vld [tilespmem:s8+$0x30]  }
0x257: {  	v7 =	vld [tilespmem:s8+$0x40]  }
0x258: {  	v8 =	vld [tilespmem:s8+$0x50]  }
0x259: {  	v9 =	vld [tilespmem:s8+$0x60]  }
0x25a: {  	v10 =	vld [tilespmem:s8+$0x70]  }
0x25b: {  	v11 =	vld [tilespmem:s8+$0x400]  }
0x25c: {  	v12 =	vld [tilespmem:s8+$0x410]  }
0x25d: {  	v13 =	vld [tilespmem:s8+$0x420]  }
0x25e: {  	v14 =	vld [tilespmem:s8+$0x430]  }
0x25f: {  	v15 =	vld [tilespmem:s8+$0x440]  }
0x260: {  	v16 =	vld [tilespmem:s8+$0x450]  }
0x261: {  	v17 =	vld [tilespmem:s8+$0x460]  }
0x262: {  	v2 =	vimm.f32 $0.0e+00;
	v33 =	vld [tilespmem:s8+$0x470]  }
0x263: {  	v34 =	vld [tilespmem:s8+$0x800];
	v32 =	vadd.f32 v1, v2  }
0x264: {  	v1 =	vadd.f32 v3, v2;
	v31 =	vadd.f32 v4, v2;
	v3 =	vld [tilespmem:s8+$0x810]  }
0x265: {  	v30 =	vadd.f32 v5, v2;
	v29 =	vadd.f32 v6, v2;
	v4 =	vld [tilespmem:s8+$0x820]  }
0x266: {  	v28 =	vadd.f32 v7, v2;
	v27 =	vadd.f32 v8, v2;
	v5 =	vld [tilespmem:s8+$0x830]  }
0x267: {  	v26 =	vadd.f32 v9, v2;
	v25 =	vadd.f32 v10, v2;
	v6 =	vld [tilespmem:s8+$0x840]  }
0x268: {  	v24 =	vadd.f32 v11, v2;
	v22 =	vadd.f32 v12, v2;
	v7 =	vld [tilespmem:s8+$0x850]  }
0x269: {  	v23 =	vadd.f32 v13, v2;
	v20 =	vadd.f32 v14, v2;
	v8 =	vld [tilespmem:s8+$0x860]  }
0x26a: {  	v21 =	vadd.f32 v15, v2;
	v18 =	vadd.f32 v16, v2;
	v12 =	vld [tilespmem:s8+$0x870]  }
0x26b: {  	s16 =	sadd.s32 $0x1, s4;
	v19 =	vadd.f32 v17, v2;
	v17 =	vadd.f32 v33, v2  }
0x26c: {  	p1 =	slt.s32 s16, s7;
	v16 =	vadd.f32 v34, v2;
	v15 =	vadd.f32 v3, v2  }
.Ltmp24:
0x26d: {  	v37 =	vld [tilespmem:s8+$0xC00];
	v14 =	vadd.f32 v4, v2;
	v13 =	vadd.f32 v5, v2;
	(pc) =	sbr.rel @!p1 .LBB2_26-.Ltmp24, $4  }
0x26e: {  	v36 =	vld [tilespmem:s8+$0xC10];
	v11 =	vadd.f32 v6, v2;
	v10 =	vadd.f32 v7, v2  }
0x26f: {  	v33 =	vld [tilespmem:s8+$0xC20];
	v9 =	vadd.f32 v8, v2;
	v6 =	vadd.f32 v12, v2  }
0x270: {  	v34 =	vld [tilespmem:s8+$0xC30];
	v12 =	vimm.f32 $0.0e+00;
	v8 =	vimm.f32 $0.0e+00;
	v5 =	vimm.f32 $0.0e+00  }
0x271: {  	s18 =	sadd.s32 $0x80, s18;
	s4 =	sadd.s32 $0x200, s26;
	v35 =	vld [tilespmem:s8+$0xC40];
	v7 =	vimm.f32 $0.0e+00;
	v4 =	vimm.f32 $0.0e+00;
	v3 =	vimm.f32 $0.0e+00  }
.LBB2_25:
0x272: {  	s1 =	sand.u32 $0xFFFFF000, s4;
	s24 =	sand.u32 $0x380, s18;
	s16 =	sadd.s32 $0x1, s16;
	v2 =	vadd.f32 v37, v2;
	v37 =	vld [tilespmem:s8+$0xC50]  }
0x273: {  	v12 =	vadd.f32 v36, v12;
	s1 =	sor.u32 s24, s1;
	p1 =	slt.s32 s16, s7;
	v36 =	vld [tilespmem:s8+$0xC60]  }
0x274: {  	v8 =	vadd.f32 v33, v8;
	s8 =	sadd.s32 $0x15000, s1;
	v38 =	vld [tilespmem:s1+$0x15000]  }
0x275: {  	v5 =	vadd.f32 v34, v5;
	v33 =	vld [tilespmem:s8+$0xC70]  }
0x276: {  	v7 =	vadd.f32 v35, v7;
	v34 =	vld [tilespmem:s8+$0x10]  }
0x277: {  	v35 =	vld [tilespmem:s8+$0x20];
	v4 =	vadd.f32 v37, v4  }
0x278: {  	v37 =	vld [tilespmem:s8+$0x30];
	v3 =	vadd.f32 v36, v3  }
0x279: {  	v32 =	vadd.f32 v38, v32;
	v36 =	vld [tilespmem:s8+$0x40]  }
0x27a: {  	v38 =	vld [tilespmem:s8+$0x50];
	v1 =	vadd.f32 v33, v1  }
0x27b: {  	v31 =	vadd.f32 v34, v31;
	v33 =	vld [tilespmem:s8+$0x60]  }
0x27c: {  	v30 =	vadd.f32 v35, v30;
	v34 =	vld [tilespmem:s8+$0x70]  }
0x27d: {  	v29 =	vadd.f32 v37, v29;
	v35 =	vld [tilespmem:s8+$0x400]  }
0x27e: {  	v28 =	vadd.f32 v36, v28;
	v36 =	vld [tilespmem:s8+$0x410]  }
0x27f: {  	v27 =	vadd.f32 v38, v27;
	v37 =	vld [tilespmem:s8+$0x420]  }
0x280: {  	v26 =	vadd.f32 v33, v26;
	v33 =	vld [tilespmem:s8+$0x430]  }
0x281: {  	v25 =	vadd.f32 v34, v25;
	v34 =	vld [tilespmem:s8+$0x440]  }
0x282: {  	v24 =	vadd.f32 v35, v24;
	v35 =	vld [tilespmem:s8+$0x450]  }
0x283: {  	v22 =	vadd.f32 v36, v22;
	v36 =	vld [tilespmem:s8+$0x460]  }
0x284: {  	v23 =	vadd.f32 v37, v23;
	v37 =	vld [tilespmem:s8+$0x470]  }
0x285: {  	v20 =	vadd.f32 v33, v20;
	v33 =	vld [tilespmem:s8+$0x800]  }
0x286: {  	v21 =	vadd.f32 v34, v21;
	v34 =	vld [tilespmem:s8+$0x810]  }
0x287: {  	v18 =	vadd.f32 v35, v18;
	v35 =	vld [tilespmem:s8+$0x820]  }
0x288: {  	v19 =	vadd.f32 v36, v19;
	v36 =	vld [tilespmem:s8+$0x830]  }
0x289: {  	v17 =	vadd.f32 v37, v17;
	v38 =	vld [tilespmem:s8+$0x840]  }
0x28a: {  	v16 =	vadd.f32 v33, v16;
	v33 =	vld [tilespmem:s8+$0x850]  }
0x28b: {  	v15 =	vadd.f32 v34, v15;
	v34 =	vld [tilespmem:s8+$0x860]  }
0x28c: {  	v14 =	vadd.f32 v35, v14;
	v35 =	vld [tilespmem:s8+$0x870]  }
.Ltmp25:
0x28d: {  	v13 =	vadd.f32 v36, v13;
	v37 =	vld [tilespmem:s8+$0xC00];
	(pc) =	sbr.rel @p1 .LBB2_25-.Ltmp25, $4  }
0x28e: {  	v11 =	vadd.f32 v38, v11;
	v36 =	vld [tilespmem:s8+$0xC10]  }
0x28f: {  	v10 =	vadd.f32 v33, v10;
	v33 =	vld [tilespmem:s8+$0xC20]  }
0x290: {  	v9 =	vadd.f32 v34, v9;
	v34 =	vld [tilespmem:s8+$0xC30]  }
0x291: {  	s18 =	sadd.s32 $0x80, s18;
	s4 =	sadd.s32 $0x200, s4;
	v6 =	vadd.f32 v35, v6;
	v35 =	vld [tilespmem:s8+$0xC40]  }
.Ltmp26:
0x292: {  	_ = 	snop;
	(pc) =	sbr.rel .LBB2_26-.Ltmp26, $1  }
0x293: {  	_ =	sdelay $0x3  }
.LBB2_28:
.Ltmp27:
0x294: {  	(pc) =	sbr.rel @!p0 .LBB2_30-.Ltmp27, $1  }
0x295: {  	_ =	sdelay $0x3  }
.Ltmp28:
0x296: {  	(pc) =	sbr.rel .LBB2_4-.Ltmp28, $3  }
0x297: {  	_ =	sdelay $0x1  }
0x298: {  	s0 =	simm.s32 $0x15000;
	s2 =	simm.s32 $0xE0;
	p0 =	por $0x0, $0x0  }
0x299: {  	[tilespmem:s0], [sflag:$0x4] =	stream.linear.gather [hbm4b:s15+s3], $0x7000, $0x38;
	[tilespmem:$0x1E080] =	vst v63  }
.LBB2_31:
0x29a: {  	_ =	sfence.sel $0x180000  }
0x29b: {  	[bflag:$0x0] =	sbarrier.arrive $0xFFFF  }
0x29c: {  	_ =	strace $0x90000047  }
0x29d: {  	s0 =	stileid.u32;
	[bflag:$0x2] =	sbarrier.arrive $0xFFFF  }
0x29e: {  	p0 =	sne.s32 s0, $0x0;
	s0 =	rddreg [dreg:$0x3]  }
0x29f: {  	s0 =	sadd.s32 @!p0 $0x100000, s0  }
0x2a0: {  	[sflag:s0] =	ssyncadd.tile.s32 @!p0 $0x1;
	_ =	shalt  }
.Lfunc_end2:
_tile_overlayer_lowered:
.L_overlay_start_2:
0x2a1: {  	(tag) =	ssettag $0x2  }
0x2a2: {  	s0 =	rddreg [dreg:$0x0];
	s2 =	stileid.u32  }
0x2a3: {  	s1 =	rddreg [dreg:$0x1];
	p0 =	sne.s32 s2, $0x0  }
0x2a4: {  	s3 =	rddreg [dreg:$0x2];
	[bflag:$0x3] =	sbarrier.arrive $0xFFFF;
	s2 =	simm.s32 @!p0 $0x1C05  }
0x2a5: {  	[timem:s3], [sflag:s2] =	dma.local @!p0 [hbm:s0], s1  }
0x2a6: {  	s0 =	simm.s32 @!p0 $0x5  }
0x2a7: {  	_ =	swait.ge @!p0 [sflag:s0], s1  }
0x2a8: {  	s1 =	ssub.s32 @!p0 $0x0, s1;
	[sflag:s0] =	ssyncset.done @!p0 $0x0  }
0x2a9: {  	[sflag:s0] =	ssyncadd.s32 @!p0 s1  }
0x2aa: {  	[bflag:$0x3] =	sbarrier.arrive $0xFFFF  }
0x2ab: {  	_ =	shalt  }

</sc_bundles>
